<compile_context>
chip_gen: v7x
topology: tpu7x:2x2x1
jax: 0.10.2.dev20260603
libtpu: 0.0.44.dev20260713+nightly
codegen_flags: <defaults>
</compile_context>

<pallas_src>
import functools

import jax
import jax.numpy as jnp
from jax import lax
from jax.experimental import pallas as pl
from jax.experimental.pallas import tpu as pltpu
from jax.experimental.pallas import tpu_sc as plsc

N_VOCAB = 100000
EMBED_DIM = 64
OFFSET = 20
BATCH = 4096

_INFO = plsc.get_sparse_core_info()
NC = _INFO.num_cores
NS = _INFO.num_subcores
NW = NC * NS
B_PER_W = BATCH // NW
NB = 32
NSUB = B_PER_W // NB
ROWS = NB * OFFSET


def _make_kernel():
    mesh = plsc.VectorSubcoreMesh(core_axis_name="c", subcore_axis_name="s")

    @functools.partial(
        pl.kernel,
        mesh=mesh,
        out_type=jax.ShapeDtypeStruct((BATCH, EMBED_DIM), jnp.float32),
        scratch_types=[
            pltpu.VMEM((B_PER_W * OFFSET,), jnp.int32),
            pltpu.VMEM((2, ROWS, EMBED_DIM), jnp.float32),
            pltpu.VMEM((2, NB, EMBED_DIM), jnp.float32),
            pltpu.SemaphoreType.DMA((2,)),
            pltpu.SemaphoreType.DMA((2,)),
        ],
        compiler_params=pltpu.CompilerParams(use_tc_tiling_on_sc=False),
    )
    def embag(idx_hbm, table_hbm, out_hbm, idx_v, rows_v, out_v, gsem, osem):
        wid = lax.axis_index("s") * NC + lax.axis_index("c")
        wbase = wid * B_PER_W
        pltpu.sync_copy(idx_hbm.at[pl.ds(wbase * OFFSET, B_PER_W * OFFSET)],
                        idx_v)

        def gather(s):
            return pltpu.async_copy(
                table_hbm.at[idx_v.at[pl.ds(s * ROWS, ROWS)]],
                rows_v.at[s % 2], gsem.at[s % 2])

        gc = {0: gather(0)}
        oc = {}
        for s in range(NSUB):
            if s + 1 < NSUB:
                gc[s + 1] = gather(s + 1)
            gc[s].wait()
            if s >= 2:
                oc[s - 2].wait()

            def body(b, _, buf=s % 2):
                for v in range(EMBED_DIM // 16):
                    sl = pl.ds(v * 16, 16)
                    acc = rows_v[buf, b * OFFSET, sl]
                    for j in range(1, OFFSET):
                        acc = acc + rows_v[buf, b * OFFSET + j, sl]
                    out_v[buf, b, sl] = acc
                return 0

            lax.fori_loop(0, NB, body, 0)
            oc[s] = pltpu.async_copy(
                out_v.at[s % 2],
                out_hbm.at[pl.ds(wbase + s * NB, NB)], osem.at[s % 2])
        oc[NSUB - 2].wait()
        oc[NSUB - 1].wait()

    return embag


_embag = _make_kernel()


@jax.jit
def kernel(sparse_index_group_batch, sparse_offset_group_batch, weight):
    del sparse_offset_group_batch
    idx = sparse_index_group_batch.astype(jnp.int32)
    return _embag(idx, weight)

# --- scband reference (transcript-rebuilt; emitter-appended) ---
"""Pipeline reference for scband-xla-embedding-bag-1022202217064 (READ-ONLY COPY).

The authoritative reference and input builder live on the scoring server;
editing this copy changes nothing except your own understanding.
"""

import jax, jax.numpy as jnp
import numpy as np

N_VOCAB = 100000
EMBED_DIM = 64
OFFSET = 20
BATCH = 4096

def setup_inputs(seed: int = 0) -> dict:
    key = jax.random.key(seed)
    k1, k2 = jax.random.split(key)
    sparse_index_group_batch = jax.random.randint(k1, (BATCH * OFFSET,), 0, N_VOCAB, dtype=jnp.int64)
    sparse_offset_group_batch = jnp.arange(BATCH, dtype=jnp.int64)
    weight = jax.random.normal(k2, (N_VOCAB, EMBED_DIM), dtype=jnp.float32)
    return {
        "sparse_index_group_batch": sparse_index_group_batch,
        "sparse_offset_group_batch": sparse_offset_group_batch,
        "weight": weight,
    }

def reference(sparse_index_group_batch, sparse_offset_group_batch, weight):
    # emb = self.embtable(sparse_index_group_batch)
    emb = jnp.take(weight, sparse_index_group_batch, axis=0)
    # bsz = emb.size(0) // self.offset
    bsz = emb.shape[0] // OFFSET
    emb = emb.reshape(bsz, OFFSET, emb.shape[1])
    # reduce_fn = torch.sum (mode='sum'), axis=1
    return jnp.sum(emb, axis=1)

if __name__ == "__main__":
    import jax
    _d = setup_inputs()
    print(jax.jit(kernel)(*tuple(_d.values())))

</pallas_src>

<mosaic_0001>
#map = affine_map<(d0, d1) -> (0)>
#map1 = affine_map<(d0, d1) -> (0, 0)>
module attributes {stable_mosaic.version = 14 : i64} {
  func.func @embag(%arg0: i32, %arg1: i32, %arg2: memref<81920xi32, #tpu.memory_space<hbm>>, %arg3: memref<100000x64xf32, #tpu.memory_space<hbm>>, %arg4: memref<4096x64xf32, #tpu.memory_space<hbm>>, %arg5: memref<2560xi32, #tpu.memory_space<vmem>>, %arg6: memref<2x640x64xf32, #tpu.memory_space<vmem>>, %arg7: memref<2x32x64xf32, #tpu.memory_space<vmem>>, %arg8: memref<2x!tpu.dma_semaphore, #tpu.memory_space<semaphore_mem>>, %arg9: memref<2x!tpu.dma_semaphore, #tpu.memory_space<semaphore_mem>>) attributes {dimension_semantics = [#tpu.dimension_semantics<core_parallel>, #tpu.dimension_semantics<subcore_parallel>], iteration_bounds = array<i64: 2, 16>, scalar_prefetch = 0 : i64, scratch_operands = 5 : i64, tpu.core_type = #tpu.core_type<sc_vector_subcore>, window_params = [{transform_indices = #map}, {transform_indices = #map1}, {transform_indices = #map1}]} {
    %mul3A = arith.constant 2 : i32
    %mul3A_0 = arith.muli %arg1, %mul3A : i32
    %add3A = arith.addi %mul3A_0, %arg0 : i32
    %mul3A_1 = arith.constant 128 : i32
    %mul3A_2 = arith.muli %add3A, %mul3A_1 : i32
    %mul3A_3 = arith.constant 20 : i32
    %mul3A_4 = arith.muli %mul3A_2, %mul3A_3 : i32
    "tpu.region"() ({
      %run_scoped3A = tpu.sem_alloc : memref<!tpu.dma_semaphore, #tpu.memory_space<semaphore_mem>>
      %dma_start3A_270 = tpu.memref_slice %arg2[%mul3A_4] : memref<81920xi32, #tpu.memory_space<hbm>> -> memref<2560xi32, #tpu.memory_space<hbm>>
      %dma_start3A_271 = tpu.memref_slice %arg2[%mul3A_4] : memref<81920xi32, #tpu.memory_space<hbm>> -> memref<2560xi32, #tpu.memory_space<hbm>>
      tpu.enqueue_dma source(%dma_start3A_271 : memref<2560xi32, #tpu.memory_space<hbm>>) target(%arg5 : memref<2560xi32, #tpu.memory_space<vmem>>) target_semaphore(%run_scoped3A : memref<!tpu.dma_semaphore, #tpu.memory_space<semaphore_mem>>)
      %dma_wait3A_272 = tpu.memref_slice %arg2[%mul3A_4] : memref<81920xi32, #tpu.memory_space<hbm>> -> memref<2560xi32, #tpu.memory_space<hbm>>
      %dma_wait3A_273 = tpu.memref_slice %arg2[%mul3A_4] : memref<81920xi32, #tpu.memory_space<hbm>> -> memref<2560xi32, #tpu.memory_space<hbm>>
      tpu.wait_dma2 semaphore(%run_scoped3A : memref<!tpu.dma_semaphore, #tpu.memory_space<semaphore_mem>>) src(%dma_wait3A_273 : memref<2560xi32, #tpu.memory_space<hbm>>) dst(%arg5 : memref<2560xi32, #tpu.memory_space<vmem>>)
      tpu.yield
    }) : () -> ()
    %dma_start3A = arith.constant 0 : i32
    %dma_start3A_5 = arith.constant 0 : i32
    %dma_start3A_6 = arith.constant 0 : i32
    %dma_start3A_7 = arith.constant 0 : i32
    %dma_start3A_8 = tpu.memref_slice %arg6[%dma_start3A, %dma_start3A_6, %dma_start3A_7] : memref<2x640x64xf32, #tpu.memory_space<vmem>> -> memref<1x640x64xf32, #tpu.memory_space<vmem>>
    %dma_start3A_9 = tpu.memref_squeeze %dma_start3A_8 : memref<1x640x64xf32, #tpu.memory_space<vmem>> -> memref<640x64xf32, #tpu.memory_space<vmem>>
    %dma_start3A_10 = arith.constant 0 : i32
    %dma_start3A_11 = tpu.memref_slice %arg5[%dma_start3A_10] : memref<2560xi32, #tpu.memory_space<vmem>> -> memref<640xi32, #tpu.memory_space<vmem>>
    %dma_start3A_12 = arith.constant 0 : i32
    %dma_start3A_13 = arith.constant 0 : i32
    %dma_start3A_14 = tpu.memref_slice %arg3[%dma_start3A_12, %dma_start3A_13] : memref<100000x64xf32, #tpu.memory_space<hbm>> -> memref<100000x64xf32, #tpu.memory_space<hbm>>
    %dma_start3A_15 = tpu.memref_slice %arg8[%dma_start3A_5] : memref<2x!tpu.dma_semaphore, #tpu.memory_space<semaphore_mem>> -> memref<1x!tpu.dma_semaphore, #tpu.memory_space<semaphore_mem>>
    %dma_start3A_16 = tpu.memref_squeeze %dma_start3A_15 : memref<1x!tpu.dma_semaphore, #tpu.memory_space<semaphore_mem>> -> memref<!tpu.dma_semaphore, #tpu.memory_space<semaphore_mem>>
    tpu.enqueue_indirect_dma source(%dma_start3A_14 : memref<100000x64xf32, #tpu.memory_space<hbm>>) target(%dma_start3A_9 : memref<640x64xf32, #tpu.memory_space<vmem>>) offsets(%dma_start3A_11 : memref<640xi32, #tpu.memory_space<vmem>>) semaphore(%dma_start3A_16 : memref<!tpu.dma_semaphore, #tpu.memory_space<semaphore_mem>>)
    %dma_start3A_17 = arith.constant 1 : i32
    %dma_start3A_18 = arith.constant 1 : i32
    %dma_start3A_19 = arith.constant 0 : i32
    %dma_start3A_20 = arith.constant 0 : i32
    %dma_start3A_21 = tpu.memref_slice %arg6[%dma_start3A_17, %dma_start3A_19, %dma_start3A_20] : memref<2x640x64xf32, #tpu.memory_space<vmem>> -> memref<1x640x64xf32, #tpu.memory_space<vmem>>
    %dma_start3A_22 = tpu.memref_squeeze %dma_start3A_21 : memref<1x640x64xf32, #tpu.memory_space<vmem>> -> memref<640x64xf32, #tpu.memory_space<vmem>>
    %dma_start3A_23 = arith.constant 640 : i32
    %dma_start3A_24 = tpu.memref_slice %arg5[%dma_start3A_23] : memref<2560xi32, #tpu.memory_space<vmem>> -> memref<640xi32, #tpu.memory_space<vmem>>
    %dma_start3A_25 = arith.constant 0 : i32
    %dma_start3A_26 = arith.constant 0 : i32
    %dma_start3A_27 = tpu.memref_slice %arg3[%dma_start3A_25, %dma_start3A_26] : memref<100000x64xf32, #tpu.memory_space<hbm>> -> memref<100000x64xf32, #tpu.memory_space<hbm>>
    %dma_start3A_28 = tpu.memref_slice %arg8[%dma_start3A_18] : memref<2x!tpu.dma_semaphore, #tpu.memory_space<semaphore_mem>> -> memref<1x!tpu.dma_semaphore, #tpu.memory_space<semaphore_mem>>
    %dma_start3A_29 = tpu.memref_squeeze %dma_start3A_28 : memref<1x!tpu.dma_semaphore, #tpu.memory_space<semaphore_mem>> -> memref<!tpu.dma_semaphore, #tpu.memory_space<semaphore_mem>>
    tpu.enqueue_indirect_dma source(%dma_start3A_27 : memref<100000x64xf32, #tpu.memory_space<hbm>>) target(%dma_start3A_22 : memref<640x64xf32, #tpu.memory_space<vmem>>) offsets(%dma_start3A_24 : memref<640xi32, #tpu.memory_space<vmem>>) semaphore(%dma_start3A_29 : memref<!tpu.dma_semaphore, #tpu.memory_space<semaphore_mem>>)
    %dma_wait3A = arith.constant 0 : i32
    %dma_wait3A_30 = arith.constant 0 : i32
    %dma_wait3A_31 = arith.constant 0 : i32
    %dma_wait3A_32 = arith.constant 0 : i32
    %dma_wait3A_33 = tpu.memref_slice %arg6[%dma_wait3A, %dma_wait3A_31, %dma_wait3A_32] : memref<2x640x64xf32, #tpu.memory_space<vmem>> -> memref<1x640x64xf32, #tpu.memory_space<vmem>>
    %dma_wait3A_34 = tpu.memref_squeeze %dma_wait3A_33 : memref<1x640x64xf32, #tpu.memory_space<vmem>> -> memref<640x64xf32, #tpu.memory_space<vmem>>
    %dma_wait3A_35 = arith.constant 0 : i32
    %dma_wait3A_36 = tpu.memref_slice %arg5[%dma_wait3A_35] : memref<2560xi32, #tpu.memory_space<vmem>> -> memref<640xi32, #tpu.memory_space<vmem>>
    %dma_wait3A_37 = arith.constant 0 : i32
    %dma_wait3A_38 = arith.constant 0 : i32
    %dma_wait3A_39 = tpu.memref_slice %arg3[%dma_wait3A_37, %dma_wait3A_38] : memref<100000x64xf32, #tpu.memory_space<hbm>> -> memref<100000x64xf32, #tpu.memory_space<hbm>>
    %dma_wait3A_40 = tpu.memref_slice %arg8[%dma_wait3A_30] : memref<2x!tpu.dma_semaphore, #tpu.memory_space<semaphore_mem>> -> memref<1x!tpu.dma_semaphore, #tpu.memory_space<semaphore_mem>>
    %dma_wait3A_41 = tpu.memref_squeeze %dma_wait3A_40 : memref<1x!tpu.dma_semaphore, #tpu.memory_space<semaphore_mem>> -> memref<!tpu.dma_semaphore, #tpu.memory_space<semaphore_mem>>
    tpu.wait_indirect_dma semaphore(%dma_wait3A_41 : memref<!tpu.dma_semaphore, #tpu.memory_space<semaphore_mem>>) src(%dma_wait3A_39 : memref<100000x64xf32, #tpu.memory_space<hbm>>) dst(%dma_wait3A_34 : memref<640x64xf32, #tpu.memory_space<vmem>>)
    %scan3A = arith.constant 0 : i32
    %scan3A_42 = arith.constant 0 : i32
    %scan3A_43 = arith.constant 32 : i32
    %scan3A_44 = arith.addi %scan3A_42, %scan3A_43 : i32
    %scan3A_45 = arith.constant 1 : i32
    %scan3A_46 = scf.for %scan3A_270 = %scan3A_42 to %scan3A_44 step %scan3A_45 iter_args(%scan3A_271 = %scan3A) -> (i32)  : i32 {
      %mul3A_272 = arith.constant 20 : i32
      %mul3A_273 = arith.muli %scan3A_270, %mul3A_272 : i32
      %get3A = arith.constant 0 : i32
      %get3A_274 = arith.index_cast %get3A : i32 to index
      %get3A_275 = arith.index_cast %mul3A_273 : i32 to index
      %get3A_276 = arith.constant 0 : index
      %get3A_277 = tpu.vector_load %arg6[%get3A_274, %get3A_275, %get3A_276] {strides = array<i32>} : memref<2x640x64xf32, #tpu.memory_space<vmem>>, vector<1x1x16xf32>,
      %get3A_278 = vector.shape_cast %get3A_277 : vector<1x1x16xf32> to vector<16xf32>
      %mul3A_279 = arith.constant 20 : i32
      %mul3A_280 = arith.muli %scan3A_270, %mul3A_279 : i32
      %add3A_281 = arith.constant 1 : i32
      %add3A_282 = arith.addi %mul3A_280, %add3A_281 : i32
      %get3A_283 = arith.constant 0 : i32
      %get3A_284 = arith.index_cast %get3A_283 : i32 to index
      %get3A_285 = arith.index_cast %add3A_282 : i32 to index
      %get3A_286 = arith.constant 0 : index
      %get3A_287 = tpu.vector_load %arg6[%get3A_284, %get3A_285, %get3A_286] {strides = array<i32>} : memref<2x640x64xf32, #tpu.memory_space<vmem>>, vector<1x1x16xf32>,
      %get3A_288 = vector.shape_cast %get3A_287 : vector<1x1x16xf32> to vector<16xf32>
      %add3A_289 = arith.addf %get3A_278, %get3A_288 : vector<16xf32>
      %mul3A_290 = arith.constant 20 : i32
      %mul3A_291 = arith.muli %scan3A_270, %mul3A_290 : i32
      %add3A_292 = arith.constant 2 : i32
      %add3A_293 = arith.addi %mul3A_291, %add3A_292 : i32
      %get3A_294 = arith.constant 0 : i32
      %get3A_295 = arith.index_cast %get3A_294 : i32 to index
      %get3A_296 = arith.index_cast %add3A_293 : i32 to index
      %get3A_297 = arith.constant 0 : index
      %get3A_298 = tpu.vector_load %arg6[%get3A_295, %get3A_296, %get3A_297] {strides = array<i32>} : memref<2x640x64xf32, #tpu.memory_space<vmem>>, vector<1x1x16xf32>,
      %get3A_299 = vector.shape_cast %get3A_298 : vector<1x1x16xf32> to vector<16xf32>
      %add3A_300 = arith.addf %add3A_289, %get3A_299 : vector<16xf32>
      %mul3A_301 = arith.constant 20 : i32
      %mul3A_302 = arith.muli %scan3A_270, %mul3A_301 : i32
      %add3A_303 = arith.constant 3 : i32
      %add3A_304 = arith.addi %mul3A_302, %add3A_303 : i32
      %get3A_305 = arith.constant 0 : i32
      %get3A_306 = arith.index_cast %get3A_305 : i32 to index
      %get3A_307 = arith.index_cast %add3A_304 : i32 to index
      %get3A_308 = arith.constant 0 : index
      %get3A_309 = tpu.vector_load %arg6[%get3A_306, %get3A_307, %get3A_308] {strides = array<i32>} : memref<2x640x64xf32, #tpu.memory_space<vmem>>, vector<1x1x16xf32>,
      %get3A_310 = vector.shape_cast %get3A_309 : vector<1x1x16xf32> to vector<16xf32>
      %add3A_311 = arith.addf %add3A_300, %get3A_310 : vector<16xf32>
      %mul3A_312 = arith.constant 20 : i32
      %mul3A_313 = arith.muli %scan3A_270, %mul3A_312 : i32
      %add3A_314 = arith.constant 4 : i32
      %add3A_315 = arith.addi %mul3A_313, %add3A_314 : i32
      %get3A_316 = arith.constant 0 : i32
      %get3A_317 = arith.index_cast %get3A_316 : i32 to index
      %get3A_318 = arith.index_cast %add3A_315 : i32 to index
      %get3A_319 = arith.constant 0 : index
      %get3A_320 = tpu.vector_load %arg6[%get3A_317, %get3A_318, %get3A_319] {strides = array<i32>} : memref<2x640x64xf32, #tpu.memory_space<vmem>>, vector<1x1x16xf32>,
      %get3A_321 = vector.shape_cast %get3A_320 : vector<1x1x16xf32> to vector<16xf32>
      %add3A_322 = arith.addf %add3A_311, %get3A_321 : vector<16xf32>
      %mul3A_323 = arith.constant 20 : i32
      %mul3A_324 = arith.muli %scan3A_270, %mul3A_323 : i32
      %add3A_325 = arith.constant 5 : i32
      %add3A_326 = arith.addi %mul3A_324, %add3A_325 : i32
      %get3A_327 = arith.constant 0 : i32
      %get3A_328 = arith.index_cast %get3A_327 : i32 to index
      %get3A_329 = arith.index_cast %add3A_326 : i32 to index
      %get3A_330 = arith.constant 0 : index
      %get3A_331 = tpu.vector_load %arg6[%get3A_328, %get3A_329, %get3A_330] {strides = array<i32>} : memref<2x640x64xf32, #tpu.memory_space<vmem>>, vector<1x1x16xf32>,
      %get3A_332 = vector.shape_cast %get3A_331 : vector<1x1x16xf32> to vector<16xf32>
      %add3A_333 = arith.addf %add3A_322, %get3A_332 : vector<16xf32>
      %mul3A_334 = arith.constant 20 : i32
      %mul3A_335 = arith.muli %scan3A_270, %mul3A_334 : i32
      %add3A_336 = arith.constant 6 : i32
      %add3A_337 = arith.addi %mul3A_335, %add3A_336 : i32
      %get3A_338 = arith.constant 0 : i32
      %get3A_339 = arith.index_cast %get3A_338 : i32 to index
      %get3A_340 = arith.index_cast %add3A_337 : i32 to index
      %get3A_341 = arith.constant 0 : index
      %get3A_342 = tpu.vector_load %arg6[%get3A_339, %get3A_340, %get3A_341] {strides = array<i32>} : memref<2x640x64xf32, #tpu.memory_space<vmem>>, vector<1x1x16xf32>,
      %get3A_343 = vector.shape_cast %get3A_342 : vector<1x1x16xf32> to vector<16xf32>
      %add3A_344 = arith.addf %add3A_333, %get3A_343 : vector<16xf32>
      %mul3A_345 = arith.constant 20 : i32
      %mul3A_346 = arith.muli %scan3A_270, %mul3A_345 : i32
      %add3A_347 = arith.constant 7 : i32
      %add3A_348 = arith.addi %mul3A_346, %add3A_347 : i32
      %get3A_349 = arith.constant 0 : i32
      %get3A_350 = arith.index_cast %get3A_349 : i32 to index
      %get3A_351 = arith.index_cast %add3A_348 : i32 to index
      %get3A_352 = arith.constant 0 : index
      %get3A_353 = tpu.vector_load %arg6[%get3A_350, %get3A_351, %get3A_352] {strides = array<i32>} : memref<2x640x64xf32, #tpu.memory_space<vmem>>, vector<1x1x16xf32>,
      %get3A_354 = vector.shape_cast %get3A_353 : vector<1x1x16xf32> to vector<16xf32>
      %add3A_355 = arith.addf %add3A_344, %get3A_354 : vector<16xf32>
      %mul3A_356 = arith.constant 20 : i32
      %mul3A_357 = arith.muli %scan3A_270, %mul3A_356 : i32
      %add3A_358 = arith.constant 8 : i32
      %add3A_359 = arith.addi %mul3A_357, %add3A_358 : i32
      %get3A_360 = arith.constant 0 : i32
      %get3A_361 = arith.index_cast %get3A_360 : i32 to index
      %get3A_362 = arith.index_cast %add3A_359 : i32 to index
      %get3A_363 = arith.constant 0 : index
      %get3A_364 = tpu.vector_load %arg6[%get3A_361, %get3A_362, %get3A_363] {strides = array<i32>} : memref<2x640x64xf32, #tpu.memory_space<vmem>>, vector<1x1x16xf32>,
      %get3A_365 = vector.shape_cast %get3A_364 : vector<1x1x16xf32> to vector<16xf32>
      %add3A_366 = arith.addf %add3A_355, %get3A_365 : vector<16xf32>
      %mul3A_367 = arith.constant 20 : i32
      %mul3A_368 = arith.muli %scan3A_270, %mul3A_367 : i32
      %add3A_369 = arith.constant 9 : i32
      %add3A_370 = arith.addi %mul3A_368, %add3A_369 : i32
      %get3A_371 = arith.constant 0 : i32
      %get3A_372 = arith.index_cast %get3A_371 : i32 to index
      %get3A_373 = arith.index_cast %add3A_370 : i32 to index
      %get3A_374 = arith.constant 0 : index
      %get3A_375 = tpu.vector_load %arg6[%get3A_372, %get3A_373, %get3A_374] {strides = array<i32>} : memref<2x640x64xf32, #tpu.memory_space<vmem>>, vector<1x1x16xf32>,
      %get3A_376 = vector.shape_cast %get3A_375 : vector<1x1x16xf32> to vector<16xf32>
      %add3A_377 = arith.addf %add3A_366, %get3A_376 : vector<16xf32>
      %mul3A_378 = arith.constant 20 : i32
      %mul3A_379 = arith.muli %scan3A_270, %mul3A_378 : i32
      %add3A_380 = arith.constant 10 : i32
      %add3A_381 = arith.addi %mul3A_379, %add3A_380 : i32
      %get3A_382 = arith.constant 0 : i32
      %get3A_383 = arith.index_cast %get3A_382 : i32 to index
      %get3A_384 = arith.index_cast %add3A_381 : i32 to index
      %get3A_385 = arith.constant 0 : index
      %get3A_386 = tpu.vector_load %arg6[%get3A_383, %get3A_384, %get3A_385] {strides = array<i32>} : memref<2x640x64xf32, #tpu.memory_space<vmem>>, vector<1x1x16xf32>,
      %get3A_387 = vector.shape_cast %get3A_386 : vector<1x1x16xf32> to vector<16xf32>
      %add3A_388 = arith.addf %add3A_377, %get3A_387 : vector<16xf32>
      %mul3A_389 = arith.constant 20 : i32
      %mul3A_390 = arith.muli %scan3A_270, %mul3A_389 : i32
      %add3A_391 = arith.constant 11 : i32
      %add3A_392 = arith.addi %mul3A_390, %add3A_391 : i32
      %get3A_393 = arith.constant 0 : i32
      %get3A_394 = arith.index_cast %get3A_393 : i32 to index
      %get3A_395 = arith.index_cast %add3A_392 : i32 to index
      %get3A_396 = arith.constant 0 : index
      %get3A_397 = tpu.vector_load %arg6[%get3A_394, %get3A_395, %get3A_396] {strides = array<i32>} : memref<2x640x64xf32, #tpu.memory_space<vmem>>, vector<1x1x16xf32>,
      %get3A_398 = vector.shape_cast %get3A_397 : vector<1x1x16xf32> to vector<16xf32>
      %add3A_399 = arith.addf %add3A_388, %get3A_398 : vector<16xf32>
      %mul3A_400 = arith.constant 20 : i32
      %mul3A_401 = arith.muli %scan3A_270, %mul3A_400 : i32
      %add3A_402 = arith.constant 12 : i32
      %add3A_403 = arith.addi %mul3A_401, %add3A_402 : i32
      %get3A_404 = arith.constant 0 : i32
      %get3A_405 = arith.index_cast %get3A_404 : i32 to index
      %get3A_406 = arith.index_cast %add3A_403 : i32 to index
      %get3A_407 = arith.constant 0 : index
      %get3A_408 = tpu.vector_load %arg6[%get3A_405, %get3A_406, %get3A_407] {strides = array<i32>} : memref<2x640x64xf32, #tpu.memory_space<vmem>>, vector<1x1x16xf32>,
      %get3A_409 = vector.shape_cast %get3A_408 : vector<1x1x16xf32> to vector<16xf32>
      %add3A_410 = arith.addf %add3A_399, %get3A_409 : vector<16xf32>
      %mul3A_411 = arith.constant 20 : i32
      %mul3A_412 = arith.muli %scan3A_270, %mul3A_411 : i32
      %add3A_413 = arith.constant 13 : i32
      %add3A_414 = arith.addi %mul3A_412, %add3A_413 : i32
      %get3A_415 = arith.constant 0 : i32
      %get3A_416 = arith.index_cast %get3A_415 : i32 to index
      %get3A_417 = arith.index_cast %add3A_414 : i32 to index
      %get3A_418 = arith.constant 0 : index
      %get3A_419 = tpu.vector_load %arg6[%get3A_416, %get3A_417, %get3A_418] {strides = array<i32>} : memref<2x640x64xf32, #tpu.memory_space<vmem>>, vector<1x1x16xf32>,
      %get3A_420 = vector.shape_cast %get3A_419 : vector<1x1x16xf32> to vector<16xf32>
      %add3A_421 = arith.addf %add3A_410, %get3A_420 : vector<16xf32>
      %mul3A_422 = arith.constant 20 : i32
      %mul3A_423 = arith.muli %scan3A_270, %mul3A_422 : i32
      %add3A_424 = arith.constant 14 : i32
      %add3A_425 = arith.addi %mul3A_423, %add3A_424 : i32
      %get3A_426 = arith.constant 0 : i32
      %get3A_427 = arith.index_cast %get3A_426 : i32 to index
      %get3A_428 = arith.index_cast %add3A_425 : i32 to index
      %get3A_429 = arith.constant 0 : index
      %get3A_430 = tpu.vector_load %arg6[%get3A_427, %get3A_428, %get3A_429] {strides = array<i32>} : memref<2x640x64xf32, #tpu.memory_space<vmem>>, vector<1x1x16xf32>,
      %get3A_431 = vector.shape_cast %get3A_430 : vector<1x1x16xf32> to vector<16xf32>
      %add3A_432 = arith.addf %add3A_421, %get3A_431 : vector<16xf32>
      %mul3A_433 = arith.constant 20 : i32
      %mul3A_434 = arith.muli %scan3A_270, %mul3A_433 : i32
      %add3A_435 = arith.constant 15 : i32
      %add3A_436 = arith.addi %mul3A_434, %add3A_435 : i32
      %get3A_437 = arith.constant 0 : i32
      %get3A_438 = arith.index_cast %get3A_437 : i32 to index
      %get3A_439 = arith.index_cast %add3A_436 : i32 to index
      %get3A_440 = arith.constant 0 : index
      %get3A_441 = tpu.vector_load %arg6[%get3A_438, %get3A_439, %get3A_440] {strides = array<i32>} : memref<2x640x64xf32, #tpu.memory_space<vmem>>, vector<1x1x16xf32>,
      %get3A_442 = vector.shape_cast %get3A_441 : vector<1x1x16xf32> to vector<16xf32>
      %add3A_443 = arith.addf %add3A_432, %get3A_442 : vector<16xf32>
      %mul3A_444 = arith.constant 20 : i32
      %mul3A_445 = arith.muli %scan3A_270, %mul3A_444 : i32
      %add3A_446 = arith.constant 16 : i32
      %add3A_447 = arith.addi %mul3A_445, %add3A_446 : i32
      %get3A_448 = arith.constant 0 : i32
      %get3A_449 = arith.index_cast %get3A_448 : i32 to index
      %get3A_450 = arith.index_cast %add3A_447 : i32 to index
      %get3A_451 = arith.constant 0 : index
      %get3A_452 = tpu.vector_load %arg6[%get3A_449, %get3A_450, %get3A_451] {strides = array<i32>} : memref<2x640x64xf32, #tpu.memory_space<vmem>>, vector<1x1x16xf32>,
      %get3A_453 = vector.shape_cast %get3A_452 : vector<1x1x16xf32> to vector<16xf32>
      %add3A_454 = arith.addf %add3A_443, %get3A_453 : vector<16xf32>
      %mul3A_455 = arith.constant 20 : i32
      %mul3A_456 = arith.muli %scan3A_270, %mul3A_455 : i32
      %add3A_457 = arith.constant 17 : i32
      %add3A_458 = arith.addi %mul3A_456, %add3A_457 : i32
      %get3A_459 = arith.constant 0 : i32
      %get3A_460 = arith.index_cast %get3A_459 : i32 to index
      %get3A_461 = arith.index_cast %add3A_458 : i32 to index
      %get3A_462 = arith.constant 0 : index
      %get3A_463 = tpu.vector_load %arg6[%get3A_460, %get3A_461, %get3A_462] {strides = array<i32>} : memref<2x640x64xf32, #tpu.memory_space<vmem>>, vector<1x1x16xf32>,
      %get3A_464 = vector.shape_cast %get3A_463 : vector<1x1x16xf32> to vector<16xf32>
      %add3A_465 = arith.addf %add3A_454, %get3A_464 : vector<16xf32>
      %mul3A_466 = arith.constant 20 : i32
      %mul3A_467 = arith.muli %scan3A_270, %mul3A_466 : i32
      %add3A_468 = arith.constant 18 : i32
      %add3A_469 = arith.addi %mul3A_467, %add3A_468 : i32
      %get3A_470 = arith.constant 0 : i32
      %get3A_471 = arith.index_cast %get3A_470 : i32 to index
      %get3A_472 = arith.index_cast %add3A_469 : i32 to index
      %get3A_473 = arith.constant 0 : index
      %get3A_474 = tpu.vector_load %arg6[%get3A_471, %get3A_472, %get3A_473] {strides = array<i32>} : memref<2x640x64xf32, #tpu.memory_space<vmem>>, vector<1x1x16xf32>,
      %get3A_475 = vector.shape_cast %get3A_474 : vector<1x1x16xf32> to vector<16xf32>
      %add3A_476 = arith.addf %add3A_465, %get3A_475 : vector<16xf32>
      %mul3A_477 = arith.constant 20 : i32
      %mul3A_478 = arith.muli %scan3A_270, %mul3A_477 : i32
      %add3A_479 = arith.constant 19 : i32
      %add3A_480 = arith.addi %mul3A_478, %add3A_479 : i32
      %get3A_481 = arith.constant 0 : i32
      %get3A_482 = arith.index_cast %get3A_481 : i32 to index
      %get3A_483 = arith.index_cast %add3A_480 : i32 to index
      %get3A_484 = arith.constant 0 : index
      %get3A_485 = tpu.vector_load %arg6[%get3A_482, %get3A_483, %get3A_484] {strides = array<i32>} : memref<2x640x64xf32, #tpu.memory_space<vmem>>, vector<1x1x16xf32>,
      %get3A_486 = vector.shape_cast %get3A_485 : vector<1x1x16xf32> to vector<16xf32>
      %add3A_487 = arith.addf %add3A_476, %get3A_486 : vector<16xf32>
      %swap3A = arith.constant 0 : i32
      %swap3A_488 = arith.index_cast %swap3A : i32 to index
      %swap3A_489 = arith.index_cast %scan3A_270 : i32 to index
      %swap3A_490 = arith.constant 0 : index
      %swap3A_491 = tpu.vector_load %arg7[%swap3A_488, %swap3A_489, %swap3A_490] {strides = array<i32>} : memref<2x32x64xf32, #tpu.memory_space<vmem>>, vector<1x1x16xf32>,
      %swap3A_492 = vector.shape_cast %swap3A_491 : vector<1x1x16xf32> to vector<16xf32>
      %swap3A_493 = vector.shape_cast %add3A_487 : vector<16xf32> to vector<1x1x16xf32>
      tpu.vector_store %arg7[%swap3A_488, %swap3A_489, %swap3A_490], %swap3A_493 {strides = array<i32>} : memref<2x32x64xf32, #tpu.memory_space<vmem>>, vector<1x1x16xf32>,
      %mul3A_494 = arith.constant 20 : i32
      %mul3A_495 = arith.muli %scan3A_270, %mul3A_494 : i32
      %get3A_496 = arith.constant 0 : i32
      %get3A_497 = arith.index_cast %get3A_496 : i32 to index
      %get3A_498 = arith.index_cast %mul3A_495 : i32 to index
      %get3A_499 = arith.constant 16 : index
      %get3A_500 = tpu.vector_load %arg6[%get3A_497, %get3A_498, %get3A_499] {strides = array<i32>} : memref<2x640x64xf32, #tpu.memory_space<vmem>>, vector<1x1x16xf32>,
      %get3A_501 = vector.shape_cast %get3A_500 : vector<1x1x16xf32> to vector<16xf32>
      %mul3A_502 = arith.constant 20 : i32
      %mul3A_503 = arith.muli %scan3A_270, %mul3A_502 : i32
      %add3A_504 = arith.constant 1 : i32
      %add3A_505 = arith.addi %mul3A_503, %add3A_504 : i32
      %get3A_506 = arith.constant 0 : i32
      %get3A_507 = arith.index_cast %get3A_506 : i32 to index
      %get3A_508 = arith.index_cast %add3A_505 : i32 to index
      %get3A_509 = arith.constant 16 : index
      %get3A_510 = tpu.vector_load %arg6[%get3A_507, %get3A_508, %get3A_509] {strides = array<i32>} : memref<2x640x64xf32, #tpu.memory_space<vmem>>, vector<1x1x16xf32>,
      %get3A_511 = vector.shape_cast %get3A_510 : vector<1x1x16xf32> to vector<16xf32>
      %add3A_512 = arith.addf %get3A_501, %get3A_511 : vector<16xf32>
      %mul3A_513 = arith.constant 20 : i32
      %mul3A_514 = arith.muli %scan3A_270, %mul3A_513 : i32
      %add3A_515 = arith.constant 2 : i32
      %add3A_516 = arith.addi %mul3A_514, %add3A_515 : i32
      %get3A_517 = arith.constant 0 : i32
      %get3A_518 = arith.index_cast %get3A_517 : i32 to index
      %get3A_519 = arith.index_cast %add3A_516 : i32 to index
      %get3A_520 = arith.constant 16 : index
      %get3A_521 = tpu.vector_load %arg6[%get3A_518, %get3A_519, %get3A_520] {strides = array<i32>} : memref<2x640x64xf32, #tpu.memory_space<vmem>>, vector<1x1x16xf32>,
      %get3A_522 = vector.shape_cast %get3A_521 : vector<1x1x16xf32> to vector<16xf32>
      %add3A_523 = arith.addf %add3A_512, %get3A_522 : vector<16xf32>
      %mul3A_524 = arith.constant 20 : i32
      %mul3A_525 = arith.muli %scan3A_270, %mul3A_524 : i32
      %add3A_526 = arith.constant 3 : i32
      %add3A_527 = arith.addi %mul3A_525, %add3A_526 : i32
      %get3A_528 = arith.constant 0 : i32
      %get3A_529 = arith.index_cast %get3A_528 : i32 to index
      %get3A_530 = arith.index_cast %add3A_527 : i32 to index
      %get3A_531 = arith.constant 16 : index
      %get3A_532 = tpu.vector_load %arg6[%get3A_529, %get3A_530, %get3A_531] {strides = array<i32>} : memref<2x640x64xf32, #tpu.memory_space<vmem>>, vector<1x1x16xf32>,
      %get3A_533 = vector.shape_cast %get3A_532 : vector<1x1x16xf32> to vector<16xf32>
      %add3A_534 = arith.addf %add3A_523, %get3A_533 : vector<16xf32>
      %mul3A_535 = arith.constant 20 : i32
      %mul3A_536 = arith.muli %scan3A_270, %mul3A_535 : i32
      %add3A_537 = arith.constant 4 : i32
      %add3A_538 = arith.addi %mul3A_536, %add3A_537 : i32
      %get3A_539 = arith.constant 0 : i32
      %get3A_540 = arith.index_cast %get3A_539 : i32 to index
      %get3A_541 = arith.index_cast %add3A_538 : i32 to index
      %get3A_542 = arith.constant 16 : index
      %get3A_543 = tpu.vector_load %arg6[%get3A_540, %get3A_541, %get3A_542] {strides = array<i32>} : memref<2x640x64xf32, #tpu.memory_space<vmem>>, vector<1x1x16xf32>,
      %get3A_544 = vector.shape_cast %get3A_543 : vector<1x1x16xf32> to vector<16xf32>
      %add3A_545 = arith.addf %add3A_534, %get3A_544 : vector<16xf32>
      %mul3A_546 = arith.constant 20 : i32
      %mul3A_547 = arith.muli %scan3A_270, %mul3A_546 : i32
      %add3A_548 = arith.constant 5 : i32
      %add3A_549 = arith.addi %mul3A_547, %add3A_548 : i32
      %get3A_550 = arith.constant 0 : i32
      %get3A_551 = arith.index_cast %get3A_550 : i32 to index
      %get3A_552 = arith.index_cast %add3A_549 : i32 to index
      %get3A_553 = arith.constant 16 : index
      %get3A_554 = tpu.vector_load %arg6[%get3A_551, %get3A_552, %get3A_553] {strides = array<i32>} : memref<2x640x64xf32, #tpu.memory_space<vmem>>, vector<1x1x16xf32>,
      %get3A_555 = vector.shape_cast %get3A_554 : vector<1x1x16xf32> to vector<16xf32>
      %add3A_556 = arith.addf %add3A_545, %get3A_555 : vector<16xf32>
      %mul3A_557 = arith.constant 20 : i32
      %mul3A_558 = arith.muli %scan3A_270, %mul3A_557 : i32
      %add3A_559 = arith.constant 6 : i32
      %add3A_560 = arith.addi %mul3A_558, %add3A_559 : i32
      %get3A_561 = arith.constant 0 : i32
      %get3A_562 = arith.index_cast %get3A_561 : i32 to index
      %get3A_563 = arith.index_cast %add3A_560 : i32 to index
      %get3A_564 = arith.constant 16 : index
      %get3A_565 = tpu.vector_load %arg6[%get3A_562, %get3A_563, %get3A_564] {strides = array<i32>} : memref<2x640x64xf32, #tpu.memory_space<vmem>>, vector<1x1x16xf32>,
      %get3A_566 = vector.shape_cast %get3A_565 : vector<1x1x16xf32> to vector<16xf32>
      %add3A_567 = arith.addf %add3A_556, %get3A_566 : vector<16xf32>
      %mul3A_568 = arith.constant 20 : i32
      %mul3A_569 = arith.muli %scan3A_270, %mul3A_568 : i32
      %add3A_570 = arith.constant 7 : i32
      %add3A_571 = arith.addi %mul3A_569, %add3A_570 : i32
      %get3A_572 = arith.constant 0 : i32
      %get3A_573 = arith.index_cast %get3A_572 : i32 to index
      %get3A_574 = arith.index_cast %add3A_571 : i32 to index
      %get3A_575 = arith.constant 16 : index
      %get3A_576 = tpu.vector_load %arg6[%get3A_573, %get3A_574, %get3A_575] {strides = array<i32>} : memref<2x640x64xf32, #tpu.memory_space<vmem>>, vector<1x1x16xf32>,
      %get3A_577 = vector.shape_cast %get3A_576 : vector<1x1x16xf32> to vector<16xf32>
      %add3A_578 = arith.addf %add3A_567, %get3A_577 : vector<16xf32>
      %mul3A_579 = arith.constant 20 : i32
      %mul3A_580 = arith.muli %scan3A_270, %mul3A_579 : i32
      %add3A_581 = arith.constant 8 : i32
      %add3A_582 = arith.addi %mul3A_580, %add3A_581 : i32
      %get3A_583 = arith.constant 0 : i32
      %get3A_584 = arith.index_cast %get3A_583 : i32 to index
      %get3A_585 = arith.index_cast %add3A_582 : i32 to index
      %get3A_586 = arith.constant 16 : index
      %get3A_587 = tpu.vector_load %arg6[%get3A_584, %get3A_585, %get3A_586] {strides = array<i32>} : memref<2x640x64xf32, #tpu.memory_space<vmem>>, vector<1x1x16xf32>,
      %get3A_588 = vector.shape_cast %get3A_587 : vector<1x1x16xf32> to vector<16xf32>
      %add3A_589 = arith.addf %add3A_578, %get3A_588 : vector<16xf32>
      %mul3A_590 = arith.constant 20 : i32
      %mul3A_591 = arith.muli %scan3A_270, %mul3A_590 : i32
      %add3A_592 = arith.constant 9 : i32
      %add3A_593 = arith.addi %mul3A_591, %add3A_592 : i32
      %get3A_594 = arith.constant 0 : i32
      %get3A_595 = arith.index_cast %get3A_594 : i32 to index
      %get3A_596 = arith.index_cast %add3A_593 : i32 to index
      %get3A_597 = arith.constant 16 : index
      %get3A_598 = tpu.vector_load %arg6[%get3A_595, %get3A_596, %get3A_597] {strides = array<i32>} : memref<2x640x64xf32, #tpu.memory_space<vmem>>, vector<1x1x16xf32>,
      %get3A_599 = vector.shape_cast %get3A_598 : vector<1x1x16xf32> to vector<16xf32>
      %add3A_600 = arith.addf %add3A_589, %get3A_599 : vector<16xf32>
      %mul3A_601 = arith.constant 20 : i32
      %mul3A_602 = arith.muli %scan3A_270, %mul3A_601 : i32
      %add3A_603 = arith.constant 10 : i32
      %add3A_604 = arith.addi %mul3A_602, %add3A_603 : i32
      %get3A_605 = arith.constant 0 : i32
      %get3A_606 = arith.index_cast %get3A_605 : i32 to index
      %get3A_607 = arith.index_cast %add3A_604 : i32 to index
      %get3A_608 = arith.constant 16 : index
      %get3A_609 = tpu.vector_load %arg6[%get3A_606, %get3A_607, %get3A_608] {strides = array<i32>} : memref<2x640x64xf32, #tpu.memory_space<vmem>>, vector<1x1x16xf32>,
      %get3A_610 = vector.shape_cast %get3A_609 : vector<1x1x16xf32> to vector<16xf32>
      %add3A_611 = arith.addf %add3A_600, %get3A_610 : vector<16xf32>
      %mul3A_612 = arith.constant 20 : i32
      %mul3A_613 = arith.muli %scan3A_270, %mul3A_612 : i32
      %add3A_614 = arith.constant 11 : i32
      %add3A_615 = arith.addi %mul3A_613, %add3A_614 : i32
      %get3A_616 = arith.constant 0 : i32
      %get3A_617 = arith.index_cast %get3A_616 : i32 to index
      %get3A_618 = arith.index_cast %add3A_615 : i32 to index
      %get3A_619 = arith.constant 16 : index
      %get3A_620 = tpu.vector_load %arg6[%get3A_617, %get3A_618, %get3A_619] {strides = array<i32>} : memref<2x640x64xf32, #tpu.memory_space<vmem>>, vector<1x1x16xf32>,
      %get3A_621 = vector.shape_cast %get3A_620 : vector<1x1x16xf32> to vector<16xf32>
      %add3A_622 = arith.addf %add3A_611, %get3A_621 : vector<16xf32>
      %mul3A_623 = arith.constant 20 : i32
      %mul3A_624 = arith.muli %scan3A_270, %mul3A_623 : i32
      %add3A_625 = arith.constant 12 : i32
      %add3A_626 = arith.addi %mul3A_624, %add3A_625 : i32
      %get3A_627 = arith.constant 0 : i32
      %get3A_628 = arith.index_cast %get3A_627 : i32 to index
      %get3A_629 = arith.index_cast %add3A_626 : i32 to index
      %get3A_630 = arith.constant 16 : index
      %get3A_631 = tpu.vector_load %arg6[%get3A_628, %get3A_629, %get3A_630] {strides = array<i32>} : memref<2x640x64xf32, #tpu.memory_space<vmem>>, vector<1x1x16xf32>,
      %get3A_632 = vector.shape_cast %get3A_631 : vector<1x1x16xf32> to vector<16xf32>
      %add3A_633 = arith.addf %add3A_622, %get3A_632 : vector<16xf32>
      %mul3A_634 = arith.constant 20 : i32
      %mul3A_635 = arith.muli %scan3A_270, %mul3A_634 : i32
      %add3A_636 = arith.constant 13 : i32
      %add3A_637 = arith.addi %mul3A_635, %add3A_636 : i32
      %get3A_638 = arith.constant 0 : i32
      %get3A_639 = arith.index_cast %get3A_638 : i32 to index
      %get3A_640 = arith.index_cast %add3A_637 : i32 to index
      %get3A_641 = arith.constant 16 : index
      %get3A_642 = tpu.vector_load %arg6[%get3A_639, %get3A_640, %get3A_641] {strides = array<i32>} : memref<2x640x64xf32, #tpu.memory_space<vmem>>, vector<1x1x16xf32>,
      %get3A_643 = vector.shape_cast %get3A_642 : vector<1x1x16xf32> to vector<16xf32>
      %add3A_644 = arith.addf %add3A_633, %get3A_643 : vector<16xf32>
      %mul3A_645 = arith.constant 20 : i32
      %mul3A_646 = arith.muli %scan3A_270, %mul3A_645 : i32
      %add3A_647 = arith.constant 14 : i32
      %add3A_648 = arith.addi %mul3A_646, %add3A_647 : i32
      %get3A_649 = arith.constant 0 : i32
      %get3A_650 = arith.index_cast %get3A_649 : i32 to index
      %get3A_651 = arith.index_cast %add3A_648 : i32 to index
      %get3A_652 = arith.constant 16 : index
      %get3A_653 = tpu.vector_load %arg6[%get3A_650, %get3A_651, %get3A_652] {strides = array<i32>} : memref<2x640x64xf32, #tpu.memory_space<vmem>>, vector<1x1x16xf32>,
      %get3A_654 = vector.shape_cast %get3A_653 : vector<1x1x16xf32> to vector<16xf32>
      %add3A_655 = arith.addf %add3A_644, %get3A_654 : vector<16xf32>
      %mul3A_656 = arith.constant 20 : i32
      %mul3A_657 = arith.muli %scan3A_270, %mul3A_656 : i32
      %add3A_658 = arith.constant 15 : i32
      %add3A_659 = arith.addi %mul3A_657, %add3A_658 : i32
      %get3A_660 = arith.constant 0 : i32
      %get3A_661 = arith.index_cast %get3A_660 : i32 to index
      %get3A_662 = arith.index_cast %add3A_659 : i32 to index
      %get3A_663 = arith.constant 16 : index
      %get3A_664 = tpu.vector_load %arg6[%get3A_661, %get3A_662, %get3A_663] {strides = array<i32>} : memref<2x640x64xf32, #tpu.memory_space<vmem>>, vector<1x1x16xf32>,
      %get3A_665 = vector.shape_cast %get3A_664 : vector<1x1x16xf32> to vector<16xf32>
      %add3A_666 = arith.addf %add3A_655, %get3A_665 : vector<16xf32>
      %mul3A_667 = arith.constant 20 : i32
      %mul3A_668 = arith.muli %scan3A_270, %mul3A_667 : i32
      %add3A_669 = arith.constant 16 : i32
      %add3A_670 = arith.addi %mul3A_668, %add3A_669 : i32
      %get3A_671 = arith.constant 0 : i32
      %get3A_672 = arith.index_cast %get3A_671 : i32 to index
      %get3A_673 = arith.index_cast %add3A_670 : i32 to index
      %get3A_674 = arith.constant 16 : index
      %get3A_675 = tpu.vector_load %arg6[%get3A_672, %get3A_673, %get3A_674] {strides = array<i32>} : memref<2x640x64xf32, #tpu.memory_space<vmem>>, vector<1x1x16xf32>,
      %get3A_676 = vector.shape_cast %get3A_675 : vector<1x1x16xf32> to vector<16xf32>
      %add3A_677 = arith.addf %add3A_666, %get3A_676 : vector<16xf32>
      %mul3A_678 = arith.constant 20 : i32
      %mul3A_679 = arith.muli %scan3A_270, %mul3A_678 : i32
      %add3A_680 = arith.constant 17 : i32
      %add3A_681 = arith.addi %mul3A_679, %add3A_680 : i32
      %get3A_682 = arith.constant 0 : i32
      %get3A_683 = arith.index_cast %get3A_682 : i32 to index
      %get3A_684 = arith.index_cast %add3A_681 : i32 to index
      %get3A_685 = arith.constant 16 : index
      %get3A_686 = tpu.vector_load %arg6[%get3A_683, %get3A_684, %get3A_685] {strides = array<i32>} : memref<2x640x64xf32, #tpu.memory_space<vmem>>, vector<1x1x16xf32>,
      %get3A_687 = vector.shape_cast %get3A_686 : vector<1x1x16xf32> to vector<16xf32>
      %add3A_688 = arith.addf %add3A_677, %get3A_687 : vector<16xf32>
      %mul3A_689 = arith.constant 20 : i32
      %mul3A_690 = arith.muli %scan3A_270, %mul3A_689 : i32
      %add3A_691 = arith.constant 18 : i32
      %add3A_692 = arith.addi %mul3A_690, %add3A_691 : i32
      %get3A_693 = arith.constant 0 : i32
      %get3A_694 = arith.index_cast %get3A_693 : i32 to index
      %get3A_695 = arith.index_cast %add3A_692 : i32 to index
      %get3A_696 = arith.constant 16 : index
      %get3A_697 = tpu.vector_load %arg6[%get3A_694, %get3A_695, %get3A_696] {strides = array<i32>} : memref<2x640x64xf32, #tpu.memory_space<vmem>>, vector<1x1x16xf32>,
      %get3A_698 = vector.shape_cast %get3A_697 : vector<1x1x16xf32> to vector<16xf32>
      %add3A_699 = arith.addf %add3A_688, %get3A_698 : vector<16xf32>
      %mul3A_700 = arith.constant 20 : i32
      %mul3A_701 = arith.muli %scan3A_270, %mul3A_700 : i32
      %add3A_702 = arith.constant 19 : i32
      %add3A_703 = arith.addi %mul3A_701, %add3A_702 : i32
      %get3A_704 = arith.constant 0 : i32
      %get3A_705 = arith.index_cast %get3A_704 : i32 to index
      %get3A_706 = arith.index_cast %add3A_703 : i32 to index
      %get3A_707 = arith.constant 16 : index
      %get3A_708 = tpu.vector_load %arg6[%get3A_705, %get3A_706, %get3A_707] {strides = array<i32>} : memref<2x640x64xf32, #tpu.memory_space<vmem>>, vector<1x1x16xf32>,
      %get3A_709 = vector.shape_cast %get3A_708 : vector<1x1x16xf32> to vector<16xf32>
      %add3A_710 = arith.addf %add3A_699, %get3A_709 : vector<16xf32>
      %swap3A_711 = arith.constant 0 : i32
      %swap3A_712 = arith.index_cast %swap3A_711 : i32 to index
      %swap3A_713 = arith.index_cast %scan3A_270 : i32 to index
      %swap3A_714 = arith.constant 16 : index
      %swap3A_715 = tpu.vector_load %arg7[%swap3A_712, %swap3A_713, %swap3A_714] {strides = array<i32>} : memref<2x32x64xf32, #tpu.memory_space<vmem>>, vector<1x1x16xf32>,
      %swap3A_716 = vector.shape_cast %swap3A_715 : vector<1x1x16xf32> to vector<16xf32>
      %swap3A_717 = vector.shape_cast %add3A_710 : vector<16xf32> to vector<1x1x16xf32>
      tpu.vector_store %arg7[%swap3A_712, %swap3A_713, %swap3A_714], %swap3A_717 {strides = array<i32>} : memref<2x32x64xf32, #tpu.memory_space<vmem>>, vector<1x1x16xf32>,
      %mul3A_718 = arith.constant 20 : i32
      %mul3A_719 = arith.muli %scan3A_270, %mul3A_718 : i32
      %get3A_720 = arith.constant 0 : i32
      %get3A_721 = arith.index_cast %get3A_720 : i32 to index
      %get3A_722 = arith.index_cast %mul3A_719 : i32 to index
      %get3A_723 = arith.constant 32 : index
      %get3A_724 = tpu.vector_load %arg6[%get3A_721, %get3A_722, %get3A_723] {strides = array<i32>} : memref<2x640x64xf32, #tpu.memory_space<vmem>>, vector<1x1x16xf32>,
      %get3A_725 = vector.shape_cast %get3A_724 : vector<1x1x16xf32> to vector<16xf32>
      %mul3A_726 = arith.constant 20 : i32
      %mul3A_727 = arith.muli %scan3A_270, %mul3A_726 : i32
      %add3A_728 = arith.constant 1 : i32
      %add3A_729 = arith.addi %mul3A_727, %add3A_728 : i32
      %get3A_730 = arith.constant 0 : i32
      %get3A_731 = arith.index_cast %get3A_730 : i32 to index
      %get3A_732 = arith.index_cast %add3A_729 : i32 to index
      %get3A_733 = arith.constant 32 : index
      %get3A_734 = tpu.vector_load %arg6[%get3A_731, %get3A_732, %get3A_733] {strides = array<i32>} : memref<2x640x64xf32, #tpu.memory_space<vmem>>, vector<1x1x16xf32>,
      %get3A_735 = vector.shape_cast %get3A_734 : vector<1x1x16xf32> to vector<16xf32>
      %add3A_736 = arith.addf %get3A_725, %get3A_735 : vector<16xf32>
      %mul3A_737 = arith.constant 20 : i32
      %mul3A_738 = arith.muli %scan3A_270, %mul3A_737 : i32
      %add3A_739 = arith.constant 2 : i32
      %add3A_740 = arith.addi %mul3A_738, %add3A_739 : i32
      %get3A_741 = arith.constant 0 : i32
      %get3A_742 = arith.index_cast %get3A_741 : i32 to index
      %get3A_743 = arith.index_cast %add3A_740 : i32 to index
      %get3A_744 = arith.constant 32 : index
      %get3A_745 = tpu.vector_load %arg6[%get3A_742, %get3A_743, %get3A_744] {strides = array<i32>} : memref<2x640x64xf32, #tpu.memory_space<vmem>>, vector<1x1x16xf32>,
      %get3A_746 = vector.shape_cast %get3A_745 : vector<1x1x16xf32> to vector<16xf32>
      %add3A_747 = arith.addf %add3A_736, %get3A_746 : vector<16xf32>
      %mul3A_748 = arith.constant 20 : i32
      %mul3A_749 = arith.muli %scan3A_270, %mul3A_748 : i32
      %add3A_750 = arith.constant 3 : i32
      %add3A_751 = arith.addi %mul3A_749, %add3A_750 : i32
      %get3A_752 = arith.constant 0 : i32
      %get3A_753 = arith.index_cast %get3A_752 : i32 to index
      %get3A_754 = arith.index_cast %add3A_751 : i32 to index
      %get3A_755 = arith.constant 32 : index
      %get3A_756 = tpu.vector_load %arg6[%get3A_753, %get3A_754, %get3A_755] {strides = array<i32>} : memref<2x640x64xf32, #tpu.memory_space<vmem>>, vector<1x1x16xf32>,
      %get3A_757 = vector.shape_cast %get3A_756 : vector<1x1x16xf32> to vector<16xf32>
      %add3A_758 = arith.addf %add3A_747, %get3A_757 : vector<16xf32>
      %mul3A_759 = arith.constant 20 : i32
      %mul3A_760 = arith.muli %scan3A_270, %mul3A_759 : i32
      %add3A_761 = arith.constant 4 : i32
      %add3A_762 = arith.addi %mul3A_760, %add3A_761 : i32
      %get3A_763 = arith.constant 0 : i32
      %get3A_764 = arith.index_cast %get3A_763 : i32 to index
      %get3A_765 = arith.index_cast %add3A_762 : i32 to index
      %get3A_766 = arith.constant 32 : index
      %get3A_767 = tpu.vector_load %arg6[%get3A_764, %get3A_765, %get3A_766] {strides = array<i32>} : memref<2x640x64xf32, #tpu.memory_space<vmem>>, vector<1x1x16xf32>,
      %get3A_768 = vector.shape_cast %get3A_767 : vector<1x1x16xf32> to vector<16xf32>
      %add3A_769 = arith.addf %add3A_758, %get3A_768 : vector<16xf32>
      %mul3A_770 = arith.constant 20 : i32
      %mul3A_771 = arith.muli %scan3A_270, %mul3A_770 : i32
      %add3A_772 = arith.constant 5 : i32
      %add3A_773 = arith.addi %mul3A_771, %add3A_772 : i32
      %get3A_774 = arith.constant 0 : i32
      %get3A_775 = arith.index_cast %get3A_774 : i32 to index
      %get3A_776 = arith.index_cast %add3A_773 : i32 to index
      %get3A_777 = arith.constant 32 : index
      %get3A_778 = tpu.vector_load %arg6[%get3A_775, %get3A_776, %get3A_777] {strides = array<i32>} : memref<2x640x64xf32, #tpu.memory_space<vmem>>, vector<1x1x16xf32>,
      %get3A_779 = vector.shape_cast %get3A_778 : vector<1x1x16xf32> to vector<16xf32>
      %add3A_780 = arith.addf %add3A_769, %get3A_779 : vector<16xf32>
      %mul3A_781 = arith.constant 20 : i32
      %mul3A_782 = arith.muli %scan3A_270, %mul3A_781 : i32
      %add3A_783 = arith.constant 6 : i32
      %add3A_784 = arith.addi %mul3A_782, %add3A_783 : i32
      %get3A_785 = arith.constant 0 : i32
      %get3A_786 = arith.index_cast %get3A_785 : i32 to index
      %get3A_787 = arith.index_cast %add3A_784 : i32 to index
      %get3A_788 = arith.constant 32 : index
      %get3A_789 = tpu.vector_load %arg6[%get3A_786, %get3A_787, %get3A_788] {strides = array<i32>} : memref<2x640x64xf32, #tpu.memory_space<vmem>>, vector<1x1x16xf32>,
      %get3A_790 = vector.shape_cast %get3A_789 : vector<1x1x16xf32> to vector<16xf32>
      %add3A_791 = arith.addf %add3A_780, %get3A_790 : vector<16xf32>
      %mul3A_792 = arith.constant 20 : i32
      %mul3A_793 = arith.muli %scan3A_270, %mul3A_792 : i32
      %add3A_794 = arith.constant 7 : i32
      %add3A_795 = arith.addi %mul3A_793, %add3A_794 : i32
      %get3A_796 = arith.constant 0 : i32
      %get3A_797 = arith.index_cast %get3A_796 : i32 to index
      %get3A_798 = arith.index_cast %add3A_795 : i32 to index
      %get3A_799 = arith.constant 32 : index
      %get3A_800 = tpu.vector_load %arg6[%get3A_797, %get3A_798, %get3A_799] {strides = array<i32>} : memref<2x640x64xf32, #tpu.memory_space<vmem>>, vector<1x1x16xf32>,
      %get3A_801 = vector.shape_cast %get3A_800 : vector<1x1x16xf32> to vector<16xf32>
      %add3A_802 = arith.addf %add3A_791, %get3A_801 : vector<16xf32>
      %mul3A_803 = arith.constant 20 : i32
      %mul3A_804 = arith.muli %scan3A_270, %mul3A_803 : i32
      %add3A_805 = arith.constant 8 : i32
      %add3A_806 = arith.addi %mul3A_804, %add3A_805 : i32
      %get3A_807 = arith.constant 0 : i32
      %get3A_808 = arith.index_cast %get3A_807 : i32 to index
      %get3A_809 = arith.index_cast %add3A_806 : i32 to index
      %get3A_810 = arith.constant 32 : index
      %get3A_811 = tpu.vector_load %arg6[%get3A_808, %get3A_809, %get3A_810] {strides = array<i32>} : memref<2x640x64xf32, #tpu.memory_space<vmem>>, vector<1x1x16xf32>,
      %get3A_812 = vector.shape_cast %get3A_811 : vector<1x1x16xf32> to vector<16xf32>
      %add3A_813 = arith.addf %add3A_802, %get3A_812 : vector<16xf32>
      %mul3A_814 = arith.constant 20 : i32
      %mul3A_815 = arith.muli %scan3A_270, %mul3A_814 : i32
      %add3A_816 = arith.constant 9 : i32
      %add3A_817 = arith.addi %mul3A_815, %add3A_816 : i32
      %get3A_818 = arith.constant 0 : i32
      %get3A_819 = arith.index_cast %get3A_818 : i32 to index
      %get3A_820 = arith.index_cast %add3A_817 : i32 to index
      %get3A_821 = arith.constant 32 : index
      %get3A_822 = tpu.vector_load %arg6[%get3A_819, %get3A_820, %get3A_821] {strides = array<i32>} : memref<2x640x64xf32, #tpu.memory_space<vmem>>, vector<1x1x16xf32>,
      %get3A_823 = vector.shape_cast %get3A_822 : vector<1x1x16xf32> to vector<16xf32>
      %add3A_824 = arith.addf %add3A_813, %get3A_823 : vector<16xf32>
      %mul3A_825 = arith.constant 20 : i32
      %mul3A_826 = arith.muli %scan3A_270, %mul3A_825 : i32
      %add3A_827 = arith.constant 10 : i32
      %add3A_828 = arith.addi %mul3A_826, %add3A_827 : i32
      %get3A_829 = arith.constant 0 : i32
      %get3A_830 = arith.index_cast %get3A_829 : i32 to index
      %get3A_831 = arith.index_cast %add3A_828 : i32 to index
      %get3A_832 = arith.constant 32 : index
      %get3A_833 = tpu.vector_load %arg6[%get3A_830, %get3A_831, %get3A_832] {strides = array<i32>} : memref<2x640x64xf32, #tpu.memory_space<vmem>>, vector<1x1x16xf32>,
      %get3A_834 = vector.shape_cast %get3A_833 : vector<1x1x16xf32> to vector<16xf32>
      %add3A_835 = arith.addf %add3A_824, %get3A_834 : vector<16xf32>
      %mul3A_836 = arith.constant 20 : i32
      %mul3A_837 = arith.muli %scan3A_270, %mul3A_836 : i32
      %add3A_838 = arith.constant 11 : i32
      %add3A_839 = arith.addi %mul3A_837, %add3A_838 : i32
      %get3A_840 = arith.constant 0 : i32
      %get3A_841 = arith.index_cast %get3A_840 : i32 to index
      %get3A_842 = arith.index_cast %add3A_839 : i32 to index
      %get3A_843 = arith.constant 32 : index
      %get3A_844 = tpu.vector_load %arg6[%get3A_841, %get3A_842, %get3A_843] {strides = array<i32>} : memref<2x640x64xf32, #tpu.memory_space<vmem>>, vector<1x1x16xf32>,
      %get3A_845 = vector.shape_cast %get3A_844 : vector<1x1x16xf32> to vector<16xf32>
      %add3A_846 = arith.addf %add3A_835, %get3A_845 : vector<16xf32>
      %mul3A_847 = arith.constant 20 : i32
      %mul3A_848 = arith.muli %scan3A_270, %mul3A_847 : i32
      %add3A_849 = arith.constant 12 : i32
      %add3A_850 = arith.addi %mul3A_848, %add3A_849 : i32
      %get3A_851 = arith.constant 0 : i32
      %get3A_852 = arith.index_cast %get3A_851 : i32 to index
      %get3A_853 = arith.index_cast %add3A_850 : i32 to index
      %get3A_854 = arith.constant 32 : index
      %get3A_855 = tpu.vector_load %arg6[%get3A_852, %get3A_853, %get3A_854] {strides = array<i32>} : memref<2x640x64xf32, #tpu.memory_space<vmem>>, vector<1x1x16xf32>,
      %get3A_856 = vector.shape_cast %get3A_855 : vector<1x1x16xf32> to vector<16xf32>
      %add3A_857 = arith.addf %add3A_846, %get3A_856 : vector<16xf32>
      %mul3A_858 = arith.constant 20 : i32
      %mul3A_859 = arith.muli %scan3A_270, %mul3A_858 : i32
      %add3A_860 = arith.constant 13 : i32
      %add3A_861 = arith.addi %mul3A_859, %add3A_860 : i32
      %get3A_862 = arith.constant 0 : i32
      %get3A_863 = arith.index_cast %get3A_862 : i32 to index
      %get3A_864 = arith.index_cast %add3A_861 : i32 to index
      %get3A_865 = arith.constant 32 : index
      %get3A_866 = tpu.vector_load %arg6[%get3A_863, %get3A_864, %get3A_865] {strides = array<i32>} : memref<2x640x64xf32, #tpu.memory_space<vmem>>, vector<1x1x16xf32>,
      %get3A_867 = vector.shape_cast %get3A_866 : vector<1x1x16xf32> to vector<16xf32>
      %add3A_868 = arith.addf %add3A_857, %get3A_867 : vector<16xf32>
      %mul3A_869 = arith.constant 20 : i32
      %mul3A_870 = arith.muli %scan3A_270, %mul3A_869 : i32
      %add3A_871 = arith.constant 14 : i32
      %add3A_872 = arith.addi %mul3A_870, %add3A_871 : i32
      %get3A_873 = arith.constant 0 : i32
      %get3A_874 = arith.index_cast %get3A_873 : i32 to index
      %get3A_875 = arith.index_cast %add3A_872 : i32 to index
      %get3A_876 = arith.constant 32 : index
      %get3A_877 = tpu.vector_load %arg6[%get3A_874, %get3A_875, %get3A_876] {strides = array<i32>} : memref<2x640x64xf32, #tpu.memory_space<vmem>>, vector<1x1x16xf32>,
      %get3A_878 = vector.shape_cast %get3A_877 : vector<1x1x16xf32> to vector<16xf32>
      %add3A_879 = arith.addf %add3A_868, %get3A_878 : vector<16xf32>
      %mul3A_880 = arith.constant 20 : i32
      %mul3A_881 = arith.muli %scan3A_270, %mul3A_880 : i32
      %add3A_882 = arith.constant 15 : i32
      %add3A_883 = arith.addi %mul3A_881, %add3A_882 : i32
      %get3A_884 = arith.constant 0 : i32
      %get3A_885 = arith.index_cast %get3A_884 : i32 to index
      %get3A_886 = arith.index_cast %add3A_883 : i32 to index
      %get3A_887 = arith.constant 32 : index
      %get3A_888 = tpu.vector_load %arg6[%get3A_885, %get3A_886, %get3A_887] {strides = array<i32>} : memref<2x640x64xf32, #tpu.memory_space<vmem>>, vector<1x1x16xf32>,
      %get3A_889 = vector.shape_cast %get3A_888 : vector<1x1x16xf32> to vector<16xf32>
      %add3A_890 = arith.addf %add3A_879, %get3A_889 : vector<16xf32>
      %mul3A_891 = arith.constant 20 : i32
      %mul3A_892 = arith.muli %scan3A_270, %mul3A_891 : i32
      %add3A_893 = arith.constant 16 : i32
      %add3A_894 = arith.addi %mul3A_892, %add3A_893 : i32
      %get3A_895 = arith.constant 0 : i32
      %get3A_896 = arith.index_cast %get3A_895 : i32 to index
      %get3A_897 = arith.index_cast %add3A_894 : i32 to index
      %get3A_898 = arith.constant 32 : index
      %get3A_899 = tpu.vector_load %arg6[%get3A_896, %get3A_897, %get3A_898] {strides = array<i32>} : memref<2x640x64xf32, #tpu.memory_space<vmem>>, vector<1x1x16xf32>,
      %get3A_900 = vector.shape_cast %get3A_899 : vector<1x1x16xf32> to vector<16xf32>
      %add3A_901 = arith.addf %add3A_890, %get3A_900 : vector<16xf32>
      %mul3A_902 = arith.constant 20 : i32
      %mul3A_903 = arith.muli %scan3A_270, %mul3A_902 : i32
      %add3A_904 = arith.constant 17 : i32
      %add3A_905 = arith.addi %mul3A_903, %add3A_904 : i32
      %get3A_906 = arith.constant 0 : i32
      %get3A_907 = arith.index_cast %get3A_906 : i32 to index
      %get3A_908 = arith.index_cast %add3A_905 : i32 to index
      %get3A_909 = arith.constant 32 : index
      %get3A_910 = tpu.vector_load %arg6[%get3A_907, %get3A_908, %get3A_909] {strides = array<i32>} : memref<2x640x64xf32, #tpu.memory_space<vmem>>, vector<1x1x16xf32>,
      %get3A_911 = vector.shape_cast %get3A_910 : vector<1x1x16xf32> to vector<16xf32>
      %add3A_912 = arith.addf %add3A_901, %get3A_911 : vector<16xf32>
      %mul3A_913 = arith.constant 20 : i32
      %mul3A_914 = arith.muli %scan3A_270, %mul3A_913 : i32
      %add3A_915 = arith.constant 18 : i32
      %add3A_916 = arith.addi %mul3A_914, %add3A_915 : i32
      %get3A_917 = arith.constant 0 : i32
      %get3A_918 = arith.index_cast %get3A_917 : i32 to index
      %get3A_919 = arith.index_cast %add3A_916 : i32 to index
      %get3A_920 = arith.constant 32 : index
      %get3A_921 = tpu.vector_load %arg6[%get3A_918, %get3A_919, %get3A_920] {strides = array<i32>} : memref<2x640x64xf32, #tpu.memory_space<vmem>>, vector<1x1x16xf32>,
      %get3A_922 = vector.shape_cast %get3A_921 : vector<1x1x16xf32> to vector<16xf32>
      %add3A_923 = arith.addf %add3A_912, %get3A_922 : vector<16xf32>
      %mul3A_924 = arith.constant 20 : i32
      %mul3A_925 = arith.muli %scan3A_270, %mul3A_924 : i32
      %add3A_926 = arith.constant 19 : i32
      %add3A_927 = arith.addi %mul3A_925, %add3A_926 : i32
      %get3A_928 = arith.constant 0 : i32
      %get3A_929 = arith.index_cast %get3A_928 : i32 to index
      %get3A_930 = arith.index_cast %add3A_927 : i32 to index
      %get3A_931 = arith.constant 32 : index
      %get3A_932 = tpu.vector_load %arg6[%get3A_929, %get3A_930, %get3A_931] {strides = array<i32>} : memref<2x640x64xf32, #tpu.memory_space<vmem>>, vector<1x1x16xf32>,
      %get3A_933 = vector.shape_cast %get3A_932 : vector<1x1x16xf32> to vector<16xf32>
      %add3A_934 = arith.addf %add3A_923, %get3A_933 : vector<16xf32>
      %swap3A_935 = arith.constant 0 : i32
      %swap3A_936 = arith.index_cast %swap3A_935 : i32 to index
      %swap3A_937 = arith.index_cast %scan3A_270 : i32 to index
      %swap3A_938 = arith.constant 32 : index
      %swap3A_939 = tpu.vector_load %arg7[%swap3A_936, %swap3A_937, %swap3A_938] {strides = array<i32>} : memref<2x32x64xf32, #tpu.memory_space<vmem>>, vector<1x1x16xf32>,
      %swap3A_940 = vector.shape_cast %swap3A_939 : vector<1x1x16xf32> to vector<16xf32>
      %swap3A_941 = vector.shape_cast %add3A_934 : vector<16xf32> to vector<1x1x16xf32>
      tpu.vector_store %arg7[%swap3A_936, %swap3A_937, %swap3A_938], %swap3A_941 {strides = array<i32>} : memref<2x32x64xf32, #tpu.memory_space<vmem>>, vector<1x1x16xf32>,
      %mul3A_942 = arith.constant 20 : i32
      %mul3A_943 = arith.muli %scan3A_270, %mul3A_942 : i32
      %get3A_944 = arith.constant 0 : i32
      %get3A_945 = arith.index_cast %get3A_944 : i32 to index
      %get3A_946 = arith.index_cast %mul3A_943 : i32 to index
      %get3A_947 = arith.constant 48 : index
      %get3A_948 = tpu.vector_load %arg6[%get3A_945, %get3A_946, %get3A_947] {strides = array<i32>} : memref<2x640x64xf32, #tpu.memory_space<vmem>>, vector<1x1x16xf32>,
      %get3A_949 = vector.shape_cast %get3A_948 : vector<1x1x16xf32> to vector<16xf32>
      %mul3A_950 = arith.constant 20 : i32
      %mul3A_951 = arith.muli %scan3A_270, %mul3A_950 : i32
      %add3A_952 = arith.constant 1 : i32
      %add3A_953 = arith.addi %mul3A_951, %add3A_952 : i32
      %get3A_954 = arith.constant 0 : i32
      %get3A_955 = arith.index_cast %get3A_954 : i32 to index
      %get3A_956 = arith.index_cast %add3A_953 : i32 to index
      %get3A_957 = arith.constant 48 : index
      %get3A_958 = tpu.vector_load %arg6[%get3A_955, %get3A_956, %get3A_957] {strides = array<i32>} : memref<2x640x64xf32, #tpu.memory_space<vmem>>, vector<1x1x16xf32>,
      %get3A_959 = vector.shape_cast %get3A_958 : vector<1x1x16xf32> to vector<16xf32>
      %add3A_960 = arith.addf %get3A_949, %get3A_959 : vector<16xf32>
      %mul3A_961 = arith.constant 20 : i32
      %mul3A_962 = arith.muli %scan3A_270, %mul3A_961 : i32
      %add3A_963 = arith.constant 2 : i32
      %add3A_964 = arith.addi %mul3A_962, %add3A_963 : i32
      %get3A_965 = arith.constant 0 : i32
      %get3A_966 = arith.index_cast %get3A_965 : i32 to index
      %get3A_967 = arith.index_cast %add3A_964 : i32 to index
      %get3A_968 = arith.constant 48 : index
      %get3A_969 = tpu.vector_load %arg6[%get3A_966, %get3A_967, %get3A_968] {strides = array<i32>} : memref<2x640x64xf32, #tpu.memory_space<vmem>>, vector<1x1x16xf32>,
      %get3A_970 = vector.shape_cast %get3A_969 : vector<1x1x16xf32> to vector<16xf32>
      %add3A_971 = arith.addf %add3A_960, %get3A_970 : vector<16xf32>
      %mul3A_972 = arith.constant 20 : i32
      %mul3A_973 = arith.muli %scan3A_270, %mul3A_972 : i32
      %add3A_974 = arith.constant 3 : i32
      %add3A_975 = arith.addi %mul3A_973, %add3A_974 : i32
      %get3A_976 = arith.constant 0 : i32
      %get3A_977 = arith.index_cast %get3A_976 : i32 to index
      %get3A_978 = arith.index_cast %add3A_975 : i32 to index
      %get3A_979 = arith.constant 48 : index
      %get3A_980 = tpu.vector_load %arg6[%get3A_977, %get3A_978, %get3A_979] {strides = array<i32>} : memref<2x640x64xf32, #tpu.memory_space<vmem>>, vector<1x1x16xf32>,
      %get3A_981 = vector.shape_cast %get3A_980 : vector<1x1x16xf32> to vector<16xf32>
      %add3A_982 = arith.addf %add3A_971, %get3A_981 : vector<16xf32>
      %mul3A_983 = arith.constant 20 : i32
      %mul3A_984 = arith.muli %scan3A_270, %mul3A_983 : i32
      %add3A_985 = arith.constant 4 : i32
      %add3A_986 = arith.addi %mul3A_984, %add3A_985 : i32
      %get3A_987 = arith.constant 0 : i32
      %get3A_988 = arith.index_cast %get3A_987 : i32 to index
      %get3A_989 = arith.index_cast %add3A_986 : i32 to index
      %get3A_990 = arith.constant 48 : index
      %get3A_991 = tpu.vector_load %arg6[%get3A_988, %get3A_989, %get3A_990] {strides = array<i32>} : memref<2x640x64xf32, #tpu.memory_space<vmem>>, vector<1x1x16xf32>,
      %get3A_992 = vector.shape_cast %get3A_991 : vector<1x1x16xf32> to vector<16xf32>
      %add3A_993 = arith.addf %add3A_982, %get3A_992 : vector<16xf32>
      %mul3A_994 = arith.constant 20 : i32
      %mul3A_995 = arith.muli %scan3A_270, %mul3A_994 : i32
      %add3A_996 = arith.constant 5 : i32
      %add3A_997 = arith.addi %mul3A_995, %add3A_996 : i32
      %get3A_998 = arith.constant 0 : i32
      %get3A_999 = arith.index_cast %get3A_998 : i32 to index
      %get3A_1000 = arith.index_cast %add3A_997 : i32 to index
      %get3A_1001 = arith.constant 48 : index
      %get3A_1002 = tpu.vector_load %arg6[%get3A_999, %get3A_1000, %get3A_1001] {strides = array<i32>} : memref<2x640x64xf32, #tpu.memory_space<vmem>>, vector<1x1x16xf32>,
      %get3A_1003 = vector.shape_cast %get3A_1002 : vector<1x1x16xf32> to vector<16xf32>
      %add3A_1004 = arith.addf %add3A_993, %get3A_1003 : vector<16xf32>
      %mul3A_1005 = arith.constant 20 : i32
      %mul3A_1006 = arith.muli %scan3A_270, %mul3A_1005 : i32
      %add3A_1007 = arith.constant 6 : i32
      %add3A_1008 = arith.addi %mul3A_1006, %add3A_1007 : i32
      %get3A_1009 = arith.constant 0 : i32
      %get3A_1010 = arith.index_cast %get3A_1009 : i32 to index
      %get3A_1011 = arith.index_cast %add3A_1008 : i32 to index
      %get3A_1012 = arith.constant 48 : index
      %get3A_1013 = tpu.vector_load %arg6[%get3A_1010, %get3A_1011, %get3A_1012] {strides = array<i32>} : memref<2x640x64xf32, #tpu.memory_space<vmem>>, vector<1x1x16xf32>,
      %get3A_1014 = vector.shape_cast %get3A_1013 : vector<1x1x16xf32> to vector<16xf32>
      %add3A_1015 = arith.addf %add3A_1004, %get3A_1014 : vector<16xf32>
      %mul3A_1016 = arith.constant 20 : i32
      %mul3A_1017 = arith.muli %scan3A_270, %mul3A_1016 : i32
      %add3A_1018 = arith.constant 7 : i32
      %add3A_1019 = arith.addi %mul3A_1017, %add3A_1018 : i32
      %get3A_1020 = arith.constant 0 : i32
      %get3A_1021 = arith.index_cast %get3A_1020 : i32 to index
      %get3A_1022 = arith.index_cast %add3A_1019 : i32 to index
      %get3A_1023 = arith.constant 48 : index
      %get3A_1024 = tpu.vector_load %arg6[%get3A_1021, %get3A_1022, %get3A_1023] {strides = array<i32>} : memref<2x640x64xf32, #tpu.memory_space<vmem>>, vector<1x1x16xf32>,
      %get3A_1025 = vector.shape_cast %get3A_1024 : vector<1x1x16xf32> to vector<16xf32>
      %add3A_1026 = arith.addf %add3A_1015, %get3A_1025 : vector<16xf32>
      %mul3A_1027 = arith.constant 20 : i32
      %mul3A_1028 = arith.muli %scan3A_270, %mul3A_1027 : i32
      %add3A_1029 = arith.constant 8 : i32
      %add3A_1030 = arith.addi %mul3A_1028, %add3A_1029 : i32
      %get3A_1031 = arith.constant 0 : i32
      %get3A_1032 = arith.index_cast %get3A_1031 : i32 to index
      %get3A_1033 = arith.index_cast %add3A_1030 : i32 to index
      %get3A_1034 = arith.constant 48 : index
      %get3A_1035 = tpu.vector_load %arg6[%get3A_1032, %get3A_1033, %get3A_1034] {strides = array<i32>} : memref<2x640x64xf32, #tpu.memory_space<vmem>>, vector<1x1x16xf32>,
      %get3A_1036 = vector.shape_cast %get3A_1035 : vector<1x1x16xf32> to vector<16xf32>
      %add3A_1037 = arith.addf %add3A_1026, %get3A_1036 : vector<16xf32>
      %mul3A_1038 = arith.constant 20 : i32
      %mul3A_1039 = arith.muli %scan3A_270, %mul3A_1038 : i32
      %add3A_1040 = arith.constant 9 : i32
      %add3A_1041 = arith.addi %mul3A_1039, %add3A_1040 : i32
      %get3A_1042 = arith.constant 0 : i32
      %get3A_1043 = arith.index_cast %get3A_1042 : i32 to index
      %get3A_1044 = arith.index_cast %add3A_1041 : i32 to index
      %get3A_1045 = arith.constant 48 : index
      %get3A_1046 = tpu.vector_load %arg6[%get3A_1043, %get3A_1044, %get3A_1045] {strides = array<i32>} : memref<2x640x64xf32, #tpu.memory_space<vmem>>, vector<1x1x16xf32>,
      %get3A_1047 = vector.shape_cast %get3A_1046 : vector<1x1x16xf32> to vector<16xf32>
      %add3A_1048 = arith.addf %add3A_1037, %get3A_1047 : vector<16xf32>
      %mul3A_1049 = arith.constant 20 : i32
      %mul3A_1050 = arith.muli %scan3A_270, %mul3A_1049 : i32
      %add3A_1051 = arith.constant 10 : i32
      %add3A_1052 = arith.addi %mul3A_1050, %add3A_1051 : i32
      %get3A_1053 = arith.constant 0 : i32
      %get3A_1054 = arith.index_cast %get3A_1053 : i32 to index
      %get3A_1055 = arith.index_cast %add3A_1052 : i32 to index
      %get3A_1056 = arith.constant 48 : index
      %get3A_1057 = tpu.vector_load %arg6[%get3A_1054, %get3A_1055, %get3A_1056] {strides = array<i32>} : memref<2x640x64xf32, #tpu.memory_space<vmem>>, vector<1x1x16xf32>,
      %get3A_1058 = vector.shape_cast %get3A_1057 : vector<1x1x16xf32> to vector<16xf32>
      %add3A_1059 = arith.addf %add3A_1048, %get3A_1058 : vector<16xf32>
      %mul3A_1060 = arith.constant 20 : i32
      %mul3A_1061 = arith.muli %scan3A_270, %mul3A_1060 : i32
      %add3A_1062 = arith.constant 11 : i32
      %add3A_1063 = arith.addi %mul3A_1061, %add3A_1062 : i32
      %get3A_1064 = arith.constant 0 : i32
      %get3A_1065 = arith.index_cast %get3A_1064 : i32 to index
      %get3A_1066 = arith.index_cast %add3A_1063 : i32 to index
      %get3A_1067 = arith.constant 48 : index
      %get3A_1068 = tpu.vector_load %arg6[%get3A_1065, %get3A_1066, %get3A_1067] {strides = array<i32>} : memref<2x640x64xf32, #tpu.memory_space<vmem>>, vector<1x1x16xf32>,
      %get3A_1069 = vector.shape_cast %get3A_1068 : vector<1x1x16xf32> to vector<16xf32>
      %add3A_1070 = arith.addf %add3A_1059, %get3A_1069 : vector<16xf32>
      %mul3A_1071 = arith.constant 20 : i32
      %mul3A_1072 = arith.muli %scan3A_270, %mul3A_1071 : i32
      %add3A_1073 = arith.constant 12 : i32
      %add3A_1074 = arith.addi %mul3A_1072, %add3A_1073 : i32
      %get3A_1075 = arith.constant 0 : i32
      %get3A_1076 = arith.index_cast %get3A_1075 : i32 to index
      %get3A_1077 = arith.index_cast %add3A_1074 : i32 to index
      %get3A_1078 = arith.constant 48 : index
      %get3A_1079 = tpu.vector_load %arg6[%get3A_1076, %get3A_1077, %get3A_1078] {strides = array<i32>} : memref<2x640x64xf32, #tpu.memory_space<vmem>>, vector<1x1x16xf32>,
      %get3A_1080 = vector.shape_cast %get3A_1079 : vector<1x1x16xf32> to vector<16xf32>
      %add3A_1081 = arith.addf %add3A_1070, %get3A_1080 : vector<16xf32>
      %mul3A_1082 = arith.constant 20 : i32
      %mul3A_1083 = arith.muli %scan3A_270, %mul3A_1082 : i32
      %add3A_1084 = arith.constant 13 : i32
      %add3A_1085 = arith.addi %mul3A_1083, %add3A_1084 : i32
      %get3A_1086 = arith.constant 0 : i32
      %get3A_1087 = arith.index_cast %get3A_1086 : i32 to index
      %get3A_1088 = arith.index_cast %add3A_1085 : i32 to index
      %get3A_1089 = arith.constant 48 : index
      %get3A_1090 = tpu.vector_load %arg6[%get3A_1087, %get3A_1088, %get3A_1089] {strides = array<i32>} : memref<2x640x64xf32, #tpu.memory_space<vmem>>, vector<1x1x16xf32>,
      %get3A_1091 = vector.shape_cast %get3A_1090 : vector<1x1x16xf32> to vector<16xf32>
      %add3A_1092 = arith.addf %add3A_1081, %get3A_1091 : vector<16xf32>
      %mul3A_1093 = arith.constant 20 : i32
      %mul3A_1094 = arith.muli %scan3A_270, %mul3A_1093 : i32
      %add3A_1095 = arith.constant 14 : i32
      %add3A_1096 = arith.addi %mul3A_1094, %add3A_1095 : i32
      %get3A_1097 = arith.constant 0 : i32
      %get3A_1098 = arith.index_cast %get3A_1097 : i32 to index
      %get3A_1099 = arith.index_cast %add3A_1096 : i32 to index
      %get3A_1100 = arith.constant 48 : index
      %get3A_1101 = tpu.vector_load %arg6[%get3A_1098, %get3A_1099, %get3A_1100] {strides = array<i32>} : memref<2x640x64xf32, #tpu.memory_space<vmem>>, vector<1x1x16xf32>,
      %get3A_1102 = vector.shape_cast %get3A_1101 : vector<1x1x16xf32> to vector<16xf32>
      %add3A_1103 = arith.addf %add3A_1092, %get3A_1102 : vector<16xf32>
      %mul3A_1104 = arith.constant 20 : i32
      %mul3A_1105 = arith.muli %scan3A_270, %mul3A_1104 : i32
      %add3A_1106 = arith.constant 15 : i32
      %add3A_1107 = arith.addi %mul3A_1105, %add3A_1106 : i32
      %get3A_1108 = arith.constant 0 : i32
      %get3A_1109 = arith.index_cast %get3A_1108 : i32 to index
      %get3A_1110 = arith.index_cast %add3A_1107 : i32 to index
      %get3A_1111 = arith.constant 48 : index
      %get3A_1112 = tpu.vector_load %arg6[%get3A_1109, %get3A_1110, %get3A_1111] {strides = array<i32>} : memref<2x640x64xf32, #tpu.memory_space<vmem>>, vector<1x1x16xf32>,
      %get3A_1113 = vector.shape_cast %get3A_1112 : vector<1x1x16xf32> to vector<16xf32>
      %add3A_1114 = arith.addf %add3A_1103, %get3A_1113 : vector<16xf32>
      %mul3A_1115 = arith.constant 20 : i32
      %mul3A_1116 = arith.muli %scan3A_270, %mul3A_1115 : i32
      %add3A_1117 = arith.constant 16 : i32
      %add3A_1118 = arith.addi %mul3A_1116, %add3A_1117 : i32
      %get3A_1119 = arith.constant 0 : i32
      %get3A_1120 = arith.index_cast %get3A_1119 : i32 to index
      %get3A_1121 = arith.index_cast %add3A_1118 : i32 to index
      %get3A_1122 = arith.constant 48 : index
      %get3A_1123 = tpu.vector_load %arg6[%get3A_1120, %get3A_1121, %get3A_1122] {strides = array<i32>} : memref<2x640x64xf32, #tpu.memory_space<vmem>>, vector<1x1x16xf32>,
      %get3A_1124 = vector.shape_cast %get3A_1123 : vector<1x1x16xf32> to vector<16xf32>
      %add3A_1125 = arith.addf %add3A_1114, %get3A_1124 : vector<16xf32>
      %mul3A_1126 = arith.constant 20 : i32
      %mul3A_1127 = arith.muli %scan3A_270, %mul3A_1126 : i32
      %add3A_1128 = arith.constant 17 : i32
      %add3A_1129 = arith.addi %mul3A_1127, %add3A_1128 : i32
      %get3A_1130 = arith.constant 0 : i32
      %get3A_1131 = arith.index_cast %get3A_1130 : i32 to index
      %get3A_1132 = arith.index_cast %add3A_1129 : i32 to index
      %get3A_1133 = arith.constant 48 : index
      %get3A_1134 = tpu.vector_load %arg6[%get3A_1131, %get3A_1132, %get3A_1133] {strides = array<i32>} : memref<2x640x64xf32, #tpu.memory_space<vmem>>, vector<1x1x16xf32>,
      %get3A_1135 = vector.shape_cast %get3A_1134 : vector<1x1x16xf32> to vector<16xf32>
      %add3A_1136 = arith.addf %add3A_1125, %get3A_1135 : vector<16xf32>
      %mul3A_1137 = arith.constant 20 : i32
      %mul3A_1138 = arith.muli %scan3A_270, %mul3A_1137 : i32
      %add3A_1139 = arith.constant 18 : i32
      %add3A_1140 = arith.addi %mul3A_1138, %add3A_1139 : i32
      %get3A_1141 = arith.constant 0 : i32
      %get3A_1142 = arith.index_cast %get3A_1141 : i32 to index
      %get3A_1143 = arith.index_cast %add3A_1140 : i32 to index
      %get3A_1144 = arith.constant 48 : index
      %get3A_1145 = tpu.vector_load %arg6[%get3A_1142, %get3A_1143, %get3A_1144] {strides = array<i32>} : memref<2x640x64xf32, #tpu.memory_space<vmem>>, vector<1x1x16xf32>,
      %get3A_1146 = vector.shape_cast %get3A_1145 : vector<1x1x16xf32> to vector<16xf32>
      %add3A_1147 = arith.addf %add3A_1136, %get3A_1146 : vector<16xf32>
      %mul3A_1148 = arith.constant 20 : i32
      %mul3A_1149 = arith.muli %scan3A_270, %mul3A_1148 : i32
      %add3A_1150 = arith.constant 19 : i32
      %add3A_1151 = arith.addi %mul3A_1149, %add3A_1150 : i32
      %get3A_1152 = arith.constant 0 : i32
      %get3A_1153 = arith.index_cast %get3A_1152 : i32 to index
      %get3A_1154 = arith.index_cast %add3A_1151 : i32 to index
      %get3A_1155 = arith.constant 48 : index
      %get3A_1156 = tpu.vector_load %arg6[%get3A_1153, %get3A_1154, %get3A_1155] {strides = array<i32>} : memref<2x640x64xf32, #tpu.memory_space<vmem>>, vector<1x1x16xf32>,
      %get3A_1157 = vector.shape_cast %get3A_1156 : vector<1x1x16xf32> to vector<16xf32>
      %add3A_1158 = arith.addf %add3A_1147, %get3A_1157 : vector<16xf32>
      %swap3A_1159 = arith.constant 0 : i32
      %swap3A_1160 = arith.index_cast %swap3A_1159 : i32 to index
      %swap3A_1161 = arith.index_cast %scan3A_270 : i32 to index
      %swap3A_1162 = arith.constant 48 : index
      %swap3A_1163 = tpu.vector_load %arg7[%swap3A_1160, %swap3A_1161, %swap3A_1162] {strides = array<i32>} : memref<2x32x64xf32, #tpu.memory_space<vmem>>, vector<1x1x16xf32>,
      %swap3A_1164 = vector.shape_cast %swap3A_1163 : vector<1x1x16xf32> to vector<16xf32>
      %swap3A_1165 = vector.shape_cast %add3A_1158 : vector<16xf32> to vector<1x1x16xf32>
      tpu.vector_store %arg7[%swap3A_1160, %swap3A_1161, %swap3A_1162], %swap3A_1165 {strides = array<i32>} : memref<2x32x64xf32, #tpu.memory_space<vmem>>, vector<1x1x16xf32>,
      %scan3A_1166 = arith.constant 0 : i32
      scf.yield %scan3A_1166 : i32
    }
    %scan3A_47 = arith.constant 32 : i32
    %add3A_48 = arith.constant 0 : i32
    %add3A_49 = arith.addi %mul3A_2, %add3A_48 : i32
    %dma_start3A_50 = arith.constant 0 : i32
    %dma_start3A_51 = arith.constant 0 : i32
    %dma_start3A_52 = arith.constant 0 : i32
    %dma_start3A_53 = arith.constant 0 : i32
    %dma_start3A_54 = tpu.memref_slice %arg7[%dma_start3A_50, %dma_start3A_52, %dma_start3A_53] : memref<2x32x64xf32, #tpu.memory_space<vmem>> -> memref<1x32x64xf32, #tpu.memory_space<vmem>>
    %dma_start3A_55 = tpu.memref_squeeze %dma_start3A_54 : memref<1x32x64xf32, #tpu.memory_space<vmem>> -> memref<32x64xf32, #tpu.memory_space<vmem>>
    %dma_start3A_56 = arith.constant 0 : i32
    %dma_start3A_57 = tpu.memref_slice %arg4[%add3A_49, %dma_start3A_56] : memref<4096x64xf32, #tpu.memory_space<hbm>> -> memref<32x64xf32, #tpu.memory_space<hbm>>
    %dma_start3A_58 = tpu.memref_slice %arg9[%dma_start3A_51] : memref<2x!tpu.dma_semaphore, #tpu.memory_space<semaphore_mem>> -> memref<1x!tpu.dma_semaphore, #tpu.memory_space<semaphore_mem>>
    %dma_start3A_59 = tpu.memref_squeeze %dma_start3A_58 : memref<1x!tpu.dma_semaphore, #tpu.memory_space<semaphore_mem>> -> memref<!tpu.dma_semaphore, #tpu.memory_space<semaphore_mem>>
    %dma_start3A_60 = arith.constant 0 : i32
    %dma_start3A_61 = tpu.memref_slice %arg4[%add3A_49, %dma_start3A_60] : memref<4096x64xf32, #tpu.memory_space<hbm>> -> memref<32x64xf32, #tpu.memory_space<hbm>>
    %dma_start3A_62 = arith.constant 0 : i32
    %dma_start3A_63 = arith.constant 0 : i32
    %dma_start3A_64 = tpu.memref_slice %arg7[%dma_start3A_50, %dma_start3A_62, %dma_start3A_63] : memref<2x32x64xf32, #tpu.memory_space<vmem>> -> memref<1x32x64xf32, #tpu.memory_space<vmem>>
    %dma_start3A_65 = tpu.memref_squeeze %dma_start3A_64 : memref<1x32x64xf32, #tpu.memory_space<vmem>> -> memref<32x64xf32, #tpu.memory_space<vmem>>
    tpu.enqueue_dma source(%dma_start3A_65 : memref<32x64xf32, #tpu.memory_space<vmem>>) target(%dma_start3A_61 : memref<32x64xf32, #tpu.memory_space<hbm>>) target_semaphore(%dma_start3A_59 : memref<!tpu.dma_semaphore, #tpu.memory_space<semaphore_mem>>)
    %dma_start3A_66 = arith.constant 0 : i32
    %dma_start3A_67 = arith.constant 0 : i32
    %dma_start3A_68 = arith.constant 0 : i32
    %dma_start3A_69 = arith.constant 0 : i32
    %dma_start3A_70 = tpu.memref_slice %arg6[%dma_start3A_66, %dma_start3A_68, %dma_start3A_69] : memref<2x640x64xf32, #tpu.memory_space<vmem>> -> memref<1x640x64xf32, #tpu.memory_space<vmem>>
    %dma_start3A_71 = tpu.memref_squeeze %dma_start3A_70 : memref<1x640x64xf32, #tpu.memory_space<vmem>> -> memref<640x64xf32, #tpu.memory_space<vmem>>
    %dma_start3A_72 = arith.constant 1280 : i32
    %dma_start3A_73 = tpu.memref_slice %arg5[%dma_start3A_72] : memref<2560xi32, #tpu.memory_space<vmem>> -> memref<640xi32, #tpu.memory_space<vmem>>
    %dma_start3A_74 = arith.constant 0 : i32
    %dma_start3A_75 = arith.constant 0 : i32
    %dma_start3A_76 = tpu.memref_slice %arg3[%dma_start3A_74, %dma_start3A_75] : memref<100000x64xf32, #tpu.memory_space<hbm>> -> memref<100000x64xf32, #tpu.memory_space<hbm>>
    %dma_start3A_77 = tpu.memref_slice %arg8[%dma_start3A_67] : memref<2x!tpu.dma_semaphore, #tpu.memory_space<semaphore_mem>> -> memref<1x!tpu.dma_semaphore, #tpu.memory_space<semaphore_mem>>
    %dma_start3A_78 = tpu.memref_squeeze %dma_start3A_77 : memref<1x!tpu.dma_semaphore, #tpu.memory_space<semaphore_mem>> -> memref<!tpu.dma_semaphore, #tpu.memory_space<semaphore_mem>>
    tpu.enqueue_indirect_dma source(%dma_start3A_76 : memref<100000x64xf32, #tpu.memory_space<hbm>>) target(%dma_start3A_71 : memref<640x64xf32, #tpu.memory_space<vmem>>) offsets(%dma_start3A_73 : memref<640xi32, #tpu.memory_space<vmem>>) semaphore(%dma_start3A_78 : memref<!tpu.dma_semaphore, #tpu.memory_space<semaphore_mem>>)
    %dma_wait3A_79 = arith.constant 1 : i32
    %dma_wait3A_80 = arith.constant 1 : i32
    %dma_wait3A_81 = arith.constant 0 : i32
    %dma_wait3A_82 = arith.constant 0 : i32
    %dma_wait3A_83 = tpu.memref_slice %arg6[%dma_wait3A_79, %dma_wait3A_81, %dma_wait3A_82] : memref<2x640x64xf32, #tpu.memory_space<vmem>> -> memref<1x640x64xf32, #tpu.memory_space<vmem>>
    %dma_wait3A_84 = tpu.memref_squeeze %dma_wait3A_83 : memref<1x640x64xf32, #tpu.memory_space<vmem>> -> memref<640x64xf32, #tpu.memory_space<vmem>>
    %dma_wait3A_85 = arith.constant 640 : i32
    %dma_wait3A_86 = tpu.memref_slice %arg5[%dma_wait3A_85] : memref<2560xi32, #tpu.memory_space<vmem>> -> memref<640xi32, #tpu.memory_space<vmem>>
    %dma_wait3A_87 = arith.constant 0 : i32
    %dma_wait3A_88 = arith.constant 0 : i32
    %dma_wait3A_89 = tpu.memref_slice %arg3[%dma_wait3A_87, %dma_wait3A_88] : memref<100000x64xf32, #tpu.memory_space<hbm>> -> memref<100000x64xf32, #tpu.memory_space<hbm>>
    %dma_wait3A_90 = tpu.memref_slice %arg8[%dma_wait3A_80] : memref<2x!tpu.dma_semaphore, #tpu.memory_space<semaphore_mem>> -> memref<1x!tpu.dma_semaphore, #tpu.memory_space<semaphore_mem>>
    %dma_wait3A_91 = tpu.memref_squeeze %dma_wait3A_90 : memref<1x!tpu.dma_semaphore, #tpu.memory_space<semaphore_mem>> -> memref<!tpu.dma_semaphore, #tpu.memory_space<semaphore_mem>>
    tpu.wait_indirect_dma semaphore(%dma_wait3A_91 : memref<!tpu.dma_semaphore, #tpu.memory_space<semaphore_mem>>) src(%dma_wait3A_89 : memref<100000x64xf32, #tpu.memory_space<hbm>>) dst(%dma_wait3A_84 : memref<640x64xf32, #tpu.memory_space<vmem>>)
    %scan3A_92 = arith.constant 0 : i32
    %scan3A_93 = arith.constant 0 : i32
    %scan3A_94 = arith.constant 32 : i32
    %scan3A_95 = arith.addi %scan3A_93, %scan3A_94 : i32
    %scan3A_96 = arith.constant 1 : i32
    %scan3A_97 = scf.for %scan3A_270 = %scan3A_93 to %scan3A_95 step %scan3A_96 iter_args(%scan3A_271 = %scan3A_92) -> (i32)  : i32 {
      %mul3A_272 = arith.constant 20 : i32
      %mul3A_273 = arith.muli %scan3A_270, %mul3A_272 : i32
      %get3A = arith.constant 1 : i32
      %get3A_274 = arith.index_cast %get3A : i32 to index
      %get3A_275 = arith.index_cast %mul3A_273 : i32 to index
      %get3A_276 = arith.constant 0 : index
      %get3A_277 = tpu.vector_load %arg6[%get3A_274, %get3A_275, %get3A_276] {strides = array<i32>} : memref<2x640x64xf32, #tpu.memory_space<vmem>>, vector<1x1x16xf32>,
      %get3A_278 = vector.shape_cast %get3A_277 : vector<1x1x16xf32> to vector<16xf32>
      %mul3A_279 = arith.constant 20 : i32
      %mul3A_280 = arith.muli %scan3A_270, %mul3A_279 : i32
      %add3A_281 = arith.constant 1 : i32
      %add3A_282 = arith.addi %mul3A_280, %add3A_281 : i32
      %get3A_283 = arith.constant 1 : i32
      %get3A_284 = arith.index_cast %get3A_283 : i32 to index
      %get3A_285 = arith.index_cast %add3A_282 : i32 to index
      %get3A_286 = arith.constant 0 : index
      %get3A_287 = tpu.vector_load %arg6[%get3A_284, %get3A_285, %get3A_286] {strides = array<i32>} : memref<2x640x64xf32, #tpu.memory_space<vmem>>, vector<1x1x16xf32>,
      %get3A_288 = vector.shape_cast %get3A_287 : vector<1x1x16xf32> to vector<16xf32>
      %add3A_289 = arith.addf %get3A_278, %get3A_288 : vector<16xf32>
      %mul3A_290 = arith.constant 20 : i32
      %mul3A_291 = arith.muli %scan3A_270, %mul3A_290 : i32
      %add3A_292 = arith.constant 2 : i32
      %add3A_293 = arith.addi %mul3A_291, %add3A_292 : i32
      %get3A_294 = arith.constant 1 : i32
      %get3A_295 = arith.index_cast %get3A_294 : i32 to index
      %get3A_296 = arith.index_cast %add3A_293 : i32 to index
      %get3A_297 = arith.constant 0 : index
      %get3A_298 = tpu.vector_load %arg6[%get3A_295, %get3A_296, %get3A_297] {strides = array<i32>} : memref<2x640x64xf32, #tpu.memory_space<vmem>>, vector<1x1x16xf32>,
      %get3A_299 = vector.shape_cast %get3A_298 : vector<1x1x16xf32> to vector<16xf32>
      %add3A_300 = arith.addf %add3A_289, %get3A_299 : vector<16xf32>
      %mul3A_301 = arith.constant 20 : i32
      %mul3A_302 = arith.muli %scan3A_270, %mul3A_301 : i32
      %add3A_303 = arith.constant 3 : i32
      %add3A_304 = arith.addi %mul3A_302, %add3A_303 : i32
      %get3A_305 = arith.constant 1 : i32
      %get3A_306 = arith.index_cast %get3A_305 : i32 to index
      %get3A_307 = arith.index_cast %add3A_304 : i32 to index
      %get3A_308 = arith.constant 0 : index
      %get3A_309 = tpu.vector_load %arg6[%get3A_306, %get3A_307, %get3A_308] {strides = array<i32>} : memref<2x640x64xf32, #tpu.memory_space<vmem>>, vector<1x1x16xf32>,
      %get3A_310 = vector.shape_cast %get3A_309 : vector<1x1x16xf32> to vector<16xf32>
      %add3A_311 = arith.addf %add3A_300, %get3A_310 : vector<16xf32>
      %mul3A_312 = arith.constant 20 : i32
      %mul3A_313 = arith.muli %scan3A_270, %mul3A_312 : i32
      %add3A_314 = arith.constant 4 : i32
      %add3A_315 = arith.addi %mul3A_313, %add3A_314 : i32
      %get3A_316 = arith.constant 1 : i32
      %get3A_317 = arith.index_cast %get3A_316 : i32 to index
      %get3A_318 = arith.index_cast %add3A_315 : i32 to index
      %get3A_319 = arith.constant 0 : index
      %get3A_320 = tpu.vector_load %arg6[%get3A_317, %get3A_318, %get3A_319] {strides = array<i32>} : memref<2x640x64xf32, #tpu.memory_space<vmem>>, vector<1x1x16xf32>,
      %get3A_321 = vector.shape_cast %get3A_320 : vector<1x1x16xf32> to vector<16xf32>
      %add3A_322 = arith.addf %add3A_311, %get3A_321 : vector<16xf32>
      %mul3A_323 = arith.constant 20 : i32
      %mul3A_324 = arith.muli %scan3A_270, %mul3A_323 : i32
      %add3A_325 = arith.constant 5 : i32
      %add3A_326 = arith.addi %mul3A_324, %add3A_325 : i32
      %get3A_327 = arith.constant 1 : i32
      %get3A_328 = arith.index_cast %get3A_327 : i32 to index
      %get3A_329 = arith.index_cast %add3A_326 : i32 to index
      %get3A_330 = arith.constant 0 : index
      %get3A_331 = tpu.vector_load %arg6[%get3A_328, %get3A_329, %get3A_330] {strides = array<i32>} : memref<2x640x64xf32, #tpu.memory_space<vmem>>, vector<1x1x16xf32>,
      %get3A_332 = vector.shape_cast %get3A_331 : vector<1x1x16xf32> to vector<16xf32>
      %add3A_333 = arith.addf %add3A_322, %get3A_332 : vector<16xf32>
      %mul3A_334 = arith.constant 20 : i32
      %mul3A_335 = arith.muli %scan3A_270, %mul3A_334 : i32
      %add3A_336 = arith.constant 6 : i32
      %add3A_337 = arith.addi %mul3A_335, %add3A_336 : i32
      %get3A_338 = arith.constant 1 : i32
      %get3A_339 = arith.index_cast %get3A_338 : i32 to index
      %get3A_340 = arith.index_cast %add3A_337 : i32 to index
      %get3A_341 = arith.constant 0 : index
      %get3A_342 = tpu.vector_load %arg6[%get3A_339, %get3A_340, %get3A_341] {strides = array<i32>} : memref<2x640x64xf32, #tpu.memory_space<vmem>>, vector<1x1x16xf32>,
      %get3A_343 = vector.shape_cast %get3A_342 : vector<1x1x16xf32> to vector<16xf32>
      %add3A_344 = arith.addf %add3A_333, %get3A_343 : vector<16xf32>
      %mul3A_345 = arith.constant 20 : i32
      %mul3A_346 = arith.muli %scan3A_270, %mul3A_345 : i32
      %add3A_347 = arith.constant 7 : i32
      %add3A_348 = arith.addi %mul3A_346, %add3A_347 : i32
      %get3A_349 = arith.constant 1 : i32
      %get3A_350 = arith.index_cast %get3A_349 : i32 to index
      %get3A_351 = arith.index_cast %add3A_348 : i32 to index
      %get3A_352 = arith.constant 0 : index
      %get3A_353 = tpu.vector_load %arg6[%get3A_350, %get3A_351, %get3A_352] {strides = array<i32>} : memref<2x640x64xf32, #tpu.memory_space<vmem>>, vector<1x1x16xf32>,
      %get3A_354 = vector.shape_cast %get3A_353 : vector<1x1x16xf32> to vector<16xf32>
      %add3A_355 = arith.addf %add3A_344, %get3A_354 : vector<16xf32>
      %mul3A_356 = arith.constant 20 : i32
      %mul3A_357 = arith.muli %scan3A_270, %mul3A_356 : i32
      %add3A_358 = arith.constant 8 : i32
      %add3A_359 = arith.addi %mul3A_357, %add3A_358 : i32
      %get3A_360 = arith.constant 1 : i32
      %get3A_361 = arith.index_cast %get3A_360 : i32 to index
      %get3A_362 = arith.index_cast %add3A_359 : i32 to index
      %get3A_363 = arith.constant 0 : index
      %get3A_364 = tpu.vector_load %arg6[%get3A_361, %get3A_362, %get3A_363] {strides = array<i32>} : memref<2x640x64xf32, #tpu.memory_space<vmem>>, vector<1x1x16xf32>,
      %get3A_365 = vector.shape_cast %get3A_364 : vector<1x1x16xf32> to vector<16xf32>
      %add3A_366 = arith.addf %add3A_355, %get3A_365 : vector<16xf32>
      %mul3A_367 = arith.constant 20 : i32
      %mul3A_368 = arith.muli %scan3A_270, %mul3A_367 : i32
      %add3A_369 = arith.constant 9 : i32
      %add3A_370 = arith.addi %mul3A_368, %add3A_369 : i32
      %get3A_371 = arith.constant 1 : i32
      %get3A_372 = arith.index_cast %get3A_371 : i32 to index
      %get3A_373 = arith.index_cast %add3A_370 : i32 to index
      %get3A_374 = arith.constant 0 : index
      %get3A_375 = tpu.vector_load %arg6[%get3A_372, %get3A_373, %get3A_374] {strides = array<i32>} : memref<2x640x64xf32, #tpu.memory_space<vmem>>, vector<1x1x16xf32>,
      %get3A_376 = vector.shape_cast %get3A_375 : vector<1x1x16xf32> to vector<16xf32>
      %add3A_377 = arith.addf %add3A_366, %get3A_376 : vector<16xf32>
      %mul3A_378 = arith.constant 20 : i32
      %mul3A_379 = arith.muli %scan3A_270, %mul3A_378 : i32
      %add3A_380 = arith.constant 10 : i32
      %add3A_381 = arith.addi %mul3A_379, %add3A_380 : i32
      %get3A_382 = arith.constant 1 : i32
      %get3A_383 = arith.index_cast %get3A_382 : i32 to index
      %get3A_384 = arith.index_cast %add3A_381 : i32 to index
      %get3A_385 = arith.constant 0 : index
      %get3A_386 = tpu.vector_load %arg6[%get3A_383, %get3A_384, %get3A_385] {strides = array<i32>} : memref<2x640x64xf32, #tpu.memory_space<vmem>>, vector<1x1x16xf32>,
      %get3A_387 = vector.shape_cast %get3A_386 : vector<1x1x16xf32> to vector<16xf32>
      %add3A_388 = arith.addf %add3A_377, %get3A_387 : vector<16xf32>
      %mul3A_389 = arith.constant 20 : i32
      %mul3A_390 = arith.muli %scan3A_270, %mul3A_389 : i32
      %add3A_391 = arith.constant 11 : i32
      %add3A_392 = arith.addi %mul3A_390, %add3A_391 : i32
      %get3A_393 = arith.constant 1 : i32
      %get3A_394 = arith.index_cast %get3A_393 : i32 to index
      %get3A_395 = arith.index_cast %add3A_392 : i32 to index
      %get3A_396 = arith.constant 0 : index
      %get3A_397 = tpu.vector_load %arg6[%get3A_394, %get3A_395, %get3A_396] {strides = array<i32>} : memref<2x640x64xf32, #tpu.memory_space<vmem>>, vector<1x1x16xf32>,
      %get3A_398 = vector.shape_cast %get3A_397 : vector<1x1x16xf32> to vector<16xf32>
      %add3A_399 = arith.addf %add3A_388, %get3A_398 : vector<16xf32>
      %mul3A_400 = arith.constant 20 : i32
      %mul3A_401 = arith.muli %scan3A_270, %mul3A_400 : i32
      %add3A_402 = arith.constant 12 : i32
      %add3A_403 = arith.addi %mul3A_401, %add3A_402 : i32
      %get3A_404 = arith.constant 1 : i32
      %get3A_405 = arith.index_cast %get3A_404 : i32 to index
      %get3A_406 = arith.index_cast %add3A_403 : i32 to index
      %get3A_407 = arith.constant 0 : index
      %get3A_408 = tpu.vector_load %arg6[%get3A_405, %get3A_406, %get3A_407] {strides = array<i32>} : memref<2x640x64xf32, #tpu.memory_space<vmem>>, vector<1x1x16xf32>,
      %get3A_409 = vector.shape_cast %get3A_408 : vector<1x1x16xf32> to vector<16xf32>
      %add3A_410 = arith.addf %add3A_399, %get3A_409 : vector<16xf32>
      %mul3A_411 = arith.constant 20 : i32
      %mul3A_412 = arith.muli %scan3A_270, %mul3A_411 : i32
      %add3A_413 = arith.constant 13 : i32
      %add3A_414 = arith.addi %mul3A_412, %add3A_413 : i32
      %get3A_415 = arith.constant 1 : i32
      %get3A_416 = arith.index_cast %get3A_415 : i32 to index
      %get3A_417 = arith.index_cast %add3A_414 : i32 to index
      %get3A_418 = arith.constant 0 : index
      %get3A_419 = tpu.vector_load %arg6[%get3A_416, %get3A_417, %get3A_418] {strides = array<i32>} : memref<2x640x64xf32, #tpu.memory_space<vmem>>, vector<1x1x16xf32>,
      %get3A_420 = vector.shape_cast %get3A_419 : vector<1x1x16xf32> to vector<16xf32>
      %add3A_421 = arith.addf %add3A_410, %get3A_420 : vector<16xf32>
      %mul3A_422 = arith.constant 20 : i32
      %mul3A_423 = arith.muli %scan3A_270, %mul3A_422 : i32
      %add3A_424 = arith.constant 14 : i32
      %add3A_425 = arith.addi %mul3A_423, %add3A_424 : i32
      %get3A_426 = arith.constant 1 : i32
      %get3A_427 = arith.index_cast %get3A_426 : i32 to index
      %get3A_428 = arith.index_cast %add3A_425 : i32 to index
      %get3A_429 = arith.constant 0 : index
      %get3A_430 = tpu.vector_load %arg6[%get3A_427, %get3A_428, %get3A_429] {strides = array<i32>} : memref<2x640x64xf32, #tpu.memory_space<vmem>>, vector<1x1x16xf32>,
      %get3A_431 = vector.shape_cast %get3A_430 : vector<1x1x16xf32> to vector<16xf32>
      %add3A_432 = arith.addf %add3A_421, %get3A_431 : vector<16xf32>
      %mul3A_433 = arith.constant 20 : i32
      %mul3A_434 = arith.muli %scan3A_270, %mul3A_433 : i32
      %add3A_435 = arith.constant 15 : i32
      %add3A_436 = arith.addi %mul3A_434, %add3A_435 : i32
      %get3A_437 = arith.constant 1 : i32
      %get3A_438 = arith.index_cast %get3A_437 : i32 to index
      %get3A_439 = arith.index_cast %add3A_436 : i32 to index
      %get3A_440 = arith.constant 0 : index
      %get3A_441 = tpu.vector_load %arg6[%get3A_438, %get3A_439, %get3A_440] {strides = array<i32>} : memref<2x640x64xf32, #tpu.memory_space<vmem>>, vector<1x1x16xf32>,
      %get3A_442 = vector.shape_cast %get3A_441 : vector<1x1x16xf32> to vector<16xf32>
      %add3A_443 = arith.addf %add3A_432, %get3A_442 : vector<16xf32>
      %mul3A_444 = arith.constant 20 : i32
      %mul3A_445 = arith.muli %scan3A_270, %mul3A_444 : i32
      %add3A_446 = arith.constant 16 : i32
      %add3A_447 = arith.addi %mul3A_445, %add3A_446 : i32
      %get3A_448 = arith.constant 1 : i32
      %get3A_449 = arith.index_cast %get3A_448 : i32 to index
      %get3A_450 = arith.index_cast %add3A_447 : i32 to index
      %get3A_451 = arith.constant 0 : index
      %get3A_452 = tpu.vector_load %arg6[%get3A_449, %get3A_450, %get3A_451] {strides = array<i32>} : memref<2x640x64xf32, #tpu.memory_space<vmem>>, vector<1x1x16xf32>,
      %get3A_453 = vector.shape_cast %get3A_452 : vector<1x1x16xf32> to vector<16xf32>
      %add3A_454 = arith.addf %add3A_443, %get3A_453 : vector<16xf32>
      %mul3A_455 = arith.constant 20 : i32
      %mul3A_456 = arith.muli %scan3A_270, %mul3A_455 : i32
      %add3A_457 = arith.constant 17 : i32
      %add3A_458 = arith.addi %mul3A_456, %add3A_457 : i32
      %get3A_459 = arith.constant 1 : i32
      %get3A_460 = arith.index_cast %get3A_459 : i32 to index
      %get3A_461 = arith.index_cast %add3A_458 : i32 to index
      %get3A_462 = arith.constant 0 : index
      %get3A_463 = tpu.vector_load %arg6[%get3A_460, %get3A_461, %get3A_462] {strides = array<i32>} : memref<2x640x64xf32, #tpu.memory_space<vmem>>, vector<1x1x16xf32>,
      %get3A_464 = vector.shape_cast %get3A_463 : vector<1x1x16xf32> to vector<16xf32>
      %add3A_465 = arith.addf %add3A_454, %get3A_464 : vector<16xf32>
      %mul3A_466 = arith.constant 20 : i32
      %mul3A_467 = arith.muli %scan3A_270, %mul3A_466 : i32
      %add3A_468 = arith.constant 18 : i32
      %add3A_469 = arith.addi %mul3A_467, %add3A_468 : i32
      %get3A_470 = arith.constant 1 : i32
      %get3A_471 = arith.index_cast %get3A_470 : i32 to index
      %get3A_472 = arith.index_cast %add3A_469 : i32 to index
      %get3A_473 = arith.constant 0 : index
      %get3A_474 = tpu.vector_load %arg6[%get3A_471, %get3A_472, %get3A_473] {strides = array<i32>} : memref<2x640x64xf32, #tpu.memory_space<vmem>>, vector<1x1x16xf32>,
      %get3A_475 = vector.shape_cast %get3A_474 : vector<1x1x16xf32> to vector<16xf32>
      %add3A_476 = arith.addf %add3A_465, %get3A_475 : vector<16xf32>
      %mul3A_477 = arith.constant 20 : i32
      %mul3A_478 = arith.muli %scan3A_270, %mul3A_477 : i32
      %add3A_479 = arith.constant 19 : i32
      %add3A_480 = arith.addi %mul3A_478, %add3A_479 : i32
      %get3A_481 = arith.constant 1 : i32
      %get3A_482 = arith.index_cast %get3A_481 : i32 to index
      %get3A_483 = arith.index_cast %add3A_480 : i32 to index
      %get3A_484 = arith.constant 0 : index
      %get3A_485 = tpu.vector_load %arg6[%get3A_482, %get3A_483, %get3A_484] {strides = array<i32>} : memref<2x640x64xf32, #tpu.memory_space<vmem>>, vector<1x1x16xf32>,
      %get3A_486 = vector.shape_cast %get3A_485 : vector<1x1x16xf32> to vector<16xf32>
      %add3A_487 = arith.addf %add3A_476, %get3A_486 : vector<16xf32>
      %swap3A = arith.constant 1 : i32
      %swap3A_488 = arith.index_cast %swap3A : i32 to index
      %swap3A_489 = arith.index_cast %scan3A_270 : i32 to index
      %swap3A_490 = arith.constant 0 : index
      %swap3A_491 = tpu.vector_load %arg7[%swap3A_488, %swap3A_489, %swap3A_490] {strides = array<i32>} : memref<2x32x64xf32, #tpu.memory_space<vmem>>, vector<1x1x16xf32>,
      %swap3A_492 = vector.shape_cast %swap3A_491 : vector<1x1x16xf32> to vector<16xf32>
      %swap3A_493 = vector.shape_cast %add3A_487 : vector<16xf32> to vector<1x1x16xf32>
      tpu.vector_store %arg7[%swap3A_488, %swap3A_489, %swap3A_490], %swap3A_493 {strides = array<i32>} : memref<2x32x64xf32, #tpu.memory_space<vmem>>, vector<1x1x16xf32>,
      %mul3A_494 = arith.constant 20 : i32
      %mul3A_495 = arith.muli %scan3A_270, %mul3A_494 : i32
      %get3A_496 = arith.constant 1 : i32
      %get3A_497 = arith.index_cast %get3A_496 : i32 to index
      %get3A_498 = arith.index_cast %mul3A_495 : i32 to index
      %get3A_499 = arith.constant 16 : index
      %get3A_500 = tpu.vector_load %arg6[%get3A_497, %get3A_498, %get3A_499] {strides = array<i32>} : memref<2x640x64xf32, #tpu.memory_space<vmem>>, vector<1x1x16xf32>,
      %get3A_501 = vector.shape_cast %get3A_500 : vector<1x1x16xf32> to vector<16xf32>
      %mul3A_502 = arith.constant 20 : i32
      %mul3A_503 = arith.muli %scan3A_270, %mul3A_502 : i32
      %add3A_504 = arith.constant 1 : i32
      %add3A_505 = arith.addi %mul3A_503, %add3A_504 : i32
      %get3A_506 = arith.constant 1 : i32
      %get3A_507 = arith.index_cast %get3A_506 : i32 to index
      %get3A_508 = arith.index_cast %add3A_505 : i32 to index
      %get3A_509 = arith.constant 16 : index
      %get3A_510 = tpu.vector_load %arg6[%get3A_507, %get3A_508, %get3A_509] {strides = array<i32>} : memref<2x640x64xf32, #tpu.memory_space<vmem>>, vector<1x1x16xf32>,
      %get3A_511 = vector.shape_cast %get3A_510 : vector<1x1x16xf32> to vector<16xf32>
      %add3A_512 = arith.addf %get3A_501, %get3A_511 : vector<16xf32>
      %mul3A_513 = arith.constant 20 : i32
      %mul3A_514 = arith.muli %scan3A_270, %mul3A_513 : i32
      %add3A_515 = arith.constant 2 : i32
      %add3A_516 = arith.addi %mul3A_514, %add3A_515 : i32
      %get3A_517 = arith.constant 1 : i32
      %get3A_518 = arith.index_cast %get3A_517 : i32 to index
      %get3A_519 = arith.index_cast %add3A_516 : i32 to index
      %get3A_520 = arith.constant 16 : index
      %get3A_521 = tpu.vector_load %arg6[%get3A_518, %get3A_519, %get3A_520] {strides = array<i32>} : memref<2x640x64xf32, #tpu.memory_space<vmem>>, vector<1x1x16xf32>,
      %get3A_522 = vector.shape_cast %get3A_521 : vector<1x1x16xf32> to vector<16xf32>
      %add3A_523 = arith.addf %add3A_512, %get3A_522 : vector<16xf32>
      %mul3A_524 = arith.constant 20 : i32
      %mul3A_525 = arith.muli %scan3A_270, %mul3A_524 : i32
      %add3A_526 = arith.constant 3 : i32
      %add3A_527 = arith.addi %mul3A_525, %add3A_526 : i32
      %get3A_528 = arith.constant 1 : i32
      %get3A_529 = arith.index_cast %get3A_528 : i32 to index
      %get3A_530 = arith.index_cast %add3A_527 : i32 to index
      %get3A_531 = arith.constant 16 : index
      %get3A_532 = tpu.vector_load %arg6[%get3A_529, %get3A_530, %get3A_531] {strides = array<i32>} : memref<2x640x64xf32, #tpu.memory_space<vmem>>, vector<1x1x16xf32>,
      %get3A_533 = vector.shape_cast %get3A_532 : vector<1x1x16xf32> to vector<16xf32>
      %add3A_534 = arith.addf %add3A_523, %get3A_533 : vector<16xf32>
      %mul3A_535 = arith.constant 20 : i32
      %mul3A_536 = arith.muli %scan3A_270, %mul3A_535 : i32
      %add3A_537 = arith.constant 4 : i32
      %add3A_538 = arith.addi %mul3A_536, %add3A_537 : i32
      %get3A_539 = arith.constant 1 : i32
      %get3A_540 = arith.index_cast %get3A_539 : i32 to index
      %get3A_541 = arith.index_cast %add3A_538 : i32 to index
      %get3A_542 = arith.constant 16 : index
      %get3A_543 = tpu.vector_load %arg6[%get3A_540, %get3A_541, %get3A_542] {strides = array<i32>} : memref<2x640x64xf32, #tpu.memory_space<vmem>>, vector<1x1x16xf32>,
      %get3A_544 = vector.shape_cast %get3A_543 : vector<1x1x16xf32> to vector<16xf32>
      %add3A_545 = arith.addf %add3A_534, %get3A_544 : vector<16xf32>
      %mul3A_546 = arith.constant 20 : i32
      %mul3A_547 = arith.muli %scan3A_270, %mul3A_546 : i32
      %add3A_548 = arith.constant 5 : i32
      %add3A_549 = arith.addi %mul3A_547, %add3A_548 : i32
      %get3A_550 = arith.constant 1 : i32
      %get3A_551 = arith.index_cast %get3A_550 : i32 to index
      %get3A_552 = arith.index_cast %add3A_549 : i32 to index
      %get3A_553 = arith.constant 16 : index
      %get3A_554 = tpu.vector_load %arg6[%get3A_551, %get3A_552, %get3A_553] {strides = array<i32>} : memref<2x640x64xf32, #tpu.memory_space<vmem>>, vector<1x1x16xf32>,
      %get3A_555 = vector.shape_cast %get3A_554 : vector<1x1x16xf32> to vector<16xf32>
      %add3A_556 = arith.addf %add3A_545, %get3A_555 : vector<16xf32>
      %mul3A_557 = arith.constant 20 : i32
      %mul3A_558 = arith.muli %scan3A_270, %mul3A_557 : i32
      %add3A_559 = arith.constant 6 : i32
      %add3A_560 = arith.addi %mul3A_558, %add3A_559 : i32
      %get3A_561 = arith.constant 1 : i32
      %get3A_562 = arith.index_cast %get3A_561 : i32 to index
      %get3A_563 = arith.index_cast %add3A_560 : i32 to index
      %get3A_564 = arith.constant 16 : index
      %get3A_565 = tpu.vector_load %arg6[%get3A_562, %get3A_563, %get3A_564] {strides = array<i32>} : memref<2x640x64xf32, #tpu.memory_space<vmem>>, vector<1x1x16xf32>,
      %get3A_566 = vector.shape_cast %get3A_565 : vector<1x1x16xf32> to vector<16xf32>
      %add3A_567 = arith.addf %add3A_556, %get3A_566 : vector<16xf32>
      %mul3A_568 = arith.constant 20 : i32
      %mul3A_569 = arith.muli %scan3A_270, %mul3A_568 : i32
      %add3A_570 = arith.constant 7 : i32
      %add3A_571 = arith.addi %mul3A_569, %add3A_570 : i32
      %get3A_572 = arith.constant 1 : i32
      %get3A_573 = arith.index_cast %get3A_572 : i32 to index
      %get3A_574 = arith.index_cast %add3A_571 : i32 to index
      %get3A_575 = arith.constant 16 : index
      %get3A_576 = tpu.vector_load %arg6[%get3A_573, %get3A_574, %get3A_575] {strides = array<i32>} : memref<2x640x64xf32, #tpu.memory_space<vmem>>, vector<1x1x16xf32>,
      %get3A_577 = vector.shape_cast %get3A_576 : vector<1x1x16xf32> to vector<16xf32>
      %add3A_578 = arith.addf %add3A_567, %get3A_577 : vector<16xf32>
      %mul3A_579 = arith.constant 20 : i32
      %mul3A_580 = arith.muli %scan3A_270, %mul3A_579 : i32
      %add3A_581 = arith.constant 8 : i32
      %add3A_582 = arith.addi %mul3A_580, %add3A_581 : i32
      %get3A_583 = arith.constant 1 : i32
      %get3A_584 = arith.index_cast %get3A_583 : i32 to index
      %get3A_585 = arith.index_cast %add3A_582 : i32 to index
      %get3A_586 = arith.constant 16 : index
      %get3A_587 = tpu.vector_load %arg6[%get3A_584, %get3A_585, %get3A_586] {strides = array<i32>} : memref<2x640x64xf32, #tpu.memory_space<vmem>>, vector<1x1x16xf32>,
      %get3A_588 = vector.shape_cast %get3A_587 : vector<1x1x16xf32> to vector<16xf32>
      %add3A_589 = arith.addf %add3A_578, %get3A_588 : vector<16xf32>
      %mul3A_590 = arith.constant 20 : i32
      %mul3A_591 = arith.muli %scan3A_270, %mul3A_590 : i32
      %add3A_592 = arith.constant 9 : i32
      %add3A_593 = arith.addi %mul3A_591, %add3A_592 : i32
      %get3A_594 = arith.constant 1 : i32
      %get3A_595 = arith.index_cast %get3A_594 : i32 to index
      %get3A_596 = arith.index_cast %add3A_593 : i32 to index
      %get3A_597 = arith.constant 16 : index
      %get3A_598 = tpu.vector_load %arg6[%get3A_595, %get3A_596, %get3A_597] {strides = array<i32>} : memref<2x640x64xf32, #tpu.memory_space<vmem>>, vector<1x1x16xf32>,
      %get3A_599 = vector.shape_cast %get3A_598 : vector<1x1x16xf32> to vector<16xf32>
      %add3A_600 = arith.addf %add3A_589, %get3A_599 : vector<16xf32>
      %mul3A_601 = arith.constant 20 : i32
      %mul3A_602 = arith.muli %scan3A_270, %mul3A_601 : i32
      %add3A_603 = arith.constant 10 : i32
      %add3A_604 = arith.addi %mul3A_602, %add3A_603 : i32
      %get3A_605 = arith.constant 1 : i32
      %get3A_606 = arith.index_cast %get3A_605 : i32 to index
      %get3A_607 = arith.index_cast %add3A_604 : i32 to index
      %get3A_608 = arith.constant 16 : index
      %get3A_609 = tpu.vector_load %arg6[%get3A_606, %get3A_607, %get3A_608] {strides = array<i32>} : memref<2x640x64xf32, #tpu.memory_space<vmem>>, vector<1x1x16xf32>,
      %get3A_610 = vector.shape_cast %get3A_609 : vector<1x1x16xf32> to vector<16xf32>
      %add3A_611 = arith.addf %add3A_600, %get3A_610 : vector<16xf32>
      %mul3A_612 = arith.constant 20 : i32
      %mul3A_613 = arith.muli %scan3A_270, %mul3A_612 : i32
      %add3A_614 = arith.constant 11 : i32
      %add3A_615 = arith.addi %mul3A_613, %add3A_614 : i32
      %get3A_616 = arith.constant 1 : i32
      %get3A_617 = arith.index_cast %get3A_616 : i32 to index
      %get3A_618 = arith.index_cast %add3A_615 : i32 to index
      %get3A_619 = arith.constant 16 : index
      %get3A_620 = tpu.vector_load %arg6[%get3A_617, %get3A_618, %get3A_619] {strides = array<i32>} : memref<2x640x64xf32, #tpu.memory_space<vmem>>, vector<1x1x16xf32>,
      %get3A_621 = vector.shape_cast %get3A_620 : vector<1x1x16xf32> to vector<16xf32>
      %add3A_622 = arith.addf %add3A_611, %get3A_621 : vector<16xf32>
      %mul3A_623 = arith.constant 20 : i32
      %mul3A_624 = arith.muli %scan3A_270, %mul3A_623 : i32
      %add3A_625 = arith.constant 12 : i32
      %add3A_626 = arith.addi %mul3A_624, %add3A_625 : i32
      %get3A_627 = arith.constant 1 : i32
      %get3A_628 = arith.index_cast %get3A_627 : i32 to index
      %get3A_629 = arith.index_cast %add3A_626 : i32 to index
      %get3A_630 = arith.constant 16 : index
      %get3A_631 = tpu.vector_load %arg6[%get3A_628, %get3A_629, %get3A_630] {strides = array<i32>} : memref<2x640x64xf32, #tpu.memory_space<vmem>>, vector<1x1x16xf32>,
      %get3A_632 = vector.shape_cast %get3A_631 : vector<1x1x16xf32> to vector<16xf32>
      %add3A_633 = arith.addf %add3A_622, %get3A_632 : vector<16xf32>
      %mul3A_634 = arith.constant 20 : i32
      %mul3A_635 = arith.muli %scan3A_270, %mul3A_634 : i32
      %add3A_636 = arith.constant 13 : i32
      %add3A_637 = arith.addi %mul3A_635, %add3A_636 : i32
      %get3A_638 = arith.constant 1 : i32
      %get3A_639 = arith.index_cast %get3A_638 : i32 to index
      %get3A_640 = arith.index_cast %add3A_637 : i32 to index
      %get3A_641 = arith.constant 16 : index
      %get3A_642 = tpu.vector_load %arg6[%get3A_639, %get3A_640, %get3A_641] {strides = array<i32>} : memref<2x640x64xf32, #tpu.memory_space<vmem>>, vector<1x1x16xf32>,
      %get3A_643 = vector.shape_cast %get3A_642 : vector<1x1x16xf32> to vector<16xf32>
      %add3A_644 = arith.addf %add3A_633, %get3A_643 : vector<16xf32>
      %mul3A_645 = arith.constant 20 : i32
      %mul3A_646 = arith.muli %scan3A_270, %mul3A_645 : i32
      %add3A_647 = arith.constant 14 : i32
      %add3A_648 = arith.addi %mul3A_646, %add3A_647 : i32
      %get3A_649 = arith.constant 1 : i32
      %get3A_650 = arith.index_cast %get3A_649 : i32 to index
      %get3A_651 = arith.index_cast %add3A_648 : i32 to index
      %get3A_652 = arith.constant 16 : index
      %get3A_653 = tpu.vector_load %arg6[%get3A_650, %get3A_651, %get3A_652] {strides = array<i32>} : memref<2x640x64xf32, #tpu.memory_space<vmem>>, vector<1x1x16xf32>,
      %get3A_654 = vector.shape_cast %get3A_653 : vector<1x1x16xf32> to vector<16xf32>
      %add3A_655 = arith.addf %add3A_644, %get3A_654 : vector<16xf32>
      %mul3A_656 = arith.constant 20 : i32
      %mul3A_657 = arith.muli %scan3A_270, %mul3A_656 : i32
      %add3A_658 = arith.constant 15 : i32
      %add3A_659 = arith.addi %mul3A_657, %add3A_658 : i32
      %get3A_660 = arith.constant 1 : i32
      %get3A_661 = arith.index_cast %get3A_660 : i32 to index
      %get3A_662 = arith.index_cast %add3A_659 : i32 to index
      %get3A_663 = arith.constant 16 : index
      %get3A_664 = tpu.vector_load %arg6[%get3A_661, %get3A_662, %get3A_663] {strides = array<i32>} : memref<2x640x64xf32, #tpu.memory_space<vmem>>, vector<1x1x16xf32>,
      %get3A_665 = vector.shape_cast %get3A_664 : vector<1x1x16xf32> to vector<16xf32>
      %add3A_666 = arith.addf %add3A_655, %get3A_665 : vector<16xf32>
      %mul3A_667 = arith.constant 20 : i32
      %mul3A_668 = arith.muli %scan3A_270, %mul3A_667 : i32
      %add3A_669 = arith.constant 16 : i32
      %add3A_670 = arith.addi %mul3A_668, %add3A_669 : i32
      %get3A_671 = arith.constant 1 : i32
      %get3A_672 = arith.index_cast %get3A_671 : i32 to index
      %get3A_673 = arith.index_cast %add3A_670 : i32 to index
      %get3A_674 = arith.constant 16 : index
      %get3A_675 = tpu.vector_load %arg6[%get3A_672, %get3A_673, %get3A_674] {strides = array<i32>} : memref<2x640x64xf32, #tpu.memory_space<vmem>>, vector<1x1x16xf32>,
      %get3A_676 = vector.shape_cast %get3A_675 : vector<1x1x16xf32> to vector<16xf32>
      %add3A_677 = arith.addf %add3A_666, %get3A_676 : vector<16xf32>
      %mul3A_678 = arith.constant 20 : i32
      %mul3A_679 = arith.muli %scan3A_270, %mul3A_678 : i32
      %add3A_680 = arith.constant 17 : i32
      %add3A_681 = arith.addi %mul3A_679, %add3A_680 : i32
      %get3A_682 = arith.constant 1 : i32
      %get3A_683 = arith.index_cast %get3A_682 : i32 to index
      %get3A_684 = arith.index_cast %add3A_681 : i32 to index
      %get3A_685 = arith.constant 16 : index
      %get3A_686 = tpu.vector_load %arg6[%get3A_683, %get3A_684, %get3A_685] {strides = array<i32>} : memref<2x640x64xf32, #tpu.memory_space<vmem>>, vector<1x1x16xf32>,
      %get3A_687 = vector.shape_cast %get3A_686 : vector<1x1x16xf32> to vector<16xf32>
      %add3A_688 = arith.addf %add3A_677, %get3A_687 : vector<16xf32>
      %mul3A_689 = arith.constant 20 : i32
      %mul3A_690 = arith.muli %scan3A_270, %mul3A_689 : i32
      %add3A_691 = arith.constant 18 : i32
      %add3A_692 = arith.addi %mul3A_690, %add3A_691 : i32
      %get3A_693 = arith.constant 1 : i32
      %get3A_694 = arith.index_cast %get3A_693 : i32 to index
      %get3A_695 = arith.index_cast %add3A_692 : i32 to index
      %get3A_696 = arith.constant 16 : index
      %get3A_697 = tpu.vector_load %arg6[%get3A_694, %get3A_695, %get3A_696] {strides = array<i32>} : memref<2x640x64xf32, #tpu.memory_space<vmem>>, vector<1x1x16xf32>,
      %get3A_698 = vector.shape_cast %get3A_697 : vector<1x1x16xf32> to vector<16xf32>
      %add3A_699 = arith.addf %add3A_688, %get3A_698 : vector<16xf32>
      %mul3A_700 = arith.constant 20 : i32
      %mul3A_701 = arith.muli %scan3A_270, %mul3A_700 : i32
      %add3A_702 = arith.constant 19 : i32
      %add3A_703 = arith.addi %mul3A_701, %add3A_702 : i32
      %get3A_704 = arith.constant 1 : i32
      %get3A_705 = arith.index_cast %get3A_704 : i32 to index
      %get3A_706 = arith.index_cast %add3A_703 : i32 to index
      %get3A_707 = arith.constant 16 : index
      %get3A_708 = tpu.vector_load %arg6[%get3A_705, %get3A_706, %get3A_707] {strides = array<i32>} : memref<2x640x64xf32, #tpu.memory_space<vmem>>, vector<1x1x16xf32>,
      %get3A_709 = vector.shape_cast %get3A_708 : vector<1x1x16xf32> to vector<16xf32>
      %add3A_710 = arith.addf %add3A_699, %get3A_709 : vector<16xf32>
      %swap3A_711 = arith.constant 1 : i32
      %swap3A_712 = arith.index_cast %swap3A_711 : i32 to index
      %swap3A_713 = arith.index_cast %scan3A_270 : i32 to index
      %swap3A_714 = arith.constant 16 : index
      %swap3A_715 = tpu.vector_load %arg7[%swap3A_712, %swap3A_713, %swap3A_714] {strides = array<i32>} : memref<2x32x64xf32, #tpu.memory_space<vmem>>, vector<1x1x16xf32>,
      %swap3A_716 = vector.shape_cast %swap3A_715 : vector<1x1x16xf32> to vector<16xf32>
      %swap3A_717 = vector.shape_cast %add3A_710 : vector<16xf32> to vector<1x1x16xf32>
      tpu.vector_store %arg7[%swap3A_712, %swap3A_713, %swap3A_714], %swap3A_717 {strides = array<i32>} : memref<2x32x64xf32, #tpu.memory_space<vmem>>, vector<1x1x16xf32>,
      %mul3A_718 = arith.constant 20 : i32
      %mul3A_719 = arith.muli %scan3A_270, %mul3A_718 : i32
      %get3A_720 = arith.constant 1 : i32
      %get3A_721 = arith.index_cast %get3A_720 : i32 to index
      %get3A_722 = arith.index_cast %mul3A_719 : i32 to index
      %get3A_723 = arith.constant 32 : index
      %get3A_724 = tpu.vector_load %arg6[%get3A_721, %get3A_722, %get3A_723] {strides = array<i32>} : memref<2x640x64xf32, #tpu.memory_space<vmem>>, vector<1x1x16xf32>,
      %get3A_725 = vector.shape_cast %get3A_724 : vector<1x1x16xf32> to vector<16xf32>
      %mul3A_726 = arith.constant 20 : i32
      %mul3A_727 = arith.muli %scan3A_270, %mul3A_726 : i32
      %add3A_728 = arith.constant 1 : i32
      %add3A_729 = arith.addi %mul3A_727, %add3A_728 : i32
      %get3A_730 = arith.constant 1 : i32
      %get3A_731 = arith.index_cast %get3A_730 : i32 to index
      %get3A_732 = arith.index_cast %add3A_729 : i32 to index
      %get3A_733 = arith.constant 32 : index
      %get3A_734 = tpu.vector_load %arg6[%get3A_731, %get3A_732, %get3A_733] {strides = array<i32>} : memref<2x640x64xf32, #tpu.memory_space<vmem>>, vector<1x1x16xf32>,
      %get3A_735 = vector.shape_cast %get3A_734 : vector<1x1x16xf32> to vector<16xf32>
      %add3A_736 = arith.addf %get3A_725, %get3A_735 : vector<16xf32>
      %mul3A_737 = arith.constant 20 : i32
      %mul3A_738 = arith.muli %scan3A_270, %mul3A_737 : i32
      %add3A_739 = arith.constant 2 : i32
      %add3A_740 = arith.addi %mul3A_738, %add3A_739 : i32
      %get3A_741 = arith.constant 1 : i32
      %get3A_742 = arith.index_cast %get3A_741 : i32 to index
      %get3A_743 = arith.index_cast %add3A_740 : i32 to index
      %get3A_744 = arith.constant 32 : index
      %get3A_745 = tpu.vector_load %arg6[%get3A_742, %get3A_743, %get3A_744] {strides = array<i32>} : memref<2x640x64xf32, #tpu.memory_space<vmem>>, vector<1x1x16xf32>,
      %get3A_746 = vector.shape_cast %get3A_745 : vector<1x1x16xf32> to vector<16xf32>
      %add3A_747 = arith.addf %add3A_736, %get3A_746 : vector<16xf32>
      %mul3A_748 = arith.constant 20 : i32
      %mul3A_749 = arith.muli %scan3A_270, %mul3A_748 : i32
      %add3A_750 = arith.constant 3 : i32
      %add3A_751 = arith.addi %mul3A_749, %add3A_750 : i32
      %get3A_752 = arith.constant 1 : i32
      %get3A_753 = arith.index_cast %get3A_752 : i32 to index
      %get3A_754 = arith.index_cast %add3A_751 : i32 to index
      %get3A_755 = arith.constant 32 : index
      %get3A_756 = tpu.vector_load %arg6[%get3A_753, %get3A_754, %get3A_755] {strides = array<i32>} : memref<2x640x64xf32, #tpu.memory_space<vmem>>, vector<1x1x16xf32>,
      %get3A_757 = vector.shape_cast %get3A_756 : vector<1x1x16xf32> to vector<16xf32>
      %add3A_758 = arith.addf %add3A_747, %get3A_757 : vector<16xf32>
      %mul3A_759 = arith.constant 20 : i32
      %mul3A_760 = arith.muli %scan3A_270, %mul3A_759 : i32
      %add3A_761 = arith.constant 4 : i32
      %add3A_762 = arith.addi %mul3A_760, %add3A_761 : i32
      %get3A_763 = arith.constant 1 : i32
      %get3A_764 = arith.index_cast %get3A_763 : i32 to index
      %get3A_765 = arith.index_cast %add3A_762 : i32 to index
      %get3A_766 = arith.constant 32 : index
      %get3A_767 = tpu.vector_load %arg6[%get3A_764, %get3A_765, %get3A_766] {strides = array<i32>} : memref<2x640x64xf32, #tpu.memory_space<vmem>>, vector<1x1x16xf32>,
      %get3A_768 = vector.shape_cast %get3A_767 : vector<1x1x16xf32> to vector<16xf32>
      %add3A_769 = arith.addf %add3A_758, %get3A_768 : vector<16xf32>
      %mul3A_770 = arith.constant 20 : i32
      %mul3A_771 = arith.muli %scan3A_270, %mul3A_770 : i32
      %add3A_772 = arith.constant 5 : i32
      %add3A_773 = arith.addi %mul3A_771, %add3A_772 : i32
      %get3A_774 = arith.constant 1 : i32
      %get3A_775 = arith.index_cast %get3A_774 : i32 to index
      %get3A_776 = arith.index_cast %add3A_773 : i32 to index
      %get3A_777 = arith.constant 32 : index
      %get3A_778 = tpu.vector_load %arg6[%get3A_775, %get3A_776, %get3A_777] {strides = array<i32>} : memref<2x640x64xf32, #tpu.memory_space<vmem>>, vector<1x1x16xf32>,
      %get3A_779 = vector.shape_cast %get3A_778 : vector<1x1x16xf32> to vector<16xf32>
      %add3A_780 = arith.addf %add3A_769, %get3A_779 : vector<16xf32>
      %mul3A_781 = arith.constant 20 : i32
      %mul3A_782 = arith.muli %scan3A_270, %mul3A_781 : i32
      %add3A_783 = arith.constant 6 : i32
      %add3A_784 = arith.addi %mul3A_782, %add3A_783 : i32
      %get3A_785 = arith.constant 1 : i32
      %get3A_786 = arith.index_cast %get3A_785 : i32 to index
      %get3A_787 = arith.index_cast %add3A_784 : i32 to index
      %get3A_788 = arith.constant 32 : index
      %get3A_789 = tpu.vector_load %arg6[%get3A_786, %get3A_787, %get3A_788] {strides = array<i32>} : memref<2x640x64xf32, #tpu.memory_space<vmem>>, vector<1x1x16xf32>,
      %get3A_790 = vector.shape_cast %get3A_789 : vector<1x1x16xf32> to vector<16xf32>
      %add3A_791 = arith.addf %add3A_780, %get3A_790 : vector<16xf32>
      %mul3A_792 = arith.constant 20 : i32
      %mul3A_793 = arith.muli %scan3A_270, %mul3A_792 : i32
      %add3A_794 = arith.constant 7 : i32
      %add3A_795 = arith.addi %mul3A_793, %add3A_794 : i32
      %get3A_796 = arith.constant 1 : i32
      %get3A_797 = arith.index_cast %get3A_796 : i32 to index
      %get3A_798 = arith.index_cast %add3A_795 : i32 to index
      %get3A_799 = arith.constant 32 : index
      %get3A_800 = tpu.vector_load %arg6[%get3A_797, %get3A_798, %get3A_799] {strides = array<i32>} : memref<2x640x64xf32, #tpu.memory_space<vmem>>, vector<1x1x16xf32>,
      %get3A_801 = vector.shape_cast %get3A_800 : vector<1x1x16xf32> to vector<16xf32>
      %add3A_802 = arith.addf %add3A_791, %get3A_801 : vector<16xf32>
      %mul3A_803 = arith.constant 20 : i32
      %mul3A_804 = arith.muli %scan3A_270, %mul3A_803 : i32
      %add3A_805 = arith.constant 8 : i32
      %add3A_806 = arith.addi %mul3A_804, %add3A_805 : i32
      %get3A_807 = arith.constant 1 : i32
      %get3A_808 = arith.index_cast %get3A_807 : i32 to index
      %get3A_809 = arith.index_cast %add3A_806 : i32 to index
      %get3A_810 = arith.constant 32 : index
      %get3A_811 = tpu.vector_load %arg6[%get3A_808, %get3A_809, %get3A_810] {strides = array<i32>} : memref<2x640x64xf32, #tpu.memory_space<vmem>>, vector<1x1x16xf32>,
      %get3A_812 = vector.shape_cast %get3A_811 : vector<1x1x16xf32> to vector<16xf32>
      %add3A_813 = arith.addf %add3A_802, %get3A_812 : vector<16xf32>
      %mul3A_814 = arith.constant 20 : i32
      %mul3A_815 = arith.muli %scan3A_270, %mul3A_814 : i32
      %add3A_816 = arith.constant 9 : i32
      %add3A_817 = arith.addi %mul3A_815, %add3A_816 : i32
      %get3A_818 = arith.constant 1 : i32
      %get3A_819 = arith.index_cast %get3A_818 : i32 to index
      %get3A_820 = arith.index_cast %add3A_817 : i32 to index
      %get3A_821 = arith.constant 32 : index
      %get3A_822 = tpu.vector_load %arg6[%get3A_819, %get3A_820, %get3A_821] {strides = array<i32>} : memref<2x640x64xf32, #tpu.memory_space<vmem>>, vector<1x1x16xf32>,
      %get3A_823 = vector.shape_cast %get3A_822 : vector<1x1x16xf32> to vector<16xf32>
      %add3A_824 = arith.addf %add3A_813, %get3A_823 : vector<16xf32>
      %mul3A_825 = arith.constant 20 : i32
      %mul3A_826 = arith.muli %scan3A_270, %mul3A_825 : i32
      %add3A_827 = arith.constant 10 : i32
      %add3A_828 = arith.addi %mul3A_826, %add3A_827 : i32
      %get3A_829 = arith.constant 1 : i32
      %get3A_830 = arith.index_cast %get3A_829 : i32 to index
      %get3A_831 = arith.index_cast %add3A_828 : i32 to index
      %get3A_832 = arith.constant 32 : index
      %get3A_833 = tpu.vector_load %arg6[%get3A_830, %get3A_831, %get3A_832] {strides = array<i32>} : memref<2x640x64xf32, #tpu.memory_space<vmem>>, vector<1x1x16xf32>,
      %get3A_834 = vector.shape_cast %get3A_833 : vector<1x1x16xf32> to vector<16xf32>
      %add3A_835 = arith.addf %add3A_824, %get3A_834 : vector<16xf32>
      %mul3A_836 = arith.constant 20 : i32
      %mul3A_837 = arith.muli %scan3A_270, %mul3A_836 : i32
      %add3A_838 = arith.constant 11 : i32
      %add3A_839 = arith.addi %mul3A_837, %add3A_838 : i32
      %get3A_840 = arith.constant 1 : i32
      %get3A_841 = arith.index_cast %get3A_840 : i32 to index
      %get3A_842 = arith.index_cast %add3A_839 : i32 to index
      %get3A_843 = arith.constant 32 : index
      %get3A_844 = tpu.vector_load %arg6[%get3A_841, %get3A_842, %get3A_843] {strides = array<i32>} : memref<2x640x64xf32, #tpu.memory_space<vmem>>, vector<1x1x16xf32>,
      %get3A_845 = vector.shape_cast %get3A_844 : vector<1x1x16xf32> to vector<16xf32>
      %add3A_846 = arith.addf %add3A_835, %get3A_845 : vector<16xf32>
      %mul3A_847 = arith.constant 20 : i32
      %mul3A_848 = arith.muli %scan3A_270, %mul3A_847 : i32
      %add3A_849 = arith.constant 12 : i32
      %add3A_850 = arith.addi %mul3A_848, %add3A_849 : i32
      %get3A_851 = arith.constant 1 : i32
      %get3A_852 = arith.index_cast %get3A_851 : i32 to index
      %get3A_853 = arith.index_cast %add3A_850 : i32 to index
      %get3A_854 = arith.constant 32 : index
      %get3A_855 = tpu.vector_load %arg6[%get3A_852, %get3A_853, %get3A_854] {strides = array<i32>} : memref<2x640x64xf32, #tpu.memory_space<vmem>>, vector<1x1x16xf32>,
      %get3A_856 = vector.shape_cast %get3A_855 : vector<1x1x16xf32> to vector<16xf32>
      %add3A_857 = arith.addf %add3A_846, %get3A_856 : vector<16xf32>
      %mul3A_858 = arith.constant 20 : i32
      %mul3A_859 = arith.muli %scan3A_270, %mul3A_858 : i32
      %add3A_860 = arith.constant 13 : i32
      %add3A_861 = arith.addi %mul3A_859, %add3A_860 : i32
      %get3A_862 = arith.constant 1 : i32
      %get3A_863 = arith.index_cast %get3A_862 : i32 to index
      %get3A_864 = arith.index_cast %add3A_861 : i32 to index
      %get3A_865 = arith.constant 32 : index
      %get3A_866 = tpu.vector_load %arg6[%get3A_863, %get3A_864, %get3A_865] {strides = array<i32>} : memref<2x640x64xf32, #tpu.memory_space<vmem>>, vector<1x1x16xf32>,
      %get3A_867 = vector.shape_cast %get3A_866 : vector<1x1x16xf32> to vector<16xf32>
      %add3A_868 = arith.addf %add3A_857, %get3A_867 : vector<16xf32>
      %mul3A_869 = arith.constant 20 : i32
      %mul3A_870 = arith.muli %scan3A_270, %mul3A_869 : i32
      %add3A_871 = arith.constant 14 : i32
      %add3A_872 = arith.addi %mul3A_870, %add3A_871 : i32
      %get3A_873 = arith.constant 1 : i32
      %get3A_874 = arith.index_cast %get3A_873 : i32 to index
      %get3A_875 = arith.index_cast %add3A_872 : i32 to index
      %get3A_876 = arith.constant 32 : index
      %get3A_877 = tpu.vector_load %arg6[%get3A_874, %get3A_875, %get3A_876] {strides = array<i32>} : memref<2x640x64xf32, #tpu.memory_space<vmem>>, vector<1x1x16xf32>,
      %get3A_878 = vector.shape_cast %get3A_877 : vector<1x1x16xf32> to vector<16xf32>
      %add3A_879 = arith.addf %add3A_868, %get3A_878 : vector<16xf32>
      %mul3A_880 = arith.constant 20 : i32
      %mul3A_881 = arith.muli %scan3A_270, %mul3A_880 : i32
      %add3A_882 = arith.constant 15 : i32
      %add3A_883 = arith.addi %mul3A_881, %add3A_882 : i32
      %get3A_884 = arith.constant 1 : i32
      %get3A_885 = arith.index_cast %get3A_884 : i32 to index
      %get3A_886 = arith.index_cast %add3A_883 : i32 to index
      %get3A_887 = arith.constant 32 : index
      %get3A_888 = tpu.vector_load %arg6[%get3A_885, %get3A_886, %get3A_887] {strides = array<i32>} : memref<2x640x64xf32, #tpu.memory_space<vmem>>, vector<1x1x16xf32>,
      %get3A_889 = vector.shape_cast %get3A_888 : vector<1x1x16xf32> to vector<16xf32>
      %add3A_890 = arith.addf %add3A_879, %get3A_889 : vector<16xf32>
      %mul3A_891 = arith.constant 20 : i32
      %mul3A_892 = arith.muli %scan3A_270, %mul3A_891 : i32
      %add3A_893 = arith.constant 16 : i32
      %add3A_894 = arith.addi %mul3A_892, %add3A_893 : i32
      %get3A_895 = arith.constant 1 : i32
      %get3A_896 = arith.index_cast %get3A_895 : i32 to index
      %get3A_897 = arith.index_cast %add3A_894 : i32 to index
      %get3A_898 = arith.constant 32 : index
      %get3A_899 = tpu.vector_load %arg6[%get3A_896, %get3A_897, %get3A_898] {strides = array<i32>} : memref<2x640x64xf32, #tpu.memory_space<vmem>>, vector<1x1x16xf32>,
      %get3A_900 = vector.shape_cast %get3A_899 : vector<1x1x16xf32> to vector<16xf32>
      %add3A_901 = arith.addf %add3A_890, %get3A_900 : vector<16xf32>
      %mul3A_902 = arith.constant 20 : i32
      %mul3A_903 = arith.muli %scan3A_270, %mul3A_902 : i32
      %add3A_904 = arith.constant 17 : i32
      %add3A_905 = arith.addi %mul3A_903, %add3A_904 : i32
      %get3A_906 = arith.constant 1 : i32
      %get3A_907 = arith.index_cast %get3A_906 : i32 to index
      %get3A_908 = arith.index_cast %add3A_905 : i32 to index
      %get3A_909 = arith.constant 32 : index
      %get3A_910 = tpu.vector_load %arg6[%get3A_907, %get3A_908, %get3A_909] {strides = array<i32>} : memref<2x640x64xf32, #tpu.memory_space<vmem>>, vector<1x1x16xf32>,
      %get3A_911 = vector.shape_cast %get3A_910 : vector<1x1x16xf32> to vector<16xf32>
      %add3A_912 = arith.addf %add3A_901, %get3A_911 : vector<16xf32>
      %mul3A_913 = arith.constant 20 : i32
      %mul3A_914 = arith.muli %scan3A_270, %mul3A_913 : i32
      %add3A_915 = arith.constant 18 : i32
      %add3A_916 = arith.addi %mul3A_914, %add3A_915 : i32
      %get3A_917 = arith.constant 1 : i32
      %get3A_918 = arith.index_cast %get3A_917 : i32 to index
      %get3A_919 = arith.index_cast %add3A_916 : i32 to index
      %get3A_920 = arith.constant 32 : index
      %get3A_921 = tpu.vector_load %arg6[%get3A_918, %get3A_919, %get3A_920] {strides = array<i32>} : memref<2x640x64xf32, #tpu.memory_space<vmem>>, vector<1x1x16xf32>,
      %get3A_922 = vector.shape_cast %get3A_921 : vector<1x1x16xf32> to vector<16xf32>
      %add3A_923 = arith.addf %add3A_912, %get3A_922 : vector<16xf32>
      %mul3A_924 = arith.constant 20 : i32
      %mul3A_925 = arith.muli %scan3A_270, %mul3A_924 : i32
      %add3A_926 = arith.constant 19 : i32
      %add3A_927 = arith.addi %mul3A_925, %add3A_926 : i32
      %get3A_928 = arith.constant 1 : i32
      %get3A_929 = arith.index_cast %get3A_928 : i32 to index
      %get3A_930 = arith.index_cast %add3A_927 : i32 to index
      %get3A_931 = arith.constant 32 : index
      %get3A_932 = tpu.vector_load %arg6[%get3A_929, %get3A_930, %get3A_931] {strides = array<i32>} : memref<2x640x64xf32, #tpu.memory_space<vmem>>, vector<1x1x16xf32>,
      %get3A_933 = vector.shape_cast %get3A_932 : vector<1x1x16xf32> to vector<16xf32>
      %add3A_934 = arith.addf %add3A_923, %get3A_933 : vector<16xf32>
      %swap3A_935 = arith.constant 1 : i32
      %swap3A_936 = arith.index_cast %swap3A_935 : i32 to index
      %swap3A_937 = arith.index_cast %scan3A_270 : i32 to index
      %swap3A_938 = arith.constant 32 : index
      %swap3A_939 = tpu.vector_load %arg7[%swap3A_936, %swap3A_937, %swap3A_938] {strides = array<i32>} : memref<2x32x64xf32, #tpu.memory_space<vmem>>, vector<1x1x16xf32>,
      %swap3A_940 = vector.shape_cast %swap3A_939 : vector<1x1x16xf32> to vector<16xf32>
      %swap3A_941 = vector.shape_cast %add3A_934 : vector<16xf32> to vector<1x1x16xf32>
      tpu.vector_store %arg7[%swap3A_936, %swap3A_937, %swap3A_938], %swap3A_941 {strides = array<i32>} : memref<2x32x64xf32, #tpu.memory_space<vmem>>, vector<1x1x16xf32>,
      %mul3A_942 = arith.constant 20 : i32
      %mul3A_943 = arith.muli %scan3A_270, %mul3A_942 : i32
      %get3A_944 = arith.constant 1 : i32
      %get3A_945 = arith.index_cast %get3A_944 : i32 to index
      %get3A_946 = arith.index_cast %mul3A_943 : i32 to index
      %get3A_947 = arith.constant 48 : index
      %get3A_948 = tpu.vector_load %arg6[%get3A_945, %get3A_946, %get3A_947] {strides = array<i32>} : memref<2x640x64xf32, #tpu.memory_space<vmem>>, vector<1x1x16xf32>,
      %get3A_949 = vector.shape_cast %get3A_948 : vector<1x1x16xf32> to vector<16xf32>
      %mul3A_950 = arith.constant 20 : i32
      %mul3A_951 = arith.muli %scan3A_270, %mul3A_950 : i32
      %add3A_952 = arith.constant 1 : i32
      %add3A_953 = arith.addi %mul3A_951, %add3A_952 : i32
      %get3A_954 = arith.constant 1 : i32
      %get3A_955 = arith.index_cast %get3A_954 : i32 to index
      %get3A_956 = arith.index_cast %add3A_953 : i32 to index
      %get3A_957 = arith.constant 48 : index
      %get3A_958 = tpu.vector_load %arg6[%get3A_955, %get3A_956, %get3A_957] {strides = array<i32>} : memref<2x640x64xf32, #tpu.memory_space<vmem>>, vector<1x1x16xf32>,
      %get3A_959 = vector.shape_cast %get3A_958 : vector<1x1x16xf32> to vector<16xf32>
      %add3A_960 = arith.addf %get3A_949, %get3A_959 : vector<16xf32>
      %mul3A_961 = arith.constant 20 : i32
      %mul3A_962 = arith.muli %scan3A_270, %mul3A_961 : i32
      %add3A_963 = arith.constant 2 : i32
      %add3A_964 = arith.addi %mul3A_962, %add3A_963 : i32
      %get3A_965 = arith.constant 1 : i32
      %get3A_966 = arith.index_cast %get3A_965 : i32 to index
      %get3A_967 = arith.index_cast %add3A_964 : i32 to index
      %get3A_968 = arith.constant 48 : index
      %get3A_969 = tpu.vector_load %arg6[%get3A_966, %get3A_967, %get3A_968] {strides = array<i32>} : memref<2x640x64xf32, #tpu.memory_space<vmem>>, vector<1x1x16xf32>,
      %get3A_970 = vector.shape_cast %get3A_969 : vector<1x1x16xf32> to vector<16xf32>
      %add3A_971 = arith.addf %add3A_960, %get3A_970 : vector<16xf32>
      %mul3A_972 = arith.constant 20 : i32
      %mul3A_973 = arith.muli %scan3A_270, %mul3A_972 : i32
      %add3A_974 = arith.constant 3 : i32
      %add3A_975 = arith.addi %mul3A_973, %add3A_974 : i32
      %get3A_976 = arith.constant 1 : i32
      %get3A_977 = arith.index_cast %get3A_976 : i32 to index
      %get3A_978 = arith.index_cast %add3A_975 : i32 to index
      %get3A_979 = arith.constant 48 : index
      %get3A_980 = tpu.vector_load %arg6[%get3A_977, %get3A_978, %get3A_979] {strides = array<i32>} : memref<2x640x64xf32, #tpu.memory_space<vmem>>, vector<1x1x16xf32>,
      %get3A_981 = vector.shape_cast %get3A_980 : vector<1x1x16xf32> to vector<16xf32>
      %add3A_982 = arith.addf %add3A_971, %get3A_981 : vector<16xf32>
      %mul3A_983 = arith.constant 20 : i32
      %mul3A_984 = arith.muli %scan3A_270, %mul3A_983 : i32
      %add3A_985 = arith.constant 4 : i32
      %add3A_986 = arith.addi %mul3A_984, %add3A_985 : i32
      %get3A_987 = arith.constant 1 : i32
      %get3A_988 = arith.index_cast %get3A_987 : i32 to index
      %get3A_989 = arith.index_cast %add3A_986 : i32 to index
      %get3A_990 = arith.constant 48 : index
      %get3A_991 = tpu.vector_load %arg6[%get3A_988, %get3A_989, %get3A_990] {strides = array<i32>} : memref<2x640x64xf32, #tpu.memory_space<vmem>>, vector<1x1x16xf32>,
      %get3A_992 = vector.shape_cast %get3A_991 : vector<1x1x16xf32> to vector<16xf32>
      %add3A_993 = arith.addf %add3A_982, %get3A_992 : vector<16xf32>
      %mul3A_994 = arith.constant 20 : i32
      %mul3A_995 = arith.muli %scan3A_270, %mul3A_994 : i32
      %add3A_996 = arith.constant 5 : i32
      %add3A_997 = arith.addi %mul3A_995, %add3A_996 : i32
      %get3A_998 = arith.constant 1 : i32
      %get3A_999 = arith.index_cast %get3A_998 : i32 to index
      %get3A_1000 = arith.index_cast %add3A_997 : i32 to index
      %get3A_1001 = arith.constant 48 : index
      %get3A_1002 = tpu.vector_load %arg6[%get3A_999, %get3A_1000, %get3A_1001] {strides = array<i32>} : memref<2x640x64xf32, #tpu.memory_space<vmem>>, vector<1x1x16xf32>,
      %get3A_1003 = vector.shape_cast %get3A_1002 : vector<1x1x16xf32> to vector<16xf32>
      %add3A_1004 = arith.addf %add3A_993, %get3A_1003 : vector<16xf32>
      %mul3A_1005 = arith.constant 20 : i32
      %mul3A_1006 = arith.muli %scan3A_270, %mul3A_1005 : i32
      %add3A_1007 = arith.constant 6 : i32
      %add3A_1008 = arith.addi %mul3A_1006, %add3A_1007 : i32
      %get3A_1009 = arith.constant 1 : i32
      %get3A_1010 = arith.index_cast %get3A_1009 : i32 to index
      %get3A_1011 = arith.index_cast %add3A_1008 : i32 to index
      %get3A_1012 = arith.constant 48 : index
      %get3A_1013 = tpu.vector_load %arg6[%get3A_1010, %get3A_1011, %get3A_1012] {strides = array<i32>} : memref<2x640x64xf32, #tpu.memory_space<vmem>>, vector<1x1x16xf32>,
      %get3A_1014 = vector.shape_cast %get3A_1013 : vector<1x1x16xf32> to vector<16xf32>
      %add3A_1015 = arith.addf %add3A_1004, %get3A_1014 : vector<16xf32>
      %mul3A_1016 = arith.constant 20 : i32
      %mul3A_1017 = arith.muli %scan3A_270, %mul3A_1016 : i32
      %add3A_1018 = arith.constant 7 : i32
      %add3A_1019 = arith.addi %mul3A_1017, %add3A_1018 : i32
      %get3A_1020 = arith.constant 1 : i32
      %get3A_1021 = arith.index_cast %get3A_1020 : i32 to index
      %get3A_1022 = arith.index_cast %add3A_1019 : i32 to index
      %get3A_1023 = arith.constant 48 : index
      %get3A_1024 = tpu.vector_load %arg6[%get3A_1021, %get3A_1022, %get3A_1023] {strides = array<i32>} : memref<2x640x64xf32, #tpu.memory_space<vmem>>, vector<1x1x16xf32>,
      %get3A_1025 = vector.shape_cast %get3A_1024 : vector<1x1x16xf32> to vector<16xf32>
      %add3A_1026 = arith.addf %add3A_1015, %get3A_1025 : vector<16xf32>
      %mul3A_1027 = arith.constant 20 : i32
      %mul3A_1028 = arith.muli %scan3A_270, %mul3A_1027 : i32
      %add3A_1029 = arith.constant 8 : i32
      %add3A_1030 = arith.addi %mul3A_1028, %add3A_1029 : i32
      %get3A_1031 = arith.constant 1 : i32
      %get3A_1032 = arith.index_cast %get3A_1031 : i32 to index
      %get3A_1033 = arith.index_cast %add3A_1030 : i32 to index
      %get3A_1034 = arith.constant 48 : index
      %get3A_1035 = tpu.vector_load %arg6[%get3A_1032, %get3A_1033, %get3A_1034] {strides = array<i32>} : memref<2x640x64xf32, #tpu.memory_space<vmem>>, vector<1x1x16xf32>,
      %get3A_1036 = vector.shape_cast %get3A_1035 : vector<1x1x16xf32> to vector<16xf32>
      %add3A_1037 = arith.addf %add3A_1026, %get3A_1036 : vector<16xf32>
      %mul3A_1038 = arith.constant 20 : i32
      %mul3A_1039 = arith.muli %scan3A_270, %mul3A_1038 : i32
      %add3A_1040 = arith.constant 9 : i32
      %add3A_1041 = arith.addi %mul3A_1039, %add3A_1040 : i32
      %get3A_1042 = arith.constant 1 : i32
      %get3A_1043 = arith.index_cast %get3A_1042 : i32 to index
      %get3A_1044 = arith.index_cast %add3A_1041 : i32 to index
      %get3A_1045 = arith.constant 48 : index
      %get3A_1046 = tpu.vector_load %arg6[%get3A_1043, %get3A_1044, %get3A_1045] {strides = array<i32>} : memref<2x640x64xf32, #tpu.memory_space<vmem>>, vector<1x1x16xf32>,
      %get3A_1047 = vector.shape_cast %get3A_1046 : vector<1x1x16xf32> to vector<16xf32>
      %add3A_1048 = arith.addf %add3A_1037, %get3A_1047 : vector<16xf32>
      %mul3A_1049 = arith.constant 20 : i32
      %mul3A_1050 = arith.muli %scan3A_270, %mul3A_1049 : i32
      %add3A_1051 = arith.constant 10 : i32
      %add3A_1052 = arith.addi %mul3A_1050, %add3A_1051 : i32
      %get3A_1053 = arith.constant 1 : i32
      %get3A_1054 = arith.index_cast %get3A_1053 : i32 to index
      %get3A_1055 = arith.index_cast %add3A_1052 : i32 to index
      %get3A_1056 = arith.constant 48 : index
      %get3A_1057 = tpu.vector_load %arg6[%get3A_1054, %get3A_1055, %get3A_1056] {strides = array<i32>} : memref<2x640x64xf32, #tpu.memory_space<vmem>>, vector<1x1x16xf32>,
      %get3A_1058 = vector.shape_cast %get3A_1057 : vector<1x1x16xf32> to vector<16xf32>
      %add3A_1059 = arith.addf %add3A_1048, %get3A_1058 : vector<16xf32>
      %mul3A_1060 = arith.constant 20 : i32
      %mul3A_1061 = arith.muli %scan3A_270, %mul3A_1060 : i32
      %add3A_1062 = arith.constant 11 : i32
      %add3A_1063 = arith.addi %mul3A_1061, %add3A_1062 : i32
      %get3A_1064 = arith.constant 1 : i32
      %get3A_1065 = arith.index_cast %get3A_1064 : i32 to index
      %get3A_1066 = arith.index_cast %add3A_1063 : i32 to index
      %get3A_1067 = arith.constant 48 : index
      %get3A_1068 = tpu.vector_load %arg6[%get3A_1065, %get3A_1066, %get3A_1067] {strides = array<i32>} : memref<2x640x64xf32, #tpu.memory_space<vmem>>, vector<1x1x16xf32>,
      %get3A_1069 = vector.shape_cast %get3A_1068 : vector<1x1x16xf32> to vector<16xf32>
      %add3A_1070 = arith.addf %add3A_1059, %get3A_1069 : vector<16xf32>
      %mul3A_1071 = arith.constant 20 : i32
      %mul3A_1072 = arith.muli %scan3A_270, %mul3A_1071 : i32
      %add3A_1073 = arith.constant 12 : i32
      %add3A_1074 = arith.addi %mul3A_1072, %add3A_1073 : i32
      %get3A_1075 = arith.constant 1 : i32
      %get3A_1076 = arith.index_cast %get3A_1075 : i32 to index
      %get3A_1077 = arith.index_cast %add3A_1074 : i32 to index
      %get3A_1078 = arith.constant 48 : index
      %get3A_1079 = tpu.vector_load %arg6[%get3A_1076, %get3A_1077, %get3A_1078] {strides = array<i32>} : memref<2x640x64xf32, #tpu.memory_space<vmem>>, vector<1x1x16xf32>,
      %get3A_1080 = vector.shape_cast %get3A_1079 : vector<1x1x16xf32> to vector<16xf32>
      %add3A_1081 = arith.addf %add3A_1070, %get3A_1080 : vector<16xf32>
      %mul3A_1082 = arith.constant 20 : i32
      %mul3A_1083 = arith.muli %scan3A_270, %mul3A_1082 : i32
      %add3A_1084 = arith.constant 13 : i32
      %add3A_1085 = arith.addi %mul3A_1083, %add3A_1084 : i32
      %get3A_1086 = arith.constant 1 : i32
      %get3A_1087 = arith.index_cast %get3A_1086 : i32 to index
      %get3A_1088 = arith.index_cast %add3A_1085 : i32 to index
      %get3A_1089 = arith.constant 48 : index
      %get3A_1090 = tpu.vector_load %arg6[%get3A_1087, %get3A_1088, %get3A_1089] {strides = array<i32>} : memref<2x640x64xf32, #tpu.memory_space<vmem>>, vector<1x1x16xf32>,
      %get3A_1091 = vector.shape_cast %get3A_1090 : vector<1x1x16xf32> to vector<16xf32>
      %add3A_1092 = arith.addf %add3A_1081, %get3A_1091 : vector<16xf32>
      %mul3A_1093 = arith.constant 20 : i32
      %mul3A_1094 = arith.muli %scan3A_270, %mul3A_1093 : i32
      %add3A_1095 = arith.constant 14 : i32
      %add3A_1096 = arith.addi %mul3A_1094, %add3A_1095 : i32
      %get3A_1097 = arith.constant 1 : i32
      %get3A_1098 = arith.index_cast %get3A_1097 : i32 to index
      %get3A_1099 = arith.index_cast %add3A_1096 : i32 to index
      %get3A_1100 = arith.constant 48 : index
      %get3A_1101 = tpu.vector_load %arg6[%get3A_1098, %get3A_1099, %get3A_1100] {strides = array<i32>} : memref<2x640x64xf32, #tpu.memory_space<vmem>>, vector<1x1x16xf32>,
      %get3A_1102 = vector.shape_cast %get3A_1101 : vector<1x1x16xf32> to vector<16xf32>
      %add3A_1103 = arith.addf %add3A_1092, %get3A_1102 : vector<16xf32>
      %mul3A_1104 = arith.constant 20 : i32
      %mul3A_1105 = arith.muli %scan3A_270, %mul3A_1104 : i32
      %add3A_1106 = arith.constant 15 : i32
      %add3A_1107 = arith.addi %mul3A_1105, %add3A_1106 : i32
      %get3A_1108 = arith.constant 1 : i32
      %get3A_1109 = arith.index_cast %get3A_1108 : i32 to index
      %get3A_1110 = arith.index_cast %add3A_1107 : i32 to index
      %get3A_1111 = arith.constant 48 : index
      %get3A_1112 = tpu.vector_load %arg6[%get3A_1109, %get3A_1110, %get3A_1111] {strides = array<i32>} : memref<2x640x64xf32, #tpu.memory_space<vmem>>, vector<1x1x16xf32>,
      %get3A_1113 = vector.shape_cast %get3A_1112 : vector<1x1x16xf32> to vector<16xf32>
      %add3A_1114 = arith.addf %add3A_1103, %get3A_1113 : vector<16xf32>
      %mul3A_1115 = arith.constant 20 : i32
      %mul3A_1116 = arith.muli %scan3A_270, %mul3A_1115 : i32
      %add3A_1117 = arith.constant 16 : i32
      %add3A_1118 = arith.addi %mul3A_1116, %add3A_1117 : i32
      %get3A_1119 = arith.constant 1 : i32
      %get3A_1120 = arith.index_cast %get3A_1119 : i32 to index
      %get3A_1121 = arith.index_cast %add3A_1118 : i32 to index
      %get3A_1122 = arith.constant 48 : index
      %get3A_1123 = tpu.vector_load %arg6[%get3A_1120, %get3A_1121, %get3A_1122] {strides = array<i32>} : memref<2x640x64xf32, #tpu.memory_space<vmem>>, vector<1x1x16xf32>,
      %get3A_1124 = vector.shape_cast %get3A_1123 : vector<1x1x16xf32> to vector<16xf32>
      %add3A_1125 = arith.addf %add3A_1114, %get3A_1124 : vector<16xf32>
      %mul3A_1126 = arith.constant 20 : i32
      %mul3A_1127 = arith.muli %scan3A_270, %mul3A_1126 : i32
      %add3A_1128 = arith.constant 17 : i32
      %add3A_1129 = arith.addi %mul3A_1127, %add3A_1128 : i32
      %get3A_1130 = arith.constant 1 : i32
      %get3A_1131 = arith.index_cast %get3A_1130 : i32 to index
      %get3A_1132 = arith.index_cast %add3A_1129 : i32 to index
      %get3A_1133 = arith.constant 48 : index
      %get3A_1134 = tpu.vector_load %arg6[%get3A_1131, %get3A_1132, %get3A_1133] {strides = array<i32>} : memref<2x640x64xf32, #tpu.memory_space<vmem>>, vector<1x1x16xf32>,
      %get3A_1135 = vector.shape_cast %get3A_1134 : vector<1x1x16xf32> to vector<16xf32>
      %add3A_1136 = arith.addf %add3A_1125, %get3A_1135 : vector<16xf32>
      %mul3A_1137 = arith.constant 20 : i32
      %mul3A_1138 = arith.muli %scan3A_270, %mul3A_1137 : i32
      %add3A_1139 = arith.constant 18 : i32
      %add3A_1140 = arith.addi %mul3A_1138, %add3A_1139 : i32
      %get3A_1141 = arith.constant 1 : i32
      %get3A_1142 = arith.index_cast %get3A_1141 : i32 to index
      %get3A_1143 = arith.index_cast %add3A_1140 : i32 to index
      %get3A_1144 = arith.constant 48 : index
      %get3A_1145 = tpu.vector_load %arg6[%get3A_1142, %get3A_1143, %get3A_1144] {strides = array<i32>} : memref<2x640x64xf32, #tpu.memory_space<vmem>>, vector<1x1x16xf32>,
      %get3A_1146 = vector.shape_cast %get3A_1145 : vector<1x1x16xf32> to vector<16xf32>
      %add3A_1147 = arith.addf %add3A_1136, %get3A_1146 : vector<16xf32>
      %mul3A_1148 = arith.constant 20 : i32
      %mul3A_1149 = arith.muli %scan3A_270, %mul3A_1148 : i32
      %add3A_1150 = arith.constant 19 : i32
      %add3A_1151 = arith.addi %mul3A_1149, %add3A_1150 : i32
      %get3A_1152 = arith.constant 1 : i32
      %get3A_1153 = arith.index_cast %get3A_1152 : i32 to index
      %get3A_1154 = arith.index_cast %add3A_1151 : i32 to index
      %get3A_1155 = arith.constant 48 : index
      %get3A_1156 = tpu.vector_load %arg6[%get3A_1153, %get3A_1154, %get3A_1155] {strides = array<i32>} : memref<2x640x64xf32, #tpu.memory_space<vmem>>, vector<1x1x16xf32>,
      %get3A_1157 = vector.shape_cast %get3A_1156 : vector<1x1x16xf32> to vector<16xf32>
      %add3A_1158 = arith.addf %add3A_1147, %get3A_1157 : vector<16xf32>
      %swap3A_1159 = arith.constant 1 : i32
      %swap3A_1160 = arith.index_cast %swap3A_1159 : i32 to index
      %swap3A_1161 = arith.index_cast %scan3A_270 : i32 to index
      %swap3A_1162 = arith.constant 48 : index
      %swap3A_1163 = tpu.vector_load %arg7[%swap3A_1160, %swap3A_1161, %swap3A_1162] {strides = array<i32>} : memref<2x32x64xf32, #tpu.memory_space<vmem>>, vector<1x1x16xf32>,
      %swap3A_1164 = vector.shape_cast %swap3A_1163 : vector<1x1x16xf32> to vector<16xf32>
      %swap3A_1165 = vector.shape_cast %add3A_1158 : vector<16xf32> to vector<1x1x16xf32>
      tpu.vector_store %arg7[%swap3A_1160, %swap3A_1161, %swap3A_1162], %swap3A_1165 {strides = array<i32>} : memref<2x32x64xf32, #tpu.memory_space<vmem>>, vector<1x1x16xf32>,
      %scan3A_1166 = arith.constant 0 : i32
      scf.yield %scan3A_1166 : i32
    }
    %scan3A_98 = arith.constant 32 : i32
    %add3A_99 = arith.constant 32 : i32
    %add3A_100 = arith.addi %mul3A_2, %add3A_99 : i32
    %dma_start3A_101 = arith.constant 1 : i32
    %dma_start3A_102 = arith.constant 1 : i32
    %dma_start3A_103 = arith.constant 0 : i32
    %dma_start3A_104 = arith.constant 0 : i32
    %dma_start3A_105 = tpu.memref_slice %arg7[%dma_start3A_101, %dma_start3A_103, %dma_start3A_104] : memref<2x32x64xf32, #tpu.memory_space<vmem>> -> memref<1x32x64xf32, #tpu.memory_space<vmem>>
    %dma_start3A_106 = tpu.memref_squeeze %dma_start3A_105 : memref<1x32x64xf32, #tpu.memory_space<vmem>> -> memref<32x64xf32, #tpu.memory_space<vmem>>
    %dma_start3A_107 = arith.constant 0 : i32
    %dma_start3A_108 = tpu.memref_slice %arg4[%add3A_100, %dma_start3A_107] : memref<4096x64xf32, #tpu.memory_space<hbm>> -> memref<32x64xf32, #tpu.memory_space<hbm>>
    %dma_start3A_109 = tpu.memref_slice %arg9[%dma_start3A_102] : memref<2x!tpu.dma_semaphore, #tpu.memory_space<semaphore_mem>> -> memref<1x!tpu.dma_semaphore, #tpu.memory_space<semaphore_mem>>
    %dma_start3A_110 = tpu.memref_squeeze %dma_start3A_109 : memref<1x!tpu.dma_semaphore, #tpu.memory_space<semaphore_mem>> -> memref<!tpu.dma_semaphore, #tpu.memory_space<semaphore_mem>>
    %dma_start3A_111 = arith.constant 0 : i32
    %dma_start3A_112 = tpu.memref_slice %arg4[%add3A_100, %dma_start3A_111] : memref<4096x64xf32, #tpu.memory_space<hbm>> -> memref<32x64xf32, #tpu.memory_space<hbm>>
    %dma_start3A_113 = arith.constant 0 : i32
    %dma_start3A_114 = arith.constant 0 : i32
    %dma_start3A_115 = tpu.memref_slice %arg7[%dma_start3A_101, %dma_start3A_113, %dma_start3A_114] : memref<2x32x64xf32, #tpu.memory_space<vmem>> -> memref<1x32x64xf32, #tpu.memory_space<vmem>>
    %dma_start3A_116 = tpu.memref_squeeze %dma_start3A_115 : memref<1x32x64xf32, #tpu.memory_space<vmem>> -> memref<32x64xf32, #tpu.memory_space<vmem>>
    tpu.enqueue_dma source(%dma_start3A_116 : memref<32x64xf32, #tpu.memory_space<vmem>>) target(%dma_start3A_112 : memref<32x64xf32, #tpu.memory_space<hbm>>) target_semaphore(%dma_start3A_110 : memref<!tpu.dma_semaphore, #tpu.memory_space<semaphore_mem>>)
    %dma_start3A_117 = arith.constant 1 : i32
    %dma_start3A_118 = arith.constant 1 : i32
    %dma_start3A_119 = arith.constant 0 : i32
    %dma_start3A_120 = arith.constant 0 : i32
    %dma_start3A_121 = tpu.memref_slice %arg6[%dma_start3A_117, %dma_start3A_119, %dma_start3A_120] : memref<2x640x64xf32, #tpu.memory_space<vmem>> -> memref<1x640x64xf32, #tpu.memory_space<vmem>>
    %dma_start3A_122 = tpu.memref_squeeze %dma_start3A_121 : memref<1x640x64xf32, #tpu.memory_space<vmem>> -> memref<640x64xf32, #tpu.memory_space<vmem>>
    %dma_start3A_123 = arith.constant 1920 : i32
    %dma_start3A_124 = tpu.memref_slice %arg5[%dma_start3A_123] : memref<2560xi32, #tpu.memory_space<vmem>> -> memref<640xi32, #tpu.memory_space<vmem>>
    %dma_start3A_125 = arith.constant 0 : i32
    %dma_start3A_126 = arith.constant 0 : i32
    %dma_start3A_127 = tpu.memref_slice %arg3[%dma_start3A_125, %dma_start3A_126] : memref<100000x64xf32, #tpu.memory_space<hbm>> -> memref<100000x64xf32, #tpu.memory_space<hbm>>
    %dma_start3A_128 = tpu.memref_slice %arg8[%dma_start3A_118] : memref<2x!tpu.dma_semaphore, #tpu.memory_space<semaphore_mem>> -> memref<1x!tpu.dma_semaphore, #tpu.memory_space<semaphore_mem>>
    %dma_start3A_129 = tpu.memref_squeeze %dma_start3A_128 : memref<1x!tpu.dma_semaphore, #tpu.memory_space<semaphore_mem>> -> memref<!tpu.dma_semaphore, #tpu.memory_space<semaphore_mem>>
    tpu.enqueue_indirect_dma source(%dma_start3A_127 : memref<100000x64xf32, #tpu.memory_space<hbm>>) target(%dma_start3A_122 : memref<640x64xf32, #tpu.memory_space<vmem>>) offsets(%dma_start3A_124 : memref<640xi32, #tpu.memory_space<vmem>>) semaphore(%dma_start3A_129 : memref<!tpu.dma_semaphore, #tpu.memory_space<semaphore_mem>>)
    %dma_wait3A_130 = arith.constant 0 : i32
    %dma_wait3A_131 = arith.constant 0 : i32
    %dma_wait3A_132 = arith.constant 0 : i32
    %dma_wait3A_133 = arith.constant 0 : i32
    %dma_wait3A_134 = tpu.memref_slice %arg6[%dma_wait3A_130, %dma_wait3A_132, %dma_wait3A_133] : memref<2x640x64xf32, #tpu.memory_space<vmem>> -> memref<1x640x64xf32, #tpu.memory_space<vmem>>
    %dma_wait3A_135 = tpu.memref_squeeze %dma_wait3A_134 : memref<1x640x64xf32, #tpu.memory_space<vmem>> -> memref<640x64xf32, #tpu.memory_space<vmem>>
    %dma_wait3A_136 = arith.constant 1280 : i32
    %dma_wait3A_137 = tpu.memref_slice %arg5[%dma_wait3A_136] : memref<2560xi32, #tpu.memory_space<vmem>> -> memref<640xi32, #tpu.memory_space<vmem>>
    %dma_wait3A_138 = arith.constant 0 : i32
    %dma_wait3A_139 = arith.constant 0 : i32
    %dma_wait3A_140 = tpu.memref_slice %arg3[%dma_wait3A_138, %dma_wait3A_139] : memref<100000x64xf32, #tpu.memory_space<hbm>> -> memref<100000x64xf32, #tpu.memory_space<hbm>>
    %dma_wait3A_141 = tpu.memref_slice %arg8[%dma_wait3A_131] : memref<2x!tpu.dma_semaphore, #tpu.memory_space<semaphore_mem>> -> memref<1x!tpu.dma_semaphore, #tpu.memory_space<semaphore_mem>>
    %dma_wait3A_142 = tpu.memref_squeeze %dma_wait3A_141 : memref<1x!tpu.dma_semaphore, #tpu.memory_space<semaphore_mem>> -> memref<!tpu.dma_semaphore, #tpu.memory_space<semaphore_mem>>
    tpu.wait_indirect_dma semaphore(%dma_wait3A_142 : memref<!tpu.dma_semaphore, #tpu.memory_space<semaphore_mem>>) src(%dma_wait3A_140 : memref<100000x64xf32, #tpu.memory_space<hbm>>) dst(%dma_wait3A_135 : memref<640x64xf32, #tpu.memory_space<vmem>>)
    %dma_wait3A_143 = arith.constant 0 : i32
    %dma_wait3A_144 = arith.constant 0 : i32
    %dma_wait3A_145 = arith.constant 0 : i32
    %dma_wait3A_146 = arith.constant 0 : i32
    %dma_wait3A_147 = tpu.memref_slice %arg7[%dma_wait3A_143, %dma_wait3A_145, %dma_wait3A_146] : memref<2x32x64xf32, #tpu.memory_space<vmem>> -> memref<1x32x64xf32, #tpu.memory_space<vmem>>
    %dma_wait3A_148 = tpu.memref_squeeze %dma_wait3A_147 : memref<1x32x64xf32, #tpu.memory_space<vmem>> -> memref<32x64xf32, #tpu.memory_space<vmem>>
    %dma_wait3A_149 = arith.constant 0 : i32
    %dma_wait3A_150 = tpu.memref_slice %arg4[%add3A_49, %dma_wait3A_149] : memref<4096x64xf32, #tpu.memory_space<hbm>> -> memref<32x64xf32, #tpu.memory_space<hbm>>
    %dma_wait3A_151 = tpu.memref_slice %arg9[%dma_wait3A_144] : memref<2x!tpu.dma_semaphore, #tpu.memory_space<semaphore_mem>> -> memref<1x!tpu.dma_semaphore, #tpu.memory_space<semaphore_mem>>
    %dma_wait3A_152 = tpu.memref_squeeze %dma_wait3A_151 : memref<1x!tpu.dma_semaphore, #tpu.memory_space<semaphore_mem>> -> memref<!tpu.dma_semaphore, #tpu.memory_space<semaphore_mem>>
    %dma_wait3A_153 = arith.constant 0 : i32
    %dma_wait3A_154 = tpu.memref_slice %arg4[%add3A_49, %dma_wait3A_153] : memref<4096x64xf32, #tpu.memory_space<hbm>> -> memref<32x64xf32, #tpu.memory_space<hbm>>
    %dma_wait3A_155 = arith.constant 0 : i32
    %dma_wait3A_156 = arith.constant 0 : i32
    %dma_wait3A_157 = tpu.memref_slice %arg7[%dma_wait3A_143, %dma_wait3A_155, %dma_wait3A_156] : memref<2x32x64xf32, #tpu.memory_space<vmem>> -> memref<1x32x64xf32, #tpu.memory_space<vmem>>
    %dma_wait3A_158 = tpu.memref_squeeze %dma_wait3A_157 : memref<1x32x64xf32, #tpu.memory_space<vmem>> -> memref<32x64xf32, #tpu.memory_space<vmem>>
    tpu.wait_dma2 semaphore(%dma_wait3A_152 : memref<!tpu.dma_semaphore, #tpu.memory_space<semaphore_mem>>) src(%dma_wait3A_158 : memref<32x64xf32, #tpu.memory_space<vmem>>) dst(%dma_wait3A_154 : memref<32x64xf32, #tpu.memory_space<hbm>>)
    %scan3A_159 = arith.constant 0 : i32
    %scan3A_160 = arith.constant 0 : i32
    %scan3A_161 = arith.constant 32 : i32
    %scan3A_162 = arith.addi %scan3A_160, %scan3A_161 : i32
    %scan3A_163 = arith.constant 1 : i32
    %scan3A_164 = scf.for %scan3A_270 = %scan3A_160 to %scan3A_162 step %scan3A_163 iter_args(%scan3A_271 = %scan3A_159) -> (i32)  : i32 {
      %mul3A_272 = arith.constant 20 : i32
      %mul3A_273 = arith.muli %scan3A_270, %mul3A_272 : i32
      %get3A = arith.constant 0 : i32
      %get3A_274 = arith.index_cast %get3A : i32 to index
      %get3A_275 = arith.index_cast %mul3A_273 : i32 to index
      %get3A_276 = arith.constant 0 : index
      %get3A_277 = tpu.vector_load %arg6[%get3A_274, %get3A_275, %get3A_276] {strides = array<i32>} : memref<2x640x64xf32, #tpu.memory_space<vmem>>, vector<1x1x16xf32>,
      %get3A_278 = vector.shape_cast %get3A_277 : vector<1x1x16xf32> to vector<16xf32>
      %mul3A_279 = arith.constant 20 : i32
      %mul3A_280 = arith.muli %scan3A_270, %mul3A_279 : i32
      %add3A_281 = arith.constant 1 : i32
      %add3A_282 = arith.addi %mul3A_280, %add3A_281 : i32
      %get3A_283 = arith.constant 0 : i32
      %get3A_284 = arith.index_cast %get3A_283 : i32 to index
      %get3A_285 = arith.index_cast %add3A_282 : i32 to index
      %get3A_286 = arith.constant 0 : index
      %get3A_287 = tpu.vector_load %arg6[%get3A_284, %get3A_285, %get3A_286] {strides = array<i32>} : memref<2x640x64xf32, #tpu.memory_space<vmem>>, vector<1x1x16xf32>,
      %get3A_288 = vector.shape_cast %get3A_287 : vector<1x1x16xf32> to vector<16xf32>
      %add3A_289 = arith.addf %get3A_278, %get3A_288 : vector<16xf32>
      %mul3A_290 = arith.constant 20 : i32
      %mul3A_291 = arith.muli %scan3A_270, %mul3A_290 : i32
      %add3A_292 = arith.constant 2 : i32
      %add3A_293 = arith.addi %mul3A_291, %add3A_292 : i32
      %get3A_294 = arith.constant 0 : i32
      %get3A_295 = arith.index_cast %get3A_294 : i32 to index
      %get3A_296 = arith.index_cast %add3A_293 : i32 to index
      %get3A_297 = arith.constant 0 : index
      %get3A_298 = tpu.vector_load %arg6[%get3A_295, %get3A_296, %get3A_297] {strides = array<i32>} : memref<2x640x64xf32, #tpu.memory_space<vmem>>, vector<1x1x16xf32>,
      %get3A_299 = vector.shape_cast %get3A_298 : vector<1x1x16xf32> to vector<16xf32>
      %add3A_300 = arith.addf %add3A_289, %get3A_299 : vector<16xf32>
      %mul3A_301 = arith.constant 20 : i32
      %mul3A_302 = arith.muli %scan3A_270, %mul3A_301 : i32
      %add3A_303 = arith.constant 3 : i32
      %add3A_304 = arith.addi %mul3A_302, %add3A_303 : i32
      %get3A_305 = arith.constant 0 : i32
      %get3A_306 = arith.index_cast %get3A_305 : i32 to index
      %get3A_307 = arith.index_cast %add3A_304 : i32 to index
      %get3A_308 = arith.constant 0 : index
      %get3A_309 = tpu.vector_load %arg6[%get3A_306, %get3A_307, %get3A_308] {strides = array<i32>} : memref<2x640x64xf32, #tpu.memory_space<vmem>>, vector<1x1x16xf32>,
      %get3A_310 = vector.shape_cast %get3A_309 : vector<1x1x16xf32> to vector<16xf32>
      %add3A_311 = arith.addf %add3A_300, %get3A_310 : vector<16xf32>
      %mul3A_312 = arith.constant 20 : i32
      %mul3A_313 = arith.muli %scan3A_270, %mul3A_312 : i32
      %add3A_314 = arith.constant 4 : i32
      %add3A_315 = arith.addi %mul3A_313, %add3A_314 : i32
      %get3A_316 = arith.constant 0 : i32
      %get3A_317 = arith.index_cast %get3A_316 : i32 to index
      %get3A_318 = arith.index_cast %add3A_315 : i32 to index
      %get3A_319 = arith.constant 0 : index
      %get3A_320 = tpu.vector_load %arg6[%get3A_317, %get3A_318, %get3A_319] {strides = array<i32>} : memref<2x640x64xf32, #tpu.memory_space<vmem>>, vector<1x1x16xf32>,
      %get3A_321 = vector.shape_cast %get3A_320 : vector<1x1x16xf32> to vector<16xf32>
      %add3A_322 = arith.addf %add3A_311, %get3A_321 : vector<16xf32>
      %mul3A_323 = arith.constant 20 : i32
      %mul3A_324 = arith.muli %scan3A_270, %mul3A_323 : i32
      %add3A_325 = arith.constant 5 : i32
      %add3A_326 = arith.addi %mul3A_324, %add3A_325 : i32
      %get3A_327 = arith.constant 0 : i32
      %get3A_328 = arith.index_cast %get3A_327 : i32 to index
      %get3A_329 = arith.index_cast %add3A_326 : i32 to index
      %get3A_330 = arith.constant 0 : index
      %get3A_331 = tpu.vector_load %arg6[%get3A_328, %get3A_329, %get3A_330] {strides = array<i32>} : memref<2x640x64xf32, #tpu.memory_space<vmem>>, vector<1x1x16xf32>,
      %get3A_332 = vector.shape_cast %get3A_331 : vector<1x1x16xf32> to vector<16xf32>
      %add3A_333 = arith.addf %add3A_322, %get3A_332 : vector<16xf32>
      %mul3A_334 = arith.constant 20 : i32
      %mul3A_335 = arith.muli %scan3A_270, %mul3A_334 : i32
      %add3A_336 = arith.constant 6 : i32
      %add3A_337 = arith.addi %mul3A_335, %add3A_336 : i32
      %get3A_338 = arith.constant 0 : i32
      %get3A_339 = arith.index_cast %get3A_338 : i32 to index
      %get3A_340 = arith.index_cast %add3A_337 : i32 to index
      %get3A_341 = arith.constant 0 : index
      %get3A_342 = tpu.vector_load %arg6[%get3A_339, %get3A_340, %get3A_341] {strides = array<i32>} : memref<2x640x64xf32, #tpu.memory_space<vmem>>, vector<1x1x16xf32>,
      %get3A_343 = vector.shape_cast %get3A_342 : vector<1x1x16xf32> to vector<16xf32>
      %add3A_344 = arith.addf %add3A_333, %get3A_343 : vector<16xf32>
      %mul3A_345 = arith.constant 20 : i32
      %mul3A_346 = arith.muli %scan3A_270, %mul3A_345 : i32
      %add3A_347 = arith.constant 7 : i32
      %add3A_348 = arith.addi %mul3A_346, %add3A_347 : i32
      %get3A_349 = arith.constant 0 : i32
      %get3A_350 = arith.index_cast %get3A_349 : i32 to index
      %get3A_351 = arith.index_cast %add3A_348 : i32 to index
      %get3A_352 = arith.constant 0 : index
      %get3A_353 = tpu.vector_load %arg6[%get3A_350, %get3A_351, %get3A_352] {strides = array<i32>} : memref<2x640x64xf32, #tpu.memory_space<vmem>>, vector<1x1x16xf32>,
      %get3A_354 = vector.shape_cast %get3A_353 : vector<1x1x16xf32> to vector<16xf32>
      %add3A_355 = arith.addf %add3A_344, %get3A_354 : vector<16xf32>
      %mul3A_356 = arith.constant 20 : i32
      %mul3A_357 = arith.muli %scan3A_270, %mul3A_356 : i32
      %add3A_358 = arith.constant 8 : i32
      %add3A_359 = arith.addi %mul3A_357, %add3A_358 : i32
      %get3A_360 = arith.constant 0 : i32
      %get3A_361 = arith.index_cast %get3A_360 : i32 to index
      %get3A_362 = arith.index_cast %add3A_359 : i32 to index
      %get3A_363 = arith.constant 0 : index
      %get3A_364 = tpu.vector_load %arg6[%get3A_361, %get3A_362, %get3A_363] {strides = array<i32>} : memref<2x640x64xf32, #tpu.memory_space<vmem>>, vector<1x1x16xf32>,
      %get3A_365 = vector.shape_cast %get3A_364 : vector<1x1x16xf32> to vector<16xf32>
      %add3A_366 = arith.addf %add3A_355, %get3A_365 : vector<16xf32>
      %mul3A_367 = arith.constant 20 : i32
      %mul3A_368 = arith.muli %scan3A_270, %mul3A_367 : i32
      %add3A_369 = arith.constant 9 : i32
      %add3A_370 = arith.addi %mul3A_368, %add3A_369 : i32
      %get3A_371 = arith.constant 0 : i32
      %get3A_372 = arith.index_cast %get3A_371 : i32 to index
      %get3A_373 = arith.index_cast %add3A_370 : i32 to index
      %get3A_374 = arith.constant 0 : index
      %get3A_375 = tpu.vector_load %arg6[%get3A_372, %get3A_373, %get3A_374] {strides = array<i32>} : memref<2x640x64xf32, #tpu.memory_space<vmem>>, vector<1x1x16xf32>,
      %get3A_376 = vector.shape_cast %get3A_375 : vector<1x1x16xf32> to vector<16xf32>
      %add3A_377 = arith.addf %add3A_366, %get3A_376 : vector<16xf32>
      %mul3A_378 = arith.constant 20 : i32
      %mul3A_379 = arith.muli %scan3A_270, %mul3A_378 : i32
      %add3A_380 = arith.constant 10 : i32
      %add3A_381 = arith.addi %mul3A_379, %add3A_380 : i32
      %get3A_382 = arith.constant 0 : i32
      %get3A_383 = arith.index_cast %get3A_382 : i32 to index
      %get3A_384 = arith.index_cast %add3A_381 : i32 to index
      %get3A_385 = arith.constant 0 : index
      %get3A_386 = tpu.vector_load %arg6[%get3A_383, %get3A_384, %get3A_385] {strides = array<i32>} : memref<2x640x64xf32, #tpu.memory_space<vmem>>, vector<1x1x16xf32>,
      %get3A_387 = vector.shape_cast %get3A_386 : vector<1x1x16xf32> to vector<16xf32>
      %add3A_388 = arith.addf %add3A_377, %get3A_387 : vector<16xf32>
      %mul3A_389 = arith.constant 20 : i32
      %mul3A_390 = arith.muli %scan3A_270, %mul3A_389 : i32
      %add3A_391 = arith.constant 11 : i32
      %add3A_392 = arith.addi %mul3A_390, %add3A_391 : i32
      %get3A_393 = arith.constant 0 : i32
      %get3A_394 = arith.index_cast %get3A_393 : i32 to index
      %get3A_395 = arith.index_cast %add3A_392 : i32 to index
      %get3A_396 = arith.constant 0 : index
      %get3A_397 = tpu.vector_load %arg6[%get3A_394, %get3A_395, %get3A_396] {strides = array<i32>} : memref<2x640x64xf32, #tpu.memory_space<vmem>>, vector<1x1x16xf32>,
      %get3A_398 = vector.shape_cast %get3A_397 : vector<1x1x16xf32> to vector<16xf32>
      %add3A_399 = arith.addf %add3A_388, %get3A_398 : vector<16xf32>
      %mul3A_400 = arith.constant 20 : i32
      %mul3A_401 = arith.muli %scan3A_270, %mul3A_400 : i32
      %add3A_402 = arith.constant 12 : i32
      %add3A_403 = arith.addi %mul3A_401, %add3A_402 : i32
      %get3A_404 = arith.constant 0 : i32
      %get3A_405 = arith.index_cast %get3A_404 : i32 to index
      %get3A_406 = arith.index_cast %add3A_403 : i32 to index
      %get3A_407 = arith.constant 0 : index
      %get3A_408 = tpu.vector_load %arg6[%get3A_405, %get3A_406, %get3A_407] {strides = array<i32>} : memref<2x640x64xf32, #tpu.memory_space<vmem>>, vector<1x1x16xf32>,
      %get3A_409 = vector.shape_cast %get3A_408 : vector<1x1x16xf32> to vector<16xf32>
      %add3A_410 = arith.addf %add3A_399, %get3A_409 : vector<16xf32>
      %mul3A_411 = arith.constant 20 : i32
      %mul3A_412 = arith.muli %scan3A_270, %mul3A_411 : i32
      %add3A_413 = arith.constant 13 : i32
      %add3A_414 = arith.addi %mul3A_412, %add3A_413 : i32
      %get3A_415 = arith.constant 0 : i32
      %get3A_416 = arith.index_cast %get3A_415 : i32 to index
      %get3A_417 = arith.index_cast %add3A_414 : i32 to index
      %get3A_418 = arith.constant 0 : index
      %get3A_419 = tpu.vector_load %arg6[%get3A_416, %get3A_417, %get3A_418] {strides = array<i32>} : memref<2x640x64xf32, #tpu.memory_space<vmem>>, vector<1x1x16xf32>,
      %get3A_420 = vector.shape_cast %get3A_419 : vector<1x1x16xf32> to vector<16xf32>
      %add3A_421 = arith.addf %add3A_410, %get3A_420 : vector<16xf32>
      %mul3A_422 = arith.constant 20 : i32
      %mul3A_423 = arith.muli %scan3A_270, %mul3A_422 : i32
      %add3A_424 = arith.constant 14 : i32
      %add3A_425 = arith.addi %mul3A_423, %add3A_424 : i32
      %get3A_426 = arith.constant 0 : i32
      %get3A_427 = arith.index_cast %get3A_426 : i32 to index
      %get3A_428 = arith.index_cast %add3A_425 : i32 to index
      %get3A_429 = arith.constant 0 : index
      %get3A_430 = tpu.vector_load %arg6[%get3A_427, %get3A_428, %get3A_429] {strides = array<i32>} : memref<2x640x64xf32, #tpu.memory_space<vmem>>, vector<1x1x16xf32>,
      %get3A_431 = vector.shape_cast %get3A_430 : vector<1x1x16xf32> to vector<16xf32>
      %add3A_432 = arith.addf %add3A_421, %get3A_431 : vector<16xf32>
      %mul3A_433 = arith.constant 20 : i32
      %mul3A_434 = arith.muli %scan3A_270, %mul3A_433 : i32
      %add3A_435 = arith.constant 15 : i32
      %add3A_436 = arith.addi %mul3A_434, %add3A_435 : i32
      %get3A_437 = arith.constant 0 : i32
      %get3A_438 = arith.index_cast %get3A_437 : i32 to index
      %get3A_439 = arith.index_cast %add3A_436 : i32 to index
      %get3A_440 = arith.constant 0 : index
      %get3A_441 = tpu.vector_load %arg6[%get3A_438, %get3A_439, %get3A_440] {strides = array<i32>} : memref<2x640x64xf32, #tpu.memory_space<vmem>>, vector<1x1x16xf32>,
      %get3A_442 = vector.shape_cast %get3A_441 : vector<1x1x16xf32> to vector<16xf32>
      %add3A_443 = arith.addf %add3A_432, %get3A_442 : vector<16xf32>
      %mul3A_444 = arith.constant 20 : i32
      %mul3A_445 = arith.muli %scan3A_270, %mul3A_444 : i32
      %add3A_446 = arith.constant 16 : i32
      %add3A_447 = arith.addi %mul3A_445, %add3A_446 : i32
      %get3A_448 = arith.constant 0 : i32
      %get3A_449 = arith.index_cast %get3A_448 : i32 to index
      %get3A_450 = arith.index_cast %add3A_447 : i32 to index
      %get3A_451 = arith.constant 0 : index
      %get3A_452 = tpu.vector_load %arg6[%get3A_449, %get3A_450, %get3A_451] {strides = array<i32>} : memref<2x640x64xf32, #tpu.memory_space<vmem>>, vector<1x1x16xf32>,
      %get3A_453 = vector.shape_cast %get3A_452 : vector<1x1x16xf32> to vector<16xf32>
      %add3A_454 = arith.addf %add3A_443, %get3A_453 : vector<16xf32>
      %mul3A_455 = arith.constant 20 : i32
      %mul3A_456 = arith.muli %scan3A_270, %mul3A_455 : i32
      %add3A_457 = arith.constant 17 : i32
      %add3A_458 = arith.addi %mul3A_456, %add3A_457 : i32
      %get3A_459 = arith.constant 0 : i32
      %get3A_460 = arith.index_cast %get3A_459 : i32 to index
      %get3A_461 = arith.index_cast %add3A_458 : i32 to index
      %get3A_462 = arith.constant 0 : index
      %get3A_463 = tpu.vector_load %arg6[%get3A_460, %get3A_461, %get3A_462] {strides = array<i32>} : memref<2x640x64xf32, #tpu.memory_space<vmem>>, vector<1x1x16xf32>,
      %get3A_464 = vector.shape_cast %get3A_463 : vector<1x1x16xf32> to vector<16xf32>
      %add3A_465 = arith.addf %add3A_454, %get3A_464 : vector<16xf32>
      %mul3A_466 = arith.constant 20 : i32
      %mul3A_467 = arith.muli %scan3A_270, %mul3A_466 : i32
      %add3A_468 = arith.constant 18 : i32
      %add3A_469 = arith.addi %mul3A_467, %add3A_468 : i32
      %get3A_470 = arith.constant 0 : i32
      %get3A_471 = arith.index_cast %get3A_470 : i32 to index
      %get3A_472 = arith.index_cast %add3A_469 : i32 to index
      %get3A_473 = arith.constant 0 : index
      %get3A_474 = tpu.vector_load %arg6[%get3A_471, %get3A_472, %get3A_473] {strides = array<i32>} : memref<2x640x64xf32, #tpu.memory_space<vmem>>, vector<1x1x16xf32>,
      %get3A_475 = vector.shape_cast %get3A_474 : vector<1x1x16xf32> to vector<16xf32>
      %add3A_476 = arith.addf %add3A_465, %get3A_475 : vector<16xf32>
      %mul3A_477 = arith.constant 20 : i32
      %mul3A_478 = arith.muli %scan3A_270, %mul3A_477 : i32
      %add3A_479 = arith.constant 19 : i32
      %add3A_480 = arith.addi %mul3A_478, %add3A_479 : i32
      %get3A_481 = arith.constant 0 : i32
      %get3A_482 = arith.index_cast %get3A_481 : i32 to index
      %get3A_483 = arith.index_cast %add3A_480 : i32 to index
      %get3A_484 = arith.constant 0 : index
      %get3A_485 = tpu.vector_load %arg6[%get3A_482, %get3A_483, %get3A_484] {strides = array<i32>} : memref<2x640x64xf32, #tpu.memory_space<vmem>>, vector<1x1x16xf32>,
      %get3A_486 = vector.shape_cast %get3A_485 : vector<1x1x16xf32> to vector<16xf32>
      %add3A_487 = arith.addf %add3A_476, %get3A_486 : vector<16xf32>
      %swap3A = arith.constant 0 : i32
      %swap3A_488 = arith.index_cast %swap3A : i32 to index
      %swap3A_489 = arith.index_cast %scan3A_270 : i32 to index
      %swap3A_490 = arith.constant 0 : index
      %swap3A_491 = tpu.vector_load %arg7[%swap3A_488, %swap3A_489, %swap3A_490] {strides = array<i32>} : memref<2x32x64xf32, #tpu.memory_space<vmem>>, vector<1x1x16xf32>,
      %swap3A_492 = vector.shape_cast %swap3A_491 : vector<1x1x16xf32> to vector<16xf32>
      %swap3A_493 = vector.shape_cast %add3A_487 : vector<16xf32> to vector<1x1x16xf32>
      tpu.vector_store %arg7[%swap3A_488, %swap3A_489, %swap3A_490], %swap3A_493 {strides = array<i32>} : memref<2x32x64xf32, #tpu.memory_space<vmem>>, vector<1x1x16xf32>,
      %mul3A_494 = arith.constant 20 : i32
      %mul3A_495 = arith.muli %scan3A_270, %mul3A_494 : i32
      %get3A_496 = arith.constant 0 : i32
      %get3A_497 = arith.index_cast %get3A_496 : i32 to index
      %get3A_498 = arith.index_cast %mul3A_495 : i32 to index
      %get3A_499 = arith.constant 16 : index
      %get3A_500 = tpu.vector_load %arg6[%get3A_497, %get3A_498, %get3A_499] {strides = array<i32>} : memref<2x640x64xf32, #tpu.memory_space<vmem>>, vector<1x1x16xf32>,
      %get3A_501 = vector.shape_cast %get3A_500 : vector<1x1x16xf32> to vector<16xf32>
      %mul3A_502 = arith.constant 20 : i32
      %mul3A_503 = arith.muli %scan3A_270, %mul3A_502 : i32
      %add3A_504 = arith.constant 1 : i32
      %add3A_505 = arith.addi %mul3A_503, %add3A_504 : i32
      %get3A_506 = arith.constant 0 : i32
      %get3A_507 = arith.index_cast %get3A_506 : i32 to index
      %get3A_508 = arith.index_cast %add3A_505 : i32 to index
      %get3A_509 = arith.constant 16 : index
      %get3A_510 = tpu.vector_load %arg6[%get3A_507, %get3A_508, %get3A_509] {strides = array<i32>} : memref<2x640x64xf32, #tpu.memory_space<vmem>>, vector<1x1x16xf32>,
      %get3A_511 = vector.shape_cast %get3A_510 : vector<1x1x16xf32> to vector<16xf32>
      %add3A_512 = arith.addf %get3A_501, %get3A_511 : vector<16xf32>
      %mul3A_513 = arith.constant 20 : i32
      %mul3A_514 = arith.muli %scan3A_270, %mul3A_513 : i32
      %add3A_515 = arith.constant 2 : i32
      %add3A_516 = arith.addi %mul3A_514, %add3A_515 : i32
      %get3A_517 = arith.constant 0 : i32
      %get3A_518 = arith.index_cast %get3A_517 : i32 to index
      %get3A_519 = arith.index_cast %add3A_516 : i32 to index
      %get3A_520 = arith.constant 16 : index
      %get3A_521 = tpu.vector_load %arg6[%get3A_518, %get3A_519, %get3A_520] {strides = array<i32>} : memref<2x640x64xf32, #tpu.memory_space<vmem>>, vector<1x1x16xf32>,
      %get3A_522 = vector.shape_cast %get3A_521 : vector<1x1x16xf32> to vector<16xf32>
      %add3A_523 = arith.addf %add3A_512, %get3A_522 : vector<16xf32>
      %mul3A_524 = arith.constant 20 : i32
      %mul3A_525 = arith.muli %scan3A_270, %mul3A_524 : i32
      %add3A_526 = arith.constant 3 : i32
      %add3A_527 = arith.addi %mul3A_525, %add3A_526 : i32
      %get3A_528 = arith.constant 0 : i32
      %get3A_529 = arith.index_cast %get3A_528 : i32 to index
      %get3A_530 = arith.index_cast %add3A_527 : i32 to index
      %get3A_531 = arith.constant 16 : index
      %get3A_532 = tpu.vector_load %arg6[%get3A_529, %get3A_530, %get3A_531] {strides = array<i32>} : memref<2x640x64xf32, #tpu.memory_space<vmem>>, vector<1x1x16xf32>,
      %get3A_533 = vector.shape_cast %get3A_532 : vector<1x1x16xf32> to vector<16xf32>
      %add3A_534 = arith.addf %add3A_523, %get3A_533 : vector<16xf32>
      %mul3A_535 = arith.constant 20 : i32
      %mul3A_536 = arith.muli %scan3A_270, %mul3A_535 : i32
      %add3A_537 = arith.constant 4 : i32
      %add3A_538 = arith.addi %mul3A_536, %add3A_537 : i32
      %get3A_539 = arith.constant 0 : i32
      %get3A_540 = arith.index_cast %get3A_539 : i32 to index
      %get3A_541 = arith.index_cast %add3A_538 : i32 to index
      %get3A_542 = arith.constant 16 : index
      %get3A_543 = tpu.vector_load %arg6[%get3A_540, %get3A_541, %get3A_542] {strides = array<i32>} : memref<2x640x64xf32, #tpu.memory_space<vmem>>, vector<1x1x16xf32>,
      %get3A_544 = vector.shape_cast %get3A_543 : vector<1x1x16xf32> to vector<16xf32>
      %add3A_545 = arith.addf %add3A_534, %get3A_544 : vector<16xf32>
      %mul3A_546 = arith.constant 20 : i32
      %mul3A_547 = arith.muli %scan3A_270, %mul3A_546 : i32
      %add3A_548 = arith.constant 5 : i32
      %add3A_549 = arith.addi %mul3A_547, %add3A_548 : i32
      %get3A_550 = arith.constant 0 : i32
      %get3A_551 = arith.index_cast %get3A_550 : i32 to index
      %get3A_552 = arith.index_cast %add3A_549 : i32 to index
      %get3A_553 = arith.constant 16 : index
      %get3A_554 = tpu.vector_load %arg6[%get3A_551, %get3A_552, %get3A_553] {strides = array<i32>} : memref<2x640x64xf32, #tpu.memory_space<vmem>>, vector<1x1x16xf32>,
      %get3A_555 = vector.shape_cast %get3A_554 : vector<1x1x16xf32> to vector<16xf32>
      %add3A_556 = arith.addf %add3A_545, %get3A_555 : vector<16xf32>
      %mul3A_557 = arith.constant 20 : i32
      %mul3A_558 = arith.muli %scan3A_270, %mul3A_557 : i32
      %add3A_559 = arith.constant 6 : i32
      %add3A_560 = arith.addi %mul3A_558, %add3A_559 : i32
      %get3A_561 = arith.constant 0 : i32
      %get3A_562 = arith.index_cast %get3A_561 : i32 to index
      %get3A_563 = arith.index_cast %add3A_560 : i32 to index
      %get3A_564 = arith.constant 16 : index
      %get3A_565 = tpu.vector_load %arg6[%get3A_562, %get3A_563, %get3A_564] {strides = array<i32>} : memref<2x640x64xf32, #tpu.memory_space<vmem>>, vector<1x1x16xf32>,
      %get3A_566 = vector.shape_cast %get3A_565 : vector<1x1x16xf32> to vector<16xf32>
      %add3A_567 = arith.addf %add3A_556, %get3A_566 : vector<16xf32>
      %mul3A_568 = arith.constant 20 : i32
      %mul3A_569 = arith.muli %scan3A_270, %mul3A_568 : i32
      %add3A_570 = arith.constant 7 : i32
      %add3A_571 = arith.addi %mul3A_569, %add3A_570 : i32
      %get3A_572 = arith.constant 0 : i32
      %get3A_573 = arith.index_cast %get3A_572 : i32 to index
      %get3A_574 = arith.index_cast %add3A_571 : i32 to index
      %get3A_575 = arith.constant 16 : index
      %get3A_576 = tpu.vector_load %arg6[%get3A_573, %get3A_574, %get3A_575] {strides = array<i32>} : memref<2x640x64xf32, #tpu.memory_space<vmem>>, vector<1x1x16xf32>,
      %get3A_577 = vector.shape_cast %get3A_576 : vector<1x1x16xf32> to vector<16xf32>
      %add3A_578 = arith.addf %add3A_567, %get3A_577 : vector<16xf32>
      %mul3A_579 = arith.constant 20 : i32
      %mul3A_580 = arith.muli %scan3A_270, %mul3A_579 : i32
      %add3A_581 = arith.constant 8 : i32
      %add3A_582 = arith.addi %mul3A_580, %add3A_581 : i32
      %get3A_583 = arith.constant 0 : i32
      %get3A_584 = arith.index_cast %get3A_583 : i32 to index
      %get3A_585 = arith.index_cast %add3A_582 : i32 to index
      %get3A_586 = arith.constant 16 : index
      %get3A_587 = tpu.vector_load %arg6[%get3A_584, %get3A_585, %get3A_586] {strides = array<i32>} : memref<2x640x64xf32, #tpu.memory_space<vmem>>, vector<1x1x16xf32>,
      %get3A_588 = vector.shape_cast %get3A_587 : vector<1x1x16xf32> to vector<16xf32>
      %add3A_589 = arith.addf %add3A_578, %get3A_588 : vector<16xf32>
      %mul3A_590 = arith.constant 20 : i32
      %mul3A_591 = arith.muli %scan3A_270, %mul3A_590 : i32
      %add3A_592 = arith.constant 9 : i32
      %add3A_593 = arith.addi %mul3A_591, %add3A_592 : i32
      %get3A_594 = arith.constant 0 : i32
      %get3A_595 = arith.index_cast %get3A_594 : i32 to index
      %get3A_596 = arith.index_cast %add3A_593 : i32 to index
      %get3A_597 = arith.constant 16 : index
      %get3A_598 = tpu.vector_load %arg6[%get3A_595, %get3A_596, %get3A_597] {strides = array<i32>} : memref<2x640x64xf32, #tpu.memory_space<vmem>>, vector<1x1x16xf32>,
      %get3A_599 = vector.shape_cast %get3A_598 : vector<1x1x16xf32> to vector<16xf32>
      %add3A_600 = arith.addf %add3A_589, %get3A_599 : vector<16xf32>
      %mul3A_601 = arith.constant 20 : i32
      %mul3A_602 = arith.muli %scan3A_270, %mul3A_601 : i32
      %add3A_603 = arith.constant 10 : i32
      %add3A_604 = arith.addi %mul3A_602, %add3A_603 : i32
      %get3A_605 = arith.constant 0 : i32
      %get3A_606 = arith.index_cast %get3A_605 : i32 to index
      %get3A_607 = arith.index_cast %add3A_604 : i32 to index
      %get3A_608 = arith.constant 16 : index
      %get3A_609 = tpu.vector_load %arg6[%get3A_606, %get3A_607, %get3A_608] {strides = array<i32>} : memref<2x640x64xf32, #tpu.memory_space<vmem>>, vector<1x1x16xf32>,
      %get3A_610 = vector.shape_cast %get3A_609 : vector<1x1x16xf32> to vector<16xf32>
      %add3A_611 = arith.addf %add3A_600, %get3A_610 : vector<16xf32>
      %mul3A_612 = arith.constant 20 : i32
      %mul3A_613 = arith.muli %scan3A_270, %mul3A_612 : i32
      %add3A_614 = arith.constant 11 : i32
      %add3A_615 = arith.addi %mul3A_613, %add3A_614 : i32
      %get3A_616 = arith.constant 0 : i32
      %get3A_617 = arith.index_cast %get3A_616 : i32 to index
      %get3A_618 = arith.index_cast %add3A_615 : i32 to index
      %get3A_619 = arith.constant 16 : index
      %get3A_620 = tpu.vector_load %arg6[%get3A_617, %get3A_618, %get3A_619] {strides = array<i32>} : memref<2x640x64xf32, #tpu.memory_space<vmem>>, vector<1x1x16xf32>,
      %get3A_621 = vector.shape_cast %get3A_620 : vector<1x1x16xf32> to vector<16xf32>
      %add3A_622 = arith.addf %add3A_611, %get3A_621 : vector<16xf32>
      %mul3A_623 = arith.constant 20 : i32
      %mul3A_624 = arith.muli %scan3A_270, %mul3A_623 : i32
      %add3A_625 = arith.constant 12 : i32
      %add3A_626 = arith.addi %mul3A_624, %add3A_625 : i32
      %get3A_627 = arith.constant 0 : i32
      %get3A_628 = arith.index_cast %get3A_627 : i32 to index
      %get3A_629 = arith.index_cast %add3A_626 : i32 to index
      %get3A_630 = arith.constant 16 : index
      %get3A_631 = tpu.vector_load %arg6[%get3A_628, %get3A_629, %get3A_630] {strides = array<i32>} : memref<2x640x64xf32, #tpu.memory_space<vmem>>, vector<1x1x16xf32>,
      %get3A_632 = vector.shape_cast %get3A_631 : vector<1x1x16xf32> to vector<16xf32>
      %add3A_633 = arith.addf %add3A_622, %get3A_632 : vector<16xf32>
      %mul3A_634 = arith.constant 20 : i32
      %mul3A_635 = arith.muli %scan3A_270, %mul3A_634 : i32
      %add3A_636 = arith.constant 13 : i32
      %add3A_637 = arith.addi %mul3A_635, %add3A_636 : i32
      %get3A_638 = arith.constant 0 : i32
      %get3A_639 = arith.index_cast %get3A_638 : i32 to index
      %get3A_640 = arith.index_cast %add3A_637 : i32 to index
      %get3A_641 = arith.constant 16 : index
      %get3A_642 = tpu.vector_load %arg6[%get3A_639, %get3A_640, %get3A_641] {strides = array<i32>} : memref<2x640x64xf32, #tpu.memory_space<vmem>>, vector<1x1x16xf32>,
      %get3A_643 = vector.shape_cast %get3A_642 : vector<1x1x16xf32> to vector<16xf32>
      %add3A_644 = arith.addf %add3A_633, %get3A_643 : vector<16xf32>
      %mul3A_645 = arith.constant 20 : i32
      %mul3A_646 = arith.muli %scan3A_270, %mul3A_645 : i32
      %add3A_647 = arith.constant 14 : i32
      %add3A_648 = arith.addi %mul3A_646, %add3A_647 : i32
      %get3A_649 = arith.constant 0 : i32
      %get3A_650 = arith.index_cast %get3A_649 : i32 to index
      %get3A_651 = arith.index_cast %add3A_648 : i32 to index
      %get3A_652 = arith.constant 16 : index
      %get3A_653 = tpu.vector_load %arg6[%get3A_650, %get3A_651, %get3A_652] {strides = array<i32>} : memref<2x640x64xf32, #tpu.memory_space<vmem>>, vector<1x1x16xf32>,
      %get3A_654 = vector.shape_cast %get3A_653 : vector<1x1x16xf32> to vector<16xf32>
      %add3A_655 = arith.addf %add3A_644, %get3A_654 : vector<16xf32>
      %mul3A_656 = arith.constant 20 : i32
      %mul3A_657 = arith.muli %scan3A_270, %mul3A_656 : i32
      %add3A_658 = arith.constant 15 : i32
      %add3A_659 = arith.addi %mul3A_657, %add3A_658 : i32
      %get3A_660 = arith.constant 0 : i32
      %get3A_661 = arith.index_cast %get3A_660 : i32 to index
      %get3A_662 = arith.index_cast %add3A_659 : i32 to index
      %get3A_663 = arith.constant 16 : index
      %get3A_664 = tpu.vector_load %arg6[%get3A_661, %get3A_662, %get3A_663] {strides = array<i32>} : memref<2x640x64xf32, #tpu.memory_space<vmem>>, vector<1x1x16xf32>,
      %get3A_665 = vector.shape_cast %get3A_664 : vector<1x1x16xf32> to vector<16xf32>
      %add3A_666 = arith.addf %add3A_655, %get3A_665 : vector<16xf32>
      %mul3A_667 = arith.constant 20 : i32
      %mul3A_668 = arith.muli %scan3A_270, %mul3A_667 : i32
      %add3A_669 = arith.constant 16 : i32
      %add3A_670 = arith.addi %mul3A_668, %add3A_669 : i32
      %get3A_671 = arith.constant 0 : i32
      %get3A_672 = arith.index_cast %get3A_671 : i32 to index
      %get3A_673 = arith.index_cast %add3A_670 : i32 to index
      %get3A_674 = arith.constant 16 : index
      %get3A_675 = tpu.vector_load %arg6[%get3A_672, %get3A_673, %get3A_674] {strides = array<i32>} : memref<2x640x64xf32, #tpu.memory_space<vmem>>, vector<1x1x16xf32>,
      %get3A_676 = vector.shape_cast %get3A_675 : vector<1x1x16xf32> to vector<16xf32>
      %add3A_677 = arith.addf %add3A_666, %get3A_676 : vector<16xf32>
      %mul3A_678 = arith.constant 20 : i32
      %mul3A_679 = arith.muli %scan3A_270, %mul3A_678 : i32
      %add3A_680 = arith.constant 17 : i32
      %add3A_681 = arith.addi %mul3A_679, %add3A_680 : i32
      %get3A_682 = arith.constant 0 : i32
      %get3A_683 = arith.index_cast %get3A_682 : i32 to index
      %get3A_684 = arith.index_cast %add3A_681 : i32 to index
      %get3A_685 = arith.constant 16 : index
      %get3A_686 = tpu.vector_load %arg6[%get3A_683, %get3A_684, %get3A_685] {strides = array<i32>} : memref<2x640x64xf32, #tpu.memory_space<vmem>>, vector<1x1x16xf32>,
      %get3A_687 = vector.shape_cast %get3A_686 : vector<1x1x16xf32> to vector<16xf32>
      %add3A_688 = arith.addf %add3A_677, %get3A_687 : vector<16xf32>
      %mul3A_689 = arith.constant 20 : i32
      %mul3A_690 = arith.muli %scan3A_270, %mul3A_689 : i32
      %add3A_691 = arith.constant 18 : i32
      %add3A_692 = arith.addi %mul3A_690, %add3A_691 : i32
      %get3A_693 = arith.constant 0 : i32
      %get3A_694 = arith.index_cast %get3A_693 : i32 to index
      %get3A_695 = arith.index_cast %add3A_692 : i32 to index
      %get3A_696 = arith.constant 16 : index
      %get3A_697 = tpu.vector_load %arg6[%get3A_694, %get3A_695, %get3A_696] {strides = array<i32>} : memref<2x640x64xf32, #tpu.memory_space<vmem>>, vector<1x1x16xf32>,
      %get3A_698 = vector.shape_cast %get3A_697 : vector<1x1x16xf32> to vector<16xf32>
      %add3A_699 = arith.addf %add3A_688, %get3A_698 : vector<16xf32>
      %mul3A_700 = arith.constant 20 : i32
      %mul3A_701 = arith.muli %scan3A_270, %mul3A_700 : i32
      %add3A_702 = arith.constant 19 : i32
      %add3A_703 = arith.addi %mul3A_701, %add3A_702 : i32
      %get3A_704 = arith.constant 0 : i32
      %get3A_705 = arith.index_cast %get3A_704 : i32 to index
      %get3A_706 = arith.index_cast %add3A_703 : i32 to index
      %get3A_707 = arith.constant 16 : index
      %get3A_708 = tpu.vector_load %arg6[%get3A_705, %get3A_706, %get3A_707] {strides = array<i32>} : memref<2x640x64xf32, #tpu.memory_space<vmem>>, vector<1x1x16xf32>,
      %get3A_709 = vector.shape_cast %get3A_708 : vector<1x1x16xf32> to vector<16xf32>
      %add3A_710 = arith.addf %add3A_699, %get3A_709 : vector<16xf32>
      %swap3A_711 = arith.constant 0 : i32
      %swap3A_712 = arith.index_cast %swap3A_711 : i32 to index
      %swap3A_713 = arith.index_cast %scan3A_270 : i32 to index
      %swap3A_714 = arith.constant 16 : index
      %swap3A_715 = tpu.vector_load %arg7[%swap3A_712, %swap3A_713, %swap3A_714] {strides = array<i32>} : memref<2x32x64xf32, #tpu.memory_space<vmem>>, vector<1x1x16xf32>,
      %swap3A_716 = vector.shape_cast %swap3A_715 : vector<1x1x16xf32> to vector<16xf32>
      %swap3A_717 = vector.shape_cast %add3A_710 : vector<16xf32> to vector<1x1x16xf32>
      tpu.vector_store %arg7[%swap3A_712, %swap3A_713, %swap3A_714], %swap3A_717 {strides = array<i32>} : memref<2x32x64xf32, #tpu.memory_space<vmem>>, vector<1x1x16xf32>,
      %mul3A_718 = arith.constant 20 : i32
      %mul3A_719 = arith.muli %scan3A_270, %mul3A_718 : i32
      %get3A_720 = arith.constant 0 : i32
      %get3A_721 = arith.index_cast %get3A_720 : i32 to index
      %get3A_722 = arith.index_cast %mul3A_719 : i32 to index
      %get3A_723 = arith.constant 32 : index
      %get3A_724 = tpu.vector_load %arg6[%get3A_721, %get3A_722, %get3A_723] {strides = array<i32>} : memref<2x640x64xf32, #tpu.memory_space<vmem>>, vector<1x1x16xf32>,
      %get3A_725 = vector.shape_cast %get3A_724 : vector<1x1x16xf32> to vector<16xf32>
      %mul3A_726 = arith.constant 20 : i32
      %mul3A_727 = arith.muli %scan3A_270, %mul3A_726 : i32
      %add3A_728 = arith.constant 1 : i32
      %add3A_729 = arith.addi %mul3A_727, %add3A_728 : i32
      %get3A_730 = arith.constant 0 : i32
      %get3A_731 = arith.index_cast %get3A_730 : i32 to index
      %get3A_732 = arith.index_cast %add3A_729 : i32 to index
      %get3A_733 = arith.constant 32 : index
      %get3A_734 = tpu.vector_load %arg6[%get3A_731, %get3A_732, %get3A_733] {strides = array<i32>} : memref<2x640x64xf32, #tpu.memory_space<vmem>>, vector<1x1x16xf32>,
      %get3A_735 = vector.shape_cast %get3A_734 : vector<1x1x16xf32> to vector<16xf32>
      %add3A_736 = arith.addf %get3A_725, %get3A_735 : vector<16xf32>
      %mul3A_737 = arith.constant 20 : i32
      %mul3A_738 = arith.muli %scan3A_270, %mul3A_737 : i32
      %add3A_739 = arith.constant 2 : i32
      %add3A_740 = arith.addi %mul3A_738, %add3A_739 : i32
      %get3A_741 = arith.constant 0 : i32
      %get3A_742 = arith.index_cast %get3A_741 : i32 to index
      %get3A_743 = arith.index_cast %add3A_740 : i32 to index
      %get3A_744 = arith.constant 32 : index
      %get3A_745 = tpu.vector_load %arg6[%get3A_742, %get3A_743, %get3A_744] {strides = array<i32>} : memref<2x640x64xf32, #tpu.memory_space<vmem>>, vector<1x1x16xf32>,
      %get3A_746 = vector.shape_cast %get3A_745 : vector<1x1x16xf32> to vector<16xf32>
      %add3A_747 = arith.addf %add3A_736, %get3A_746 : vector<16xf32>
      %mul3A_748 = arith.constant 20 : i32
      %mul3A_749 = arith.muli %scan3A_270, %mul3A_748 : i32
      %add3A_750 = arith.constant 3 : i32
      %add3A_751 = arith.addi %mul3A_749, %add3A_750 : i32
      %get3A_752 = arith.constant 0 : i32
      %get3A_753 = arith.index_cast %get3A_752 : i32 to index
      %get3A_754 = arith.index_cast %add3A_751 : i32 to index
      %get3A_755 = arith.constant 32 : index
      %get3A_756 = tpu.vector_load %arg6[%get3A_753, %get3A_754, %get3A_755] {strides = array<i32>} : memref<2x640x64xf32, #tpu.memory_space<vmem>>, vector<1x1x16xf32>,
      %get3A_757 = vector.shape_cast %get3A_756 : vector<1x1x16xf32> to vector<16xf32>
      %add3A_758 = arith.addf %add3A_747, %get3A_757 : vector<16xf32>
      %mul3A_759 = arith.constant 20 : i32
      %mul3A_760 = arith.muli %scan3A_270, %mul3A_759 : i32
      %add3A_761 = arith.constant 4 : i32
      %add3A_762 = arith.addi %mul3A_760, %add3A_761 : i32
      %get3A_763 = arith.constant 0 : i32
      %get3A_764 = arith.index_cast %get3A_763 : i32 to index
      %get3A_765 = arith.index_cast %add3A_762 : i32 to index
      %get3A_766 = arith.constant 32 : index
      %get3A_767 = tpu.vector_load %arg6[%get3A_764, %get3A_765, %get3A_766] {strides = array<i32>} : memref<2x640x64xf32, #tpu.memory_space<vmem>>, vector<1x1x16xf32>,
      %get3A_768 = vector.shape_cast %get3A_767 : vector<1x1x16xf32> to vector<16xf32>
      %add3A_769 = arith.addf %add3A_758, %get3A_768 : vector<16xf32>
      %mul3A_770 = arith.constant 20 : i32
      %mul3A_771 = arith.muli %scan3A_270, %mul3A_770 : i32
      %add3A_772 = arith.constant 5 : i32
      %add3A_773 = arith.addi %mul3A_771, %add3A_772 : i32
      %get3A_774 = arith.constant 0 : i32
      %get3A_775 = arith.index_cast %get3A_774 : i32 to index
      %get3A_776 = arith.index_cast %add3A_773 : i32 to index
      %get3A_777 = arith.constant 32 : index
      %get3A_778 = tpu.vector_load %arg6[%get3A_775, %get3A_776, %get3A_777] {strides = array<i32>} : memref<2x640x64xf32, #tpu.memory_space<vmem>>, vector<1x1x16xf32>,
      %get3A_779 = vector.shape_cast %get3A_778 : vector<1x1x16xf32> to vector<16xf32>
      %add3A_780 = arith.addf %add3A_769, %get3A_779 : vector<16xf32>
      %mul3A_781 = arith.constant 20 : i32
      %mul3A_782 = arith.muli %scan3A_270, %mul3A_781 : i32
      %add3A_783 = arith.constant 6 : i32
      %add3A_784 = arith.addi %mul3A_782, %add3A_783 : i32
      %get3A_785 = arith.constant 0 : i32
      %get3A_786 = arith.index_cast %get3A_785 : i32 to index
      %get3A_787 = arith.index_cast %add3A_784 : i32 to index
      %get3A_788 = arith.constant 32 : index
      %get3A_789 = tpu.vector_load %arg6[%get3A_786, %get3A_787, %get3A_788] {strides = array<i32>} : memref<2x640x64xf32, #tpu.memory_space<vmem>>, vector<1x1x16xf32>,
      %get3A_790 = vector.shape_cast %get3A_789 : vector<1x1x16xf32> to vector<16xf32>
      %add3A_791 = arith.addf %add3A_780, %get3A_790 : vector<16xf32>
      %mul3A_792 = arith.constant 20 : i32
      %mul3A_793 = arith.muli %scan3A_270, %mul3A_792 : i32
      %add3A_794 = arith.constant 7 : i32
      %add3A_795 = arith.addi %mul3A_793, %add3A_794 : i32
      %get3A_796 = arith.constant 0 : i32
      %get3A_797 = arith.index_cast %get3A_796 : i32 to index
      %get3A_798 = arith.index_cast %add3A_795 : i32 to index
      %get3A_799 = arith.constant 32 : index
      %get3A_800 = tpu.vector_load %arg6[%get3A_797, %get3A_798, %get3A_799] {strides = array<i32>} : memref<2x640x64xf32, #tpu.memory_space<vmem>>, vector<1x1x16xf32>,
      %get3A_801 = vector.shape_cast %get3A_800 : vector<1x1x16xf32> to vector<16xf32>
      %add3A_802 = arith.addf %add3A_791, %get3A_801 : vector<16xf32>
      %mul3A_803 = arith.constant 20 : i32
      %mul3A_804 = arith.muli %scan3A_270, %mul3A_803 : i32
      %add3A_805 = arith.constant 8 : i32
      %add3A_806 = arith.addi %mul3A_804, %add3A_805 : i32
      %get3A_807 = arith.constant 0 : i32
      %get3A_808 = arith.index_cast %get3A_807 : i32 to index
      %get3A_809 = arith.index_cast %add3A_806 : i32 to index
      %get3A_810 = arith.constant 32 : index
      %get3A_811 = tpu.vector_load %arg6[%get3A_808, %get3A_809, %get3A_810] {strides = array<i32>} : memref<2x640x64xf32, #tpu.memory_space<vmem>>, vector<1x1x16xf32>,
      %get3A_812 = vector.shape_cast %get3A_811 : vector<1x1x16xf32> to vector<16xf32>
      %add3A_813 = arith.addf %add3A_802, %get3A_812 : vector<16xf32>
      %mul3A_814 = arith.constant 20 : i32
      %mul3A_815 = arith.muli %scan3A_270, %mul3A_814 : i32
      %add3A_816 = arith.constant 9 : i32
      %add3A_817 = arith.addi %mul3A_815, %add3A_816 : i32
      %get3A_818 = arith.constant 0 : i32
      %get3A_819 = arith.index_cast %get3A_818 : i32 to index
      %get3A_820 = arith.index_cast %add3A_817 : i32 to index
      %get3A_821 = arith.constant 32 : index
      %get3A_822 = tpu.vector_load %arg6[%get3A_819, %get3A_820, %get3A_821] {strides = array<i32>} : memref<2x640x64xf32, #tpu.memory_space<vmem>>, vector<1x1x16xf32>,
      %get3A_823 = vector.shape_cast %get3A_822 : vector<1x1x16xf32> to vector<16xf32>
      %add3A_824 = arith.addf %add3A_813, %get3A_823 : vector<16xf32>
      %mul3A_825 = arith.constant 20 : i32
      %mul3A_826 = arith.muli %scan3A_270, %mul3A_825 : i32
      %add3A_827 = arith.constant 10 : i32
      %add3A_828 = arith.addi %mul3A_826, %add3A_827 : i32
      %get3A_829 = arith.constant 0 : i32
      %get3A_830 = arith.index_cast %get3A_829 : i32 to index
      %get3A_831 = arith.index_cast %add3A_828 : i32 to index
      %get3A_832 = arith.constant 32 : index
      %get3A_833 = tpu.vector_load %arg6[%get3A_830, %get3A_831, %get3A_832] {strides = array<i32>} : memref<2x640x64xf32, #tpu.memory_space<vmem>>, vector<1x1x16xf32>,
      %get3A_834 = vector.shape_cast %get3A_833 : vector<1x1x16xf32> to vector<16xf32>
      %add3A_835 = arith.addf %add3A_824, %get3A_834 : vector<16xf32>
      %mul3A_836 = arith.constant 20 : i32
      %mul3A_837 = arith.muli %scan3A_270, %mul3A_836 : i32
      %add3A_838 = arith.constant 11 : i32
      %add3A_839 = arith.addi %mul3A_837, %add3A_838 : i32
      %get3A_840 = arith.constant 0 : i32
      %get3A_841 = arith.index_cast %get3A_840 : i32 to index
      %get3A_842 = arith.index_cast %add3A_839 : i32 to index
      %get3A_843 = arith.constant 32 : index
      %get3A_844 = tpu.vector_load %arg6[%get3A_841, %get3A_842, %get3A_843] {strides = array<i32>} : memref<2x640x64xf32, #tpu.memory_space<vmem>>, vector<1x1x16xf32>,
      %get3A_845 = vector.shape_cast %get3A_844 : vector<1x1x16xf32> to vector<16xf32>
      %add3A_846 = arith.addf %add3A_835, %get3A_845 : vector<16xf32>
      %mul3A_847 = arith.constant 20 : i32
      %mul3A_848 = arith.muli %scan3A_270, %mul3A_847 : i32
      %add3A_849 = arith.constant 12 : i32
      %add3A_850 = arith.addi %mul3A_848, %add3A_849 : i32
      %get3A_851 = arith.constant 0 : i32
      %get3A_852 = arith.index_cast %get3A_851 : i32 to index
      %get3A_853 = arith.index_cast %add3A_850 : i32 to index
      %get3A_854 = arith.constant 32 : index
      %get3A_855 = tpu.vector_load %arg6[%get3A_852, %get3A_853, %get3A_854] {strides = array<i32>} : memref<2x640x64xf32, #tpu.memory_space<vmem>>, vector<1x1x16xf32>,
      %get3A_856 = vector.shape_cast %get3A_855 : vector<1x1x16xf32> to vector<16xf32>
      %add3A_857 = arith.addf %add3A_846, %get3A_856 : vector<16xf32>
      %mul3A_858 = arith.constant 20 : i32
      %mul3A_859 = arith.muli %scan3A_270, %mul3A_858 : i32
      %add3A_860 = arith.constant 13 : i32
      %add3A_861 = arith.addi %mul3A_859, %add3A_860 : i32
      %get3A_862 = arith.constant 0 : i32
      %get3A_863 = arith.index_cast %get3A_862 : i32 to index
      %get3A_864 = arith.index_cast %add3A_861 : i32 to index
      %get3A_865 = arith.constant 32 : index
      %get3A_866 = tpu.vector_load %arg6[%get3A_863, %get3A_864, %get3A_865] {strides = array<i32>} : memref<2x640x64xf32, #tpu.memory_space<vmem>>, vector<1x1x16xf32>,
      %get3A_867 = vector.shape_cast %get3A_866 : vector<1x1x16xf32> to vector<16xf32>
      %add3A_868 = arith.addf %add3A_857, %get3A_867 : vector<16xf32>
      %mul3A_869 = arith.constant 20 : i32
      %mul3A_870 = arith.muli %scan3A_270, %mul3A_869 : i32
      %add3A_871 = arith.constant 14 : i32
      %add3A_872 = arith.addi %mul3A_870, %add3A_871 : i32
      %get3A_873 = arith.constant 0 : i32
      %get3A_874 = arith.index_cast %get3A_873 : i32 to index
      %get3A_875 = arith.index_cast %add3A_872 : i32 to index
      %get3A_876 = arith.constant 32 : index
      %get3A_877 = tpu.vector_load %arg6[%get3A_874, %get3A_875, %get3A_876] {strides = array<i32>} : memref<2x640x64xf32, #tpu.memory_space<vmem>>, vector<1x1x16xf32>,
      %get3A_878 = vector.shape_cast %get3A_877 : vector<1x1x16xf32> to vector<16xf32>
      %add3A_879 = arith.addf %add3A_868, %get3A_878 : vector<16xf32>
      %mul3A_880 = arith.constant 20 : i32
      %mul3A_881 = arith.muli %scan3A_270, %mul3A_880 : i32
      %add3A_882 = arith.constant 15 : i32
      %add3A_883 = arith.addi %mul3A_881, %add3A_882 : i32
      %get3A_884 = arith.constant 0 : i32
      %get3A_885 = arith.index_cast %get3A_884 : i32 to index
      %get3A_886 = arith.index_cast %add3A_883 : i32 to index
      %get3A_887 = arith.constant 32 : index
      %get3A_888 = tpu.vector_load %arg6[%get3A_885, %get3A_886, %get3A_887] {strides = array<i32>} : memref<2x640x64xf32, #tpu.memory_space<vmem>>, vector<1x1x16xf32>,
      %get3A_889 = vector.shape_cast %get3A_888 : vector<1x1x16xf32> to vector<16xf32>
      %add3A_890 = arith.addf %add3A_879, %get3A_889 : vector<16xf32>
      %mul3A_891 = arith.constant 20 : i32
      %mul3A_892 = arith.muli %scan3A_270, %mul3A_891 : i32
      %add3A_893 = arith.constant 16 : i32
      %add3A_894 = arith.addi %mul3A_892, %add3A_893 : i32
      %get3A_895 = arith.constant 0 : i32
      %get3A_896 = arith.index_cast %get3A_895 : i32 to index
      %get3A_897 = arith.index_cast %add3A_894 : i32 to index
      %get3A_898 = arith.constant 32 : index
      %get3A_899 = tpu.vector_load %arg6[%get3A_896, %get3A_897, %get3A_898] {strides = array<i32>} : memref<2x640x64xf32, #tpu.memory_space<vmem>>, vector<1x1x16xf32>,
      %get3A_900 = vector.shape_cast %get3A_899 : vector<1x1x16xf32> to vector<16xf32>
      %add3A_901 = arith.addf %add3A_890, %get3A_900 : vector<16xf32>
      %mul3A_902 = arith.constant 20 : i32
      %mul3A_903 = arith.muli %scan3A_270, %mul3A_902 : i32
      %add3A_904 = arith.constant 17 : i32
      %add3A_905 = arith.addi %mul3A_903, %add3A_904 : i32
      %get3A_906 = arith.constant 0 : i32
      %get3A_907 = arith.index_cast %get3A_906 : i32 to index
      %get3A_908 = arith.index_cast %add3A_905 : i32 to index
      %get3A_909 = arith.constant 32 : index
      %get3A_910 = tpu.vector_load %arg6[%get3A_907, %get3A_908, %get3A_909] {strides = array<i32>} : memref<2x640x64xf32, #tpu.memory_space<vmem>>, vector<1x1x16xf32>,
      %get3A_911 = vector.shape_cast %get3A_910 : vector<1x1x16xf32> to vector<16xf32>
      %add3A_912 = arith.addf %add3A_901, %get3A_911 : vector<16xf32>
      %mul3A_913 = arith.constant 20 : i32
      %mul3A_914 = arith.muli %scan3A_270, %mul3A_913 : i32
      %add3A_915 = arith.constant 18 : i32
      %add3A_916 = arith.addi %mul3A_914, %add3A_915 : i32
      %get3A_917 = arith.constant 0 : i32
      %get3A_918 = arith.index_cast %get3A_917 : i32 to index
      %get3A_919 = arith.index_cast %add3A_916 : i32 to index
      %get3A_920 = arith.constant 32 : index
      %get3A_921 = tpu.vector_load %arg6[%get3A_918, %get3A_919, %get3A_920] {strides = array<i32>} : memref<2x640x64xf32, #tpu.memory_space<vmem>>, vector<1x1x16xf32>,
      %get3A_922 = vector.shape_cast %get3A_921 : vector<1x1x16xf32> to vector<16xf32>
      %add3A_923 = arith.addf %add3A_912, %get3A_922 : vector<16xf32>
      %mul3A_924 = arith.constant 20 : i32
      %mul3A_925 = arith.muli %scan3A_270, %mul3A_924 : i32
      %add3A_926 = arith.constant 19 : i32
      %add3A_927 = arith.addi %mul3A_925, %add3A_926 : i32
      %get3A_928 = arith.constant 0 : i32
      %get3A_929 = arith.index_cast %get3A_928 : i32 to index
      %get3A_930 = arith.index_cast %add3A_927 : i32 to index
      %get3A_931 = arith.constant 32 : index
      %get3A_932 = tpu.vector_load %arg6[%get3A_929, %get3A_930, %get3A_931] {strides = array<i32>} : memref<2x640x64xf32, #tpu.memory_space<vmem>>, vector<1x1x16xf32>,
      %get3A_933 = vector.shape_cast %get3A_932 : vector<1x1x16xf32> to vector<16xf32>
      %add3A_934 = arith.addf %add3A_923, %get3A_933 : vector<16xf32>
      %swap3A_935 = arith.constant 0 : i32
      %swap3A_936 = arith.index_cast %swap3A_935 : i32 to index
      %swap3A_937 = arith.index_cast %scan3A_270 : i32 to index
      %swap3A_938 = arith.constant 32 : index
      %swap3A_939 = tpu.vector_load %arg7[%swap3A_936, %swap3A_937, %swap3A_938] {strides = array<i32>} : memref<2x32x64xf32, #tpu.memory_space<vmem>>, vector<1x1x16xf32>,
      %swap3A_940 = vector.shape_cast %swap3A_939 : vector<1x1x16xf32> to vector<16xf32>
      %swap3A_941 = vector.shape_cast %add3A_934 : vector<16xf32> to vector<1x1x16xf32>
      tpu.vector_store %arg7[%swap3A_936, %swap3A_937, %swap3A_938], %swap3A_941 {strides = array<i32>} : memref<2x32x64xf32, #tpu.memory_space<vmem>>, vector<1x1x16xf32>,
      %mul3A_942 = arith.constant 20 : i32
      %mul3A_943 = arith.muli %scan3A_270, %mul3A_942 : i32
      %get3A_944 = arith.constant 0 : i32
      %get3A_945 = arith.index_cast %get3A_944 : i32 to index
      %get3A_946 = arith.index_cast %mul3A_943 : i32 to index
      %get3A_947 = arith.constant 48 : index
      %get3A_948 = tpu.vector_load %arg6[%get3A_945, %get3A_946, %get3A_947] {strides = array<i32>} : memref<2x640x64xf32, #tpu.memory_space<vmem>>, vector<1x1x16xf32>,
      %get3A_949 = vector.shape_cast %get3A_948 : vector<1x1x16xf32> to vector<16xf32>
      %mul3A_950 = arith.constant 20 : i32
      %mul3A_951 = arith.muli %scan3A_270, %mul3A_950 : i32
      %add3A_952 = arith.constant 1 : i32
      %add3A_953 = arith.addi %mul3A_951, %add3A_952 : i32
      %get3A_954 = arith.constant 0 : i32
      %get3A_955 = arith.index_cast %get3A_954 : i32 to index
      %get3A_956 = arith.index_cast %add3A_953 : i32 to index
      %get3A_957 = arith.constant 48 : index
      %get3A_958 = tpu.vector_load %arg6[%get3A_955, %get3A_956, %get3A_957] {strides = array<i32>} : memref<2x640x64xf32, #tpu.memory_space<vmem>>, vector<1x1x16xf32>,
      %get3A_959 = vector.shape_cast %get3A_958 : vector<1x1x16xf32> to vector<16xf32>
      %add3A_960 = arith.addf %get3A_949, %get3A_959 : vector<16xf32>
      %mul3A_961 = arith.constant 20 : i32
      %mul3A_962 = arith.muli %scan3A_270, %mul3A_961 : i32
      %add3A_963 = arith.constant 2 : i32
      %add3A_964 = arith.addi %mul3A_962, %add3A_963 : i32
      %get3A_965 = arith.constant 0 : i32
      %get3A_966 = arith.index_cast %get3A_965 : i32 to index
      %get3A_967 = arith.index_cast %add3A_964 : i32 to index
      %get3A_968 = arith.constant 48 : index
      %get3A_969 = tpu.vector_load %arg6[%get3A_966, %get3A_967, %get3A_968] {strides = array<i32>} : memref<2x640x64xf32, #tpu.memory_space<vmem>>, vector<1x1x16xf32>,
      %get3A_970 = vector.shape_cast %get3A_969 : vector<1x1x16xf32> to vector<16xf32>
      %add3A_971 = arith.addf %add3A_960, %get3A_970 : vector<16xf32>
      %mul3A_972 = arith.constant 20 : i32
      %mul3A_973 = arith.muli %scan3A_270, %mul3A_972 : i32
      %add3A_974 = arith.constant 3 : i32
      %add3A_975 = arith.addi %mul3A_973, %add3A_974 : i32
      %get3A_976 = arith.constant 0 : i32
      %get3A_977 = arith.index_cast %get3A_976 : i32 to index
      %get3A_978 = arith.index_cast %add3A_975 : i32 to index
      %get3A_979 = arith.constant 48 : index
      %get3A_980 = tpu.vector_load %arg6[%get3A_977, %get3A_978, %get3A_979] {strides = array<i32>} : memref<2x640x64xf32, #tpu.memory_space<vmem>>, vector<1x1x16xf32>,
      %get3A_981 = vector.shape_cast %get3A_980 : vector<1x1x16xf32> to vector<16xf32>
      %add3A_982 = arith.addf %add3A_971, %get3A_981 : vector<16xf32>
      %mul3A_983 = arith.constant 20 : i32
      %mul3A_984 = arith.muli %scan3A_270, %mul3A_983 : i32
      %add3A_985 = arith.constant 4 : i32
      %add3A_986 = arith.addi %mul3A_984, %add3A_985 : i32
      %get3A_987 = arith.constant 0 : i32
      %get3A_988 = arith.index_cast %get3A_987 : i32 to index
      %get3A_989 = arith.index_cast %add3A_986 : i32 to index
      %get3A_990 = arith.constant 48 : index
      %get3A_991 = tpu.vector_load %arg6[%get3A_988, %get3A_989, %get3A_990] {strides = array<i32>} : memref<2x640x64xf32, #tpu.memory_space<vmem>>, vector<1x1x16xf32>,
      %get3A_992 = vector.shape_cast %get3A_991 : vector<1x1x16xf32> to vector<16xf32>
      %add3A_993 = arith.addf %add3A_982, %get3A_992 : vector<16xf32>
      %mul3A_994 = arith.constant 20 : i32
      %mul3A_995 = arith.muli %scan3A_270, %mul3A_994 : i32
      %add3A_996 = arith.constant 5 : i32
      %add3A_997 = arith.addi %mul3A_995, %add3A_996 : i32
      %get3A_998 = arith.constant 0 : i32
      %get3A_999 = arith.index_cast %get3A_998 : i32 to index
      %get3A_1000 = arith.index_cast %add3A_997 : i32 to index
      %get3A_1001 = arith.constant 48 : index
      %get3A_1002 = tpu.vector_load %arg6[%get3A_999, %get3A_1000, %get3A_1001] {strides = array<i32>} : memref<2x640x64xf32, #tpu.memory_space<vmem>>, vector<1x1x16xf32>,
      %get3A_1003 = vector.shape_cast %get3A_1002 : vector<1x1x16xf32> to vector<16xf32>
      %add3A_1004 = arith.addf %add3A_993, %get3A_1003 : vector<16xf32>
      %mul3A_1005 = arith.constant 20 : i32
      %mul3A_1006 = arith.muli %scan3A_270, %mul3A_1005 : i32
      %add3A_1007 = arith.constant 6 : i32
      %add3A_1008 = arith.addi %mul3A_1006, %add3A_1007 : i32
      %get3A_1009 = arith.constant 0 : i32
      %get3A_1010 = arith.index_cast %get3A_1009 : i32 to index
      %get3A_1011 = arith.index_cast %add3A_1008 : i32 to index
      %get3A_1012 = arith.constant 48 : index
      %get3A_1013 = tpu.vector_load %arg6[%get3A_1010, %get3A_1011, %get3A_1012] {strides = array<i32>} : memref<2x640x64xf32, #tpu.memory_space<vmem>>, vector<1x1x16xf32>,
      %get3A_1014 = vector.shape_cast %get3A_1013 : vector<1x1x16xf32> to vector<16xf32>
      %add3A_1015 = arith.addf %add3A_1004, %get3A_1014 : vector<16xf32>
      %mul3A_1016 = arith.constant 20 : i32
      %mul3A_1017 = arith.muli %scan3A_270, %mul3A_1016 : i32
      %add3A_1018 = arith.constant 7 : i32
      %add3A_1019 = arith.addi %mul3A_1017, %add3A_1018 : i32
      %get3A_1020 = arith.constant 0 : i32
      %get3A_1021 = arith.index_cast %get3A_1020 : i32 to index
      %get3A_1022 = arith.index_cast %add3A_1019 : i32 to index
      %get3A_1023 = arith.constant 48 : index
      %get3A_1024 = tpu.vector_load %arg6[%get3A_1021, %get3A_1022, %get3A_1023] {strides = array<i32>} : memref<2x640x64xf32, #tpu.memory_space<vmem>>, vector<1x1x16xf32>,
      %get3A_1025 = vector.shape_cast %get3A_1024 : vector<1x1x16xf32> to vector<16xf32>
      %add3A_1026 = arith.addf %add3A_1015, %get3A_1025 : vector<16xf32>
      %mul3A_1027 = arith.constant 20 : i32
      %mul3A_1028 = arith.muli %scan3A_270, %mul3A_1027 : i32
      %add3A_1029 = arith.constant 8 : i32
      %add3A_1030 = arith.addi %mul3A_1028, %add3A_1029 : i32
      %get3A_1031 = arith.constant 0 : i32
      %get3A_1032 = arith.index_cast %get3A_1031 : i32 to index
      %get3A_1033 = arith.index_cast %add3A_1030 : i32 to index
      %get3A_1034 = arith.constant 48 : index
      %get3A_1035 = tpu.vector_load %arg6[%get3A_1032, %get3A_1033, %get3A_1034] {strides = array<i32>} : memref<2x640x64xf32, #tpu.memory_space<vmem>>, vector<1x1x16xf32>,
      %get3A_1036 = vector.shape_cast %get3A_1035 : vector<1x1x16xf32> to vector<16xf32>
      %add3A_1037 = arith.addf %add3A_1026, %get3A_1036 : vector<16xf32>
      %mul3A_1038 = arith.constant 20 : i32
      %mul3A_1039 = arith.muli %scan3A_270, %mul3A_1038 : i32
      %add3A_1040 = arith.constant 9 : i32
      %add3A_1041 = arith.addi %mul3A_1039, %add3A_1040 : i32
      %get3A_1042 = arith.constant 0 : i32
      %get3A_1043 = arith.index_cast %get3A_1042 : i32 to index
      %get3A_1044 = arith.index_cast %add3A_1041 : i32 to index
      %get3A_1045 = arith.constant 48 : index
      %get3A_1046 = tpu.vector_load %arg6[%get3A_1043, %get3A_1044, %get3A_1045] {strides = array<i32>} : memref<2x640x64xf32, #tpu.memory_space<vmem>>, vector<1x1x16xf32>,
      %get3A_1047 = vector.shape_cast %get3A_1046 : vector<1x1x16xf32> to vector<16xf32>
      %add3A_1048 = arith.addf %add3A_1037, %get3A_1047 : vector<16xf32>
      %mul3A_1049 = arith.constant 20 : i32
      %mul3A_1050 = arith.muli %scan3A_270, %mul3A_1049 : i32
      %add3A_1051 = arith.constant 10 : i32
      %add3A_1052 = arith.addi %mul3A_1050, %add3A_1051 : i32
      %get3A_1053 = arith.constant 0 : i32
      %get3A_1054 = arith.index_cast %get3A_1053 : i32 to index
      %get3A_1055 = arith.index_cast %add3A_1052 : i32 to index
      %get3A_1056 = arith.constant 48 : index
      %get3A_1057 = tpu.vector_load %arg6[%get3A_1054, %get3A_1055, %get3A_1056] {strides = array<i32>} : memref<2x640x64xf32, #tpu.memory_space<vmem>>, vector<1x1x16xf32>,
      %get3A_1058 = vector.shape_cast %get3A_1057 : vector<1x1x16xf32> to vector<16xf32>
      %add3A_1059 = arith.addf %add3A_1048, %get3A_1058 : vector<16xf32>
      %mul3A_1060 = arith.constant 20 : i32
      %mul3A_1061 = arith.muli %scan3A_270, %mul3A_1060 : i32
      %add3A_1062 = arith.constant 11 : i32
      %add3A_1063 = arith.addi %mul3A_1061, %add3A_1062 : i32
      %get3A_1064 = arith.constant 0 : i32
      %get3A_1065 = arith.index_cast %get3A_1064 : i32 to index
      %get3A_1066 = arith.index_cast %add3A_1063 : i32 to index
      %get3A_1067 = arith.constant 48 : index
      %get3A_1068 = tpu.vector_load %arg6[%get3A_1065, %get3A_1066, %get3A_1067] {strides = array<i32>} : memref<2x640x64xf32, #tpu.memory_space<vmem>>, vector<1x1x16xf32>,
      %get3A_1069 = vector.shape_cast %get3A_1068 : vector<1x1x16xf32> to vector<16xf32>
      %add3A_1070 = arith.addf %add3A_1059, %get3A_1069 : vector<16xf32>
      %mul3A_1071 = arith.constant 20 : i32
      %mul3A_1072 = arith.muli %scan3A_270, %mul3A_1071 : i32
      %add3A_1073 = arith.constant 12 : i32
      %add3A_1074 = arith.addi %mul3A_1072, %add3A_1073 : i32
      %get3A_1075 = arith.constant 0 : i32
      %get3A_1076 = arith.index_cast %get3A_1075 : i32 to index
      %get3A_1077 = arith.index_cast %add3A_1074 : i32 to index
      %get3A_1078 = arith.constant 48 : index
      %get3A_1079 = tpu.vector_load %arg6[%get3A_1076, %get3A_1077, %get3A_1078] {strides = array<i32>} : memref<2x640x64xf32, #tpu.memory_space<vmem>>, vector<1x1x16xf32>,
      %get3A_1080 = vector.shape_cast %get3A_1079 : vector<1x1x16xf32> to vector<16xf32>
      %add3A_1081 = arith.addf %add3A_1070, %get3A_1080 : vector<16xf32>
      %mul3A_1082 = arith.constant 20 : i32
      %mul3A_1083 = arith.muli %scan3A_270, %mul3A_1082 : i32
      %add3A_1084 = arith.constant 13 : i32
      %add3A_1085 = arith.addi %mul3A_1083, %add3A_1084 : i32
      %get3A_1086 = arith.constant 0 : i32
      %get3A_1087 = arith.index_cast %get3A_1086 : i32 to index
      %get3A_1088 = arith.index_cast %add3A_1085 : i32 to index
      %get3A_1089 = arith.constant 48 : index
      %get3A_1090 = tpu.vector_load %arg6[%get3A_1087, %get3A_1088, %get3A_1089] {strides = array<i32>} : memref<2x640x64xf32, #tpu.memory_space<vmem>>, vector<1x1x16xf32>,
      %get3A_1091 = vector.shape_cast %get3A_1090 : vector<1x1x16xf32> to vector<16xf32>
      %add3A_1092 = arith.addf %add3A_1081, %get3A_1091 : vector<16xf32>
      %mul3A_1093 = arith.constant 20 : i32
      %mul3A_1094 = arith.muli %scan3A_270, %mul3A_1093 : i32
      %add3A_1095 = arith.constant 14 : i32
      %add3A_1096 = arith.addi %mul3A_1094, %add3A_1095 : i32
      %get3A_1097 = arith.constant 0 : i32
      %get3A_1098 = arith.index_cast %get3A_1097 : i32 to index
      %get3A_1099 = arith.index_cast %add3A_1096 : i32 to index
      %get3A_1100 = arith.constant 48 : index
      %get3A_1101 = tpu.vector_load %arg6[%get3A_1098, %get3A_1099, %get3A_1100] {strides = array<i32>} : memref<2x640x64xf32, #tpu.memory_space<vmem>>, vector<1x1x16xf32>,
      %get3A_1102 = vector.shape_cast %get3A_1101 : vector<1x1x16xf32> to vector<16xf32>
      %add3A_1103 = arith.addf %add3A_1092, %get3A_1102 : vector<16xf32>
      %mul3A_1104 = arith.constant 20 : i32
      %mul3A_1105 = arith.muli %scan3A_270, %mul3A_1104 : i32
      %add3A_1106 = arith.constant 15 : i32
      %add3A_1107 = arith.addi %mul3A_1105, %add3A_1106 : i32
      %get3A_1108 = arith.constant 0 : i32
      %get3A_1109 = arith.index_cast %get3A_1108 : i32 to index
      %get3A_1110 = arith.index_cast %add3A_1107 : i32 to index
      %get3A_1111 = arith.constant 48 : index
      %get3A_1112 = tpu.vector_load %arg6[%get3A_1109, %get3A_1110, %get3A_1111] {strides = array<i32>} : memref<2x640x64xf32, #tpu.memory_space<vmem>>, vector<1x1x16xf32>,
      %get3A_1113 = vector.shape_cast %get3A_1112 : vector<1x1x16xf32> to vector<16xf32>
      %add3A_1114 = arith.addf %add3A_1103, %get3A_1113 : vector<16xf32>
      %mul3A_1115 = arith.constant 20 : i32
      %mul3A_1116 = arith.muli %scan3A_270, %mul3A_1115 : i32
      %add3A_1117 = arith.constant 16 : i32
      %add3A_1118 = arith.addi %mul3A_1116, %add3A_1117 : i32
      %get3A_1119 = arith.constant 0 : i32
      %get3A_1120 = arith.index_cast %get3A_1119 : i32 to index
      %get3A_1121 = arith.index_cast %add3A_1118 : i32 to index
      %get3A_1122 = arith.constant 48 : index
      %get3A_1123 = tpu.vector_load %arg6[%get3A_1120, %get3A_1121, %get3A_1122] {strides = array<i32>} : memref<2x640x64xf32, #tpu.memory_space<vmem>>, vector<1x1x16xf32>,
      %get3A_1124 = vector.shape_cast %get3A_1123 : vector<1x1x16xf32> to vector<16xf32>
      %add3A_1125 = arith.addf %add3A_1114, %get3A_1124 : vector<16xf32>
      %mul3A_1126 = arith.constant 20 : i32
      %mul3A_1127 = arith.muli %scan3A_270, %mul3A_1126 : i32
      %add3A_1128 = arith.constant 17 : i32
      %add3A_1129 = arith.addi %mul3A_1127, %add3A_1128 : i32
      %get3A_1130 = arith.constant 0 : i32
      %get3A_1131 = arith.index_cast %get3A_1130 : i32 to index
      %get3A_1132 = arith.index_cast %add3A_1129 : i32 to index
      %get3A_1133 = arith.constant 48 : index
      %get3A_1134 = tpu.vector_load %arg6[%get3A_1131, %get3A_1132, %get3A_1133] {strides = array<i32>} : memref<2x640x64xf32, #tpu.memory_space<vmem>>, vector<1x1x16xf32>,
      %get3A_1135 = vector.shape_cast %get3A_1134 : vector<1x1x16xf32> to vector<16xf32>
      %add3A_1136 = arith.addf %add3A_1125, %get3A_1135 : vector<16xf32>
      %mul3A_1137 = arith.constant 20 : i32
      %mul3A_1138 = arith.muli %scan3A_270, %mul3A_1137 : i32
      %add3A_1139 = arith.constant 18 : i32
      %add3A_1140 = arith.addi %mul3A_1138, %add3A_1139 : i32
      %get3A_1141 = arith.constant 0 : i32
      %get3A_1142 = arith.index_cast %get3A_1141 : i32 to index
      %get3A_1143 = arith.index_cast %add3A_1140 : i32 to index
      %get3A_1144 = arith.constant 48 : index
      %get3A_1145 = tpu.vector_load %arg6[%get3A_1142, %get3A_1143, %get3A_1144] {strides = array<i32>} : memref<2x640x64xf32, #tpu.memory_space<vmem>>, vector<1x1x16xf32>,
      %get3A_1146 = vector.shape_cast %get3A_1145 : vector<1x1x16xf32> to vector<16xf32>
      %add3A_1147 = arith.addf %add3A_1136, %get3A_1146 : vector<16xf32>
      %mul3A_1148 = arith.constant 20 : i32
      %mul3A_1149 = arith.muli %scan3A_270, %mul3A_1148 : i32
      %add3A_1150 = arith.constant 19 : i32
      %add3A_1151 = arith.addi %mul3A_1149, %add3A_1150 : i32
      %get3A_1152 = arith.constant 0 : i32
      %get3A_1153 = arith.index_cast %get3A_1152 : i32 to index
      %get3A_1154 = arith.index_cast %add3A_1151 : i32 to index
      %get3A_1155 = arith.constant 48 : index
      %get3A_1156 = tpu.vector_load %arg6[%get3A_1153, %get3A_1154, %get3A_1155] {strides = array<i32>} : memref<2x640x64xf32, #tpu.memory_space<vmem>>, vector<1x1x16xf32>,
      %get3A_1157 = vector.shape_cast %get3A_1156 : vector<1x1x16xf32> to vector<16xf32>
      %add3A_1158 = arith.addf %add3A_1147, %get3A_1157 : vector<16xf32>
      %swap3A_1159 = arith.constant 0 : i32
      %swap3A_1160 = arith.index_cast %swap3A_1159 : i32 to index
      %swap3A_1161 = arith.index_cast %scan3A_270 : i32 to index
      %swap3A_1162 = arith.constant 48 : index
      %swap3A_1163 = tpu.vector_load %arg7[%swap3A_1160, %swap3A_1161, %swap3A_1162] {strides = array<i32>} : memref<2x32x64xf32, #tpu.memory_space<vmem>>, vector<1x1x16xf32>,
      %swap3A_1164 = vector.shape_cast %swap3A_1163 : vector<1x1x16xf32> to vector<16xf32>
      %swap3A_1165 = vector.shape_cast %add3A_1158 : vector<16xf32> to vector<1x1x16xf32>
      tpu.vector_store %arg7[%swap3A_1160, %swap3A_1161, %swap3A_1162], %swap3A_1165 {strides = array<i32>} : memref<2x32x64xf32, #tpu.memory_space<vmem>>, vector<1x1x16xf32>,
      %scan3A_1166 = arith.constant 0 : i32
      scf.yield %scan3A_1166 : i32
    }
    %scan3A_165 = arith.constant 32 : i32
    %add3A_166 = arith.constant 64 : i32
    %add3A_167 = arith.addi %mul3A_2, %add3A_166 : i32
    %dma_start3A_168 = arith.constant 0 : i32
    %dma_start3A_169 = arith.constant 0 : i32
    %dma_start3A_170 = arith.constant 0 : i32
    %dma_start3A_171 = arith.constant 0 : i32
    %dma_start3A_172 = tpu.memref_slice %arg7[%dma_start3A_168, %dma_start3A_170, %dma_start3A_171] : memref<2x32x64xf32, #tpu.memory_space<vmem>> -> memref<1x32x64xf32, #tpu.memory_space<vmem>>
    %dma_start3A_173 = tpu.memref_squeeze %dma_start3A_172 : memref<1x32x64xf32, #tpu.memory_space<vmem>> -> memref<32x64xf32, #tpu.memory_space<vmem>>
    %dma_start3A_174 = arith.constant 0 : i32
    %dma_start3A_175 = tpu.memref_slice %arg4[%add3A_167, %dma_start3A_174] : memref<4096x64xf32, #tpu.memory_space<hbm>> -> memref<32x64xf32, #tpu.memory_space<hbm>>
    %dma_start3A_176 = tpu.memref_slice %arg9[%dma_start3A_169] : memref<2x!tpu.dma_semaphore, #tpu.memory_space<semaphore_mem>> -> memref<1x!tpu.dma_semaphore, #tpu.memory_space<semaphore_mem>>
    %dma_start3A_177 = tpu.memref_squeeze %dma_start3A_176 : memref<1x!tpu.dma_semaphore, #tpu.memory_space<semaphore_mem>> -> memref<!tpu.dma_semaphore, #tpu.memory_space<semaphore_mem>>
    %dma_start3A_178 = arith.constant 0 : i32
    %dma_start3A_179 = tpu.memref_slice %arg4[%add3A_167, %dma_start3A_178] : memref<4096x64xf32, #tpu.memory_space<hbm>> -> memref<32x64xf32, #tpu.memory_space<hbm>>
    %dma_start3A_180 = arith.constant 0 : i32
    %dma_start3A_181 = arith.constant 0 : i32
    %dma_start3A_182 = tpu.memref_slice %arg7[%dma_start3A_168, %dma_start3A_180, %dma_start3A_181] : memref<2x32x64xf32, #tpu.memory_space<vmem>> -> memref<1x32x64xf32, #tpu.memory_space<vmem>>
    %dma_start3A_183 = tpu.memref_squeeze %dma_start3A_182 : memref<1x32x64xf32, #tpu.memory_space<vmem>> -> memref<32x64xf32, #tpu.memory_space<vmem>>
    tpu.enqueue_dma source(%dma_start3A_183 : memref<32x64xf32, #tpu.memory_space<vmem>>) target(%dma_start3A_179 : memref<32x64xf32, #tpu.memory_space<hbm>>) target_semaphore(%dma_start3A_177 : memref<!tpu.dma_semaphore, #tpu.memory_space<semaphore_mem>>)
    %dma_wait3A_184 = arith.constant 1 : i32
    %dma_wait3A_185 = arith.constant 1 : i32
    %dma_wait3A_186 = arith.constant 0 : i32
    %dma_wait3A_187 = arith.constant 0 : i32
    %dma_wait3A_188 = tpu.memref_slice %arg6[%dma_wait3A_184, %dma_wait3A_186, %dma_wait3A_187] : memref<2x640x64xf32, #tpu.memory_space<vmem>> -> memref<1x640x64xf32, #tpu.memory_space<vmem>>
    %dma_wait3A_189 = tpu.memref_squeeze %dma_wait3A_188 : memref<1x640x64xf32, #tpu.memory_space<vmem>> -> memref<640x64xf32, #tpu.memory_space<vmem>>
    %dma_wait3A_190 = arith.constant 1920 : i32
    %dma_wait3A_191 = tpu.memref_slice %arg5[%dma_wait3A_190] : memref<2560xi32, #tpu.memory_space<vmem>> -> memref<640xi32, #tpu.memory_space<vmem>>
    %dma_wait3A_192 = arith.constant 0 : i32
    %dma_wait3A_193 = arith.constant 0 : i32
    %dma_wait3A_194 = tpu.memref_slice %arg3[%dma_wait3A_192, %dma_wait3A_193] : memref<100000x64xf32, #tpu.memory_space<hbm>> -> memref<100000x64xf32, #tpu.memory_space<hbm>>
    %dma_wait3A_195 = tpu.memref_slice %arg8[%dma_wait3A_185] : memref<2x!tpu.dma_semaphore, #tpu.memory_space<semaphore_mem>> -> memref<1x!tpu.dma_semaphore, #tpu.memory_space<semaphore_mem>>
    %dma_wait3A_196 = tpu.memref_squeeze %dma_wait3A_195 : memref<1x!tpu.dma_semaphore, #tpu.memory_space<semaphore_mem>> -> memref<!tpu.dma_semaphore, #tpu.memory_space<semaphore_mem>>
    tpu.wait_indirect_dma semaphore(%dma_wait3A_196 : memref<!tpu.dma_semaphore, #tpu.memory_space<semaphore_mem>>) src(%dma_wait3A_194 : memref<100000x64xf32, #tpu.memory_space<hbm>>) dst(%dma_wait3A_189 : memref<640x64xf32, #tpu.memory_space<vmem>>)
    %dma_wait3A_197 = arith.constant 1 : i32
    %dma_wait3A_198 = arith.constant 1 : i32
    %dma_wait3A_199 = arith.constant 0 : i32
    %dma_wait3A_200 = arith.constant 0 : i32
    %dma_wait3A_201 = tpu.memref_slice %arg7[%dma_wait3A_197, %dma_wait3A_199, %dma_wait3A_200] : memref<2x32x64xf32, #tpu.memory_space<vmem>> -> memref<1x32x64xf32, #tpu.memory_space<vmem>>
    %dma_wait3A_202 = tpu.memref_squeeze %dma_wait3A_201 : memref<1x32x64xf32, #tpu.memory_space<vmem>> -> memref<32x64xf32, #tpu.memory_space<vmem>>
    %dma_wait3A_203 = arith.constant 0 : i32
    %dma_wait3A_204 = tpu.memref_slice %arg4[%add3A_100, %dma_wait3A_203] : memref<4096x64xf32, #tpu.memory_space<hbm>> -> memref<32x64xf32, #tpu.memory_space<hbm>>
    %dma_wait3A_205 = tpu.memref_slice %arg9[%dma_wait3A_198] : memref<2x!tpu.dma_semaphore, #tpu.memory_space<semaphore_mem>> -> memref<1x!tpu.dma_semaphore, #tpu.memory_space<semaphore_mem>>
    %dma_wait3A_206 = tpu.memref_squeeze %dma_wait3A_205 : memref<1x!tpu.dma_semaphore, #tpu.memory_space<semaphore_mem>> -> memref<!tpu.dma_semaphore, #tpu.memory_space<semaphore_mem>>
    %dma_wait3A_207 = arith.constant 0 : i32
    %dma_wait3A_208 = tpu.memref_slice %arg4[%add3A_100, %dma_wait3A_207] : memref<4096x64xf32, #tpu.memory_space<hbm>> -> memref<32x64xf32, #tpu.memory_space<hbm>>
    %dma_wait3A_209 = arith.constant 0 : i32
    %dma_wait3A_210 = arith.constant 0 : i32
    %dma_wait3A_211 = tpu.memref_slice %arg7[%dma_wait3A_197, %dma_wait3A_209, %dma_wait3A_210] : memref<2x32x64xf32, #tpu.memory_space<vmem>> -> memref<1x32x64xf32, #tpu.memory_space<vmem>>
    %dma_wait3A_212 = tpu.memref_squeeze %dma_wait3A_211 : memref<1x32x64xf32, #tpu.memory_space<vmem>> -> memref<32x64xf32, #tpu.memory_space<vmem>>
    tpu.wait_dma2 semaphore(%dma_wait3A_206 : memref<!tpu.dma_semaphore, #tpu.memory_space<semaphore_mem>>) src(%dma_wait3A_212 : memref<32x64xf32, #tpu.memory_space<vmem>>) dst(%dma_wait3A_208 : memref<32x64xf32, #tpu.memory_space<hbm>>)
    %scan3A_213 = arith.constant 0 : i32
    %scan3A_214 = arith.constant 0 : i32
    %scan3A_215 = arith.constant 32 : i32
    %scan3A_216 = arith.addi %scan3A_214, %scan3A_215 : i32
    %scan3A_217 = arith.constant 1 : i32
    %scan3A_218 = scf.for %scan3A_270 = %scan3A_214 to %scan3A_216 step %scan3A_217 iter_args(%scan3A_271 = %scan3A_213) -> (i32)  : i32 {
      %mul3A_272 = arith.constant 20 : i32
      %mul3A_273 = arith.muli %scan3A_270, %mul3A_272 : i32
      %get3A = arith.constant 1 : i32
      %get3A_274 = arith.index_cast %get3A : i32 to index
      %get3A_275 = arith.index_cast %mul3A_273 : i32 to index
      %get3A_276 = arith.constant 0 : index
      %get3A_277 = tpu.vector_load %arg6[%get3A_274, %get3A_275, %get3A_276] {strides = array<i32>} : memref<2x640x64xf32, #tpu.memory_space<vmem>>, vector<1x1x16xf32>,
      %get3A_278 = vector.shape_cast %get3A_277 : vector<1x1x16xf32> to vector<16xf32>
      %mul3A_279 = arith.constant 20 : i32
      %mul3A_280 = arith.muli %scan3A_270, %mul3A_279 : i32
      %add3A_281 = arith.constant 1 : i32
      %add3A_282 = arith.addi %mul3A_280, %add3A_281 : i32
      %get3A_283 = arith.constant 1 : i32
      %get3A_284 = arith.index_cast %get3A_283 : i32 to index
      %get3A_285 = arith.index_cast %add3A_282 : i32 to index
      %get3A_286 = arith.constant 0 : index
      %get3A_287 = tpu.vector_load %arg6[%get3A_284, %get3A_285, %get3A_286] {strides = array<i32>} : memref<2x640x64xf32, #tpu.memory_space<vmem>>, vector<1x1x16xf32>,
      %get3A_288 = vector.shape_cast %get3A_287 : vector<1x1x16xf32> to vector<16xf32>
      %add3A_289 = arith.addf %get3A_278, %get3A_288 : vector<16xf32>
      %mul3A_290 = arith.constant 20 : i32
      %mul3A_291 = arith.muli %scan3A_270, %mul3A_290 : i32
      %add3A_292 = arith.constant 2 : i32
      %add3A_293 = arith.addi %mul3A_291, %add3A_292 : i32
      %get3A_294 = arith.constant 1 : i32
      %get3A_295 = arith.index_cast %get3A_294 : i32 to index
      %get3A_296 = arith.index_cast %add3A_293 : i32 to index
      %get3A_297 = arith.constant 0 : index
      %get3A_298 = tpu.vector_load %arg6[%get3A_295, %get3A_296, %get3A_297] {strides = array<i32>} : memref<2x640x64xf32, #tpu.memory_space<vmem>>, vector<1x1x16xf32>,
      %get3A_299 = vector.shape_cast %get3A_298 : vector<1x1x16xf32> to vector<16xf32>
      %add3A_300 = arith.addf %add3A_289, %get3A_299 : vector<16xf32>
      %mul3A_301 = arith.constant 20 : i32
      %mul3A_302 = arith.muli %scan3A_270, %mul3A_301 : i32
      %add3A_303 = arith.constant 3 : i32
      %add3A_304 = arith.addi %mul3A_302, %add3A_303 : i32
      %get3A_305 = arith.constant 1 : i32
      %get3A_306 = arith.index_cast %get3A_305 : i32 to index
      %get3A_307 = arith.index_cast %add3A_304 : i32 to index
      %get3A_308 = arith.constant 0 : index
      %get3A_309 = tpu.vector_load %arg6[%get3A_306, %get3A_307, %get3A_308] {strides = array<i32>} : memref<2x640x64xf32, #tpu.memory_space<vmem>>, vector<1x1x16xf32>,
      %get3A_310 = vector.shape_cast %get3A_309 : vector<1x1x16xf32> to vector<16xf32>
      %add3A_311 = arith.addf %add3A_300, %get3A_310 : vector<16xf32>
      %mul3A_312 = arith.constant 20 : i32
      %mul3A_313 = arith.muli %scan3A_270, %mul3A_312 : i32
      %add3A_314 = arith.constant 4 : i32
      %add3A_315 = arith.addi %mul3A_313, %add3A_314 : i32
      %get3A_316 = arith.constant 1 : i32
      %get3A_317 = arith.index_cast %get3A_316 : i32 to index
      %get3A_318 = arith.index_cast %add3A_315 : i32 to index
      %get3A_319 = arith.constant 0 : index
      %get3A_320 = tpu.vector_load %arg6[%get3A_317, %get3A_318, %get3A_319] {strides = array<i32>} : memref<2x640x64xf32, #tpu.memory_space<vmem>>, vector<1x1x16xf32>,
      %get3A_321 = vector.shape_cast %get3A_320 : vector<1x1x16xf32> to vector<16xf32>
      %add3A_322 = arith.addf %add3A_311, %get3A_321 : vector<16xf32>
      %mul3A_323 = arith.constant 20 : i32
      %mul3A_324 = arith.muli %scan3A_270, %mul3A_323 : i32
      %add3A_325 = arith.constant 5 : i32
      %add3A_326 = arith.addi %mul3A_324, %add3A_325 : i32
      %get3A_327 = arith.constant 1 : i32
      %get3A_328 = arith.index_cast %get3A_327 : i32 to index
      %get3A_329 = arith.index_cast %add3A_326 : i32 to index
      %get3A_330 = arith.constant 0 : index
      %get3A_331 = tpu.vector_load %arg6[%get3A_328, %get3A_329, %get3A_330] {strides = array<i32>} : memref<2x640x64xf32, #tpu.memory_space<vmem>>, vector<1x1x16xf32>,
      %get3A_332 = vector.shape_cast %get3A_331 : vector<1x1x16xf32> to vector<16xf32>
      %add3A_333 = arith.addf %add3A_322, %get3A_332 : vector<16xf32>
      %mul3A_334 = arith.constant 20 : i32
      %mul3A_335 = arith.muli %scan3A_270, %mul3A_334 : i32
      %add3A_336 = arith.constant 6 : i32
      %add3A_337 = arith.addi %mul3A_335, %add3A_336 : i32
      %get3A_338 = arith.constant 1 : i32
      %get3A_339 = arith.index_cast %get3A_338 : i32 to index
      %get3A_340 = arith.index_cast %add3A_337 : i32 to index
      %get3A_341 = arith.constant 0 : index
      %get3A_342 = tpu.vector_load %arg6[%get3A_339, %get3A_340, %get3A_341] {strides = array<i32>} : memref<2x640x64xf32, #tpu.memory_space<vmem>>, vector<1x1x16xf32>,
      %get3A_343 = vector.shape_cast %get3A_342 : vector<1x1x16xf32> to vector<16xf32>
      %add3A_344 = arith.addf %add3A_333, %get3A_343 : vector<16xf32>
      %mul3A_345 = arith.constant 20 : i32
      %mul3A_346 = arith.muli %scan3A_270, %mul3A_345 : i32
      %add3A_347 = arith.constant 7 : i32
      %add3A_348 = arith.addi %mul3A_346, %add3A_347 : i32
      %get3A_349 = arith.constant 1 : i32
      %get3A_350 = arith.index_cast %get3A_349 : i32 to index
      %get3A_351 = arith.index_cast %add3A_348 : i32 to index
      %get3A_352 = arith.constant 0 : index
      %get3A_353 = tpu.vector_load %arg6[%get3A_350, %get3A_351, %get3A_352] {strides = array<i32>} : memref<2x640x64xf32, #tpu.memory_space<vmem>>, vector<1x1x16xf32>,
      %get3A_354 = vector.shape_cast %get3A_353 : vector<1x1x16xf32> to vector<16xf32>
      %add3A_355 = arith.addf %add3A_344, %get3A_354 : vector<16xf32>
      %mul3A_356 = arith.constant 20 : i32
      %mul3A_357 = arith.muli %scan3A_270, %mul3A_356 : i32
      %add3A_358 = arith.constant 8 : i32
      %add3A_359 = arith.addi %mul3A_357, %add3A_358 : i32
      %get3A_360 = arith.constant 1 : i32
      %get3A_361 = arith.index_cast %get3A_360 : i32 to index
      %get3A_362 = arith.index_cast %add3A_359 : i32 to index
      %get3A_363 = arith.constant 0 : index
      %get3A_364 = tpu.vector_load %arg6[%get3A_361, %get3A_362, %get3A_363] {strides = array<i32>} : memref<2x640x64xf32, #tpu.memory_space<vmem>>, vector<1x1x16xf32>,
      %get3A_365 = vector.shape_cast %get3A_364 : vector<1x1x16xf32> to vector<16xf32>
      %add3A_366 = arith.addf %add3A_355, %get3A_365 : vector<16xf32>
      %mul3A_367 = arith.constant 20 : i32
      %mul3A_368 = arith.muli %scan3A_270, %mul3A_367 : i32
      %add3A_369 = arith.constant 9 : i32
      %add3A_370 = arith.addi %mul3A_368, %add3A_369 : i32
      %get3A_371 = arith.constant 1 : i32
      %get3A_372 = arith.index_cast %get3A_371 : i32 to index
      %get3A_373 = arith.index_cast %add3A_370 : i32 to index
      %get3A_374 = arith.constant 0 : index
      %get3A_375 = tpu.vector_load %arg6[%get3A_372, %get3A_373, %get3A_374] {strides = array<i32>} : memref<2x640x64xf32, #tpu.memory_space<vmem>>, vector<1x1x16xf32>,
      %get3A_376 = vector.shape_cast %get3A_375 : vector<1x1x16xf32> to vector<16xf32>
      %add3A_377 = arith.addf %add3A_366, %get3A_376 : vector<16xf32>
      %mul3A_378 = arith.constant 20 : i32
      %mul3A_379 = arith.muli %scan3A_270, %mul3A_378 : i32
      %add3A_380 = arith.constant 10 : i32
      %add3A_381 = arith.addi %mul3A_379, %add3A_380 : i32
      %get3A_382 = arith.constant 1 : i32
      %get3A_383 = arith.index_cast %get3A_382 : i32 to index
      %get3A_384 = arith.index_cast %add3A_381 : i32 to index
      %get3A_385 = arith.constant 0 : index
      %get3A_386 = tpu.vector_load %arg6[%get3A_383, %get3A_384, %get3A_385] {strides = array<i32>} : memref<2x640x64xf32, #tpu.memory_space<vmem>>, vector<1x1x16xf32>,
      %get3A_387 = vector.shape_cast %get3A_386 : vector<1x1x16xf32> to vector<16xf32>
      %add3A_388 = arith.addf %add3A_377, %get3A_387 : vector<16xf32>
      %mul3A_389 = arith.constant 20 : i32
      %mul3A_390 = arith.muli %scan3A_270, %mul3A_389 : i32
      %add3A_391 = arith.constant 11 : i32
      %add3A_392 = arith.addi %mul3A_390, %add3A_391 : i32
      %get3A_393 = arith.constant 1 : i32
      %get3A_394 = arith.index_cast %get3A_393 : i32 to index
      %get3A_395 = arith.index_cast %add3A_392 : i32 to index
      %get3A_396 = arith.constant 0 : index
      %get3A_397 = tpu.vector_load %arg6[%get3A_394, %get3A_395, %get3A_396] {strides = array<i32>} : memref<2x640x64xf32, #tpu.memory_space<vmem>>, vector<1x1x16xf32>,
      %get3A_398 = vector.shape_cast %get3A_397 : vector<1x1x16xf32> to vector<16xf32>
      %add3A_399 = arith.addf %add3A_388, %get3A_398 : vector<16xf32>
      %mul3A_400 = arith.constant 20 : i32
      %mul3A_401 = arith.muli %scan3A_270, %mul3A_400 : i32
      %add3A_402 = arith.constant 12 : i32
      %add3A_403 = arith.addi %mul3A_401, %add3A_402 : i32
      %get3A_404 = arith.constant 1 : i32
      %get3A_405 = arith.index_cast %get3A_404 : i32 to index
      %get3A_406 = arith.index_cast %add3A_403 : i32 to index
      %get3A_407 = arith.constant 0 : index
      %get3A_408 = tpu.vector_load %arg6[%get3A_405, %get3A_406, %get3A_407] {strides = array<i32>} : memref<2x640x64xf32, #tpu.memory_space<vmem>>, vector<1x1x16xf32>,
      %get3A_409 = vector.shape_cast %get3A_408 : vector<1x1x16xf32> to vector<16xf32>
      %add3A_410 = arith.addf %add3A_399, %get3A_409 : vector<16xf32>
      %mul3A_411 = arith.constant 20 : i32
      %mul3A_412 = arith.muli %scan3A_270, %mul3A_411 : i32
      %add3A_413 = arith.constant 13 : i32
      %add3A_414 = arith.addi %mul3A_412, %add3A_413 : i32
      %get3A_415 = arith.constant 1 : i32
      %get3A_416 = arith.index_cast %get3A_415 : i32 to index
      %get3A_417 = arith.index_cast %add3A_414 : i32 to index
      %get3A_418 = arith.constant 0 : index
      %get3A_419 = tpu.vector_load %arg6[%get3A_416, %get3A_417, %get3A_418] {strides = array<i32>} : memref<2x640x64xf32, #tpu.memory_space<vmem>>, vector<1x1x16xf32>,
      %get3A_420 = vector.shape_cast %get3A_419 : vector<1x1x16xf32> to vector<16xf32>
      %add3A_421 = arith.addf %add3A_410, %get3A_420 : vector<16xf32>
      %mul3A_422 = arith.constant 20 : i32
      %mul3A_423 = arith.muli %scan3A_270, %mul3A_422 : i32
      %add3A_424 = arith.constant 14 : i32
      %add3A_425 = arith.addi %mul3A_423, %add3A_424 : i32
      %get3A_426 = arith.constant 1 : i32
      %get3A_427 = arith.index_cast %get3A_426 : i32 to index
      %get3A_428 = arith.index_cast %add3A_425 : i32 to index
      %get3A_429 = arith.constant 0 : index
      %get3A_430 = tpu.vector_load %arg6[%get3A_427, %get3A_428, %get3A_429] {strides = array<i32>} : memref<2x640x64xf32, #tpu.memory_space<vmem>>, vector<1x1x16xf32>,
      %get3A_431 = vector.shape_cast %get3A_430 : vector<1x1x16xf32> to vector<16xf32>
      %add3A_432 = arith.addf %add3A_421, %get3A_431 : vector<16xf32>
      %mul3A_433 = arith.constant 20 : i32
      %mul3A_434 = arith.muli %scan3A_270, %mul3A_433 : i32
      %add3A_435 = arith.constant 15 : i32
      %add3A_436 = arith.addi %mul3A_434, %add3A_435 : i32
      %get3A_437 = arith.constant 1 : i32
      %get3A_438 = arith.index_cast %get3A_437 : i32 to index
      %get3A_439 = arith.index_cast %add3A_436 : i32 to index
      %get3A_440 = arith.constant 0 : index
      %get3A_441 = tpu.vector_load %arg6[%get3A_438, %get3A_439, %get3A_440] {strides = array<i32>} : memref<2x640x64xf32, #tpu.memory_space<vmem>>, vector<1x1x16xf32>,
      %get3A_442 = vector.shape_cast %get3A_441 : vector<1x1x16xf32> to vector<16xf32>
      %add3A_443 = arith.addf %add3A_432, %get3A_442 : vector<16xf32>
      %mul3A_444 = arith.constant 20 : i32
      %mul3A_445 = arith.muli %scan3A_270, %mul3A_444 : i32
      %add3A_446 = arith.constant 16 : i32
      %add3A_447 = arith.addi %mul3A_445, %add3A_446 : i32
      %get3A_448 = arith.constant 1 : i32
      %get3A_449 = arith.index_cast %get3A_448 : i32 to index
      %get3A_450 = arith.index_cast %add3A_447 : i32 to index
      %get3A_451 = arith.constant 0 : index
      %get3A_452 = tpu.vector_load %arg6[%get3A_449, %get3A_450, %get3A_451] {strides = array<i32>} : memref<2x640x64xf32, #tpu.memory_space<vmem>>, vector<1x1x16xf32>,
      %get3A_453 = vector.shape_cast %get3A_452 : vector<1x1x16xf32> to vector<16xf32>
      %add3A_454 = arith.addf %add3A_443, %get3A_453 : vector<16xf32>
      %mul3A_455 = arith.constant 20 : i32
      %mul3A_456 = arith.muli %scan3A_270, %mul3A_455 : i32
      %add3A_457 = arith.constant 17 : i32
      %add3A_458 = arith.addi %mul3A_456, %add3A_457 : i32
      %get3A_459 = arith.constant 1 : i32
      %get3A_460 = arith.index_cast %get3A_459 : i32 to index
      %get3A_461 = arith.index_cast %add3A_458 : i32 to index
      %get3A_462 = arith.constant 0 : index
      %get3A_463 = tpu.vector_load %arg6[%get3A_460, %get3A_461, %get3A_462] {strides = array<i32>} : memref<2x640x64xf32, #tpu.memory_space<vmem>>, vector<1x1x16xf32>,
      %get3A_464 = vector.shape_cast %get3A_463 : vector<1x1x16xf32> to vector<16xf32>
      %add3A_465 = arith.addf %add3A_454, %get3A_464 : vector<16xf32>
      %mul3A_466 = arith.constant 20 : i32
      %mul3A_467 = arith.muli %scan3A_270, %mul3A_466 : i32
      %add3A_468 = arith.constant 18 : i32
      %add3A_469 = arith.addi %mul3A_467, %add3A_468 : i32
      %get3A_470 = arith.constant 1 : i32
      %get3A_471 = arith.index_cast %get3A_470 : i32 to index
      %get3A_472 = arith.index_cast %add3A_469 : i32 to index
      %get3A_473 = arith.constant 0 : index
      %get3A_474 = tpu.vector_load %arg6[%get3A_471, %get3A_472, %get3A_473] {strides = array<i32>} : memref<2x640x64xf32, #tpu.memory_space<vmem>>, vector<1x1x16xf32>,
      %get3A_475 = vector.shape_cast %get3A_474 : vector<1x1x16xf32> to vector<16xf32>
      %add3A_476 = arith.addf %add3A_465, %get3A_475 : vector<16xf32>
      %mul3A_477 = arith.constant 20 : i32
      %mul3A_478 = arith.muli %scan3A_270, %mul3A_477 : i32
      %add3A_479 = arith.constant 19 : i32
      %add3A_480 = arith.addi %mul3A_478, %add3A_479 : i32
      %get3A_481 = arith.constant 1 : i32
      %get3A_482 = arith.index_cast %get3A_481 : i32 to index
      %get3A_483 = arith.index_cast %add3A_480 : i32 to index
      %get3A_484 = arith.constant 0 : index
      %get3A_485 = tpu.vector_load %arg6[%get3A_482, %get3A_483, %get3A_484] {strides = array<i32>} : memref<2x640x64xf32, #tpu.memory_space<vmem>>, vector<1x1x16xf32>,
      %get3A_486 = vector.shape_cast %get3A_485 : vector<1x1x16xf32> to vector<16xf32>
      %add3A_487 = arith.addf %add3A_476, %get3A_486 : vector<16xf32>
      %swap3A = arith.constant 1 : i32
      %swap3A_488 = arith.index_cast %swap3A : i32 to index
      %swap3A_489 = arith.index_cast %scan3A_270 : i32 to index
      %swap3A_490 = arith.constant 0 : index
      %swap3A_491 = tpu.vector_load %arg7[%swap3A_488, %swap3A_489, %swap3A_490] {strides = array<i32>} : memref<2x32x64xf32, #tpu.memory_space<vmem>>, vector<1x1x16xf32>,
      %swap3A_492 = vector.shape_cast %swap3A_491 : vector<1x1x16xf32> to vector<16xf32>
      %swap3A_493 = vector.shape_cast %add3A_487 : vector<16xf32> to vector<1x1x16xf32>
      tpu.vector_store %arg7[%swap3A_488, %swap3A_489, %swap3A_490], %swap3A_493 {strides = array<i32>} : memref<2x32x64xf32, #tpu.memory_space<vmem>>, vector<1x1x16xf32>,
      %mul3A_494 = arith.constant 20 : i32
      %mul3A_495 = arith.muli %scan3A_270, %mul3A_494 : i32
      %get3A_496 = arith.constant 1 : i32
      %get3A_497 = arith.index_cast %get3A_496 : i32 to index
      %get3A_498 = arith.index_cast %mul3A_495 : i32 to index
      %get3A_499 = arith.constant 16 : index
      %get3A_500 = tpu.vector_load %arg6[%get3A_497, %get3A_498, %get3A_499] {strides = array<i32>} : memref<2x640x64xf32, #tpu.memory_space<vmem>>, vector<1x1x16xf32>,
      %get3A_501 = vector.shape_cast %get3A_500 : vector<1x1x16xf32> to vector<16xf32>
      %mul3A_502 = arith.constant 20 : i32
      %mul3A_503 = arith.muli %scan3A_270, %mul3A_502 : i32
      %add3A_504 = arith.constant 1 : i32
      %add3A_505 = arith.addi %mul3A_503, %add3A_504 : i32
      %get3A_506 = arith.constant 1 : i32
      %get3A_507 = arith.index_cast %get3A_506 : i32 to index
      %get3A_508 = arith.index_cast %add3A_505 : i32 to index
      %get3A_509 = arith.constant 16 : index
      %get3A_510 = tpu.vector_load %arg6[%get3A_507, %get3A_508, %get3A_509] {strides = array<i32>} : memref<2x640x64xf32, #tpu.memory_space<vmem>>, vector<1x1x16xf32>,
      %get3A_511 = vector.shape_cast %get3A_510 : vector<1x1x16xf32> to vector<16xf32>
      %add3A_512 = arith.addf %get3A_501, %get3A_511 : vector<16xf32>
      %mul3A_513 = arith.constant 20 : i32
      %mul3A_514 = arith.muli %scan3A_270, %mul3A_513 : i32
      %add3A_515 = arith.constant 2 : i32
      %add3A_516 = arith.addi %mul3A_514, %add3A_515 : i32
      %get3A_517 = arith.constant 1 : i32
      %get3A_518 = arith.index_cast %get3A_517 : i32 to index
      %get3A_519 = arith.index_cast %add3A_516 : i32 to index
      %get3A_520 = arith.constant 16 : index
      %get3A_521 = tpu.vector_load %arg6[%get3A_518, %get3A_519, %get3A_520] {strides = array<i32>} : memref<2x640x64xf32, #tpu.memory_space<vmem>>, vector<1x1x16xf32>,
      %get3A_522 = vector.shape_cast %get3A_521 : vector<1x1x16xf32> to vector<16xf32>
      %add3A_523 = arith.addf %add3A_512, %get3A_522 : vector<16xf32>
      %mul3A_524 = arith.constant 20 : i32
      %mul3A_525 = arith.muli %scan3A_270, %mul3A_524 : i32
      %add3A_526 = arith.constant 3 : i32
      %add3A_527 = arith.addi %mul3A_525, %add3A_526 : i32
      %get3A_528 = arith.constant 1 : i32
      %get3A_529 = arith.index_cast %get3A_528 : i32 to index
      %get3A_530 = arith.index_cast %add3A_527 : i32 to index
      %get3A_531 = arith.constant 16 : index
      %get3A_532 = tpu.vector_load %arg6[%get3A_529, %get3A_530, %get3A_531] {strides = array<i32>} : memref<2x640x64xf32, #tpu.memory_space<vmem>>, vector<1x1x16xf32>,
      %get3A_533 = vector.shape_cast %get3A_532 : vector<1x1x16xf32> to vector<16xf32>
      %add3A_534 = arith.addf %add3A_523, %get3A_533 : vector<16xf32>
      %mul3A_535 = arith.constant 20 : i32
      %mul3A_536 = arith.muli %scan3A_270, %mul3A_535 : i32
      %add3A_537 = arith.constant 4 : i32
      %add3A_538 = arith.addi %mul3A_536, %add3A_537 : i32
      %get3A_539 = arith.constant 1 : i32
      %get3A_540 = arith.index_cast %get3A_539 : i32 to index
      %get3A_541 = arith.index_cast %add3A_538 : i32 to index
      %get3A_542 = arith.constant 16 : index
      %get3A_543 = tpu.vector_load %arg6[%get3A_540, %get3A_541, %get3A_542] {strides = array<i32>} : memref<2x640x64xf32, #tpu.memory_space<vmem>>, vector<1x1x16xf32>,
      %get3A_544 = vector.shape_cast %get3A_543 : vector<1x1x16xf32> to vector<16xf32>
      %add3A_545 = arith.addf %add3A_534, %get3A_544 : vector<16xf32>
      %mul3A_546 = arith.constant 20 : i32
      %mul3A_547 = arith.muli %scan3A_270, %mul3A_546 : i32
      %add3A_548 = arith.constant 5 : i32
      %add3A_549 = arith.addi %mul3A_547, %add3A_548 : i32
      %get3A_550 = arith.constant 1 : i32
      %get3A_551 = arith.index_cast %get3A_550 : i32 to index
      %get3A_552 = arith.index_cast %add3A_549 : i32 to index
      %get3A_553 = arith.constant 16 : index
      %get3A_554 = tpu.vector_load %arg6[%get3A_551, %get3A_552, %get3A_553] {strides = array<i32>} : memref<2x640x64xf32, #tpu.memory_space<vmem>>, vector<1x1x16xf32>,
      %get3A_555 = vector.shape_cast %get3A_554 : vector<1x1x16xf32> to vector<16xf32>
      %add3A_556 = arith.addf %add3A_545, %get3A_555 : vector<16xf32>
      %mul3A_557 = arith.constant 20 : i32
      %mul3A_558 = arith.muli %scan3A_270, %mul3A_557 : i32
      %add3A_559 = arith.constant 6 : i32
      %add3A_560 = arith.addi %mul3A_558, %add3A_559 : i32
      %get3A_561 = arith.constant 1 : i32
      %get3A_562 = arith.index_cast %get3A_561 : i32 to index
      %get3A_563 = arith.index_cast %add3A_560 : i32 to index
      %get3A_564 = arith.constant 16 : index
      %get3A_565 = tpu.vector_load %arg6[%get3A_562, %get3A_563, %get3A_564] {strides = array<i32>} : memref<2x640x64xf32, #tpu.memory_space<vmem>>, vector<1x1x16xf32>,
      %get3A_566 = vector.shape_cast %get3A_565 : vector<1x1x16xf32> to vector<16xf32>
      %add3A_567 = arith.addf %add3A_556, %get3A_566 : vector<16xf32>
      %mul3A_568 = arith.constant 20 : i32
      %mul3A_569 = arith.muli %scan3A_270, %mul3A_568 : i32
      %add3A_570 = arith.constant 7 : i32
      %add3A_571 = arith.addi %mul3A_569, %add3A_570 : i32
      %get3A_572 = arith.constant 1 : i32
      %get3A_573 = arith.index_cast %get3A_572 : i32 to index
      %get3A_574 = arith.index_cast %add3A_571 : i32 to index
      %get3A_575 = arith.constant 16 : index
      %get3A_576 = tpu.vector_load %arg6[%get3A_573, %get3A_574, %get3A_575] {strides = array<i32>} : memref<2x640x64xf32, #tpu.memory_space<vmem>>, vector<1x1x16xf32>,
      %get3A_577 = vector.shape_cast %get3A_576 : vector<1x1x16xf32> to vector<16xf32>
      %add3A_578 = arith.addf %add3A_567, %get3A_577 : vector<16xf32>
      %mul3A_579 = arith.constant 20 : i32
      %mul3A_580 = arith.muli %scan3A_270, %mul3A_579 : i32
      %add3A_581 = arith.constant 8 : i32
      %add3A_582 = arith.addi %mul3A_580, %add3A_581 : i32
      %get3A_583 = arith.constant 1 : i32
      %get3A_584 = arith.index_cast %get3A_583 : i32 to index
      %get3A_585 = arith.index_cast %add3A_582 : i32 to index
      %get3A_586 = arith.constant 16 : index
      %get3A_587 = tpu.vector_load %arg6[%get3A_584, %get3A_585, %get3A_586] {strides = array<i32>} : memref<2x640x64xf32, #tpu.memory_space<vmem>>, vector<1x1x16xf32>,
      %get3A_588 = vector.shape_cast %get3A_587 : vector<1x1x16xf32> to vector<16xf32>
      %add3A_589 = arith.addf %add3A_578, %get3A_588 : vector<16xf32>
      %mul3A_590 = arith.constant 20 : i32
      %mul3A_591 = arith.muli %scan3A_270, %mul3A_590 : i32
      %add3A_592 = arith.constant 9 : i32
      %add3A_593 = arith.addi %mul3A_591, %add3A_592 : i32
      %get3A_594 = arith.constant 1 : i32
      %get3A_595 = arith.index_cast %get3A_594 : i32 to index
      %get3A_596 = arith.index_cast %add3A_593 : i32 to index
      %get3A_597 = arith.constant 16 : index
      %get3A_598 = tpu.vector_load %arg6[%get3A_595, %get3A_596, %get3A_597] {strides = array<i32>} : memref<2x640x64xf32, #tpu.memory_space<vmem>>, vector<1x1x16xf32>,
      %get3A_599 = vector.shape_cast %get3A_598 : vector<1x1x16xf32> to vector<16xf32>
      %add3A_600 = arith.addf %add3A_589, %get3A_599 : vector<16xf32>
      %mul3A_601 = arith.constant 20 : i32
      %mul3A_602 = arith.muli %scan3A_270, %mul3A_601 : i32
      %add3A_603 = arith.constant 10 : i32
      %add3A_604 = arith.addi %mul3A_602, %add3A_603 : i32
      %get3A_605 = arith.constant 1 : i32
      %get3A_606 = arith.index_cast %get3A_605 : i32 to index
      %get3A_607 = arith.index_cast %add3A_604 : i32 to index
      %get3A_608 = arith.constant 16 : index
      %get3A_609 = tpu.vector_load %arg6[%get3A_606, %get3A_607, %get3A_608] {strides = array<i32>} : memref<2x640x64xf32, #tpu.memory_space<vmem>>, vector<1x1x16xf32>,
      %get3A_610 = vector.shape_cast %get3A_609 : vector<1x1x16xf32> to vector<16xf32>
      %add3A_611 = arith.addf %add3A_600, %get3A_610 : vector<16xf32>
      %mul3A_612 = arith.constant 20 : i32
      %mul3A_613 = arith.muli %scan3A_270, %mul3A_612 : i32
      %add3A_614 = arith.constant 11 : i32
      %add3A_615 = arith.addi %mul3A_613, %add3A_614 : i32
      %get3A_616 = arith.constant 1 : i32
      %get3A_617 = arith.index_cast %get3A_616 : i32 to index
      %get3A_618 = arith.index_cast %add3A_615 : i32 to index
      %get3A_619 = arith.constant 16 : index
      %get3A_620 = tpu.vector_load %arg6[%get3A_617, %get3A_618, %get3A_619] {strides = array<i32>} : memref<2x640x64xf32, #tpu.memory_space<vmem>>, vector<1x1x16xf32>,
      %get3A_621 = vector.shape_cast %get3A_620 : vector<1x1x16xf32> to vector<16xf32>
      %add3A_622 = arith.addf %add3A_611, %get3A_621 : vector<16xf32>
      %mul3A_623 = arith.constant 20 : i32
      %mul3A_624 = arith.muli %scan3A_270, %mul3A_623 : i32
      %add3A_625 = arith.constant 12 : i32
      %add3A_626 = arith.addi %mul3A_624, %add3A_625 : i32
      %get3A_627 = arith.constant 1 : i32
      %get3A_628 = arith.index_cast %get3A_627 : i32 to index
      %get3A_629 = arith.index_cast %add3A_626 : i32 to index
      %get3A_630 = arith.constant 16 : index
      %get3A_631 = tpu.vector_load %arg6[%get3A_628, %get3A_629, %get3A_630] {strides = array<i32>} : memref<2x640x64xf32, #tpu.memory_space<vmem>>, vector<1x1x16xf32>,
      %get3A_632 = vector.shape_cast %get3A_631 : vector<1x1x16xf32> to vector<16xf32>
      %add3A_633 = arith.addf %add3A_622, %get3A_632 : vector<16xf32>
      %mul3A_634 = arith.constant 20 : i32
      %mul3A_635 = arith.muli %scan3A_270, %mul3A_634 : i32
      %add3A_636 = arith.constant 13 : i32
      %add3A_637 = arith.addi %mul3A_635, %add3A_636 : i32
      %get3A_638 = arith.constant 1 : i32
      %get3A_639 = arith.index_cast %get3A_638 : i32 to index
      %get3A_640 = arith.index_cast %add3A_637 : i32 to index
      %get3A_641 = arith.constant 16 : index
      %get3A_642 = tpu.vector_load %arg6[%get3A_639, %get3A_640, %get3A_641] {strides = array<i32>} : memref<2x640x64xf32, #tpu.memory_space<vmem>>, vector<1x1x16xf32>,
      %get3A_643 = vector.shape_cast %get3A_642 : vector<1x1x16xf32> to vector<16xf32>
      %add3A_644 = arith.addf %add3A_633, %get3A_643 : vector<16xf32>
      %mul3A_645 = arith.constant 20 : i32
      %mul3A_646 = arith.muli %scan3A_270, %mul3A_645 : i32
      %add3A_647 = arith.constant 14 : i32
      %add3A_648 = arith.addi %mul3A_646, %add3A_647 : i32
      %get3A_649 = arith.constant 1 : i32
      %get3A_650 = arith.index_cast %get3A_649 : i32 to index
      %get3A_651 = arith.index_cast %add3A_648 : i32 to index
      %get3A_652 = arith.constant 16 : index
      %get3A_653 = tpu.vector_load %arg6[%get3A_650, %get3A_651, %get3A_652] {strides = array<i32>} : memref<2x640x64xf32, #tpu.memory_space<vmem>>, vector<1x1x16xf32>,
      %get3A_654 = vector.shape_cast %get3A_653 : vector<1x1x16xf32> to vector<16xf32>
      %add3A_655 = arith.addf %add3A_644, %get3A_654 : vector<16xf32>
      %mul3A_656 = arith.constant 20 : i32
      %mul3A_657 = arith.muli %scan3A_270, %mul3A_656 : i32
      %add3A_658 = arith.constant 15 : i32
      %add3A_659 = arith.addi %mul3A_657, %add3A_658 : i32
      %get3A_660 = arith.constant 1 : i32
      %get3A_661 = arith.index_cast %get3A_660 : i32 to index
      %get3A_662 = arith.index_cast %add3A_659 : i32 to index
      %get3A_663 = arith.constant 16 : index
      %get3A_664 = tpu.vector_load %arg6[%get3A_661, %get3A_662, %get3A_663] {strides = array<i32>} : memref<2x640x64xf32, #tpu.memory_space<vmem>>, vector<1x1x16xf32>,
      %get3A_665 = vector.shape_cast %get3A_664 : vector<1x1x16xf32> to vector<16xf32>
      %add3A_666 = arith.addf %add3A_655, %get3A_665 : vector<16xf32>
      %mul3A_667 = arith.constant 20 : i32
      %mul3A_668 = arith.muli %scan3A_270, %mul3A_667 : i32
      %add3A_669 = arith.constant 16 : i32
      %add3A_670 = arith.addi %mul3A_668, %add3A_669 : i32
      %get3A_671 = arith.constant 1 : i32
      %get3A_672 = arith.index_cast %get3A_671 : i32 to index
      %get3A_673 = arith.index_cast %add3A_670 : i32 to index
      %get3A_674 = arith.constant 16 : index
      %get3A_675 = tpu.vector_load %arg6[%get3A_672, %get3A_673, %get3A_674] {strides = array<i32>} : memref<2x640x64xf32, #tpu.memory_space<vmem>>, vector<1x1x16xf32>,
      %get3A_676 = vector.shape_cast %get3A_675 : vector<1x1x16xf32> to vector<16xf32>
      %add3A_677 = arith.addf %add3A_666, %get3A_676 : vector<16xf32>
      %mul3A_678 = arith.constant 20 : i32
      %mul3A_679 = arith.muli %scan3A_270, %mul3A_678 : i32
      %add3A_680 = arith.constant 17 : i32
      %add3A_681 = arith.addi %mul3A_679, %add3A_680 : i32
      %get3A_682 = arith.constant 1 : i32
      %get3A_683 = arith.index_cast %get3A_682 : i32 to index
      %get3A_684 = arith.index_cast %add3A_681 : i32 to index
      %get3A_685 = arith.constant 16 : index
      %get3A_686 = tpu.vector_load %arg6[%get3A_683, %get3A_684, %get3A_685] {strides = array<i32>} : memref<2x640x64xf32, #tpu.memory_space<vmem>>, vector<1x1x16xf32>,
      %get3A_687 = vector.shape_cast %get3A_686 : vector<1x1x16xf32> to vector<16xf32>
      %add3A_688 = arith.addf %add3A_677, %get3A_687 : vector<16xf32>
      %mul3A_689 = arith.constant 20 : i32
      %mul3A_690 = arith.muli %scan3A_270, %mul3A_689 : i32
      %add3A_691 = arith.constant 18 : i32
      %add3A_692 = arith.addi %mul3A_690, %add3A_691 : i32
      %get3A_693 = arith.constant 1 : i32
      %get3A_694 = arith.index_cast %get3A_693 : i32 to index
      %get3A_695 = arith.index_cast %add3A_692 : i32 to index
      %get3A_696 = arith.constant 16 : index
      %get3A_697 = tpu.vector_load %arg6[%get3A_694, %get3A_695, %get3A_696] {strides = array<i32>} : memref<2x640x64xf32, #tpu.memory_space<vmem>>, vector<1x1x16xf32>,
      %get3A_698 = vector.shape_cast %get3A_697 : vector<1x1x16xf32> to vector<16xf32>
      %add3A_699 = arith.addf %add3A_688, %get3A_698 : vector<16xf32>
      %mul3A_700 = arith.constant 20 : i32
      %mul3A_701 = arith.muli %scan3A_270, %mul3A_700 : i32
      %add3A_702 = arith.constant 19 : i32
      %add3A_703 = arith.addi %mul3A_701, %add3A_702 : i32
      %get3A_704 = arith.constant 1 : i32
      %get3A_705 = arith.index_cast %get3A_704 : i32 to index
      %get3A_706 = arith.index_cast %add3A_703 : i32 to index
      %get3A_707 = arith.constant 16 : index
      %get3A_708 = tpu.vector_load %arg6[%get3A_705, %get3A_706, %get3A_707] {strides = array<i32>} : memref<2x640x64xf32, #tpu.memory_space<vmem>>, vector<1x1x16xf32>,
      %get3A_709 = vector.shape_cast %get3A_708 : vector<1x1x16xf32> to vector<16xf32>
      %add3A_710 = arith.addf %add3A_699, %get3A_709 : vector<16xf32>
      %swap3A_711 = arith.constant 1 : i32
      %swap3A_712 = arith.index_cast %swap3A_711 : i32 to index
      %swap3A_713 = arith.index_cast %scan3A_270 : i32 to index
      %swap3A_714 = arith.constant 16 : index
      %swap3A_715 = tpu.vector_load %arg7[%swap3A_712, %swap3A_713, %swap3A_714] {strides = array<i32>} : memref<2x32x64xf32, #tpu.memory_space<vmem>>, vector<1x1x16xf32>,
      %swap3A_716 = vector.shape_cast %swap3A_715 : vector<1x1x16xf32> to vector<16xf32>
      %swap3A_717 = vector.shape_cast %add3A_710 : vector<16xf32> to vector<1x1x16xf32>
      tpu.vector_store %arg7[%swap3A_712, %swap3A_713, %swap3A_714], %swap3A_717 {strides = array<i32>} : memref<2x32x64xf32, #tpu.memory_space<vmem>>, vector<1x1x16xf32>,
      %mul3A_718 = arith.constant 20 : i32
      %mul3A_719 = arith.muli %scan3A_270, %mul3A_718 : i32
      %get3A_720 = arith.constant 1 : i32
      %get3A_721 = arith.index_cast %get3A_720 : i32 to index
      %get3A_722 = arith.index_cast %mul3A_719 : i32 to index
      %get3A_723 = arith.constant 32 : index
      %get3A_724 = tpu.vector_load %arg6[%get3A_721, %get3A_722, %get3A_723] {strides = array<i32>} : memref<2x640x64xf32, #tpu.memory_space<vmem>>, vector<1x1x16xf32>,
      %get3A_725 = vector.shape_cast %get3A_724 : vector<1x1x16xf32> to vector<16xf32>
      %mul3A_726 = arith.constant 20 : i32
      %mul3A_727 = arith.muli %scan3A_270, %mul3A_726 : i32
      %add3A_728 = arith.constant 1 : i32
      %add3A_729 = arith.addi %mul3A_727, %add3A_728 : i32
      %get3A_730 = arith.constant 1 : i32
      %get3A_731 = arith.index_cast %get3A_730 : i32 to index
      %get3A_732 = arith.index_cast %add3A_729 : i32 to index
      %get3A_733 = arith.constant 32 : index
      %get3A_734 = tpu.vector_load %arg6[%get3A_731, %get3A_732, %get3A_733] {strides = array<i32>} : memref<2x640x64xf32, #tpu.memory_space<vmem>>, vector<1x1x16xf32>,
      %get3A_735 = vector.shape_cast %get3A_734 : vector<1x1x16xf32> to vector<16xf32>
      %add3A_736 = arith.addf %get3A_725, %get3A_735 : vector<16xf32>
      %mul3A_737 = arith.constant 20 : i32
      %mul3A_738 = arith.muli %scan3A_270, %mul3A_737 : i32
      %add3A_739 = arith.constant 2 : i32
      %add3A_740 = arith.addi %mul3A_738, %add3A_739 : i32
      %get3A_741 = arith.constant 1 : i32
      %get3A_742 = arith.index_cast %get3A_741 : i32 to index
      %get3A_743 = arith.index_cast %add3A_740 : i32 to index
      %get3A_744 = arith.constant 32 : index
      %get3A_745 = tpu.vector_load %arg6[%get3A_742, %get3A_743, %get3A_744] {strides = array<i32>} : memref<2x640x64xf32, #tpu.memory_space<vmem>>, vector<1x1x16xf32>,
      %get3A_746 = vector.shape_cast %get3A_745 : vector<1x1x16xf32> to vector<16xf32>
      %add3A_747 = arith.addf %add3A_736, %get3A_746 : vector<16xf32>
      %mul3A_748 = arith.constant 20 : i32
      %mul3A_749 = arith.muli %scan3A_270, %mul3A_748 : i32
      %add3A_750 = arith.constant 3 : i32
      %add3A_751 = arith.addi %mul3A_749, %add3A_750 : i32
      %get3A_752 = arith.constant 1 : i32
      %get3A_753 = arith.index_cast %get3A_752 : i32 to index
      %get3A_754 = arith.index_cast %add3A_751 : i32 to index
      %get3A_755 = arith.constant 32 : index
      %get3A_756 = tpu.vector_load %arg6[%get3A_753, %get3A_754, %get3A_755] {strides = array<i32>} : memref<2x640x64xf32, #tpu.memory_space<vmem>>, vector<1x1x16xf32>,
      %get3A_757 = vector.shape_cast %get3A_756 : vector<1x1x16xf32> to vector<16xf32>
      %add3A_758 = arith.addf %add3A_747, %get3A_757 : vector<16xf32>
      %mul3A_759 = arith.constant 20 : i32
      %mul3A_760 = arith.muli %scan3A_270, %mul3A_759 : i32
      %add3A_761 = arith.constant 4 : i32
      %add3A_762 = arith.addi %mul3A_760, %add3A_761 : i32
      %get3A_763 = arith.constant 1 : i32
      %get3A_764 = arith.index_cast %get3A_763 : i32 to index
      %get3A_765 = arith.index_cast %add3A_762 : i32 to index
      %get3A_766 = arith.constant 32 : index
      %get3A_767 = tpu.vector_load %arg6[%get3A_764, %get3A_765, %get3A_766] {strides = array<i32>} : memref<2x640x64xf32, #tpu.memory_space<vmem>>, vector<1x1x16xf32>,
      %get3A_768 = vector.shape_cast %get3A_767 : vector<1x1x16xf32> to vector<16xf32>
      %add3A_769 = arith.addf %add3A_758, %get3A_768 : vector<16xf32>
      %mul3A_770 = arith.constant 20 : i32
      %mul3A_771 = arith.muli %scan3A_270, %mul3A_770 : i32
      %add3A_772 = arith.constant 5 : i32
      %add3A_773 = arith.addi %mul3A_771, %add3A_772 : i32
      %get3A_774 = arith.constant 1 : i32
      %get3A_775 = arith.index_cast %get3A_774 : i32 to index
      %get3A_776 = arith.index_cast %add3A_773 : i32 to index
      %get3A_777 = arith.constant 32 : index
      %get3A_778 = tpu.vector_load %arg6[%get3A_775, %get3A_776, %get3A_777] {strides = array<i32>} : memref<2x640x64xf32, #tpu.memory_space<vmem>>, vector<1x1x16xf32>,
      %get3A_779 = vector.shape_cast %get3A_778 : vector<1x1x16xf32> to vector<16xf32>
      %add3A_780 = arith.addf %add3A_769, %get3A_779 : vector<16xf32>
      %mul3A_781 = arith.constant 20 : i32
      %mul3A_782 = arith.muli %scan3A_270, %mul3A_781 : i32
      %add3A_783 = arith.constant 6 : i32
      %add3A_784 = arith.addi %mul3A_782, %add3A_783 : i32
      %get3A_785 = arith.constant 1 : i32
      %get3A_786 = arith.index_cast %get3A_785 : i32 to index
      %get3A_787 = arith.index_cast %add3A_784 : i32 to index
      %get3A_788 = arith.constant 32 : index
      %get3A_789 = tpu.vector_load %arg6[%get3A_786, %get3A_787, %get3A_788] {strides = array<i32>} : memref<2x640x64xf32, #tpu.memory_space<vmem>>, vector<1x1x16xf32>,
      %get3A_790 = vector.shape_cast %get3A_789 : vector<1x1x16xf32> to vector<16xf32>
      %add3A_791 = arith.addf %add3A_780, %get3A_790 : vector<16xf32>
      %mul3A_792 = arith.constant 20 : i32
      %mul3A_793 = arith.muli %scan3A_270, %mul3A_792 : i32
      %add3A_794 = arith.constant 7 : i32
      %add3A_795 = arith.addi %mul3A_793, %add3A_794 : i32
      %get3A_796 = arith.constant 1 : i32
      %get3A_797 = arith.index_cast %get3A_796 : i32 to index
      %get3A_798 = arith.index_cast %add3A_795 : i32 to index
      %get3A_799 = arith.constant 32 : index
      %get3A_800 = tpu.vector_load %arg6[%get3A_797, %get3A_798, %get3A_799] {strides = array<i32>} : memref<2x640x64xf32, #tpu.memory_space<vmem>>, vector<1x1x16xf32>,
      %get3A_801 = vector.shape_cast %get3A_800 : vector<1x1x16xf32> to vector<16xf32>
      %add3A_802 = arith.addf %add3A_791, %get3A_801 : vector<16xf32>
      %mul3A_803 = arith.constant 20 : i32
      %mul3A_804 = arith.muli %scan3A_270, %mul3A_803 : i32
      %add3A_805 = arith.constant 8 : i32
      %add3A_806 = arith.addi %mul3A_804, %add3A_805 : i32
      %get3A_807 = arith.constant 1 : i32
      %get3A_808 = arith.index_cast %get3A_807 : i32 to index
      %get3A_809 = arith.index_cast %add3A_806 : i32 to index
      %get3A_810 = arith.constant 32 : index
      %get3A_811 = tpu.vector_load %arg6[%get3A_808, %get3A_809, %get3A_810] {strides = array<i32>} : memref<2x640x64xf32, #tpu.memory_space<vmem>>, vector<1x1x16xf32>,
      %get3A_812 = vector.shape_cast %get3A_811 : vector<1x1x16xf32> to vector<16xf32>
      %add3A_813 = arith.addf %add3A_802, %get3A_812 : vector<16xf32>
      %mul3A_814 = arith.constant 20 : i32
      %mul3A_815 = arith.muli %scan3A_270, %mul3A_814 : i32
      %add3A_816 = arith.constant 9 : i32
      %add3A_817 = arith.addi %mul3A_815, %add3A_816 : i32
      %get3A_818 = arith.constant 1 : i32
      %get3A_819 = arith.index_cast %get3A_818 : i32 to index
      %get3A_820 = arith.index_cast %add3A_817 : i32 to index
      %get3A_821 = arith.constant 32 : index
      %get3A_822 = tpu.vector_load %arg6[%get3A_819, %get3A_820, %get3A_821] {strides = array<i32>} : memref<2x640x64xf32, #tpu.memory_space<vmem>>, vector<1x1x16xf32>,
      %get3A_823 = vector.shape_cast %get3A_822 : vector<1x1x16xf32> to vector<16xf32>
      %add3A_824 = arith.addf %add3A_813, %get3A_823 : vector<16xf32>
      %mul3A_825 = arith.constant 20 : i32
      %mul3A_826 = arith.muli %scan3A_270, %mul3A_825 : i32
      %add3A_827 = arith.constant 10 : i32
      %add3A_828 = arith.addi %mul3A_826, %add3A_827 : i32
      %get3A_829 = arith.constant 1 : i32
      %get3A_830 = arith.index_cast %get3A_829 : i32 to index
      %get3A_831 = arith.index_cast %add3A_828 : i32 to index
      %get3A_832 = arith.constant 32 : index
      %get3A_833 = tpu.vector_load %arg6[%get3A_830, %get3A_831, %get3A_832] {strides = array<i32>} : memref<2x640x64xf32, #tpu.memory_space<vmem>>, vector<1x1x16xf32>,
      %get3A_834 = vector.shape_cast %get3A_833 : vector<1x1x16xf32> to vector<16xf32>
      %add3A_835 = arith.addf %add3A_824, %get3A_834 : vector<16xf32>
      %mul3A_836 = arith.constant 20 : i32
      %mul3A_837 = arith.muli %scan3A_270, %mul3A_836 : i32
      %add3A_838 = arith.constant 11 : i32
      %add3A_839 = arith.addi %mul3A_837, %add3A_838 : i32
      %get3A_840 = arith.constant 1 : i32
      %get3A_841 = arith.index_cast %get3A_840 : i32 to index
      %get3A_842 = arith.index_cast %add3A_839 : i32 to index
      %get3A_843 = arith.constant 32 : index
      %get3A_844 = tpu.vector_load %arg6[%get3A_841, %get3A_842, %get3A_843] {strides = array<i32>} : memref<2x640x64xf32, #tpu.memory_space<vmem>>, vector<1x1x16xf32>,
      %get3A_845 = vector.shape_cast %get3A_844 : vector<1x1x16xf32> to vector<16xf32>
      %add3A_846 = arith.addf %add3A_835, %get3A_845 : vector<16xf32>
      %mul3A_847 = arith.constant 20 : i32
      %mul3A_848 = arith.muli %scan3A_270, %mul3A_847 : i32
      %add3A_849 = arith.constant 12 : i32
      %add3A_850 = arith.addi %mul3A_848, %add3A_849 : i32
      %get3A_851 = arith.constant 1 : i32
      %get3A_852 = arith.index_cast %get3A_851 : i32 to index
      %get3A_853 = arith.index_cast %add3A_850 : i32 to index
      %get3A_854 = arith.constant 32 : index
      %get3A_855 = tpu.vector_load %arg6[%get3A_852, %get3A_853, %get3A_854] {strides = array<i32>} : memref<2x640x64xf32, #tpu.memory_space<vmem>>, vector<1x1x16xf32>,
      %get3A_856 = vector.shape_cast %get3A_855 : vector<1x1x16xf32> to vector<16xf32>
      %add3A_857 = arith.addf %add3A_846, %get3A_856 : vector<16xf32>
      %mul3A_858 = arith.constant 20 : i32
      %mul3A_859 = arith.muli %scan3A_270, %mul3A_858 : i32
      %add3A_860 = arith.constant 13 : i32
      %add3A_861 = arith.addi %mul3A_859, %add3A_860 : i32
      %get3A_862 = arith.constant 1 : i32
      %get3A_863 = arith.index_cast %get3A_862 : i32 to index
      %get3A_864 = arith.index_cast %add3A_861 : i32 to index
      %get3A_865 = arith.constant 32 : index
      %get3A_866 = tpu.vector_load %arg6[%get3A_863, %get3A_864, %get3A_865] {strides = array<i32>} : memref<2x640x64xf32, #tpu.memory_space<vmem>>, vector<1x1x16xf32>,
      %get3A_867 = vector.shape_cast %get3A_866 : vector<1x1x16xf32> to vector<16xf32>
      %add3A_868 = arith.addf %add3A_857, %get3A_867 : vector<16xf32>
      %mul3A_869 = arith.constant 20 : i32
      %mul3A_870 = arith.muli %scan3A_270, %mul3A_869 : i32
      %add3A_871 = arith.constant 14 : i32
      %add3A_872 = arith.addi %mul3A_870, %add3A_871 : i32
      %get3A_873 = arith.constant 1 : i32
      %get3A_874 = arith.index_cast %get3A_873 : i32 to index
      %get3A_875 = arith.index_cast %add3A_872 : i32 to index
      %get3A_876 = arith.constant 32 : index
      %get3A_877 = tpu.vector_load %arg6[%get3A_874, %get3A_875, %get3A_876] {strides = array<i32>} : memref<2x640x64xf32, #tpu.memory_space<vmem>>, vector<1x1x16xf32>,
      %get3A_878 = vector.shape_cast %get3A_877 : vector<1x1x16xf32> to vector<16xf32>
      %add3A_879 = arith.addf %add3A_868, %get3A_878 : vector<16xf32>
      %mul3A_880 = arith.constant 20 : i32
      %mul3A_881 = arith.muli %scan3A_270, %mul3A_880 : i32
      %add3A_882 = arith.constant 15 : i32
      %add3A_883 = arith.addi %mul3A_881, %add3A_882 : i32
      %get3A_884 = arith.constant 1 : i32
      %get3A_885 = arith.index_cast %get3A_884 : i32 to index
      %get3A_886 = arith.index_cast %add3A_883 : i32 to index
      %get3A_887 = arith.constant 32 : index
      %get3A_888 = tpu.vector_load %arg6[%get3A_885, %get3A_886, %get3A_887] {strides = array<i32>} : memref<2x640x64xf32, #tpu.memory_space<vmem>>, vector<1x1x16xf32>,
      %get3A_889 = vector.shape_cast %get3A_888 : vector<1x1x16xf32> to vector<16xf32>
      %add3A_890 = arith.addf %add3A_879, %get3A_889 : vector<16xf32>
      %mul3A_891 = arith.constant 20 : i32
      %mul3A_892 = arith.muli %scan3A_270, %mul3A_891 : i32
      %add3A_893 = arith.constant 16 : i32
      %add3A_894 = arith.addi %mul3A_892, %add3A_893 : i32
      %get3A_895 = arith.constant 1 : i32
      %get3A_896 = arith.index_cast %get3A_895 : i32 to index
      %get3A_897 = arith.index_cast %add3A_894 : i32 to index
      %get3A_898 = arith.constant 32 : index
      %get3A_899 = tpu.vector_load %arg6[%get3A_896, %get3A_897, %get3A_898] {strides = array<i32>} : memref<2x640x64xf32, #tpu.memory_space<vmem>>, vector<1x1x16xf32>,
      %get3A_900 = vector.shape_cast %get3A_899 : vector<1x1x16xf32> to vector<16xf32>
      %add3A_901 = arith.addf %add3A_890, %get3A_900 : vector<16xf32>
      %mul3A_902 = arith.constant 20 : i32
      %mul3A_903 = arith.muli %scan3A_270, %mul3A_902 : i32
      %add3A_904 = arith.constant 17 : i32
      %add3A_905 = arith.addi %mul3A_903, %add3A_904 : i32
      %get3A_906 = arith.constant 1 : i32
      %get3A_907 = arith.index_cast %get3A_906 : i32 to index
      %get3A_908 = arith.index_cast %add3A_905 : i32 to index
      %get3A_909 = arith.constant 32 : index
      %get3A_910 = tpu.vector_load %arg6[%get3A_907, %get3A_908, %get3A_909] {strides = array<i32>} : memref<2x640x64xf32, #tpu.memory_space<vmem>>, vector<1x1x16xf32>,
      %get3A_911 = vector.shape_cast %get3A_910 : vector<1x1x16xf32> to vector<16xf32>
      %add3A_912 = arith.addf %add3A_901, %get3A_911 : vector<16xf32>
      %mul3A_913 = arith.constant 20 : i32
      %mul3A_914 = arith.muli %scan3A_270, %mul3A_913 : i32
      %add3A_915 = arith.constant 18 : i32
      %add3A_916 = arith.addi %mul3A_914, %add3A_915 : i32
      %get3A_917 = arith.constant 1 : i32
      %get3A_918 = arith.index_cast %get3A_917 : i32 to index
      %get3A_919 = arith.index_cast %add3A_916 : i32 to index
      %get3A_920 = arith.constant 32 : index
      %get3A_921 = tpu.vector_load %arg6[%get3A_918, %get3A_919, %get3A_920] {strides = array<i32>} : memref<2x640x64xf32, #tpu.memory_space<vmem>>, vector<1x1x16xf32>,
      %get3A_922 = vector.shape_cast %get3A_921 : vector<1x1x16xf32> to vector<16xf32>
      %add3A_923 = arith.addf %add3A_912, %get3A_922 : vector<16xf32>
      %mul3A_924 = arith.constant 20 : i32
      %mul3A_925 = arith.muli %scan3A_270, %mul3A_924 : i32
      %add3A_926 = arith.constant 19 : i32
      %add3A_927 = arith.addi %mul3A_925, %add3A_926 : i32
      %get3A_928 = arith.constant 1 : i32
      %get3A_929 = arith.index_cast %get3A_928 : i32 to index
      %get3A_930 = arith.index_cast %add3A_927 : i32 to index
      %get3A_931 = arith.constant 32 : index
      %get3A_932 = tpu.vector_load %arg6[%get3A_929, %get3A_930, %get3A_931] {strides = array<i32>} : memref<2x640x64xf32, #tpu.memory_space<vmem>>, vector<1x1x16xf32>,
      %get3A_933 = vector.shape_cast %get3A_932 : vector<1x1x16xf32> to vector<16xf32>
      %add3A_934 = arith.addf %add3A_923, %get3A_933 : vector<16xf32>
      %swap3A_935 = arith.constant 1 : i32
      %swap3A_936 = arith.index_cast %swap3A_935 : i32 to index
      %swap3A_937 = arith.index_cast %scan3A_270 : i32 to index
      %swap3A_938 = arith.constant 32 : index
      %swap3A_939 = tpu.vector_load %arg7[%swap3A_936, %swap3A_937, %swap3A_938] {strides = array<i32>} : memref<2x32x64xf32, #tpu.memory_space<vmem>>, vector<1x1x16xf32>,
      %swap3A_940 = vector.shape_cast %swap3A_939 : vector<1x1x16xf32> to vector<16xf32>
      %swap3A_941 = vector.shape_cast %add3A_934 : vector<16xf32> to vector<1x1x16xf32>
      tpu.vector_store %arg7[%swap3A_936, %swap3A_937, %swap3A_938], %swap3A_941 {strides = array<i32>} : memref<2x32x64xf32, #tpu.memory_space<vmem>>, vector<1x1x16xf32>,
      %mul3A_942 = arith.constant 20 : i32
      %mul3A_943 = arith.muli %scan3A_270, %mul3A_942 : i32
      %get3A_944 = arith.constant 1 : i32
      %get3A_945 = arith.index_cast %get3A_944 : i32 to index
      %get3A_946 = arith.index_cast %mul3A_943 : i32 to index
      %get3A_947 = arith.constant 48 : index
      %get3A_948 = tpu.vector_load %arg6[%get3A_945, %get3A_946, %get3A_947] {strides = array<i32>} : memref<2x640x64xf32, #tpu.memory_space<vmem>>, vector<1x1x16xf32>,
      %get3A_949 = vector.shape_cast %get3A_948 : vector<1x1x16xf32> to vector<16xf32>
      %mul3A_950 = arith.constant 20 : i32
      %mul3A_951 = arith.muli %scan3A_270, %mul3A_950 : i32
      %add3A_952 = arith.constant 1 : i32
      %add3A_953 = arith.addi %mul3A_951, %add3A_952 : i32
      %get3A_954 = arith.constant 1 : i32
      %get3A_955 = arith.index_cast %get3A_954 : i32 to index
      %get3A_956 = arith.index_cast %add3A_953 : i32 to index
      %get3A_957 = arith.constant 48 : index
      %get3A_958 = tpu.vector_load %arg6[%get3A_955, %get3A_956, %get3A_957] {strides = array<i32>} : memref<2x640x64xf32, #tpu.memory_space<vmem>>, vector<1x1x16xf32>,
      %get3A_959 = vector.shape_cast %get3A_958 : vector<1x1x16xf32> to vector<16xf32>
      %add3A_960 = arith.addf %get3A_949, %get3A_959 : vector<16xf32>
      %mul3A_961 = arith.constant 20 : i32
      %mul3A_962 = arith.muli %scan3A_270, %mul3A_961 : i32
      %add3A_963 = arith.constant 2 : i32
      %add3A_964 = arith.addi %mul3A_962, %add3A_963 : i32
      %get3A_965 = arith.constant 1 : i32
      %get3A_966 = arith.index_cast %get3A_965 : i32 to index
      %get3A_967 = arith.index_cast %add3A_964 : i32 to index
      %get3A_968 = arith.constant 48 : index
      %get3A_969 = tpu.vector_load %arg6[%get3A_966, %get3A_967, %get3A_968] {strides = array<i32>} : memref<2x640x64xf32, #tpu.memory_space<vmem>>, vector<1x1x16xf32>,
      %get3A_970 = vector.shape_cast %get3A_969 : vector<1x1x16xf32> to vector<16xf32>
      %add3A_971 = arith.addf %add3A_960, %get3A_970 : vector<16xf32>
      %mul3A_972 = arith.constant 20 : i32
      %mul3A_973 = arith.muli %scan3A_270, %mul3A_972 : i32
      %add3A_974 = arith.constant 3 : i32
      %add3A_975 = arith.addi %mul3A_973, %add3A_974 : i32
      %get3A_976 = arith.constant 1 : i32
      %get3A_977 = arith.index_cast %get3A_976 : i32 to index
      %get3A_978 = arith.index_cast %add3A_975 : i32 to index
      %get3A_979 = arith.constant 48 : index
      %get3A_980 = tpu.vector_load %arg6[%get3A_977, %get3A_978, %get3A_979] {strides = array<i32>} : memref<2x640x64xf32, #tpu.memory_space<vmem>>, vector<1x1x16xf32>,
      %get3A_981 = vector.shape_cast %get3A_980 : vector<1x1x16xf32> to vector<16xf32>
      %add3A_982 = arith.addf %add3A_971, %get3A_981 : vector<16xf32>
      %mul3A_983 = arith.constant 20 : i32
      %mul3A_984 = arith.muli %scan3A_270, %mul3A_983 : i32
      %add3A_985 = arith.constant 4 : i32
      %add3A_986 = arith.addi %mul3A_984, %add3A_985 : i32
      %get3A_987 = arith.constant 1 : i32
      %get3A_988 = arith.index_cast %get3A_987 : i32 to index
      %get3A_989 = arith.index_cast %add3A_986 : i32 to index
      %get3A_990 = arith.constant 48 : index
      %get3A_991 = tpu.vector_load %arg6[%get3A_988, %get3A_989, %get3A_990] {strides = array<i32>} : memref<2x640x64xf32, #tpu.memory_space<vmem>>, vector<1x1x16xf32>,
      %get3A_992 = vector.shape_cast %get3A_991 : vector<1x1x16xf32> to vector<16xf32>
      %add3A_993 = arith.addf %add3A_982, %get3A_992 : vector<16xf32>
      %mul3A_994 = arith.constant 20 : i32
      %mul3A_995 = arith.muli %scan3A_270, %mul3A_994 : i32
      %add3A_996 = arith.constant 5 : i32
      %add3A_997 = arith.addi %mul3A_995, %add3A_996 : i32
      %get3A_998 = arith.constant 1 : i32
      %get3A_999 = arith.index_cast %get3A_998 : i32 to index
      %get3A_1000 = arith.index_cast %add3A_997 : i32 to index
      %get3A_1001 = arith.constant 48 : index
      %get3A_1002 = tpu.vector_load %arg6[%get3A_999, %get3A_1000, %get3A_1001] {strides = array<i32>} : memref<2x640x64xf32, #tpu.memory_space<vmem>>, vector<1x1x16xf32>,
      %get3A_1003 = vector.shape_cast %get3A_1002 : vector<1x1x16xf32> to vector<16xf32>
      %add3A_1004 = arith.addf %add3A_993, %get3A_1003 : vector<16xf32>
      %mul3A_1005 = arith.constant 20 : i32
      %mul3A_1006 = arith.muli %scan3A_270, %mul3A_1005 : i32
      %add3A_1007 = arith.constant 6 : i32
      %add3A_1008 = arith.addi %mul3A_1006, %add3A_1007 : i32
      %get3A_1009 = arith.constant 1 : i32
      %get3A_1010 = arith.index_cast %get3A_1009 : i32 to index
      %get3A_1011 = arith.index_cast %add3A_1008 : i32 to index
      %get3A_1012 = arith.constant 48 : index
      %get3A_1013 = tpu.vector_load %arg6[%get3A_1010, %get3A_1011, %get3A_1012] {strides = array<i32>} : memref<2x640x64xf32, #tpu.memory_space<vmem>>, vector<1x1x16xf32>,
      %get3A_1014 = vector.shape_cast %get3A_1013 : vector<1x1x16xf32> to vector<16xf32>
      %add3A_1015 = arith.addf %add3A_1004, %get3A_1014 : vector<16xf32>
      %mul3A_1016 = arith.constant 20 : i32
      %mul3A_1017 = arith.muli %scan3A_270, %mul3A_1016 : i32
      %add3A_1018 = arith.constant 7 : i32
      %add3A_1019 = arith.addi %mul3A_1017, %add3A_1018 : i32
      %get3A_1020 = arith.constant 1 : i32
      %get3A_1021 = arith.index_cast %get3A_1020 : i32 to index
      %get3A_1022 = arith.index_cast %add3A_1019 : i32 to index
      %get3A_1023 = arith.constant 48 : index
      %get3A_1024 = tpu.vector_load %arg6[%get3A_1021, %get3A_1022, %get3A_1023] {strides = array<i32>} : memref<2x640x64xf32, #tpu.memory_space<vmem>>, vector<1x1x16xf32>,
      %get3A_1025 = vector.shape_cast %get3A_1024 : vector<1x1x16xf32> to vector<16xf32>
      %add3A_1026 = arith.addf %add3A_1015, %get3A_1025 : vector<16xf32>
      %mul3A_1027 = arith.constant 20 : i32
      %mul3A_1028 = arith.muli %scan3A_270, %mul3A_1027 : i32
      %add3A_1029 = arith.constant 8 : i32
      %add3A_1030 = arith.addi %mul3A_1028, %add3A_1029 : i32
      %get3A_1031 = arith.constant 1 : i32
      %get3A_1032 = arith.index_cast %get3A_1031 : i32 to index
      %get3A_1033 = arith.index_cast %add3A_1030 : i32 to index
      %get3A_1034 = arith.constant 48 : index
      %get3A_1035 = tpu.vector_load %arg6[%get3A_1032, %get3A_1033, %get3A_1034] {strides = array<i32>} : memref<2x640x64xf32, #tpu.memory_space<vmem>>, vector<1x1x16xf32>,
      %get3A_1036 = vector.shape_cast %get3A_1035 : vector<1x1x16xf32> to vector<16xf32>
      %add3A_1037 = arith.addf %add3A_1026, %get3A_1036 : vector<16xf32>
      %mul3A_1038 = arith.constant 20 : i32
      %mul3A_1039 = arith.muli %scan3A_270, %mul3A_1038 : i32
      %add3A_1040 = arith.constant 9 : i32
      %add3A_1041 = arith.addi %mul3A_1039, %add3A_1040 : i32
      %get3A_1042 = arith.constant 1 : i32
      %get3A_1043 = arith.index_cast %get3A_1042 : i32 to index
      %get3A_1044 = arith.index_cast %add3A_1041 : i32 to index
      %get3A_1045 = arith.constant 48 : index
      %get3A_1046 = tpu.vector_load %arg6[%get3A_1043, %get3A_1044, %get3A_1045] {strides = array<i32>} : memref<2x640x64xf32, #tpu.memory_space<vmem>>, vector<1x1x16xf32>,
      %get3A_1047 = vector.shape_cast %get3A_1046 : vector<1x1x16xf32> to vector<16xf32>
      %add3A_1048 = arith.addf %add3A_1037, %get3A_1047 : vector<16xf32>
      %mul3A_1049 = arith.constant 20 : i32
      %mul3A_1050 = arith.muli %scan3A_270, %mul3A_1049 : i32
      %add3A_1051 = arith.constant 10 : i32
      %add3A_1052 = arith.addi %mul3A_1050, %add3A_1051 : i32
      %get3A_1053 = arith.constant 1 : i32
      %get3A_1054 = arith.index_cast %get3A_1053 : i32 to index
      %get3A_1055 = arith.index_cast %add3A_1052 : i32 to index
      %get3A_1056 = arith.constant 48 : index
      %get3A_1057 = tpu.vector_load %arg6[%get3A_1054, %get3A_1055, %get3A_1056] {strides = array<i32>} : memref<2x640x64xf32, #tpu.memory_space<vmem>>, vector<1x1x16xf32>,
      %get3A_1058 = vector.shape_cast %get3A_1057 : vector<1x1x16xf32> to vector<16xf32>
      %add3A_1059 = arith.addf %add3A_1048, %get3A_1058 : vector<16xf32>
      %mul3A_1060 = arith.constant 20 : i32
      %mul3A_1061 = arith.muli %scan3A_270, %mul3A_1060 : i32
      %add3A_1062 = arith.constant 11 : i32
      %add3A_1063 = arith.addi %mul3A_1061, %add3A_1062 : i32
      %get3A_1064 = arith.constant 1 : i32
      %get3A_1065 = arith.index_cast %get3A_1064 : i32 to index
      %get3A_1066 = arith.index_cast %add3A_1063 : i32 to index
      %get3A_1067 = arith.constant 48 : index
      %get3A_1068 = tpu.vector_load %arg6[%get3A_1065, %get3A_1066, %get3A_1067] {strides = array<i32>} : memref<2x640x64xf32, #tpu.memory_space<vmem>>, vector<1x1x16xf32>,
      %get3A_1069 = vector.shape_cast %get3A_1068 : vector<1x1x16xf32> to vector<16xf32>
      %add3A_1070 = arith.addf %add3A_1059, %get3A_1069 : vector<16xf32>
      %mul3A_1071 = arith.constant 20 : i32
      %mul3A_1072 = arith.muli %scan3A_270, %mul3A_1071 : i32
      %add3A_1073 = arith.constant 12 : i32
      %add3A_1074 = arith.addi %mul3A_1072, %add3A_1073 : i32
      %get3A_1075 = arith.constant 1 : i32
      %get3A_1076 = arith.index_cast %get3A_1075 : i32 to index
      %get3A_1077 = arith.index_cast %add3A_1074 : i32 to index
      %get3A_1078 = arith.constant 48 : index
      %get3A_1079 = tpu.vector_load %arg6[%get3A_1076, %get3A_1077, %get3A_1078] {strides = array<i32>} : memref<2x640x64xf32, #tpu.memory_space<vmem>>, vector<1x1x16xf32>,
      %get3A_1080 = vector.shape_cast %get3A_1079 : vector<1x1x16xf32> to vector<16xf32>
      %add3A_1081 = arith.addf %add3A_1070, %get3A_1080 : vector<16xf32>
      %mul3A_1082 = arith.constant 20 : i32
      %mul3A_1083 = arith.muli %scan3A_270, %mul3A_1082 : i32
      %add3A_1084 = arith.constant 13 : i32
      %add3A_1085 = arith.addi %mul3A_1083, %add3A_1084 : i32
      %get3A_1086 = arith.constant 1 : i32
      %get3A_1087 = arith.index_cast %get3A_1086 : i32 to index
      %get3A_1088 = arith.index_cast %add3A_1085 : i32 to index
      %get3A_1089 = arith.constant 48 : index
      %get3A_1090 = tpu.vector_load %arg6[%get3A_1087, %get3A_1088, %get3A_1089] {strides = array<i32>} : memref<2x640x64xf32, #tpu.memory_space<vmem>>, vector<1x1x16xf32>,
      %get3A_1091 = vector.shape_cast %get3A_1090 : vector<1x1x16xf32> to vector<16xf32>
      %add3A_1092 = arith.addf %add3A_1081, %get3A_1091 : vector<16xf32>
      %mul3A_1093 = arith.constant 20 : i32
      %mul3A_1094 = arith.muli %scan3A_270, %mul3A_1093 : i32
      %add3A_1095 = arith.constant 14 : i32
      %add3A_1096 = arith.addi %mul3A_1094, %add3A_1095 : i32
      %get3A_1097 = arith.constant 1 : i32
      %get3A_1098 = arith.index_cast %get3A_1097 : i32 to index
      %get3A_1099 = arith.index_cast %add3A_1096 : i32 to index
      %get3A_1100 = arith.constant 48 : index
      %get3A_1101 = tpu.vector_load %arg6[%get3A_1098, %get3A_1099, %get3A_1100] {strides = array<i32>} : memref<2x640x64xf32, #tpu.memory_space<vmem>>, vector<1x1x16xf32>,
      %get3A_1102 = vector.shape_cast %get3A_1101 : vector<1x1x16xf32> to vector<16xf32>
      %add3A_1103 = arith.addf %add3A_1092, %get3A_1102 : vector<16xf32>
      %mul3A_1104 = arith.constant 20 : i32
      %mul3A_1105 = arith.muli %scan3A_270, %mul3A_1104 : i32
      %add3A_1106 = arith.constant 15 : i32
      %add3A_1107 = arith.addi %mul3A_1105, %add3A_1106 : i32
      %get3A_1108 = arith.constant 1 : i32
      %get3A_1109 = arith.index_cast %get3A_1108 : i32 to index
      %get3A_1110 = arith.index_cast %add3A_1107 : i32 to index
      %get3A_1111 = arith.constant 48 : index
      %get3A_1112 = tpu.vector_load %arg6[%get3A_1109, %get3A_1110, %get3A_1111] {strides = array<i32>} : memref<2x640x64xf32, #tpu.memory_space<vmem>>, vector<1x1x16xf32>,
      %get3A_1113 = vector.shape_cast %get3A_1112 : vector<1x1x16xf32> to vector<16xf32>
      %add3A_1114 = arith.addf %add3A_1103, %get3A_1113 : vector<16xf32>
      %mul3A_1115 = arith.constant 20 : i32
      %mul3A_1116 = arith.muli %scan3A_270, %mul3A_1115 : i32
      %add3A_1117 = arith.constant 16 : i32
      %add3A_1118 = arith.addi %mul3A_1116, %add3A_1117 : i32
      %get3A_1119 = arith.constant 1 : i32
      %get3A_1120 = arith.index_cast %get3A_1119 : i32 to index
      %get3A_1121 = arith.index_cast %add3A_1118 : i32 to index
      %get3A_1122 = arith.constant 48 : index
      %get3A_1123 = tpu.vector_load %arg6[%get3A_1120, %get3A_1121, %get3A_1122] {strides = array<i32>} : memref<2x640x64xf32, #tpu.memory_space<vmem>>, vector<1x1x16xf32>,
      %get3A_1124 = vector.shape_cast %get3A_1123 : vector<1x1x16xf32> to vector<16xf32>
      %add3A_1125 = arith.addf %add3A_1114, %get3A_1124 : vector<16xf32>
      %mul3A_1126 = arith.constant 20 : i32
      %mul3A_1127 = arith.muli %scan3A_270, %mul3A_1126 : i32
      %add3A_1128 = arith.constant 17 : i32
      %add3A_1129 = arith.addi %mul3A_1127, %add3A_1128 : i32
      %get3A_1130 = arith.constant 1 : i32
      %get3A_1131 = arith.index_cast %get3A_1130 : i32 to index
      %get3A_1132 = arith.index_cast %add3A_1129 : i32 to index
      %get3A_1133 = arith.constant 48 : index
      %get3A_1134 = tpu.vector_load %arg6[%get3A_1131, %get3A_1132, %get3A_1133] {strides = array<i32>} : memref<2x640x64xf32, #tpu.memory_space<vmem>>, vector<1x1x16xf32>,
      %get3A_1135 = vector.shape_cast %get3A_1134 : vector<1x1x16xf32> to vector<16xf32>
      %add3A_1136 = arith.addf %add3A_1125, %get3A_1135 : vector<16xf32>
      %mul3A_1137 = arith.constant 20 : i32
      %mul3A_1138 = arith.muli %scan3A_270, %mul3A_1137 : i32
      %add3A_1139 = arith.constant 18 : i32
      %add3A_1140 = arith.addi %mul3A_1138, %add3A_1139 : i32
      %get3A_1141 = arith.constant 1 : i32
      %get3A_1142 = arith.index_cast %get3A_1141 : i32 to index
      %get3A_1143 = arith.index_cast %add3A_1140 : i32 to index
      %get3A_1144 = arith.constant 48 : index
      %get3A_1145 = tpu.vector_load %arg6[%get3A_1142, %get3A_1143, %get3A_1144] {strides = array<i32>} : memref<2x640x64xf32, #tpu.memory_space<vmem>>, vector<1x1x16xf32>,
      %get3A_1146 = vector.shape_cast %get3A_1145 : vector<1x1x16xf32> to vector<16xf32>
      %add3A_1147 = arith.addf %add3A_1136, %get3A_1146 : vector<16xf32>
      %mul3A_1148 = arith.constant 20 : i32
      %mul3A_1149 = arith.muli %scan3A_270, %mul3A_1148 : i32
      %add3A_1150 = arith.constant 19 : i32
      %add3A_1151 = arith.addi %mul3A_1149, %add3A_1150 : i32
      %get3A_1152 = arith.constant 1 : i32
      %get3A_1153 = arith.index_cast %get3A_1152 : i32 to index
      %get3A_1154 = arith.index_cast %add3A_1151 : i32 to index
      %get3A_1155 = arith.constant 48 : index
      %get3A_1156 = tpu.vector_load %arg6[%get3A_1153, %get3A_1154, %get3A_1155] {strides = array<i32>} : memref<2x640x64xf32, #tpu.memory_space<vmem>>, vector<1x1x16xf32>,
      %get3A_1157 = vector.shape_cast %get3A_1156 : vector<1x1x16xf32> to vector<16xf32>
      %add3A_1158 = arith.addf %add3A_1147, %get3A_1157 : vector<16xf32>
      %swap3A_1159 = arith.constant 1 : i32
      %swap3A_1160 = arith.index_cast %swap3A_1159 : i32 to index
      %swap3A_1161 = arith.index_cast %scan3A_270 : i32 to index
      %swap3A_1162 = arith.constant 48 : index
      %swap3A_1163 = tpu.vector_load %arg7[%swap3A_1160, %swap3A_1161, %swap3A_1162] {strides = array<i32>} : memref<2x32x64xf32, #tpu.memory_space<vmem>>, vector<1x1x16xf32>,
      %swap3A_1164 = vector.shape_cast %swap3A_1163 : vector<1x1x16xf32> to vector<16xf32>
      %swap3A_1165 = vector.shape_cast %add3A_1158 : vector<16xf32> to vector<1x1x16xf32>
      tpu.vector_store %arg7[%swap3A_1160, %swap3A_1161, %swap3A_1162], %swap3A_1165 {strides = array<i32>} : memref<2x32x64xf32, #tpu.memory_space<vmem>>, vector<1x1x16xf32>,
      %scan3A_1166 = arith.constant 0 : i32
      scf.yield %scan3A_1166 : i32
    }
    %scan3A_219 = arith.constant 32 : i32
    %add3A_220 = arith.constant 96 : i32
    %add3A_221 = arith.addi %mul3A_2, %add3A_220 : i32
    %dma_start3A_222 = arith.constant 1 : i32
    %dma_start3A_223 = arith.constant 1 : i32
    %dma_start3A_224 = arith.constant 0 : i32
    %dma_start3A_225 = arith.constant 0 : i32
    %dma_start3A_226 = tpu.memref_slice %arg7[%dma_start3A_222, %dma_start3A_224, %dma_start3A_225] : memref<2x32x64xf32, #tpu.memory_space<vmem>> -> memref<1x32x64xf32, #tpu.memory_space<vmem>>
    %dma_start3A_227 = tpu.memref_squeeze %dma_start3A_226 : memref<1x32x64xf32, #tpu.memory_space<vmem>> -> memref<32x64xf32, #tpu.memory_space<vmem>>
    %dma_start3A_228 = arith.constant 0 : i32
    %dma_start3A_229 = tpu.memref_slice %arg4[%add3A_221, %dma_start3A_228] : memref<4096x64xf32, #tpu.memory_space<hbm>> -> memref<32x64xf32, #tpu.memory_space<hbm>>
    %dma_start3A_230 = tpu.memref_slice %arg9[%dma_start3A_223] : memref<2x!tpu.dma_semaphore, #tpu.memory_space<semaphore_mem>> -> memref<1x!tpu.dma_semaphore, #tpu.memory_space<semaphore_mem>>
    %dma_start3A_231 = tpu.memref_squeeze %dma_start3A_230 : memref<1x!tpu.dma_semaphore, #tpu.memory_space<semaphore_mem>> -> memref<!tpu.dma_semaphore, #tpu.memory_space<semaphore_mem>>
    %dma_start3A_232 = arith.constant 0 : i32
    %dma_start3A_233 = tpu.memref_slice %arg4[%add3A_221, %dma_start3A_232] : memref<4096x64xf32, #tpu.memory_space<hbm>> -> memref<32x64xf32, #tpu.memory_space<hbm>>
    %dma_start3A_234 = arith.constant 0 : i32
    %dma_start3A_235 = arith.constant 0 : i32
    %dma_start3A_236 = tpu.memref_slice %arg7[%dma_start3A_222, %dma_start3A_234, %dma_start3A_235] : memref<2x32x64xf32, #tpu.memory_space<vmem>> -> memref<1x32x64xf32, #tpu.memory_space<vmem>>
    %dma_start3A_237 = tpu.memref_squeeze %dma_start3A_236 : memref<1x32x64xf32, #tpu.memory_space<vmem>> -> memref<32x64xf32, #tpu.memory_space<vmem>>
    tpu.enqueue_dma source(%dma_start3A_237 : memref<32x64xf32, #tpu.memory_space<vmem>>) target(%dma_start3A_233 : memref<32x64xf32, #tpu.memory_space<hbm>>) target_semaphore(%dma_start3A_231 : memref<!tpu.dma_semaphore, #tpu.memory_space<semaphore_mem>>)
    %dma_wait3A_238 = arith.constant 0 : i32
    %dma_wait3A_239 = arith.constant 0 : i32
    %dma_wait3A_240 = arith.constant 0 : i32
    %dma_wait3A_241 = arith.constant 0 : i32
    %dma_wait3A_242 = tpu.memref_slice %arg7[%dma_wait3A_238, %dma_wait3A_240, %dma_wait3A_241] : memref<2x32x64xf32, #tpu.memory_space<vmem>> -> memref<1x32x64xf32, #tpu.memory_space<vmem>>
    %dma_wait3A_243 = tpu.memref_squeeze %dma_wait3A_242 : memref<1x32x64xf32, #tpu.memory_space<vmem>> -> memref<32x64xf32, #tpu.memory_space<vmem>>
    %dma_wait3A_244 = arith.constant 0 : i32
    %dma_wait3A_245 = tpu.memref_slice %arg4[%add3A_167, %dma_wait3A_244] : memref<4096x64xf32, #tpu.memory_space<hbm>> -> memref<32x64xf32, #tpu.memory_space<hbm>>
    %dma_wait3A_246 = tpu.memref_slice %arg9[%dma_wait3A_239] : memref<2x!tpu.dma_semaphore, #tpu.memory_space<semaphore_mem>> -> memref<1x!tpu.dma_semaphore, #tpu.memory_space<semaphore_mem>>
    %dma_wait3A_247 = tpu.memref_squeeze %dma_wait3A_246 : memref<1x!tpu.dma_semaphore, #tpu.memory_space<semaphore_mem>> -> memref<!tpu.dma_semaphore, #tpu.memory_space<semaphore_mem>>
    %dma_wait3A_248 = arith.constant 0 : i32
    %dma_wait3A_249 = tpu.memref_slice %arg4[%add3A_167, %dma_wait3A_248] : memref<4096x64xf32, #tpu.memory_space<hbm>> -> memref<32x64xf32, #tpu.memory_space<hbm>>
    %dma_wait3A_250 = arith.constant 0 : i32
    %dma_wait3A_251 = arith.constant 0 : i32
    %dma_wait3A_252 = tpu.memref_slice %arg7[%dma_wait3A_238, %dma_wait3A_250, %dma_wait3A_251] : memref<2x32x64xf32, #tpu.memory_space<vmem>> -> memref<1x32x64xf32, #tpu.memory_space<vmem>>
    %dma_wait3A_253 = tpu.memref_squeeze %dma_wait3A_252 : memref<1x32x64xf32, #tpu.memory_space<vmem>> -> memref<32x64xf32, #tpu.memory_space<vmem>>
    tpu.wait_dma2 semaphore(%dma_wait3A_247 : memref<!tpu.dma_semaphore, #tpu.memory_space<semaphore_mem>>) src(%dma_wait3A_253 : memref<32x64xf32, #tpu.memory_space<vmem>>) dst(%dma_wait3A_249 : memref<32x64xf32, #tpu.memory_space<hbm>>)
    %dma_wait3A_254 = arith.constant 1 : i32
    %dma_wait3A_255 = arith.constant 1 : i32
    %dma_wait3A_256 = arith.constant 0 : i32
    %dma_wait3A_257 = arith.constant 0 : i32
    %dma_wait3A_258 = tpu.memref_slice %arg7[%dma_wait3A_254, %dma_wait3A_256, %dma_wait3A_257] : memref<2x32x64xf32, #tpu.memory_space<vmem>> -> memref<1x32x64xf32, #tpu.memory_space<vmem>>
    %dma_wait3A_259 = tpu.memref_squeeze %dma_wait3A_258 : memref<1x32x64xf32, #tpu.memory_space<vmem>> -> memref<32x64xf32, #tpu.memory_space<vmem>>
    %dma_wait3A_260 = arith.constant 0 : i32
    %dma_wait3A_261 = tpu.memref_slice %arg4[%add3A_221, %dma_wait3A_260] : memref<4096x64xf32, #tpu.memory_space<hbm>> -> memref<32x64xf32, #tpu.memory_space<hbm>>
    %dma_wait3A_262 = tpu.memref_slice %arg9[%dma_wait3A_255] : memref<2x!tpu.dma_semaphore, #tpu.memory_space<semaphore_mem>> -> memref<1x!tpu.dma_semaphore, #tpu.memory_space<semaphore_mem>>
    %dma_wait3A_263 = tpu.memref_squeeze %dma_wait3A_262 : memref<1x!tpu.dma_semaphore, #tpu.memory_space<semaphore_mem>> -> memref<!tpu.dma_semaphore, #tpu.memory_space<semaphore_mem>>
    %dma_wait3A_264 = arith.constant 0 : i32
    %dma_wait3A_265 = tpu.memref_slice %arg4[%add3A_221, %dma_wait3A_264] : memref<4096x64xf32, #tpu.memory_space<hbm>> -> memref<32x64xf32, #tpu.memory_space<hbm>>
    %dma_wait3A_266 = arith.constant 0 : i32
    %dma_wait3A_267 = arith.constant 0 : i32
    %dma_wait3A_268 = tpu.memref_slice %arg7[%dma_wait3A_254, %dma_wait3A_266, %dma_wait3A_267] : memref<2x32x64xf32, #tpu.memory_space<vmem>> -> memref<1x32x64xf32, #tpu.memory_space<vmem>>
    %dma_wait3A_269 = tpu.memref_squeeze %dma_wait3A_268 : memref<1x32x64xf32, #tpu.memory_space<vmem>> -> memref<32x64xf32, #tpu.memory_space<vmem>>
    tpu.wait_dma2 semaphore(%dma_wait3A_263 : memref<!tpu.dma_semaphore, #tpu.memory_space<semaphore_mem>>) src(%dma_wait3A_269 : memref<32x64xf32, #tpu.memory_space<vmem>>) dst(%dma_wait3A_265 : memref<32x64xf32, #tpu.memory_space<hbm>>)
    return
  }
}

</mosaic_0001>

<sc_bundles>
// kernel: kernel.3.cloned.1.call-start
scs
__scs_entry_jumppad:
0x0: {  	(pc) =	sbr.rel $0x88, $3  }
0x1: {  	(tag) =	ssettag $0x0;
	lr =	simm.s32 $0x1  }
0x2: {  	[smem:$0x3F9F] =	sst lr;
	_ =	strace $0xD0000000  }
0x3: {  	_ = 	snop  }
0x4: {  	_ = 	snop  }
0x5: {  	_ = 	snop  }
0x6: {  	_ = 	snop  }
0x7: {  	_ = 	snop  }
__scs_overlays_trampoline_lowered:
0x8: {  	[smem:$0x3FAE] =	sst s0  }
0x9: {  	[smem:$0x3FAF] =	sst s1  }
0xa: {  	[smem:$0x3FB0] =	sst s2  }
0xb: {  	[smem:$0x3FB1] =	sst s3  }
0xc: {  	[smem:$0x3FB2] =	sst s4  }
0xd: {  	[smem:$0x3FB3] =	sst s5  }
0xe: {  	[smem:$0x3FB4] =	sst s6  }
0xf: {  	[smem:$0x3FB5] =	sst s7  }
0x10: {  	[smem:$0x3FB6] =	sst s8  }
0x11: {  	[smem:$0x3FB7] =	sst s9;
	s0 =	simm.s32 @!p0 $0x0  }
0x12: {  	s1 =	sld [smem:$0x3F9D];
	s0 =	simm.s32 @p0 $0x1  }
0x13: {  	[smem:$0x3FB8] =	sst s0;
	s0 =	simm.s32 @!p1 $0x0  }
0x14: {  	s2 =	sld [smem:$0x3F9C];
	s0 =	simm.s32 @p1 $0x1  }
0x15: {  	[smem:$0x3FB9] =	sst s0;
	s0 =	simm.s32 @!p2 $0x0  }
0x16: {  	s3 =	sld [smem:$0x3FDB];
	s0 =	simm.s32 @p2 $0x1  }
0x17: {  	s4 =	simm.s32 $0x1BF5;
	[smem:$0x3FBB] =	sst s0  }
0x18: {  	s0 =	sld [smem:$0x3F9E];
	_ =	swait.ge [sflag:s4], $0x0  }
0x19: {  	s7 =	sld [smem:$0x3F9F]  }
0x1a: {  	s8 =	sadd.s32 $0xFFFFE003, lr  }
0x1b: {  	s9 =	sadd.s32 $0xFFFFFEF7, lr;
	s5 =	simm.s32 $0xFFFFFFFF;
	p2 =	slt.u32 s8, $0xFFFFF086  }
0x1c: {  	p1 =	slt.u32 s9, $0xF7A;
	s5 =	simm.s32 @!p2 $0x0  }
0x1d: {  	s5 =	simm.s32 @p1 $0x1;
	p0 =	seq.s32 s7, s2  }
0x1e: {  	s7 =	smul.u32 @!p0 $0xF7A, s2;
	p2 =	seq.s32 @!p0 s5, $0x0  }
0x1f: {  	s9 =	smul.u32 $0xF7A, s1;
	s8 =	simm.s32 @!p0 $0x1BF5;
	p2 =	por !p2, p0  }
0x20: {  	[sflag:s8] =	ssyncset.s32 @!p0 $0xFFFFF086;
	s6 =	sadd.s32 @!p0 s3, s7;
	s7 =	simm.s32 @!p0 $0x108  }
0x21: {  	s3 =	sadd.s32 s3, s9;
	s6 =	sadd.s32 @!p0 $0x88, s6;
	s7 =	simm.s32 @p2 $0x1082  }
0x22: {  	[simem:s7], [sflag:s8] =	dma.local @!p0 [hbm:s6], $0xF7A  }
0x23: {  	s9 =	sor.u32 $0xD0000000, s2;
	s6 =	simm.s32 $0x108;
	_ =	swait.ge @!p0 [sflag:s8], $0x0  }
0x24: {  	s3 =	sadd.s32 $0x88, s3;
	s6 =	simm.s32 @!p1 $0x1082;
	[sflag:s4] =	ssyncset.s32 $0xFFFFF086  }
0x25: {  	[simem:s6], [sflag:s4] =	dma.local [hbm:s3], $0xF7A  }
0x26: {  	[smem:$0x3F9F] =	sst s1;
	(tag) =	ssettag s2;
	_ =	strace s9  }
0x27: {  	s1 =	sld [smem:$0x3FAF]  }
0x28: {  	s2 =	sld [smem:$0x3FB0]  }
0x29: {  	s4 =	sld [smem:$0x3FB2]  }
0x2a: {  	p0 =	seq.s32 s5, $0x0;
	s5 =	sld [smem:$0x3FB3]  }
0x2b: {  	s6 =	sld [smem:$0x3FB4]  }
0x2c: {  	s7 =	sld [smem:$0x3FB5]  }
0x2d: {  	s3 =	simm.s32 $0x108;
	s8 =	sld [smem:$0x3FB6]  }
0x2e: {  	s3 =	simm.s32 @!p0 $0x1082;
	s9 =	sld [smem:$0x3FB7]  }
0x2f: {  	lr =	sadd.s32 s0, s3;
	s0 =	sld [smem:$0x3FAE]  }
0x30: {  	s3 =	sld [smem:$0x3FB1]  }
0x31: {  	[smem:$0x3FBA] =	sst s10  }
0x32: {  	s10 =	sld [smem:$0x3FB8];
	_ =	sdelay $0x3  }
0x33: {  	p0 =	seq.s32 s10, $0x1;
	s10 =	sld [smem:$0x3FBA];
	_ =	sdelay $0x3  }
0x34: {  	[smem:$0x3FBA] =	sst s10  }
0x35: {  	s10 =	sld [smem:$0x3FB9];
	_ =	sdelay $0x3  }
0x36: {  	p1 =	seq.s32 s10, $0x1;
	s10 =	sld [smem:$0x3FBA];
	_ =	sdelay $0x3  }
0x37: {  	[smem:$0x3FBA] =	sst s10  }
0x38: {  	s10 =	sld [smem:$0x3FBB]  }
0x39: {  	_ = 	snop;
	(pc) =	sbr.ind lr, $3  }
0x3a: {  	_ = 	snop  }
0x3b: {  	_ = 	snop  }
0x3c: {  	p2 =	seq.s32 s10, $0x1;
	s10 =	sld [smem:$0x3FBA]  }
0x3d: {  	_ =	shalt  }
0x3e: {  	_ =	shalt  }
0x3f: {  	_ =	shalt  }
0x40: {  	_ =	shalt  }
0x41: {  	_ =	shalt  }
0x42: {  	_ =	shalt  }
0x43: {  	_ =	shalt  }
0x44: {  	_ =	shalt  }
0x45: {  	_ =	shalt  }
0x46: {  	_ =	shalt  }
0x47: {  	_ =	shalt  }
0x48: {  	_ =	shalt  }
0x49: {  	_ =	shalt  }
0x4a: {  	_ =	shalt  }
0x4b: {  	_ =	shalt  }
0x4c: {  	_ =	shalt  }
0x4d: {  	_ =	shalt  }
0x4e: {  	_ =	shalt  }
0x4f: {  	_ =	shalt  }
0x50: {  	_ =	shalt  }
0x51: {  	_ =	shalt  }
0x52: {  	_ =	shalt  }
0x53: {  	_ =	shalt  }
0x54: {  	_ =	shalt  }
0x55: {  	_ =	shalt  }
0x56: {  	_ =	shalt  }
0x57: {  	_ =	shalt  }
0x58: {  	_ =	shalt  }
0x59: {  	_ =	shalt  }
0x5a: {  	_ =	shalt  }
0x5b: {  	_ =	shalt  }
0x5c: {  	_ =	shalt  }
0x5d: {  	_ =	shalt  }
0x5e: {  	_ =	shalt  }
0x5f: {  	_ =	shalt  }
0x60: {  	_ =	shalt  }
0x61: {  	_ =	shalt  }
0x62: {  	_ =	shalt  }
0x63: {  	_ =	shalt  }
0x64: {  	_ =	shalt  }
0x65: {  	_ =	shalt  }
0x66: {  	_ =	shalt  }
0x67: {  	_ =	shalt  }
0x68: {  	_ =	shalt  }
0x69: {  	_ =	shalt  }
0x6a: {  	_ =	shalt  }
0x6b: {  	_ =	shalt  }
0x6c: {  	_ =	shalt  }
0x6d: {  	_ =	shalt  }
0x6e: {  	_ =	shalt  }
0x6f: {  	_ =	shalt  }
0x70: {  	_ =	shalt  }
0x71: {  	_ =	shalt  }
0x72: {  	_ =	shalt  }
0x73: {  	_ =	shalt  }
0x74: {  	_ =	shalt  }
0x75: {  	_ =	shalt  }
0x76: {  	_ =	shalt  }
0x77: {  	_ =	shalt  }
0x78: {  	_ =	shalt  }
0x79: {  	_ =	shalt  }
0x7a: {  	_ =	shalt  }
0x7b: {  	_ =	shalt  }
0x7c: {  	_ =	shalt  }
0x7d: {  	_ =	shalt  }
0x7e: {  	_ =	shalt  }
0x7f: {  	_ =	shalt  }
0x80: {  	_ =	shalt  }
0x81: {  	_ =	shalt  }
0x82: {  	_ =	shalt  }
0x83: {  	_ =	shalt  }
0x84: {  	_ =	shalt  }
0x85: {  	_ =	shalt  }
0x86: {  	_ =	shalt  }
0x87: {  	_ =	shalt  }
.Lfunc_end0:
.L_simem_size_0:
called_computation_lowered:
.L_overlay_start_0:
0x88: {  	s2 =	sld [smem:$0x3FD9]  }
0x89: {  	s3 =	sld [smem:$0x3FFE];
	_ =	sdelay $0x1  }
0x8a: {  	s1 =	srdreg.scid  }
0x8b: {  	s0 =	sand.u32 $0x1, s1  }
0x8c: {  	s17 =	sshll.u32 s0, $0xA;
	s2 =	sadd.s32 s3, s2  }
0x8d: {  	s2 =	sadd.s32 s2, s17  }
0x8e: {  	[smem:$0x3FC6] =	sst s2  }
0x8f: {  	_ = 	snop  }
0x90: {  	s2 =	sld [smem:$0x3FC9]  }
0x91: {  	s18 =	sld [smem:$0x3FD0];
	(tm) =	ssettm $0x1  }
0x92: {  	s4 =	sld [smem:$0x3FFB];
	_ =	sdelay $0x3  }
0x93: {  	_ =	strace s4  }
0x94: {  	s4 =	sld [smem:$0x3FFC];
	_ =	sdelay $0x3  }
0x95: {  	_ =	strace s4  }
0x96: {  	s4 =	sld [smem:$0x3FFD];
	_ =	sdelay $0x3  }
0x97: {  	_ =	strace s4  }
0x98: {  	_ =	strace $0x8FFFFFFF  }
0x99: {  	s19 =	sld [smem:$0x3FDB];
	_ =	sdelay $0x1  }
0x9a: {  	s5 =	simm.s32 $_scs_section_size  }
0x9b: {  	s6 =	simm.s32 $_size__tile_overlayer_lowered;
	s7 =	simm.s32 $_tile_overlayer_lowered  }
0x9c: {  	s22 =	simm.s32 $0x1BFF;
	s21 =	sshll.u32 s7, $0x1;
	s4 =	sadd.s32 s5, s19  }
0x9d: {  	s8 =	simm.s32 $0x0;
	s20 =	sshll.u32 s6, $0x1;
	s6 =	sadd.s32 s21, s4  }
0x9e: {  	[timem:s8], [sflag:s22] =	dma.local [hbm:s6], s20  }
0x9f: {  	_ =	swait.ge [sflag:s22], s20  }
0xa0: {  	s5 =	ssub.s32 $0x0, s20;
	[sflag:s22] =	ssyncset.done $0x0  }
0xa1: {  	[sflag:s22] =	ssyncadd.s32 s5;
	_ =	sdelay $0x1  }
0xa2: {  	s23 =	simm.s32 $0x1B8B  }
0xa3: {  	_ =	swait.ge [sflag:s23], $0x1  }
0xa4: {  	[sflag:s23] =	ssyncset.done $0x0  }
0xa5: {  	s25 =	simm.s32 $0x1B8E;
	s24 =	sld [smem:$0x3FFE];
	[sflag:s23] =	ssyncadd.s32 $0xFFFFFFFF  }
0xa6: {  	s26 =	simm.s32 $execute0_lowered;
	[smem:$0x3FD2] =	sst s25  }
0xa7: {  	s6 =	sshll.u32 s26, $0x1;
	_ =	strace $0x80000046;
	[dreg:$0x1] =	wrdreg $0xFFFFFFFF  }
0xa8: {  	s28 =	simm.s32 $_size_execute0_lowered;
	s4 =	sadd.s32 s4, s6;
	[dreg:$0x0] =	wrdreg $0x0  }
0xa9: {  	s6 =	sshll.u32 s28, $0x1;
	[dreg:$0x2] =	wrdreg s4  }
0xaa: {  	[dreg:$0x3] =	wrdreg s6  }
0xab: {  	[dreg:$0x4] =	wrdreg $0xC0  }
0xac: {  	_ =	task [dreg:s8], $0x5FFFF  }
0xad: {  	[dreg:$0x1] =	wrdreg $0xFFFFFFFF  }
0xae: {  	[dreg:$0x0] =	wrdreg $0x60  }
0xaf: {  	[dreg:$0x2] =	wrdreg s2  }
0xb0: {  	[dreg:$0x3] =	wrdreg s24  }
0xb1: {  	[dreg:$0x4] =	wrdreg s18  }
0xb2: {  	[dreg:$0x5] =	wrdreg $0x9  }
0xb3: {  	_ =	task.clear_ibuf [dreg:s8], $0x6FFFF;
	_ =	strace $0x90000046  }
0xb4: {  	s29 =	simm.s32 $0x9;
	_ =	strace $0x80000048  }
0xb5: {  	_ =	swait.ge [sflag:s29], $0x1  }
0xb6: {  	[sflag:s29] =	ssyncadd.s32 $0xFFFFFFFF  }
0xb7: {  	_ =	strace $0x90000048  }
0xb8: {  	_ =	sfence  }
0xb9: {  	s30 =	sld [smem:$0x0];
	_ =	sdelay $0x2  }
0xba: {  	s31 =	sshll.u32 s1, $0xD;
	s1 =	sshrl.u32 s1, $0x2  }
0xbb: {  	s3 =	sand.u32 $0x4000, s31;
	s1 =	sadd.s32 s1, s30  }
0xbc: {  	s0 =	sor.u32 s3, s0;
	s1 =	sshll.u32 s1, $0x11  }
0xbd: {  	s0 =	sor.u32 s1, s0  }
0xbe: {  	s0 =	sadd.s32 $0x8F2B, s0  }
0xbf: {  	[sflag:s0] =	ssyncadd.remote.s32 $0x1  }
0xc0: {  	_ =	sfence.sel $0xFFFF  }
0xc1: {  	[dreg:$0x0] =	wrdreg $0xFFFFFFFF;
	(pc) =	sbr.abs _section_cstart, $3  }
0xc2: {  	[dreg:$0x1] =	wrdreg $0xFFFFFFFF  }
0xc3: {  	_ =	task.clear_ibuf [dreg:s8], $0x2FFFF;
	_ =	strace $0x9FFFFFFF  }
0xc4: {  	(tm) =	ssettm $0x7FFFFFFF  }
0xc5: {  	_ =	shalt  }
tec
execute0_lowered:
.L_overlay_start_1:
0x0: {  	(tag) =	ssettag $0x1  }
0x1: {  	s5 =	rddreg [dreg:$0x0]  }
0x2: {  	s3 =	rddreg [dreg:$0x1]  }
0x3: {  	s4 =	rddreg [dreg:$0x2]  }
0x4: {  	s0 =	rddreg [dreg:$0x3]  }
0x5: {  	s2 =	simm.s32 $0x0;
	s6 =	srdreg.scid;
	s1 =	stileid.u32  }
0x6: {  	s11 =	simm.s32 $0x280;
	s12 =	simm.s32 $0xA00;
	s13 =	simm.s32 $0xAA00  }
0x7: {  	s14 =	simm.s32 $0x1;
	s15 =	simm.s32 $0x14A00;
	s16 =	simm.s32 $0x500  }
0x8: {  	s17 =	simm.s32 $0x2;
	s18 =	simm.s32 $0x15200;
	s19 =	simm.s32 $0x780  }
0x9: {  	s20 =	simm.s32 $0x3;
	s21 =	simm.s32 $0x4;
	s22 =	simm.s32 $0x0  }
0xa: {  	[smem:$0x7FF] =	sst s2;
	s6 =	sand.u32 $0x1, s6;
	s7 =	sshll.u32 s1, $0x1  }
0xb: {  	s3 =	sadd.s32 $0x186E00, s3;
	s8 =	ssub.s32 $0x2, s6;
	s6 =	sor.u32 s6, s7  }
0xc: {  	s31 =	sshrl.u32 s8, $0x1;
	s9 =	smul.u32 $0x140, s6;
	s6 =	sshll.u32 s6, $0xA  }
0xd: {  	_ =	strace $0x80000047;
	s10 =	ssub.s32 s8, s31;
	s4 =	sadd.s32 s4, s6  }
0xe: {  	s5 =	sadd.s32 s5, s9;
	s6 =	sadd.s32 $0x100, s4;
	s7 =	sadd.s32 $0x200, s4  }
0xf: {  	s8 =	sadd.s32 $0x300, s4;
	s9 =	smax.u32 s10, $0x1;
	s10 =	simm.s32 $0x5  }
.LBB2_1:
0x10: {  	[tilespmem:s2], [sflag:$0x5] =	stream.linear.gather [hbm4b:s5+s2], $0xA00, $0x38;
	[tilespmem:$0x15A00] =	vst v63  }
0x11: {  	_ =	swait.ge [sflag:s10], $0xA00  }
0x12: {  	[sflag:s10] =	ssyncset.done $0x0  }
0x13: {  	[sflag:s10] =	ssyncadd.s32 $0xFFFFF600  }
0x14: {  	[tilespmem:s12], [sflag:$0x1] =	stream.indirect.gather [hbm4b:s3+s11], $0x40, s2, s11, $0xb8;
	[tilespmem:$0x15A00] =	vst v63  }
0x15: {  	_ = 	snop  }
0x16: {  	[tilespmem:s13], [sflag:$0x2] =	stream.indirect.gather [hbm4b:s3+s11], $0x40, s11, s11, $0xb8;
	[tilespmem:$0x15A00] =	vst v63  }
0x17: {  	_ =	swait.ge [sflag:s14], $0xA000  }
0x18: {  	[sflag:s14] =	ssyncset.done $0x0  }
0x19: {  	s23 =	simm.s32 $0xC80;
	[sflag:s14] =	ssyncadd.s32 $0xFFFF6000  }
0x1a: {  	v0 =	vld [tilespmem:s23+$0xFFFFFDC0]  }
0x1b: {  	v1 =	vld [tilespmem:s23+$0xFFFFFD80];
	_ =	sdelay $0x1  }
0x1c: {  	v2 =	vld [tilespmem:s23+$0xFFFFFE00];
	_ =	sdelay $0x1  }
0x1d: {  	v3 =	vld [tilespmem:s23+$0xFFFFFE40]  }
0x1e: {  	v0 =	vadd.f32 v0, v1  }
0x1f: {  	v1 =	vld [tilespmem:s23+$0xFFFFFE80]  }
0x20: {  	v0 =	vadd.f32 v2, v0  }
0x21: {  	v2 =	vld [tilespmem:s23+$0xFFFFFEC0]  }
0x22: {  	v0 =	vadd.f32 v3, v0  }
0x23: {  	v3 =	vld [tilespmem:s23+$0xFFFFFF00]  }
0x24: {  	v0 =	vadd.f32 v1, v0  }
0x25: {  	v1 =	vld [tilespmem:s23+$0xFFFFFF40]  }
0x26: {  	v0 =	vadd.f32 v2, v0  }
0x27: {  	v2 =	vld [tilespmem:s23+$0xFFFFFF80]  }
0x28: {  	v0 =	vadd.f32 v3, v0  }
0x29: {  	v3 =	vld [tilespmem:s23+$0xFFFFFFC0]  }
0x2a: {  	v0 =	vadd.f32 v1, v0  }
0x2b: {  	v1 =	vld [tilespmem:s23+$0x0]  }
0x2c: {  	v0 =	vadd.f32 v2, v0  }
0x2d: {  	v2 =	vld [tilespmem:s23+$0x40]  }
0x2e: {  	v0 =	vadd.f32 v3, v0  }
0x2f: {  	v3 =	vld [tilespmem:s23+$0x80]  }
0x30: {  	v0 =	vadd.f32 v1, v0  }
0x31: {  	v1 =	vld [tilespmem:s23+$0xC0]  }
0x32: {  	v0 =	vadd.f32 v2, v0  }
0x33: {  	v2 =	vld [tilespmem:s23+$0x100]  }
0x34: {  	v0 =	vadd.f32 v3, v0  }
0x35: {  	v3 =	vld [tilespmem:s23+$0x140]  }
0x36: {  	v0 =	vadd.f32 v1, v0  }
0x37: {  	v1 =	vld [tilespmem:s23+$0x180]  }
0x38: {  	v0 =	vadd.f32 v2, v0  }
0x39: {  	v2 =	vld [tilespmem:s23+$0x1C0]  }
0x3a: {  	v0 =	vadd.f32 v3, v0  }
0x3b: {  	v3 =	vld [tilespmem:s23+$0x200]  }
0x3c: {  	v0 =	vadd.f32 v1, v0  }
0x3d: {  	v1 =	vld [tilespmem:s23+$0x240]  }
0x3e: {  	v0 =	vadd.f32 v2, v0;
	_ =	sdelay $0x1  }
0x3f: {  	v0 =	vadd.f32 v3, v0;
	_ =	sdelay $0x1  }
0x40: {  	v0 =	vadd.f32 v1, v0  }
0x41: {  	s24 =	simm.s32 $0x0  }
0x42: {  	[tilespmem:s24+$0x14A00] =	vst v0  }
0x43: {  	v0 =	vld [tilespmem:s23+$0xFFFFFD90]  }
0x44: {  	v1 =	vld [tilespmem:s23+$0xFFFFFDD0];
	_ =	sdelay $0x1  }
0x45: {  	v2 =	vld [tilespmem:s23+$0xFFFFFE10];
	_ =	sdelay $0x1  }
0x46: {  	v3 =	vld [tilespmem:s23+$0xFFFFFE50]  }
0x47: {  	v0 =	vadd.f32 v1, v0  }
0x48: {  	v1 =	vld [tilespmem:s23+$0xFFFFFE90]  }
0x49: {  	v0 =	vadd.f32 v2, v0  }
0x4a: {  	v2 =	vld [tilespmem:s23+$0xFFFFFED0]  }
0x4b: {  	v0 =	vadd.f32 v3, v0  }
0x4c: {  	v3 =	vld [tilespmem:s23+$0xFFFFFF10]  }
0x4d: {  	v0 =	vadd.f32 v1, v0  }
0x4e: {  	v1 =	vld [tilespmem:s23+$0xFFFFFF50]  }
0x4f: {  	v0 =	vadd.f32 v2, v0  }
0x50: {  	v2 =	vld [tilespmem:s23+$0xFFFFFF90]  }
0x51: {  	v0 =	vadd.f32 v3, v0  }
0x52: {  	v3 =	vld [tilespmem:s23+$0xFFFFFFD0]  }
0x53: {  	v0 =	vadd.f32 v1, v0  }
0x54: {  	v1 =	vld [tilespmem:s23+$0x10]  }
0x55: {  	v0 =	vadd.f32 v2, v0  }
0x56: {  	v2 =	vld [tilespmem:s23+$0x50]  }
0x57: {  	v0 =	vadd.f32 v3, v0  }
0x58: {  	v3 =	vld [tilespmem:s23+$0x90]  }
0x59: {  	v0 =	vadd.f32 v1, v0  }
0x5a: {  	v1 =	vld [tilespmem:s23+$0xD0]  }
0x5b: {  	v0 =	vadd.f32 v2, v0  }
0x5c: {  	v2 =	vld [tilespmem:s23+$0x110]  }
0x5d: {  	v0 =	vadd.f32 v3, v0  }
0x5e: {  	v3 =	vld [tilespmem:s23+$0x150]  }
0x5f: {  	v0 =	vadd.f32 v1, v0  }
0x60: {  	v1 =	vld [tilespmem:s23+$0x190]  }
0x61: {  	v0 =	vadd.f32 v2, v0  }
0x62: {  	v2 =	vld [tilespmem:s23+$0x1D0]  }
0x63: {  	v0 =	vadd.f32 v3, v0  }
0x64: {  	v3 =	vld [tilespmem:s23+$0x210]  }
0x65: {  	v0 =	vadd.f32 v1, v0  }
0x66: {  	v1 =	vld [tilespmem:s23+$0x250]  }
0x67: {  	v0 =	vadd.f32 v2, v0;
	_ =	sdelay $0x1  }
0x68: {  	v0 =	vadd.f32 v3, v0;
	_ =	sdelay $0x1  }
0x69: {  	v0 =	vadd.f32 v1, v0;
	_ =	sdelay $0x1  }
0x6a: {  	[tilespmem:s24+$0x14A10] =	vst v0  }
0x6b: {  	v0 =	vld [tilespmem:s23+$0xFFFFFDA0]  }
0x6c: {  	v1 =	vld [tilespmem:s23+$0xFFFFFDE0];
	_ =	sdelay $0x1  }
0x6d: {  	v2 =	vld [tilespmem:s23+$0xFFFFFE20];
	_ =	sdelay $0x1  }
0x6e: {  	v3 =	vld [tilespmem:s23+$0xFFFFFE60]  }
0x6f: {  	v0 =	vadd.f32 v1, v0  }
0x70: {  	v1 =	vld [tilespmem:s23+$0xFFFFFEA0]  }
0x71: {  	v0 =	vadd.f32 v2, v0  }
0x72: {  	v2 =	vld [tilespmem:s23+$0xFFFFFEE0]  }
0x73: {  	v0 =	vadd.f32 v3, v0  }
0x74: {  	v3 =	vld [tilespmem:s23+$0xFFFFFF20]  }
0x75: {  	v0 =	vadd.f32 v1, v0  }
0x76: {  	v1 =	vld [tilespmem:s23+$0xFFFFFF60]  }
0x77: {  	v0 =	vadd.f32 v2, v0  }
0x78: {  	v2 =	vld [tilespmem:s23+$0xFFFFFFA0]  }
0x79: {  	v0 =	vadd.f32 v3, v0  }
0x7a: {  	v3 =	vld [tilespmem:s23+$0xFFFFFFE0]  }
0x7b: {  	v0 =	vadd.f32 v1, v0  }
0x7c: {  	v1 =	vld [tilespmem:s23+$0x20]  }
0x7d: {  	v0 =	vadd.f32 v2, v0  }
0x7e: {  	v2 =	vld [tilespmem:s23+$0x60]  }
0x7f: {  	v0 =	vadd.f32 v3, v0  }
0x80: {  	v3 =	vld [tilespmem:s23+$0xA0]  }
0x81: {  	v0 =	vadd.f32 v1, v0  }
0x82: {  	v1 =	vld [tilespmem:s23+$0xE0]  }
0x83: {  	v0 =	vadd.f32 v2, v0  }
0x84: {  	v2 =	vld [tilespmem:s23+$0x120]  }
0x85: {  	v0 =	vadd.f32 v3, v0  }
0x86: {  	v3 =	vld [tilespmem:s23+$0x160]  }
0x87: {  	v0 =	vadd.f32 v1, v0  }
0x88: {  	v1 =	vld [tilespmem:s23+$0x1A0]  }
0x89: {  	v0 =	vadd.f32 v2, v0  }
0x8a: {  	v2 =	vld [tilespmem:s23+$0x1E0]  }
0x8b: {  	v0 =	vadd.f32 v3, v0  }
0x8c: {  	v3 =	vld [tilespmem:s23+$0x220]  }
0x8d: {  	v0 =	vadd.f32 v1, v0  }
0x8e: {  	v1 =	vld [tilespmem:s23+$0x260]  }
0x8f: {  	v0 =	vadd.f32 v2, v0;
	_ =	sdelay $0x1  }
0x90: {  	v0 =	vadd.f32 v3, v0;
	_ =	sdelay $0x1  }
0x91: {  	v0 =	vadd.f32 v1, v0;
	_ =	sdelay $0x1  }
0x92: {  	[tilespmem:s24+$0x14A20] =	vst v0  }
0x93: {  	v0 =	vld [tilespmem:s23+$0xFFFFFDB0]  }
0x94: {  	v1 =	vld [tilespmem:s23+$0xFFFFFDF0];
	_ =	sdelay $0x1  }
0x95: {  	v2 =	vld [tilespmem:s23+$0xFFFFFE30];
	_ =	sdelay $0x1  }
0x96: {  	v3 =	vld [tilespmem:s23+$0xFFFFFE70]  }
0x97: {  	v0 =	vadd.f32 v1, v0  }
0x98: {  	v1 =	vld [tilespmem:s23+$0xFFFFFEB0]  }
0x99: {  	v0 =	vadd.f32 v2, v0  }
0x9a: {  	v2 =	vld [tilespmem:s23+$0xFFFFFEF0]  }
0x9b: {  	v0 =	vadd.f32 v3, v0  }
0x9c: {  	v3 =	vld [tilespmem:s23+$0xFFFFFF30]  }
0x9d: {  	v0 =	vadd.f32 v1, v0  }
0x9e: {  	v1 =	vld [tilespmem:s23+$0xFFFFFF70]  }
0x9f: {  	v0 =	vadd.f32 v2, v0  }
0xa0: {  	v2 =	vld [tilespmem:s23+$0xFFFFFFB0]  }
0xa1: {  	v0 =	vadd.f32 v3, v0  }
0xa2: {  	v3 =	vld [tilespmem:s23+$0xFFFFFFF0]  }
0xa3: {  	v0 =	vadd.f32 v1, v0  }
0xa4: {  	v1 =	vld [tilespmem:s23+$0x30]  }
0xa5: {  	v0 =	vadd.f32 v2, v0  }
0xa6: {  	v2 =	vld [tilespmem:s23+$0x70]  }
0xa7: {  	v0 =	vadd.f32 v3, v0  }
0xa8: {  	v3 =	vld [tilespmem:s23+$0xB0]  }
0xa9: {  	v0 =	vadd.f32 v1, v0  }
0xaa: {  	v1 =	vld [tilespmem:s23+$0xF0]  }
0xab: {  	v0 =	vadd.f32 v2, v0  }
0xac: {  	v2 =	vld [tilespmem:s23+$0x130]  }
0xad: {  	v0 =	vadd.f32 v3, v0  }
0xae: {  	v3 =	vld [tilespmem:s23+$0x170]  }
0xaf: {  	v0 =	vadd.f32 v1, v0  }
0xb0: {  	v1 =	vld [tilespmem:s23+$0x1B0]  }
0xb1: {  	v0 =	vadd.f32 v2, v0;
	_ =	sdelay $0x1  }
0xb2: {  	v2 =	vld [tilespmem:s23+$0x1F0];
	v0 =	vadd.f32 v3, v0;
	_ =	sdelay $0x1  }
0xb3: {  	v3 =	vadd.f32 v1, v0;
	v1 =	vld [tilespmem:s23+$0x230];
	_ =	sdelay $0x1  }
0xb4: {  	v0 =	vld [tilespmem:s23+$0x270]  }
0xb5: {  	s25 =	simm.s32 $0x100;
	v2 =	vadd.f32 v2, v3  }
.LBB2_2:
0xb6: {  	p0 =	sne.s32 s25, $0x1F00  }
0xb7: {  	s23 =	sadd.s32 $0x500, s23;
	s26 =	smov.u32 s25;
	s25 =	sadd.s32 $0x100, s25;
	v1 =	vadd.f32 v1, v2  }
0xb8: {  	_ = 	snop  }
0xb9: {  	v0 =	vadd.f32 v0, v1;
	_ =	sdelay $0x1  }
0xba: {  	[tilespmem:s24+$0x14A30] =	vst v0  }
0xbb: {  	v0 =	vld [tilespmem:s23+$0xFFFFFDC0]  }
0xbc: {  	v1 =	vld [tilespmem:s23+$0xFFFFFD80];
	_ =	sdelay $0x1  }
0xbd: {  	v2 =	vld [tilespmem:s23+$0xFFFFFE00];
	_ =	sdelay $0x1  }
0xbe: {  	v3 =	vld [tilespmem:s23+$0xFFFFFE40]  }
0xbf: {  	v0 =	vadd.f32 v0, v1  }
0xc0: {  	v1 =	vld [tilespmem:s23+$0xFFFFFE80]  }
0xc1: {  	v0 =	vadd.f32 v2, v0  }
0xc2: {  	v2 =	vld [tilespmem:s23+$0xFFFFFEC0]  }
0xc3: {  	v0 =	vadd.f32 v3, v0  }
0xc4: {  	v3 =	vld [tilespmem:s23+$0xFFFFFF00]  }
0xc5: {  	v0 =	vadd.f32 v1, v0  }
0xc6: {  	v1 =	vld [tilespmem:s23+$0xFFFFFF40]  }
0xc7: {  	v0 =	vadd.f32 v2, v0  }
0xc8: {  	v2 =	vld [tilespmem:s23+$0xFFFFFF80]  }
0xc9: {  	v0 =	vadd.f32 v3, v0  }
0xca: {  	v3 =	vld [tilespmem:s23+$0xFFFFFFC0]  }
0xcb: {  	v0 =	vadd.f32 v1, v0  }
0xcc: {  	v1 =	vld [tilespmem:s23+$0x0]  }
0xcd: {  	v0 =	vadd.f32 v2, v0  }
0xce: {  	v2 =	vld [tilespmem:s23+$0x40]  }
0xcf: {  	v0 =	vadd.f32 v3, v0  }
0xd0: {  	v3 =	vld [tilespmem:s23+$0x80]  }
0xd1: {  	v0 =	vadd.f32 v1, v0  }
0xd2: {  	v1 =	vld [tilespmem:s23+$0xC0]  }
0xd3: {  	v0 =	vadd.f32 v2, v0  }
0xd4: {  	v2 =	vld [tilespmem:s23+$0x100]  }
0xd5: {  	v0 =	vadd.f32 v3, v0  }
0xd6: {  	v3 =	vld [tilespmem:s23+$0x140]  }
0xd7: {  	v0 =	vadd.f32 v1, v0  }
0xd8: {  	v1 =	vld [tilespmem:s23+$0x180]  }
0xd9: {  	v0 =	vadd.f32 v2, v0  }
0xda: {  	v2 =	vld [tilespmem:s23+$0x1C0]  }
0xdb: {  	v0 =	vadd.f32 v3, v0  }
0xdc: {  	v3 =	vld [tilespmem:s23+$0x200]  }
0xdd: {  	v0 =	vadd.f32 v1, v0  }
0xde: {  	v1 =	vld [tilespmem:s23+$0x240]  }
0xdf: {  	v0 =	vadd.f32 v2, v0;
	_ =	sdelay $0x1  }
0xe0: {  	v0 =	vadd.f32 v3, v0;
	_ =	sdelay $0x1  }
0xe1: {  	v0 =	vadd.f32 v1, v0  }
0xe2: {  	s24 =	sshra.s32 s26, $0x2  }
0xe3: {  	[tilespmem:s24+$0x14A00] =	vst v0  }
0xe4: {  	v0 =	vld [tilespmem:s23+$0xFFFFFD90]  }
0xe5: {  	v1 =	vld [tilespmem:s23+$0xFFFFFDD0];
	_ =	sdelay $0x1  }
0xe6: {  	v2 =	vld [tilespmem:s23+$0xFFFFFE10];
	_ =	sdelay $0x1  }
0xe7: {  	v3 =	vld [tilespmem:s23+$0xFFFFFE50]  }
0xe8: {  	v0 =	vadd.f32 v1, v0  }
0xe9: {  	v1 =	vld [tilespmem:s23+$0xFFFFFE90]  }
0xea: {  	v0 =	vadd.f32 v2, v0  }
0xeb: {  	v2 =	vld [tilespmem:s23+$0xFFFFFED0]  }
0xec: {  	v0 =	vadd.f32 v3, v0  }
0xed: {  	v3 =	vld [tilespmem:s23+$0xFFFFFF10]  }
0xee: {  	v0 =	vadd.f32 v1, v0  }
0xef: {  	v1 =	vld [tilespmem:s23+$0xFFFFFF50]  }
0xf0: {  	v0 =	vadd.f32 v2, v0  }
0xf1: {  	v2 =	vld [tilespmem:s23+$0xFFFFFF90]  }
0xf2: {  	v0 =	vadd.f32 v3, v0  }
0xf3: {  	v3 =	vld [tilespmem:s23+$0xFFFFFFD0]  }
0xf4: {  	v0 =	vadd.f32 v1, v0  }
0xf5: {  	v1 =	vld [tilespmem:s23+$0x10]  }
0xf6: {  	v0 =	vadd.f32 v2, v0  }
0xf7: {  	v2 =	vld [tilespmem:s23+$0x50]  }
0xf8: {  	v0 =	vadd.f32 v3, v0  }
0xf9: {  	v3 =	vld [tilespmem:s23+$0x90]  }
0xfa: {  	v0 =	vadd.f32 v1, v0  }
0xfb: {  	v1 =	vld [tilespmem:s23+$0xD0]  }
0xfc: {  	v0 =	vadd.f32 v2, v0  }
0xfd: {  	v2 =	vld [tilespmem:s23+$0x110]  }
0xfe: {  	v0 =	vadd.f32 v3, v0  }
0xff: {  	v3 =	vld [tilespmem:s23+$0x150]  }
0x100: {  	v0 =	vadd.f32 v1, v0  }
0x101: {  	v1 =	vld [tilespmem:s23+$0x190]  }
0x102: {  	v0 =	vadd.f32 v2, v0  }
0x103: {  	v2 =	vld [tilespmem:s23+$0x1D0]  }
0x104: {  	v0 =	vadd.f32 v3, v0  }
0x105: {  	v3 =	vld [tilespmem:s23+$0x210]  }
0x106: {  	v0 =	vadd.f32 v1, v0  }
0x107: {  	v1 =	vld [tilespmem:s23+$0x250]  }
0x108: {  	v0 =	vadd.f32 v2, v0;
	_ =	sdelay $0x1  }
0x109: {  	v0 =	vadd.f32 v3, v0;
	_ =	sdelay $0x1  }
0x10a: {  	v0 =	vadd.f32 v1, v0;
	_ =	sdelay $0x1  }
0x10b: {  	[tilespmem:s24+$0x14A10] =	vst v0  }
0x10c: {  	v0 =	vld [tilespmem:s23+$0xFFFFFDA0]  }
0x10d: {  	v1 =	vld [tilespmem:s23+$0xFFFFFDE0];
	_ =	sdelay $0x1  }
0x10e: {  	v2 =	vld [tilespmem:s23+$0xFFFFFE20];
	_ =	sdelay $0x1  }
0x10f: {  	v3 =	vld [tilespmem:s23+$0xFFFFFE60]  }
0x110: {  	v0 =	vadd.f32 v1, v0  }
0x111: {  	v1 =	vld [tilespmem:s23+$0xFFFFFEA0]  }
0x112: {  	v0 =	vadd.f32 v2, v0  }
0x113: {  	v2 =	vld [tilespmem:s23+$0xFFFFFEE0]  }
0x114: {  	v0 =	vadd.f32 v3, v0  }
0x115: {  	v3 =	vld [tilespmem:s23+$0xFFFFFF20]  }
0x116: {  	v0 =	vadd.f32 v1, v0  }
0x117: {  	v1 =	vld [tilespmem:s23+$0xFFFFFF60]  }
0x118: {  	v0 =	vadd.f32 v2, v0  }
0x119: {  	v2 =	vld [tilespmem:s23+$0xFFFFFFA0]  }
0x11a: {  	v0 =	vadd.f32 v3, v0  }
0x11b: {  	v3 =	vld [tilespmem:s23+$0xFFFFFFE0]  }
0x11c: {  	v0 =	vadd.f32 v1, v0  }
0x11d: {  	v1 =	vld [tilespmem:s23+$0x20]  }
0x11e: {  	v0 =	vadd.f32 v2, v0  }
0x11f: {  	v2 =	vld [tilespmem:s23+$0x60]  }
0x120: {  	v0 =	vadd.f32 v3, v0  }
0x121: {  	v3 =	vld [tilespmem:s23+$0xA0]  }
0x122: {  	v0 =	vadd.f32 v1, v0  }
0x123: {  	v1 =	vld [tilespmem:s23+$0xE0]  }
0x124: {  	v0 =	vadd.f32 v2, v0  }
0x125: {  	v2 =	vld [tilespmem:s23+$0x120]  }
0x126: {  	v0 =	vadd.f32 v3, v0  }
0x127: {  	v3 =	vld [tilespmem:s23+$0x160]  }
0x128: {  	v0 =	vadd.f32 v1, v0  }
0x129: {  	v1 =	vld [tilespmem:s23+$0x1A0]  }
0x12a: {  	v0 =	vadd.f32 v2, v0  }
0x12b: {  	v2 =	vld [tilespmem:s23+$0x1E0]  }
0x12c: {  	v0 =	vadd.f32 v3, v0  }
0x12d: {  	v3 =	vld [tilespmem:s23+$0x220]  }
0x12e: {  	v0 =	vadd.f32 v1, v0  }
0x12f: {  	v1 =	vld [tilespmem:s23+$0x260]  }
0x130: {  	v0 =	vadd.f32 v2, v0;
	_ =	sdelay $0x1  }
0x131: {  	v0 =	vadd.f32 v3, v0;
	_ =	sdelay $0x1  }
0x132: {  	v0 =	vadd.f32 v1, v0;
	_ =	sdelay $0x1  }
0x133: {  	[tilespmem:s24+$0x14A20] =	vst v0  }
0x134: {  	v0 =	vld [tilespmem:s23+$0xFFFFFDB0]  }
0x135: {  	v1 =	vld [tilespmem:s23+$0xFFFFFDF0]  }
0x136: {  	v2 =	vld [tilespmem:s23+$0xFFFFFE30]  }
0x137: {  	v3 =	vld [tilespmem:s23+$0xFFFFFE70]  }
0x138: {  	v4 =	vld [tilespmem:s23+$0xFFFFFEB0]  }
0x139: {  	v5 =	vld [tilespmem:s23+$0xFFFFFEF0]  }
0x13a: {  	v0 =	vadd.f32 v1, v0;
	v1 =	vld [tilespmem:s23+$0xFFFFFF30]  }
0x13b: {  	v6 =	vld [tilespmem:s23+$0xFFFFFF70]  }
0x13c: {  	v0 =	vadd.f32 v2, v0;
	v2 =	vld [tilespmem:s23+$0xFFFFFFB0]  }
0x13d: {  	v7 =	vld [tilespmem:s23+$0xFFFFFFF0]  }
0x13e: {  	v0 =	vadd.f32 v3, v0;
	v3 =	vld [tilespmem:s23+$0x30]  }
0x13f: {  	v8 =	vld [tilespmem:s23+$0x70]  }
0x140: {  	v0 =	vadd.f32 v4, v0;
	v4 =	vld [tilespmem:s23+$0xB0]  }
0x141: {  	v9 =	vld [tilespmem:s23+$0xF0]  }
0x142: {  	v0 =	vadd.f32 v5, v0;
	v5 =	vld [tilespmem:s23+$0x130]  }
0x143: {  	v10 =	vld [tilespmem:s23+$0x170]  }
0x144: {  	v0 =	vadd.f32 v1, v0;
	v11 =	vld [tilespmem:s23+$0x1B0]  }
0x145: {  	v12 =	vld [tilespmem:s23+$0x1F0]  }
0x146: {  	v6 =	vadd.f32 v6, v0;
	v1 =	vld [tilespmem:s23+$0x230]  }
0x147: {  	v0 =	vld [tilespmem:s23+$0x270]  }
0x148: {  	v2 =	vadd.f32 v2, v6;
	_ =	sdelay $0x1  }
0x149: {  	v2 =	vadd.f32 v7, v2;
	_ =	sdelay $0x1  }
0x14a: {  	v2 =	vadd.f32 v3, v2;
	_ =	sdelay $0x1  }
0x14b: {  	v2 =	vadd.f32 v8, v2;
	_ =	sdelay $0x1  }
0x14c: {  	v2 =	vadd.f32 v4, v2;
	_ =	sdelay $0x1  }
0x14d: {  	v2 =	vadd.f32 v9, v2;
	_ =	sdelay $0x1  }
0x14e: {  	v2 =	vadd.f32 v5, v2;
	_ =	sdelay $0x1  }
.Ltmp0:
0x14f: {  	v2 =	vadd.f32 v10, v2;
	(pc) =	sbr.rel @p0 .LBB2_2-.Ltmp0, $3  }
0x150: {  	_ = 	snop  }
0x151: {  	v2 =	vadd.f32 v11, v2;
	_ =	sdelay $0x1  }
0x152: {  	v2 =	vadd.f32 v12, v2  }
0x153: {  	_ = 	snop  }
0x154: {  	v1 =	vadd.f32 v1, v2;
	_ =	sdelay $0x1  }
0x155: {  	v0 =	vadd.f32 v0, v1;
	_ =	sdelay $0x1  }
0x156: {  	s23 =	simm.s32 $0x0;
	[tilespmem:s24+$0x14A30] =	vst v0  }
0x157: {  	[hbm4b:s4+s23] =	stream.linear.scatter [tilespmem:s15], [sflag:$0x3], $0x800, $0x38;
	[tilespmem:$0x15A00] =	vst v63  }
0x158: {  	_ = 	snop  }
0x159: {  	[tilespmem:s12], [sflag:$0x1] =	stream.indirect.gather [hbm4b:s3+s11], $0x40, s16, s11, $0xb8;
	[tilespmem:$0x15A00] =	vst v63  }
0x15a: {  	_ =	swait.ge [sflag:s17], $0xA000  }
0x15b: {  	[sflag:s17] =	ssyncset.done $0x0  }
0x15c: {  	s25 =	simm.s32 $0x0;
	[sflag:s17] =	ssyncadd.s32 $0xFFFF6000  }
0x15d: {  	v0 =	vld [tilespmem:s25+$0xAA00]  }
0x15e: {  	v1 =	vld [tilespmem:s25+$0xAA40];
	_ =	sdelay $0x1  }
0x15f: {  	v2 =	vld [tilespmem:s25+$0xAA80];
	_ =	sdelay $0x1  }
0x160: {  	v3 =	vld [tilespmem:s25+$0xAAC0]  }
0x161: {  	v0 =	vadd.f32 v1, v0  }
0x162: {  	v1 =	vld [tilespmem:s25+$0xAB00]  }
0x163: {  	v0 =	vadd.f32 v2, v0  }
0x164: {  	v2 =	vld [tilespmem:s25+$0xAB40]  }
0x165: {  	v0 =	vadd.f32 v3, v0  }
0x166: {  	v3 =	vld [tilespmem:s25+$0xAB80]  }
0x167: {  	v0 =	vadd.f32 v1, v0  }
0x168: {  	v1 =	vld [tilespmem:s25+$0xABC0]  }
0x169: {  	v0 =	vadd.f32 v2, v0  }
0x16a: {  	v2 =	vld [tilespmem:s25+$0xAC00]  }
0x16b: {  	v0 =	vadd.f32 v3, v0  }
0x16c: {  	v3 =	vld [tilespmem:s25+$0xAC40]  }
0x16d: {  	v0 =	vadd.f32 v1, v0  }
0x16e: {  	v1 =	vld [tilespmem:s25+$0xAC80]  }
0x16f: {  	v0 =	vadd.f32 v2, v0  }
0x170: {  	v2 =	vld [tilespmem:s25+$0xACC0]  }
0x171: {  	v0 =	vadd.f32 v3, v0  }
0x172: {  	v3 =	vld [tilespmem:s25+$0xAD00]  }
0x173: {  	v0 =	vadd.f32 v1, v0  }
0x174: {  	v1 =	vld [tilespmem:s25+$0xAD40]  }
0x175: {  	v0 =	vadd.f32 v2, v0  }
0x176: {  	v2 =	vld [tilespmem:s25+$0xAD80]  }
0x177: {  	v0 =	vadd.f32 v3, v0  }
0x178: {  	v3 =	vld [tilespmem:s25+$0xADC0]  }
0x179: {  	v0 =	vadd.f32 v1, v0  }
0x17a: {  	v1 =	vld [tilespmem:s25+$0xAE00]  }
0x17b: {  	v0 =	vadd.f32 v2, v0  }
0x17c: {  	v2 =	vld [tilespmem:s25+$0xAE40]  }
0x17d: {  	v0 =	vadd.f32 v3, v0  }
0x17e: {  	v3 =	vld [tilespmem:s25+$0xAE80]  }
0x17f: {  	v0 =	vadd.f32 v1, v0  }
0x180: {  	v1 =	vld [tilespmem:s25+$0xAEC0]  }
0x181: {  	v0 =	vadd.f32 v2, v0;
	_ =	sdelay $0x1  }
0x182: {  	v0 =	vadd.f32 v3, v0;
	_ =	sdelay $0x1  }
0x183: {  	v0 =	vadd.f32 v1, v0  }
0x184: {  	s23 =	simm.s32 $0x15230  }
0x185: {  	[tilespmem:s23+$0xFFFFFFD0] =	vst v0  }
0x186: {  	v0 =	vld [tilespmem:s25+$0xAA10]  }
0x187: {  	v1 =	vld [tilespmem:s25+$0xAA50];
	_ =	sdelay $0x1  }
0x188: {  	v2 =	vld [tilespmem:s25+$0xAA90];
	_ =	sdelay $0x1  }
0x189: {  	v3 =	vld [tilespmem:s25+$0xAAD0]  }
0x18a: {  	v0 =	vadd.f32 v1, v0  }
0x18b: {  	v1 =	vld [tilespmem:s25+$0xAB10]  }
0x18c: {  	v0 =	vadd.f32 v2, v0  }
0x18d: {  	v2 =	vld [tilespmem:s25+$0xAB50]  }
0x18e: {  	v0 =	vadd.f32 v3, v0  }
0x18f: {  	v3 =	vld [tilespmem:s25+$0xAB90]  }
0x190: {  	v0 =	vadd.f32 v1, v0  }
0x191: {  	v1 =	vld [tilespmem:s25+$0xABD0]  }
0x192: {  	v0 =	vadd.f32 v2, v0  }
0x193: {  	v2 =	vld [tilespmem:s25+$0xAC10]  }
0x194: {  	v0 =	vadd.f32 v3, v0  }
0x195: {  	v3 =	vld [tilespmem:s25+$0xAC50]  }
0x196: {  	v0 =	vadd.f32 v1, v0  }
0x197: {  	v1 =	vld [tilespmem:s25+$0xAC90]  }
0x198: {  	v0 =	vadd.f32 v2, v0  }
0x199: {  	v2 =	vld [tilespmem:s25+$0xACD0]  }
0x19a: {  	v0 =	vadd.f32 v3, v0  }
0x19b: {  	v3 =	vld [tilespmem:s25+$0xAD10]  }
0x19c: {  	v0 =	vadd.f32 v1, v0  }
0x19d: {  	v1 =	vld [tilespmem:s25+$0xAD50]  }
0x19e: {  	v0 =	vadd.f32 v2, v0  }
0x19f: {  	v2 =	vld [tilespmem:s25+$0xAD90]  }
0x1a0: {  	v0 =	vadd.f32 v3, v0  }
0x1a1: {  	v3 =	vld [tilespmem:s25+$0xADD0]  }
0x1a2: {  	v0 =	vadd.f32 v1, v0  }
0x1a3: {  	v1 =	vld [tilespmem:s25+$0xAE10]  }
0x1a4: {  	v0 =	vadd.f32 v2, v0  }
0x1a5: {  	v2 =	vld [tilespmem:s25+$0xAE50]  }
0x1a6: {  	v0 =	vadd.f32 v3, v0  }
0x1a7: {  	v3 =	vld [tilespmem:s25+$0xAE90]  }
0x1a8: {  	v0 =	vadd.f32 v1, v0  }
0x1a9: {  	v1 =	vld [tilespmem:s25+$0xAED0]  }
0x1aa: {  	v0 =	vadd.f32 v2, v0;
	_ =	sdelay $0x1  }
0x1ab: {  	v0 =	vadd.f32 v3, v0;
	_ =	sdelay $0x1  }
0x1ac: {  	v0 =	vadd.f32 v1, v0;
	_ =	sdelay $0x1  }
0x1ad: {  	[tilespmem:s23+$0xFFFFFFE0] =	vst v0  }
0x1ae: {  	v0 =	vld [tilespmem:s25+$0xAA20]  }
0x1af: {  	v1 =	vld [tilespmem:s25+$0xAA60];
	_ =	sdelay $0x1  }
0x1b0: {  	v2 =	vld [tilespmem:s25+$0xAAA0];
	_ =	sdelay $0x1  }
0x1b1: {  	v3 =	vld [tilespmem:s25+$0xAAE0]  }
0x1b2: {  	v0 =	vadd.f32 v1, v0  }
0x1b3: {  	v1 =	vld [tilespmem:s25+$0xAB20]  }
0x1b4: {  	v0 =	vadd.f32 v2, v0  }
0x1b5: {  	v2 =	vld [tilespmem:s25+$0xAB60]  }
0x1b6: {  	v0 =	vadd.f32 v3, v0  }
0x1b7: {  	v3 =	vld [tilespmem:s25+$0xABA0]  }
0x1b8: {  	v0 =	vadd.f32 v1, v0  }
0x1b9: {  	v1 =	vld [tilespmem:s25+$0xABE0]  }
0x1ba: {  	v0 =	vadd.f32 v2, v0  }
0x1bb: {  	v2 =	vld [tilespmem:s25+$0xAC20]  }
0x1bc: {  	v0 =	vadd.f32 v3, v0  }
0x1bd: {  	v3 =	vld [tilespmem:s25+$0xAC60]  }
0x1be: {  	v0 =	vadd.f32 v1, v0  }
0x1bf: {  	v1 =	vld [tilespmem:s25+$0xACA0]  }
0x1c0: {  	v0 =	vadd.f32 v2, v0  }
0x1c1: {  	v2 =	vld [tilespmem:s25+$0xACE0]  }
0x1c2: {  	v0 =	vadd.f32 v3, v0  }
0x1c3: {  	v3 =	vld [tilespmem:s25+$0xAD20]  }
0x1c4: {  	v0 =	vadd.f32 v1, v0  }
0x1c5: {  	v1 =	vld [tilespmem:s25+$0xAD60]  }
0x1c6: {  	v0 =	vadd.f32 v2, v0  }
0x1c7: {  	v2 =	vld [tilespmem:s25+$0xADA0]  }
0x1c8: {  	v0 =	vadd.f32 v3, v0  }
0x1c9: {  	v3 =	vld [tilespmem:s25+$0xADE0]  }
0x1ca: {  	v0 =	vadd.f32 v1, v0  }
0x1cb: {  	v1 =	vld [tilespmem:s25+$0xAE20]  }
0x1cc: {  	v0 =	vadd.f32 v2, v0  }
0x1cd: {  	v2 =	vld [tilespmem:s25+$0xAE60]  }
0x1ce: {  	v0 =	vadd.f32 v3, v0  }
0x1cf: {  	v3 =	vld [tilespmem:s25+$0xAEA0]  }
0x1d0: {  	v0 =	vadd.f32 v1, v0  }
0x1d1: {  	v1 =	vld [tilespmem:s25+$0xAEE0]  }
0x1d2: {  	v0 =	vadd.f32 v2, v0;
	_ =	sdelay $0x1  }
0x1d3: {  	v0 =	vadd.f32 v3, v0;
	_ =	sdelay $0x1  }
0x1d4: {  	v0 =	vadd.f32 v1, v0;
	_ =	sdelay $0x1  }
0x1d5: {  	[tilespmem:s23+$0xFFFFFFF0] =	vst v0  }
0x1d6: {  	v0 =	vld [tilespmem:s25+$0xAA30]  }
0x1d7: {  	v1 =	vld [tilespmem:s25+$0xAA70];
	_ =	sdelay $0x1  }
0x1d8: {  	v2 =	vld [tilespmem:s25+$0xAAB0];
	_ =	sdelay $0x1  }
0x1d9: {  	v3 =	vld [tilespmem:s25+$0xAAF0]  }
0x1da: {  	v0 =	vadd.f32 v1, v0  }
0x1db: {  	v1 =	vld [tilespmem:s25+$0xAB30]  }
0x1dc: {  	v0 =	vadd.f32 v2, v0  }
0x1dd: {  	v2 =	vld [tilespmem:s25+$0xAB70]  }
0x1de: {  	v0 =	vadd.f32 v3, v0  }
0x1df: {  	v3 =	vld [tilespmem:s25+$0xABB0]  }
0x1e0: {  	v0 =	vadd.f32 v1, v0  }
0x1e1: {  	v1 =	vld [tilespmem:s25+$0xABF0]  }
0x1e2: {  	v0 =	vadd.f32 v2, v0  }
0x1e3: {  	v2 =	vld [tilespmem:s25+$0xAC30]  }
0x1e4: {  	v0 =	vadd.f32 v3, v0  }
0x1e5: {  	v3 =	vld [tilespmem:s25+$0xAC70]  }
0x1e6: {  	v0 =	vadd.f32 v1, v0  }
0x1e7: {  	v1 =	vld [tilespmem:s25+$0xACB0]  }
0x1e8: {  	v0 =	vadd.f32 v2, v0  }
0x1e9: {  	v2 =	vld [tilespmem:s25+$0xACF0]  }
0x1ea: {  	v0 =	vadd.f32 v3, v0  }
0x1eb: {  	v3 =	vld [tilespmem:s25+$0xAD30]  }
0x1ec: {  	v0 =	vadd.f32 v1, v0  }
0x1ed: {  	v1 =	vld [tilespmem:s25+$0xAD70]  }
0x1ee: {  	v0 =	vadd.f32 v2, v0  }
0x1ef: {  	v2 =	vld [tilespmem:s25+$0xADB0]  }
0x1f0: {  	v0 =	vadd.f32 v3, v0  }
0x1f1: {  	v3 =	vld [tilespmem:s25+$0xADF0]  }
0x1f2: {  	v0 =	vadd.f32 v1, v0  }
0x1f3: {  	v1 =	vld [tilespmem:s25+$0xAE30]  }
0x1f4: {  	v0 =	vadd.f32 v2, v0  }
0x1f5: {  	v2 =	vld [tilespmem:s25+$0xAE70]  }
0x1f6: {  	v0 =	vadd.f32 v3, v0;
	_ =	sdelay $0x1  }
0x1f7: {  	v3 =	vadd.f32 v1, v0;
	v0 =	vld [tilespmem:s25+$0xAEB0];
	_ =	sdelay $0x1  }
0x1f8: {  	s24 =	simm.s32 $0x1400;
	v1 =	vld [tilespmem:s25+$0xAEF0];
	s25 =	simm.s32 $0x15230;
	v2 =	vadd.f32 v2, v3  }
.LBB2_4:
0x1f9: {  	p0 =	sne.s32 s24, $0x26C00  }
0x1fa: {  	s23 =	sadd.s32 $0x40, s23;
	s26 =	smov.u32 s24;
	s24 =	sadd.s32 $0x1400, s24  }
0x1fb: {  	v0 =	vadd.f32 v0, v2;
	_ =	sdelay $0x1  }
0x1fc: {  	v0 =	vadd.f32 v1, v0  }
0x1fd: {  	s26 =	sshra.s32 s26, $0x2  }
0x1fe: {  	[tilespmem:s25+$0x0] =	vst v0;
	s25 =	smov.u32 s23  }
0x1ff: {  	v0 =	vld [tilespmem:s26+$0xAA00]  }
0x200: {  	v1 =	vld [tilespmem:s26+$0xAA40];
	_ =	sdelay $0x1  }
0x201: {  	v2 =	vld [tilespmem:s26+$0xAA80];
	_ =	sdelay $0x1  }
0x202: {  	v3 =	vld [tilespmem:s26+$0xAAC0]  }
0x203: {  	v0 =	vadd.f32 v1, v0  }
0x204: {  	v1 =	vld [tilespmem:s26+$0xAB00]  }
0x205: {  	v0 =	vadd.f32 v2, v0  }
0x206: {  	v2 =	vld [tilespmem:s26+$0xAB40]  }
0x207: {  	v0 =	vadd.f32 v3, v0  }
0x208: {  	v3 =	vld [tilespmem:s26+$0xAB80]  }
0x209: {  	v0 =	vadd.f32 v1, v0  }
0x20a: {  	v1 =	vld [tilespmem:s26+$0xABC0]  }
0x20b: {  	v0 =	vadd.f32 v2, v0  }
0x20c: {  	v2 =	vld [tilespmem:s26+$0xAC00]  }
0x20d: {  	v0 =	vadd.f32 v3, v0  }
0x20e: {  	v3 =	vld [tilespmem:s26+$0xAC40]  }
0x20f: {  	v0 =	vadd.f32 v1, v0  }
0x210: {  	v1 =	vld [tilespmem:s26+$0xAC80]  }
0x211: {  	v0 =	vadd.f32 v2, v0  }
0x212: {  	v2 =	vld [tilespmem:s26+$0xACC0]  }
0x213: {  	v0 =	vadd.f32 v3, v0  }
0x214: {  	v3 =	vld [tilespmem:s26+$0xAD00]  }
0x215: {  	v0 =	vadd.f32 v1, v0  }
0x216: {  	v1 =	vld [tilespmem:s26+$0xAD40]  }
0x217: {  	v0 =	vadd.f32 v2, v0  }
0x218: {  	v2 =	vld [tilespmem:s26+$0xAD80]  }
0x219: {  	v0 =	vadd.f32 v3, v0  }
0x21a: {  	v3 =	vld [tilespmem:s26+$0xADC0]  }
0x21b: {  	v0 =	vadd.f32 v1, v0  }
0x21c: {  	v1 =	vld [tilespmem:s26+$0xAE00]  }
0x21d: {  	v0 =	vadd.f32 v2, v0  }
0x21e: {  	v2 =	vld [tilespmem:s26+$0xAE40]  }
0x21f: {  	v0 =	vadd.f32 v3, v0  }
0x220: {  	v3 =	vld [tilespmem:s26+$0xAE80]  }
0x221: {  	v0 =	vadd.f32 v1, v0  }
0x222: {  	v1 =	vld [tilespmem:s26+$0xAEC0]  }
0x223: {  	v0 =	vadd.f32 v2, v0;
	_ =	sdelay $0x1  }
0x224: {  	v0 =	vadd.f32 v3, v0;
	_ =	sdelay $0x1  }
0x225: {  	v0 =	vadd.f32 v1, v0;
	_ =	sdelay $0x1  }
0x226: {  	[tilespmem:s23+$0xFFFFFFD0] =	vst v0  }
0x227: {  	v0 =	vld [tilespmem:s26+$0xAA10]  }
0x228: {  	v1 =	vld [tilespmem:s26+$0xAA50];
	_ =	sdelay $0x1  }
0x229: {  	v2 =	vld [tilespmem:s26+$0xAA90];
	_ =	sdelay $0x1  }
0x22a: {  	v3 =	vld [tilespmem:s26+$0xAAD0]  }
0x22b: {  	v0 =	vadd.f32 v1, v0  }
0x22c: {  	v1 =	vld [tilespmem:s26+$0xAB10]  }
0x22d: {  	v0 =	vadd.f32 v2, v0  }
0x22e: {  	v2 =	vld [tilespmem:s26+$0xAB50]  }
0x22f: {  	v0 =	vadd.f32 v3, v0  }
0x230: {  	v3 =	vld [tilespmem:s26+$0xAB90]  }
0x231: {  	v0 =	vadd.f32 v1, v0  }
0x232: {  	v1 =	vld [tilespmem:s26+$0xABD0]  }
0x233: {  	v0 =	vadd.f32 v2, v0  }
0x234: {  	v2 =	vld [tilespmem:s26+$0xAC10]  }
0x235: {  	v0 =	vadd.f32 v3, v0  }
0x236: {  	v3 =	vld [tilespmem:s26+$0xAC50]  }
0x237: {  	v0 =	vadd.f32 v1, v0  }
0x238: {  	v1 =	vld [tilespmem:s26+$0xAC90]  }
0x239: {  	v0 =	vadd.f32 v2, v0  }
0x23a: {  	v2 =	vld [tilespmem:s26+$0xACD0]  }
0x23b: {  	v0 =	vadd.f32 v3, v0  }
0x23c: {  	v3 =	vld [tilespmem:s26+$0xAD10]  }
0x23d: {  	v0 =	vadd.f32 v1, v0  }
0x23e: {  	v1 =	vld [tilespmem:s26+$0xAD50]  }
0x23f: {  	v0 =	vadd.f32 v2, v0  }
0x240: {  	v2 =	vld [tilespmem:s26+$0xAD90]  }
0x241: {  	v0 =	vadd.f32 v3, v0  }
0x242: {  	v3 =	vld [tilespmem:s26+$0xADD0]  }
0x243: {  	v0 =	vadd.f32 v1, v0  }
0x244: {  	v1 =	vld [tilespmem:s26+$0xAE10]  }
0x245: {  	v0 =	vadd.f32 v2, v0  }
0x246: {  	v2 =	vld [tilespmem:s26+$0xAE50]  }
0x247: {  	v0 =	vadd.f32 v3, v0  }
0x248: {  	v3 =	vld [tilespmem:s26+$0xAE90]  }
0x249: {  	v0 =	vadd.f32 v1, v0  }
0x24a: {  	v1 =	vld [tilespmem:s26+$0xAED0]  }
0x24b: {  	v0 =	vadd.f32 v2, v0;
	_ =	sdelay $0x1  }
0x24c: {  	v0 =	vadd.f32 v3, v0;
	_ =	sdelay $0x1  }
0x24d: {  	v0 =	vadd.f32 v1, v0;
	_ =	sdelay $0x1  }
0x24e: {  	[tilespmem:s23+$0xFFFFFFE0] =	vst v0  }
0x24f: {  	v0 =	vld [tilespmem:s26+$0xAA20]  }
0x250: {  	v1 =	vld [tilespmem:s26+$0xAA60];
	_ =	sdelay $0x1  }
0x251: {  	v2 =	vld [tilespmem:s26+$0xAAA0];
	_ =	sdelay $0x1  }
0x252: {  	v3 =	vld [tilespmem:s26+$0xAAE0]  }
0x253: {  	v0 =	vadd.f32 v1, v0  }
0x254: {  	v1 =	vld [tilespmem:s26+$0xAB20]  }
0x255: {  	v0 =	vadd.f32 v2, v0  }
0x256: {  	v2 =	vld [tilespmem:s26+$0xAB60]  }
0x257: {  	v0 =	vadd.f32 v3, v0  }
0x258: {  	v3 =	vld [tilespmem:s26+$0xABA0]  }
0x259: {  	v0 =	vadd.f32 v1, v0  }
0x25a: {  	v1 =	vld [tilespmem:s26+$0xABE0]  }
0x25b: {  	v0 =	vadd.f32 v2, v0  }
0x25c: {  	v2 =	vld [tilespmem:s26+$0xAC20]  }
0x25d: {  	v0 =	vadd.f32 v3, v0  }
0x25e: {  	v3 =	vld [tilespmem:s26+$0xAC60]  }
0x25f: {  	v0 =	vadd.f32 v1, v0  }
0x260: {  	v1 =	vld [tilespmem:s26+$0xACA0]  }
0x261: {  	v0 =	vadd.f32 v2, v0  }
0x262: {  	v2 =	vld [tilespmem:s26+$0xACE0]  }
0x263: {  	v0 =	vadd.f32 v3, v0  }
0x264: {  	v3 =	vld [tilespmem:s26+$0xAD20]  }
0x265: {  	v0 =	vadd.f32 v1, v0  }
0x266: {  	v1 =	vld [tilespmem:s26+$0xAD60]  }
0x267: {  	v0 =	vadd.f32 v2, v0  }
0x268: {  	v2 =	vld [tilespmem:s26+$0xADA0]  }
0x269: {  	v0 =	vadd.f32 v3, v0  }
0x26a: {  	v3 =	vld [tilespmem:s26+$0xADE0]  }
0x26b: {  	v0 =	vadd.f32 v1, v0  }
0x26c: {  	v1 =	vld [tilespmem:s26+$0xAE20]  }
0x26d: {  	v0 =	vadd.f32 v2, v0  }
0x26e: {  	v2 =	vld [tilespmem:s26+$0xAE60]  }
0x26f: {  	v0 =	vadd.f32 v3, v0  }
0x270: {  	v3 =	vld [tilespmem:s26+$0xAEA0]  }
0x271: {  	v0 =	vadd.f32 v1, v0  }
0x272: {  	v1 =	vld [tilespmem:s26+$0xAEE0]  }
0x273: {  	v0 =	vadd.f32 v2, v0;
	_ =	sdelay $0x1  }
0x274: {  	v0 =	vadd.f32 v3, v0;
	_ =	sdelay $0x1  }
0x275: {  	v0 =	vadd.f32 v1, v0;
	_ =	sdelay $0x1  }
0x276: {  	[tilespmem:s23+$0xFFFFFFF0] =	vst v0  }
0x277: {  	v0 =	vld [tilespmem:s26+$0xAA30]  }
0x278: {  	v1 =	vld [tilespmem:s26+$0xAA70]  }
0x279: {  	v2 =	vld [tilespmem:s26+$0xAAB0]  }
0x27a: {  	v3 =	vld [tilespmem:s26+$0xAAF0]  }
0x27b: {  	v4 =	vld [tilespmem:s26+$0xAB30]  }
0x27c: {  	v5 =	vld [tilespmem:s26+$0xAB70]  }
0x27d: {  	v0 =	vadd.f32 v1, v0;
	v1 =	vld [tilespmem:s26+$0xABB0]  }
0x27e: {  	v6 =	vld [tilespmem:s26+$0xABF0]  }
0x27f: {  	v0 =	vadd.f32 v2, v0;
	v2 =	vld [tilespmem:s26+$0xAC30]  }
0x280: {  	v7 =	vld [tilespmem:s26+$0xAC70]  }
0x281: {  	v0 =	vadd.f32 v3, v0;
	v3 =	vld [tilespmem:s26+$0xACB0]  }
0x282: {  	v8 =	vld [tilespmem:s26+$0xACF0]  }
0x283: {  	v0 =	vadd.f32 v4, v0;
	v4 =	vld [tilespmem:s26+$0xAD30]  }
0x284: {  	v9 =	vld [tilespmem:s26+$0xAD70]  }
0x285: {  	v0 =	vadd.f32 v5, v0;
	v5 =	vld [tilespmem:s26+$0xADB0]  }
0x286: {  	v10 =	vld [tilespmem:s26+$0xADF0]  }
0x287: {  	v0 =	vadd.f32 v1, v0;
	v11 =	vld [tilespmem:s26+$0xAE30]  }
0x288: {  	v12 =	vld [tilespmem:s26+$0xAE70]  }
0x289: {  	v6 =	vadd.f32 v6, v0;
	v0 =	vld [tilespmem:s26+$0xAEB0]  }
0x28a: {  	v1 =	vld [tilespmem:s26+$0xAEF0]  }
0x28b: {  	v2 =	vadd.f32 v2, v6;
	_ =	sdelay $0x1  }
0x28c: {  	v2 =	vadd.f32 v7, v2;
	_ =	sdelay $0x1  }
0x28d: {  	v2 =	vadd.f32 v3, v2;
	_ =	sdelay $0x1  }
0x28e: {  	v2 =	vadd.f32 v8, v2;
	_ =	sdelay $0x1  }
0x28f: {  	v2 =	vadd.f32 v4, v2;
	_ =	sdelay $0x1  }
0x290: {  	v2 =	vadd.f32 v9, v2;
	_ =	sdelay $0x1  }
0x291: {  	v2 =	vadd.f32 v5, v2;
	_ =	sdelay $0x1  }
.Ltmp1:
0x292: {  	v2 =	vadd.f32 v10, v2;
	(pc) =	sbr.rel @p0 .LBB2_4-.Ltmp1, $3  }
0x293: {  	_ = 	snop  }
0x294: {  	v2 =	vadd.f32 v11, v2;
	_ =	sdelay $0x1  }
0x295: {  	v2 =	vadd.f32 v12, v2  }
0x296: {  	_ = 	snop  }
0x297: {  	v0 =	vadd.f32 v0, v2;
	_ =	sdelay $0x1  }
0x298: {  	v0 =	vadd.f32 v1, v0;
	_ =	sdelay $0x1  }
0x299: {  	s23 =	simm.s32 $0x0;
	[tilespmem:s25+$0x0] =	vst v0  }
0x29a: {  	[hbm4b:s6+s23] =	stream.linear.scatter [tilespmem:s18], [sflag:$0x4], $0x800, $0x38;
	[tilespmem:$0x15A00] =	vst v63  }
0x29b: {  	_ = 	snop  }
0x29c: {  	[tilespmem:s13], [sflag:$0x2] =	stream.indirect.gather [hbm4b:s3+s11], $0x40, s19, s11, $0xb8;
	[tilespmem:$0x15A00] =	vst v63  }
0x29d: {  	_ =	swait.ge [sflag:s14], $0xA000  }
0x29e: {  	[sflag:s14] =	ssyncset.done $0x0  }
0x29f: {  	[sflag:s14] =	ssyncadd.s32 $0xFFFF6000  }
0x2a0: {  	_ =	swait.ge [sflag:s20], $0x800  }
0x2a1: {  	[sflag:s20] =	ssyncset.done $0x0  }
0x2a2: {  	s23 =	simm.s32 $0xC80;
	[sflag:s20] =	ssyncadd.s32 $0xFFFFF800  }
0x2a3: {  	v0 =	vld [tilespmem:s23+$0xFFFFFDC0]  }
0x2a4: {  	v1 =	vld [tilespmem:s23+$0xFFFFFD80];
	_ =	sdelay $0x1  }
0x2a5: {  	v2 =	vld [tilespmem:s23+$0xFFFFFE00];
	_ =	sdelay $0x1  }
0x2a6: {  	v3 =	vld [tilespmem:s23+$0xFFFFFE40]  }
0x2a7: {  	v0 =	vadd.f32 v0, v1  }
0x2a8: {  	v1 =	vld [tilespmem:s23+$0xFFFFFE80]  }
0x2a9: {  	v0 =	vadd.f32 v2, v0  }
0x2aa: {  	v2 =	vld [tilespmem:s23+$0xFFFFFEC0]  }
0x2ab: {  	v0 =	vadd.f32 v3, v0  }
0x2ac: {  	v3 =	vld [tilespmem:s23+$0xFFFFFF00]  }
0x2ad: {  	v0 =	vadd.f32 v1, v0  }
0x2ae: {  	v1 =	vld [tilespmem:s23+$0xFFFFFF40]  }
0x2af: {  	v0 =	vadd.f32 v2, v0  }
0x2b0: {  	v2 =	vld [tilespmem:s23+$0xFFFFFF80]  }
0x2b1: {  	v0 =	vadd.f32 v3, v0  }
0x2b2: {  	v3 =	vld [tilespmem:s23+$0xFFFFFFC0]  }
0x2b3: {  	v0 =	vadd.f32 v1, v0  }
0x2b4: {  	v1 =	vld [tilespmem:s23+$0x0]  }
0x2b5: {  	v0 =	vadd.f32 v2, v0  }
0x2b6: {  	v2 =	vld [tilespmem:s23+$0x40]  }
0x2b7: {  	v0 =	vadd.f32 v3, v0  }
0x2b8: {  	v3 =	vld [tilespmem:s23+$0x80]  }
0x2b9: {  	v0 =	vadd.f32 v1, v0  }
0x2ba: {  	v1 =	vld [tilespmem:s23+$0xC0]  }
0x2bb: {  	v0 =	vadd.f32 v2, v0  }
0x2bc: {  	v2 =	vld [tilespmem:s23+$0x100]  }
0x2bd: {  	v0 =	vadd.f32 v3, v0  }
0x2be: {  	v3 =	vld [tilespmem:s23+$0x140]  }
0x2bf: {  	v0 =	vadd.f32 v1, v0  }
0x2c0: {  	v1 =	vld [tilespmem:s23+$0x180]  }
0x2c1: {  	v0 =	vadd.f32 v2, v0  }
0x2c2: {  	v2 =	vld [tilespmem:s23+$0x1C0]  }
0x2c3: {  	v0 =	vadd.f32 v3, v0  }
0x2c4: {  	v3 =	vld [tilespmem:s23+$0x200]  }
0x2c5: {  	v0 =	vadd.f32 v1, v0  }
0x2c6: {  	v1 =	vld [tilespmem:s23+$0x240]  }
0x2c7: {  	v0 =	vadd.f32 v2, v0;
	_ =	sdelay $0x1  }
0x2c8: {  	v0 =	vadd.f32 v3, v0;
	_ =	sdelay $0x1  }
0x2c9: {  	v0 =	vadd.f32 v1, v0  }
0x2ca: {  	s24 =	simm.s32 $0x0  }
0x2cb: {  	[tilespmem:s24+$0x14A00] =	vst v0  }
0x2cc: {  	v0 =	vld [tilespmem:s23+$0xFFFFFD90]  }
0x2cd: {  	v1 =	vld [tilespmem:s23+$0xFFFFFDD0];
	_ =	sdelay $0x1  }
0x2ce: {  	v2 =	vld [tilespmem:s23+$0xFFFFFE10];
	_ =	sdelay $0x1  }
0x2cf: {  	v3 =	vld [tilespmem:s23+$0xFFFFFE50]  }
0x2d0: {  	v0 =	vadd.f32 v1, v0  }
0x2d1: {  	v1 =	vld [tilespmem:s23+$0xFFFFFE90]  }
0x2d2: {  	v0 =	vadd.f32 v2, v0  }
0x2d3: {  	v2 =	vld [tilespmem:s23+$0xFFFFFED0]  }
0x2d4: {  	v0 =	vadd.f32 v3, v0  }
0x2d5: {  	v3 =	vld [tilespmem:s23+$0xFFFFFF10]  }
0x2d6: {  	v0 =	vadd.f32 v1, v0  }
0x2d7: {  	v1 =	vld [tilespmem:s23+$0xFFFFFF50]  }
0x2d8: {  	v0 =	vadd.f32 v2, v0  }
0x2d9: {  	v2 =	vld [tilespmem:s23+$0xFFFFFF90]  }
0x2da: {  	v0 =	vadd.f32 v3, v0  }
0x2db: {  	v3 =	vld [tilespmem:s23+$0xFFFFFFD0]  }
0x2dc: {  	v0 =	vadd.f32 v1, v0  }
0x2dd: {  	v1 =	vld [tilespmem:s23+$0x10]  }
0x2de: {  	v0 =	vadd.f32 v2, v0  }
0x2df: {  	v2 =	vld [tilespmem:s23+$0x50]  }
0x2e0: {  	v0 =	vadd.f32 v3, v0  }
0x2e1: {  	v3 =	vld [tilespmem:s23+$0x90]  }
0x2e2: {  	v0 =	vadd.f32 v1, v0  }
0x2e3: {  	v1 =	vld [tilespmem:s23+$0xD0]  }
0x2e4: {  	v0 =	vadd.f32 v2, v0  }
0x2e5: {  	v2 =	vld [tilespmem:s23+$0x110]  }
0x2e6: {  	v0 =	vadd.f32 v3, v0  }
0x2e7: {  	v3 =	vld [tilespmem:s23+$0x150]  }
0x2e8: {  	v0 =	vadd.f32 v1, v0  }
0x2e9: {  	v1 =	vld [tilespmem:s23+$0x190]  }
0x2ea: {  	v0 =	vadd.f32 v2, v0  }
0x2eb: {  	v2 =	vld [tilespmem:s23+$0x1D0]  }
0x2ec: {  	v0 =	vadd.f32 v3, v0  }
0x2ed: {  	v3 =	vld [tilespmem:s23+$0x210]  }
0x2ee: {  	v0 =	vadd.f32 v1, v0  }
0x2ef: {  	v1 =	vld [tilespmem:s23+$0x250]  }
0x2f0: {  	v0 =	vadd.f32 v2, v0;
	_ =	sdelay $0x1  }
0x2f1: {  	v0 =	vadd.f32 v3, v0;
	_ =	sdelay $0x1  }
0x2f2: {  	v0 =	vadd.f32 v1, v0;
	_ =	sdelay $0x1  }
0x2f3: {  	[tilespmem:s24+$0x14A10] =	vst v0  }
0x2f4: {  	v0 =	vld [tilespmem:s23+$0xFFFFFDA0]  }
0x2f5: {  	v1 =	vld [tilespmem:s23+$0xFFFFFDE0];
	_ =	sdelay $0x1  }
0x2f6: {  	v2 =	vld [tilespmem:s23+$0xFFFFFE20];
	_ =	sdelay $0x1  }
0x2f7: {  	v3 =	vld [tilespmem:s23+$0xFFFFFE60]  }
0x2f8: {  	v0 =	vadd.f32 v1, v0  }
0x2f9: {  	v1 =	vld [tilespmem:s23+$0xFFFFFEA0]  }
0x2fa: {  	v0 =	vadd.f32 v2, v0  }
0x2fb: {  	v2 =	vld [tilespmem:s23+$0xFFFFFEE0]  }
0x2fc: {  	v0 =	vadd.f32 v3, v0  }
0x2fd: {  	v3 =	vld [tilespmem:s23+$0xFFFFFF20]  }
0x2fe: {  	v0 =	vadd.f32 v1, v0  }
0x2ff: {  	v1 =	vld [tilespmem:s23+$0xFFFFFF60]  }
0x300: {  	v0 =	vadd.f32 v2, v0  }
0x301: {  	v2 =	vld [tilespmem:s23+$0xFFFFFFA0]  }
0x302: {  	v0 =	vadd.f32 v3, v0  }
0x303: {  	v3 =	vld [tilespmem:s23+$0xFFFFFFE0]  }
0x304: {  	v0 =	vadd.f32 v1, v0  }
0x305: {  	v1 =	vld [tilespmem:s23+$0x20]  }
0x306: {  	v0 =	vadd.f32 v2, v0  }
0x307: {  	v2 =	vld [tilespmem:s23+$0x60]  }
0x308: {  	v0 =	vadd.f32 v3, v0  }
0x309: {  	v3 =	vld [tilespmem:s23+$0xA0]  }
0x30a: {  	v0 =	vadd.f32 v1, v0  }
0x30b: {  	v1 =	vld [tilespmem:s23+$0xE0]  }
0x30c: {  	v0 =	vadd.f32 v2, v0  }
0x30d: {  	v2 =	vld [tilespmem:s23+$0x120]  }
0x30e: {  	v0 =	vadd.f32 v3, v0  }
0x30f: {  	v3 =	vld [tilespmem:s23+$0x160]  }
0x310: {  	v0 =	vadd.f32 v1, v0  }
0x311: {  	v1 =	vld [tilespmem:s23+$0x1A0]  }
0x312: {  	v0 =	vadd.f32 v2, v0  }
0x313: {  	v2 =	vld [tilespmem:s23+$0x1E0]  }
0x314: {  	v0 =	vadd.f32 v3, v0  }
0x315: {  	v3 =	vld [tilespmem:s23+$0x220]  }
0x316: {  	v0 =	vadd.f32 v1, v0  }
0x317: {  	v1 =	vld [tilespmem:s23+$0x260]  }
0x318: {  	v0 =	vadd.f32 v2, v0;
	_ =	sdelay $0x1  }
0x319: {  	v0 =	vadd.f32 v3, v0;
	_ =	sdelay $0x1  }
0x31a: {  	v0 =	vadd.f32 v1, v0;
	_ =	sdelay $0x1  }
0x31b: {  	[tilespmem:s24+$0x14A20] =	vst v0  }
0x31c: {  	v0 =	vld [tilespmem:s23+$0xFFFFFDB0]  }
0x31d: {  	v1 =	vld [tilespmem:s23+$0xFFFFFDF0];
	_ =	sdelay $0x1  }
0x31e: {  	v2 =	vld [tilespmem:s23+$0xFFFFFE30];
	_ =	sdelay $0x1  }
0x31f: {  	v3 =	vld [tilespmem:s23+$0xFFFFFE70]  }
0x320: {  	v0 =	vadd.f32 v1, v0  }
0x321: {  	v1 =	vld [tilespmem:s23+$0xFFFFFEB0]  }
0x322: {  	v0 =	vadd.f32 v2, v0  }
0x323: {  	v2 =	vld [tilespmem:s23+$0xFFFFFEF0]  }
0x324: {  	v0 =	vadd.f32 v3, v0  }
0x325: {  	v3 =	vld [tilespmem:s23+$0xFFFFFF30]  }
0x326: {  	v0 =	vadd.f32 v1, v0  }
0x327: {  	v1 =	vld [tilespmem:s23+$0xFFFFFF70]  }
0x328: {  	v0 =	vadd.f32 v2, v0  }
0x329: {  	v2 =	vld [tilespmem:s23+$0xFFFFFFB0]  }
0x32a: {  	v0 =	vadd.f32 v3, v0  }
0x32b: {  	v3 =	vld [tilespmem:s23+$0xFFFFFFF0]  }
0x32c: {  	v0 =	vadd.f32 v1, v0  }
0x32d: {  	v1 =	vld [tilespmem:s23+$0x30]  }
0x32e: {  	v0 =	vadd.f32 v2, v0  }
0x32f: {  	v2 =	vld [tilespmem:s23+$0x70]  }
0x330: {  	v0 =	vadd.f32 v3, v0  }
0x331: {  	v3 =	vld [tilespmem:s23+$0xB0]  }
0x332: {  	v0 =	vadd.f32 v1, v0  }
0x333: {  	v1 =	vld [tilespmem:s23+$0xF0]  }
0x334: {  	v0 =	vadd.f32 v2, v0  }
0x335: {  	v2 =	vld [tilespmem:s23+$0x130]  }
0x336: {  	v0 =	vadd.f32 v3, v0  }
0x337: {  	v3 =	vld [tilespmem:s23+$0x170]  }
0x338: {  	v0 =	vadd.f32 v1, v0  }
0x339: {  	v1 =	vld [tilespmem:s23+$0x1B0]  }
0x33a: {  	v0 =	vadd.f32 v2, v0;
	_ =	sdelay $0x1  }
0x33b: {  	v2 =	vld [tilespmem:s23+$0x1F0];
	v0 =	vadd.f32 v3, v0;
	_ =	sdelay $0x1  }
0x33c: {  	v3 =	vadd.f32 v1, v0;
	v1 =	vld [tilespmem:s23+$0x230];
	_ =	sdelay $0x1  }
0x33d: {  	v0 =	vld [tilespmem:s23+$0x270]  }
0x33e: {  	s25 =	simm.s32 $0x100;
	v2 =	vadd.f32 v2, v3  }
.LBB2_6:
0x33f: {  	p0 =	sne.s32 s25, $0x1F00  }
0x340: {  	s23 =	sadd.s32 $0x500, s23;
	s26 =	smov.u32 s25;
	s25 =	sadd.s32 $0x100, s25;
	v1 =	vadd.f32 v1, v2  }
0x341: {  	_ = 	snop  }
0x342: {  	v0 =	vadd.f32 v0, v1;
	_ =	sdelay $0x1  }
0x343: {  	[tilespmem:s24+$0x14A30] =	vst v0  }
0x344: {  	v0 =	vld [tilespmem:s23+$0xFFFFFDC0]  }
0x345: {  	v1 =	vld [tilespmem:s23+$0xFFFFFD80];
	_ =	sdelay $0x1  }
0x346: {  	v2 =	vld [tilespmem:s23+$0xFFFFFE00];
	_ =	sdelay $0x1  }
0x347: {  	v3 =	vld [tilespmem:s23+$0xFFFFFE40]  }
0x348: {  	v0 =	vadd.f32 v0, v1  }
0x349: {  	v1 =	vld [tilespmem:s23+$0xFFFFFE80]  }
0x34a: {  	v0 =	vadd.f32 v2, v0  }
0x34b: {  	v2 =	vld [tilespmem:s23+$0xFFFFFEC0]  }
0x34c: {  	v0 =	vadd.f32 v3, v0  }
0x34d: {  	v3 =	vld [tilespmem:s23+$0xFFFFFF00]  }
0x34e: {  	v0 =	vadd.f32 v1, v0  }
0x34f: {  	v1 =	vld [tilespmem:s23+$0xFFFFFF40]  }
0x350: {  	v0 =	vadd.f32 v2, v0  }
0x351: {  	v2 =	vld [tilespmem:s23+$0xFFFFFF80]  }
0x352: {  	v0 =	vadd.f32 v3, v0  }
0x353: {  	v3 =	vld [tilespmem:s23+$0xFFFFFFC0]  }
0x354: {  	v0 =	vadd.f32 v1, v0  }
0x355: {  	v1 =	vld [tilespmem:s23+$0x0]  }
0x356: {  	v0 =	vadd.f32 v2, v0  }
0x357: {  	v2 =	vld [tilespmem:s23+$0x40]  }
0x358: {  	v0 =	vadd.f32 v3, v0  }
0x359: {  	v3 =	vld [tilespmem:s23+$0x80]  }
0x35a: {  	v0 =	vadd.f32 v1, v0  }
0x35b: {  	v1 =	vld [tilespmem:s23+$0xC0]  }
0x35c: {  	v0 =	vadd.f32 v2, v0  }
0x35d: {  	v2 =	vld [tilespmem:s23+$0x100]  }
0x35e: {  	v0 =	vadd.f32 v3, v0  }
0x35f: {  	v3 =	vld [tilespmem:s23+$0x140]  }
0x360: {  	v0 =	vadd.f32 v1, v0  }
0x361: {  	v1 =	vld [tilespmem:s23+$0x180]  }
0x362: {  	v0 =	vadd.f32 v2, v0  }
0x363: {  	v2 =	vld [tilespmem:s23+$0x1C0]  }
0x364: {  	v0 =	vadd.f32 v3, v0  }
0x365: {  	v3 =	vld [tilespmem:s23+$0x200]  }
0x366: {  	v0 =	vadd.f32 v1, v0  }
0x367: {  	v1 =	vld [tilespmem:s23+$0x240]  }
0x368: {  	v0 =	vadd.f32 v2, v0;
	_ =	sdelay $0x1  }
0x369: {  	v0 =	vadd.f32 v3, v0;
	_ =	sdelay $0x1  }
0x36a: {  	v0 =	vadd.f32 v1, v0  }
0x36b: {  	s24 =	sshra.s32 s26, $0x2  }
0x36c: {  	[tilespmem:s24+$0x14A00] =	vst v0  }
0x36d: {  	v0 =	vld [tilespmem:s23+$0xFFFFFD90]  }
0x36e: {  	v1 =	vld [tilespmem:s23+$0xFFFFFDD0];
	_ =	sdelay $0x1  }
0x36f: {  	v2 =	vld [tilespmem:s23+$0xFFFFFE10];
	_ =	sdelay $0x1  }
0x370: {  	v3 =	vld [tilespmem:s23+$0xFFFFFE50]  }
0x371: {  	v0 =	vadd.f32 v1, v0  }
0x372: {  	v1 =	vld [tilespmem:s23+$0xFFFFFE90]  }
0x373: {  	v0 =	vadd.f32 v2, v0  }
0x374: {  	v2 =	vld [tilespmem:s23+$0xFFFFFED0]  }
0x375: {  	v0 =	vadd.f32 v3, v0  }
0x376: {  	v3 =	vld [tilespmem:s23+$0xFFFFFF10]  }
0x377: {  	v0 =	vadd.f32 v1, v0  }
0x378: {  	v1 =	vld [tilespmem:s23+$0xFFFFFF50]  }
0x379: {  	v0 =	vadd.f32 v2, v0  }
0x37a: {  	v2 =	vld [tilespmem:s23+$0xFFFFFF90]  }
0x37b: {  	v0 =	vadd.f32 v3, v0  }
0x37c: {  	v3 =	vld [tilespmem:s23+$0xFFFFFFD0]  }
0x37d: {  	v0 =	vadd.f32 v1, v0  }
0x37e: {  	v1 =	vld [tilespmem:s23+$0x10]  }
0x37f: {  	v0 =	vadd.f32 v2, v0  }
0x380: {  	v2 =	vld [tilespmem:s23+$0x50]  }
0x381: {  	v0 =	vadd.f32 v3, v0  }
0x382: {  	v3 =	vld [tilespmem:s23+$0x90]  }
0x383: {  	v0 =	vadd.f32 v1, v0  }
0x384: {  	v1 =	vld [tilespmem:s23+$0xD0]  }
0x385: {  	v0 =	vadd.f32 v2, v0  }
0x386: {  	v2 =	vld [tilespmem:s23+$0x110]  }
0x387: {  	v0 =	vadd.f32 v3, v0  }
0x388: {  	v3 =	vld [tilespmem:s23+$0x150]  }
0x389: {  	v0 =	vadd.f32 v1, v0  }
0x38a: {  	v1 =	vld [tilespmem:s23+$0x190]  }
0x38b: {  	v0 =	vadd.f32 v2, v0  }
0x38c: {  	v2 =	vld [tilespmem:s23+$0x1D0]  }
0x38d: {  	v0 =	vadd.f32 v3, v0  }
0x38e: {  	v3 =	vld [tilespmem:s23+$0x210]  }
0x38f: {  	v0 =	vadd.f32 v1, v0  }
0x390: {  	v1 =	vld [tilespmem:s23+$0x250]  }
0x391: {  	v0 =	vadd.f32 v2, v0;
	_ =	sdelay $0x1  }
0x392: {  	v0 =	vadd.f32 v3, v0;
	_ =	sdelay $0x1  }
0x393: {  	v0 =	vadd.f32 v1, v0;
	_ =	sdelay $0x1  }
0x394: {  	[tilespmem:s24+$0x14A10] =	vst v0  }
0x395: {  	v0 =	vld [tilespmem:s23+$0xFFFFFDA0]  }
0x396: {  	v1 =	vld [tilespmem:s23+$0xFFFFFDE0];
	_ =	sdelay $0x1  }
0x397: {  	v2 =	vld [tilespmem:s23+$0xFFFFFE20];
	_ =	sdelay $0x1  }
0x398: {  	v3 =	vld [tilespmem:s23+$0xFFFFFE60]  }
0x399: {  	v0 =	vadd.f32 v1, v0  }
0x39a: {  	v1 =	vld [tilespmem:s23+$0xFFFFFEA0]  }
0x39b: {  	v0 =	vadd.f32 v2, v0  }
0x39c: {  	v2 =	vld [tilespmem:s23+$0xFFFFFEE0]  }
0x39d: {  	v0 =	vadd.f32 v3, v0  }
0x39e: {  	v3 =	vld [tilespmem:s23+$0xFFFFFF20]  }
0x39f: {  	v0 =	vadd.f32 v1, v0  }
0x3a0: {  	v1 =	vld [tilespmem:s23+$0xFFFFFF60]  }
0x3a1: {  	v0 =	vadd.f32 v2, v0  }
0x3a2: {  	v2 =	vld [tilespmem:s23+$0xFFFFFFA0]  }
0x3a3: {  	v0 =	vadd.f32 v3, v0  }
0x3a4: {  	v3 =	vld [tilespmem:s23+$0xFFFFFFE0]  }
0x3a5: {  	v0 =	vadd.f32 v1, v0  }
0x3a6: {  	v1 =	vld [tilespmem:s23+$0x20]  }
0x3a7: {  	v0 =	vadd.f32 v2, v0  }
0x3a8: {  	v2 =	vld [tilespmem:s23+$0x60]  }
0x3a9: {  	v0 =	vadd.f32 v3, v0  }
0x3aa: {  	v3 =	vld [tilespmem:s23+$0xA0]  }
0x3ab: {  	v0 =	vadd.f32 v1, v0  }
0x3ac: {  	v1 =	vld [tilespmem:s23+$0xE0]  }
0x3ad: {  	v0 =	vadd.f32 v2, v0  }
0x3ae: {  	v2 =	vld [tilespmem:s23+$0x120]  }
0x3af: {  	v0 =	vadd.f32 v3, v0  }
0x3b0: {  	v3 =	vld [tilespmem:s23+$0x160]  }
0x3b1: {  	v0 =	vadd.f32 v1, v0  }
0x3b2: {  	v1 =	vld [tilespmem:s23+$0x1A0]  }
0x3b3: {  	v0 =	vadd.f32 v2, v0  }
0x3b4: {  	v2 =	vld [tilespmem:s23+$0x1E0]  }
0x3b5: {  	v0 =	vadd.f32 v3, v0  }
0x3b6: {  	v3 =	vld [tilespmem:s23+$0x220]  }
0x3b7: {  	v0 =	vadd.f32 v1, v0  }
0x3b8: {  	v1 =	vld [tilespmem:s23+$0x260]  }
0x3b9: {  	v0 =	vadd.f32 v2, v0;
	_ =	sdelay $0x1  }
0x3ba: {  	v0 =	vadd.f32 v3, v0;
	_ =	sdelay $0x1  }
0x3bb: {  	v0 =	vadd.f32 v1, v0;
	_ =	sdelay $0x1  }
0x3bc: {  	[tilespmem:s24+$0x14A20] =	vst v0  }
0x3bd: {  	v0 =	vld [tilespmem:s23+$0xFFFFFDB0]  }
0x3be: {  	v1 =	vld [tilespmem:s23+$0xFFFFFDF0]  }
0x3bf: {  	v2 =	vld [tilespmem:s23+$0xFFFFFE30]  }
0x3c0: {  	v3 =	vld [tilespmem:s23+$0xFFFFFE70]  }
0x3c1: {  	v4 =	vld [tilespmem:s23+$0xFFFFFEB0]  }
0x3c2: {  	v5 =	vld [tilespmem:s23+$0xFFFFFEF0]  }
0x3c3: {  	v0 =	vadd.f32 v1, v0;
	v1 =	vld [tilespmem:s23+$0xFFFFFF30]  }
0x3c4: {  	v6 =	vld [tilespmem:s23+$0xFFFFFF70]  }
0x3c5: {  	v0 =	vadd.f32 v2, v0;
	v2 =	vld [tilespmem:s23+$0xFFFFFFB0]  }
0x3c6: {  	v7 =	vld [tilespmem:s23+$0xFFFFFFF0]  }
0x3c7: {  	v0 =	vadd.f32 v3, v0;
	v3 =	vld [tilespmem:s23+$0x30]  }
0x3c8: {  	v8 =	vld [tilespmem:s23+$0x70]  }
0x3c9: {  	v0 =	vadd.f32 v4, v0;
	v4 =	vld [tilespmem:s23+$0xB0]  }
0x3ca: {  	v9 =	vld [tilespmem:s23+$0xF0]  }
0x3cb: {  	v0 =	vadd.f32 v5, v0;
	v5 =	vld [tilespmem:s23+$0x130]  }
0x3cc: {  	v10 =	vld [tilespmem:s23+$0x170]  }
0x3cd: {  	v0 =	vadd.f32 v1, v0;
	v11 =	vld [tilespmem:s23+$0x1B0]  }
0x3ce: {  	v12 =	vld [tilespmem:s23+$0x1F0]  }
0x3cf: {  	v6 =	vadd.f32 v6, v0;
	v1 =	vld [tilespmem:s23+$0x230]  }
0x3d0: {  	v0 =	vld [tilespmem:s23+$0x270]  }
0x3d1: {  	v2 =	vadd.f32 v2, v6;
	_ =	sdelay $0x1  }
0x3d2: {  	v2 =	vadd.f32 v7, v2;
	_ =	sdelay $0x1  }
0x3d3: {  	v2 =	vadd.f32 v3, v2;
	_ =	sdelay $0x1  }
0x3d4: {  	v2 =	vadd.f32 v8, v2;
	_ =	sdelay $0x1  }
0x3d5: {  	v2 =	vadd.f32 v4, v2;
	_ =	sdelay $0x1  }
0x3d6: {  	v2 =	vadd.f32 v9, v2;
	_ =	sdelay $0x1  }
0x3d7: {  	v2 =	vadd.f32 v5, v2;
	_ =	sdelay $0x1  }
.Ltmp2:
0x3d8: {  	v2 =	vadd.f32 v10, v2;
	(pc) =	sbr.rel @p0 .LBB2_6-.Ltmp2, $3  }
0x3d9: {  	_ = 	snop  }
0x3da: {  	v2 =	vadd.f32 v11, v2;
	_ =	sdelay $0x1  }
0x3db: {  	v2 =	vadd.f32 v12, v2  }
0x3dc: {  	_ = 	snop  }
0x3dd: {  	v1 =	vadd.f32 v1, v2;
	_ =	sdelay $0x1  }
0x3de: {  	v0 =	vadd.f32 v0, v1;
	_ =	sdelay $0x1  }
0x3df: {  	s23 =	simm.s32 $0x0;
	[tilespmem:s24+$0x14A30] =	vst v0  }
0x3e0: {  	[hbm4b:s7+s23] =	stream.linear.scatter [tilespmem:s15], [sflag:$0x3], $0x800, $0x38;
	[tilespmem:$0x15A00] =	vst v63  }
0x3e1: {  	_ =	swait.ge [sflag:s17], $0xA000  }
0x3e2: {  	[sflag:s17] =	ssyncset.done $0x0  }
0x3e3: {  	[sflag:s17] =	ssyncadd.s32 $0xFFFF6000  }
0x3e4: {  	_ =	swait.ge [sflag:s21], $0x800  }
0x3e5: {  	[sflag:s21] =	ssyncset.done $0x0  }
0x3e6: {  	s25 =	simm.s32 $0x0;
	[sflag:s21] =	ssyncadd.s32 $0xFFFFF800  }
0x3e7: {  	v0 =	vld [tilespmem:s25+$0xAA00]  }
0x3e8: {  	v1 =	vld [tilespmem:s25+$0xAA40];
	_ =	sdelay $0x1  }
0x3e9: {  	v2 =	vld [tilespmem:s25+$0xAA80];
	_ =	sdelay $0x1  }
0x3ea: {  	v3 =	vld [tilespmem:s25+$0xAAC0]  }
0x3eb: {  	v0 =	vadd.f32 v1, v0  }
0x3ec: {  	v1 =	vld [tilespmem:s25+$0xAB00]  }
0x3ed: {  	v0 =	vadd.f32 v2, v0  }
0x3ee: {  	v2 =	vld [tilespmem:s25+$0xAB40]  }
0x3ef: {  	v0 =	vadd.f32 v3, v0  }
0x3f0: {  	v3 =	vld [tilespmem:s25+$0xAB80]  }
0x3f1: {  	v0 =	vadd.f32 v1, v0  }
0x3f2: {  	v1 =	vld [tilespmem:s25+$0xABC0]  }
0x3f3: {  	v0 =	vadd.f32 v2, v0  }
0x3f4: {  	v2 =	vld [tilespmem:s25+$0xAC00]  }
0x3f5: {  	v0 =	vadd.f32 v3, v0  }
0x3f6: {  	v3 =	vld [tilespmem:s25+$0xAC40]  }
0x3f7: {  	v0 =	vadd.f32 v1, v0  }
0x3f8: {  	v1 =	vld [tilespmem:s25+$0xAC80]  }
0x3f9: {  	v0 =	vadd.f32 v2, v0  }
0x3fa: {  	v2 =	vld [tilespmem:s25+$0xACC0]  }
0x3fb: {  	v0 =	vadd.f32 v3, v0  }
0x3fc: {  	v3 =	vld [tilespmem:s25+$0xAD00]  }
0x3fd: {  	v0 =	vadd.f32 v1, v0  }
0x3fe: {  	v1 =	vld [tilespmem:s25+$0xAD40]  }
0x3ff: {  	v0 =	vadd.f32 v2, v0  }
0x400: {  	v2 =	vld [tilespmem:s25+$0xAD80]  }
0x401: {  	v0 =	vadd.f32 v3, v0  }
0x402: {  	v3 =	vld [tilespmem:s25+$0xADC0]  }
0x403: {  	v0 =	vadd.f32 v1, v0  }
0x404: {  	v1 =	vld [tilespmem:s25+$0xAE00]  }
0x405: {  	v0 =	vadd.f32 v2, v0  }
0x406: {  	v2 =	vld [tilespmem:s25+$0xAE40]  }
0x407: {  	v0 =	vadd.f32 v3, v0  }
0x408: {  	v3 =	vld [tilespmem:s25+$0xAE80]  }
0x409: {  	v0 =	vadd.f32 v1, v0  }
0x40a: {  	v1 =	vld [tilespmem:s25+$0xAEC0]  }
0x40b: {  	v0 =	vadd.f32 v2, v0;
	_ =	sdelay $0x1  }
0x40c: {  	v0 =	vadd.f32 v3, v0;
	_ =	sdelay $0x1  }
0x40d: {  	v0 =	vadd.f32 v1, v0  }
0x40e: {  	s23 =	simm.s32 $0x15230  }
0x40f: {  	[tilespmem:s23+$0xFFFFFFD0] =	vst v0  }
0x410: {  	v0 =	vld [tilespmem:s25+$0xAA10]  }
0x411: {  	v1 =	vld [tilespmem:s25+$0xAA50];
	_ =	sdelay $0x1  }
0x412: {  	v2 =	vld [tilespmem:s25+$0xAA90];
	_ =	sdelay $0x1  }
0x413: {  	v3 =	vld [tilespmem:s25+$0xAAD0]  }
0x414: {  	v0 =	vadd.f32 v1, v0  }
0x415: {  	v1 =	vld [tilespmem:s25+$0xAB10]  }
0x416: {  	v0 =	vadd.f32 v2, v0  }
0x417: {  	v2 =	vld [tilespmem:s25+$0xAB50]  }
0x418: {  	v0 =	vadd.f32 v3, v0  }
0x419: {  	v3 =	vld [tilespmem:s25+$0xAB90]  }
0x41a: {  	v0 =	vadd.f32 v1, v0  }
0x41b: {  	v1 =	vld [tilespmem:s25+$0xABD0]  }
0x41c: {  	v0 =	vadd.f32 v2, v0  }
0x41d: {  	v2 =	vld [tilespmem:s25+$0xAC10]  }
0x41e: {  	v0 =	vadd.f32 v3, v0  }
0x41f: {  	v3 =	vld [tilespmem:s25+$0xAC50]  }
0x420: {  	v0 =	vadd.f32 v1, v0  }
0x421: {  	v1 =	vld [tilespmem:s25+$0xAC90]  }
0x422: {  	v0 =	vadd.f32 v2, v0  }
0x423: {  	v2 =	vld [tilespmem:s25+$0xACD0]  }
0x424: {  	v0 =	vadd.f32 v3, v0  }
0x425: {  	v3 =	vld [tilespmem:s25+$0xAD10]  }
0x426: {  	v0 =	vadd.f32 v1, v0  }
0x427: {  	v1 =	vld [tilespmem:s25+$0xAD50]  }
0x428: {  	v0 =	vadd.f32 v2, v0  }
0x429: {  	v2 =	vld [tilespmem:s25+$0xAD90]  }
0x42a: {  	v0 =	vadd.f32 v3, v0  }
0x42b: {  	v3 =	vld [tilespmem:s25+$0xADD0]  }
0x42c: {  	v0 =	vadd.f32 v1, v0  }
0x42d: {  	v1 =	vld [tilespmem:s25+$0xAE10]  }
0x42e: {  	v0 =	vadd.f32 v2, v0  }
0x42f: {  	v2 =	vld [tilespmem:s25+$0xAE50]  }
0x430: {  	v0 =	vadd.f32 v3, v0  }
0x431: {  	v3 =	vld [tilespmem:s25+$0xAE90]  }
0x432: {  	v0 =	vadd.f32 v1, v0  }
0x433: {  	v1 =	vld [tilespmem:s25+$0xAED0]  }
0x434: {  	v0 =	vadd.f32 v2, v0;
	_ =	sdelay $0x1  }
0x435: {  	v0 =	vadd.f32 v3, v0;
	_ =	sdelay $0x1  }
0x436: {  	v0 =	vadd.f32 v1, v0;
	_ =	sdelay $0x1  }
0x437: {  	[tilespmem:s23+$0xFFFFFFE0] =	vst v0  }
0x438: {  	v0 =	vld [tilespmem:s25+$0xAA20]  }
0x439: {  	v1 =	vld [tilespmem:s25+$0xAA60];
	_ =	sdelay $0x1  }
0x43a: {  	v2 =	vld [tilespmem:s25+$0xAAA0];
	_ =	sdelay $0x1  }
0x43b: {  	v3 =	vld [tilespmem:s25+$0xAAE0]  }
0x43c: {  	v0 =	vadd.f32 v1, v0  }
0x43d: {  	v1 =	vld [tilespmem:s25+$0xAB20]  }
0x43e: {  	v0 =	vadd.f32 v2, v0  }
0x43f: {  	v2 =	vld [tilespmem:s25+$0xAB60]  }
0x440: {  	v0 =	vadd.f32 v3, v0  }
0x441: {  	v3 =	vld [tilespmem:s25+$0xABA0]  }
0x442: {  	v0 =	vadd.f32 v1, v0  }
0x443: {  	v1 =	vld [tilespmem:s25+$0xABE0]  }
0x444: {  	v0 =	vadd.f32 v2, v0  }
0x445: {  	v2 =	vld [tilespmem:s25+$0xAC20]  }
0x446: {  	v0 =	vadd.f32 v3, v0  }
0x447: {  	v3 =	vld [tilespmem:s25+$0xAC60]  }
0x448: {  	v0 =	vadd.f32 v1, v0  }
0x449: {  	v1 =	vld [tilespmem:s25+$0xACA0]  }
0x44a: {  	v0 =	vadd.f32 v2, v0  }
0x44b: {  	v2 =	vld [tilespmem:s25+$0xACE0]  }
0x44c: {  	v0 =	vadd.f32 v3, v0  }
0x44d: {  	v3 =	vld [tilespmem:s25+$0xAD20]  }
0x44e: {  	v0 =	vadd.f32 v1, v0  }
0x44f: {  	v1 =	vld [tilespmem:s25+$0xAD60]  }
0x450: {  	v0 =	vadd.f32 v2, v0  }
0x451: {  	v2 =	vld [tilespmem:s25+$0xADA0]  }
0x452: {  	v0 =	vadd.f32 v3, v0  }
0x453: {  	v3 =	vld [tilespmem:s25+$0xADE0]  }
0x454: {  	v0 =	vadd.f32 v1, v0  }
0x455: {  	v1 =	vld [tilespmem:s25+$0xAE20]  }
0x456: {  	v0 =	vadd.f32 v2, v0  }
0x457: {  	v2 =	vld [tilespmem:s25+$0xAE60]  }
0x458: {  	v0 =	vadd.f32 v3, v0  }
0x459: {  	v3 =	vld [tilespmem:s25+$0xAEA0]  }
0x45a: {  	v0 =	vadd.f32 v1, v0  }
0x45b: {  	v1 =	vld [tilespmem:s25+$0xAEE0]  }
0x45c: {  	v0 =	vadd.f32 v2, v0;
	_ =	sdelay $0x1  }
0x45d: {  	v0 =	vadd.f32 v3, v0;
	_ =	sdelay $0x1  }
0x45e: {  	v0 =	vadd.f32 v1, v0;
	_ =	sdelay $0x1  }
0x45f: {  	[tilespmem:s23+$0xFFFFFFF0] =	vst v0  }
0x460: {  	v0 =	vld [tilespmem:s25+$0xAA30]  }
0x461: {  	v1 =	vld [tilespmem:s25+$0xAA70];
	_ =	sdelay $0x1  }
0x462: {  	v2 =	vld [tilespmem:s25+$0xAAB0];
	_ =	sdelay $0x1  }
0x463: {  	v3 =	vld [tilespmem:s25+$0xAAF0]  }
0x464: {  	v0 =	vadd.f32 v1, v0  }
0x465: {  	v1 =	vld [tilespmem:s25+$0xAB30]  }
0x466: {  	v0 =	vadd.f32 v2, v0  }
0x467: {  	v2 =	vld [tilespmem:s25+$0xAB70]  }
0x468: {  	v0 =	vadd.f32 v3, v0  }
0x469: {  	v3 =	vld [tilespmem:s25+$0xABB0]  }
0x46a: {  	v0 =	vadd.f32 v1, v0  }
0x46b: {  	v1 =	vld [tilespmem:s25+$0xABF0]  }
0x46c: {  	v0 =	vadd.f32 v2, v0  }
0x46d: {  	v2 =	vld [tilespmem:s25+$0xAC30]  }
0x46e: {  	v0 =	vadd.f32 v3, v0  }
0x46f: {  	v3 =	vld [tilespmem:s25+$0xAC70]  }
0x470: {  	v0 =	vadd.f32 v1, v0  }
0x471: {  	v1 =	vld [tilespmem:s25+$0xACB0]  }
0x472: {  	v0 =	vadd.f32 v2, v0  }
0x473: {  	v2 =	vld [tilespmem:s25+$0xACF0]  }
0x474: {  	v0 =	vadd.f32 v3, v0  }
0x475: {  	v3 =	vld [tilespmem:s25+$0xAD30]  }
0x476: {  	v0 =	vadd.f32 v1, v0  }
0x477: {  	v1 =	vld [tilespmem:s25+$0xAD70]  }
0x478: {  	v0 =	vadd.f32 v2, v0  }
0x479: {  	v2 =	vld [tilespmem:s25+$0xADB0]  }
0x47a: {  	v0 =	vadd.f32 v3, v0  }
0x47b: {  	v3 =	vld [tilespmem:s25+$0xADF0]  }
0x47c: {  	v0 =	vadd.f32 v1, v0  }
0x47d: {  	v1 =	vld [tilespmem:s25+$0xAE30]  }
0x47e: {  	v0 =	vadd.f32 v2, v0  }
0x47f: {  	v2 =	vld [tilespmem:s25+$0xAE70]  }
0x480: {  	v0 =	vadd.f32 v3, v0;
	_ =	sdelay $0x1  }
0x481: {  	v3 =	vadd.f32 v1, v0;
	v0 =	vld [tilespmem:s25+$0xAEB0];
	_ =	sdelay $0x1  }
0x482: {  	s24 =	simm.s32 $0x1400;
	v1 =	vld [tilespmem:s25+$0xAEF0];
	s25 =	simm.s32 $0x15230;
	v2 =	vadd.f32 v2, v3  }
.LBB2_8:
0x483: {  	p0 =	sne.s32 s24, $0x26C00  }
0x484: {  	s23 =	sadd.s32 $0x40, s23;
	s26 =	smov.u32 s24;
	s24 =	sadd.s32 $0x1400, s24  }
0x485: {  	v0 =	vadd.f32 v0, v2;
	_ =	sdelay $0x1  }
0x486: {  	v0 =	vadd.f32 v1, v0  }
0x487: {  	s26 =	sshra.s32 s26, $0x2  }
0x488: {  	[tilespmem:s25+$0x0] =	vst v0;
	s25 =	smov.u32 s23  }
0x489: {  	v0 =	vld [tilespmem:s26+$0xAA00]  }
0x48a: {  	v1 =	vld [tilespmem:s26+$0xAA40];
	_ =	sdelay $0x1  }
0x48b: {  	v2 =	vld [tilespmem:s26+$0xAA80];
	_ =	sdelay $0x1  }
0x48c: {  	v3 =	vld [tilespmem:s26+$0xAAC0]  }
0x48d: {  	v0 =	vadd.f32 v1, v0  }
0x48e: {  	v1 =	vld [tilespmem:s26+$0xAB00]  }
0x48f: {  	v0 =	vadd.f32 v2, v0  }
0x490: {  	v2 =	vld [tilespmem:s26+$0xAB40]  }
0x491: {  	v0 =	vadd.f32 v3, v0  }
0x492: {  	v3 =	vld [tilespmem:s26+$0xAB80]  }
0x493: {  	v0 =	vadd.f32 v1, v0  }
0x494: {  	v1 =	vld [tilespmem:s26+$0xABC0]  }
0x495: {  	v0 =	vadd.f32 v2, v0  }
0x496: {  	v2 =	vld [tilespmem:s26+$0xAC00]  }
0x497: {  	v0 =	vadd.f32 v3, v0  }
0x498: {  	v3 =	vld [tilespmem:s26+$0xAC40]  }
0x499: {  	v0 =	vadd.f32 v1, v0  }
0x49a: {  	v1 =	vld [tilespmem:s26+$0xAC80]  }
0x49b: {  	v0 =	vadd.f32 v2, v0  }
0x49c: {  	v2 =	vld [tilespmem:s26+$0xACC0]  }
0x49d: {  	v0 =	vadd.f32 v3, v0  }
0x49e: {  	v3 =	vld [tilespmem:s26+$0xAD00]  }
0x49f: {  	v0 =	vadd.f32 v1, v0  }
0x4a0: {  	v1 =	vld [tilespmem:s26+$0xAD40]  }
0x4a1: {  	v0 =	vadd.f32 v2, v0  }
0x4a2: {  	v2 =	vld [tilespmem:s26+$0xAD80]  }
0x4a3: {  	v0 =	vadd.f32 v3, v0  }
0x4a4: {  	v3 =	vld [tilespmem:s26+$0xADC0]  }
0x4a5: {  	v0 =	vadd.f32 v1, v0  }
0x4a6: {  	v1 =	vld [tilespmem:s26+$0xAE00]  }
0x4a7: {  	v0 =	vadd.f32 v2, v0  }
0x4a8: {  	v2 =	vld [tilespmem:s26+$0xAE40]  }
0x4a9: {  	v0 =	vadd.f32 v3, v0  }
0x4aa: {  	v3 =	vld [tilespmem:s26+$0xAE80]  }
0x4ab: {  	v0 =	vadd.f32 v1, v0  }
0x4ac: {  	v1 =	vld [tilespmem:s26+$0xAEC0]  }
0x4ad: {  	v0 =	vadd.f32 v2, v0;
	_ =	sdelay $0x1  }
0x4ae: {  	v0 =	vadd.f32 v3, v0;
	_ =	sdelay $0x1  }
0x4af: {  	v0 =	vadd.f32 v1, v0;
	_ =	sdelay $0x1  }
0x4b0: {  	[tilespmem:s23+$0xFFFFFFD0] =	vst v0  }
0x4b1: {  	v0 =	vld [tilespmem:s26+$0xAA10]  }
0x4b2: {  	v1 =	vld [tilespmem:s26+$0xAA50];
	_ =	sdelay $0x1  }
0x4b3: {  	v2 =	vld [tilespmem:s26+$0xAA90];
	_ =	sdelay $0x1  }
0x4b4: {  	v3 =	vld [tilespmem:s26+$0xAAD0]  }
0x4b5: {  	v0 =	vadd.f32 v1, v0  }
0x4b6: {  	v1 =	vld [tilespmem:s26+$0xAB10]  }
0x4b7: {  	v0 =	vadd.f32 v2, v0  }
0x4b8: {  	v2 =	vld [tilespmem:s26+$0xAB50]  }
0x4b9: {  	v0 =	vadd.f32 v3, v0  }
0x4ba: {  	v3 =	vld [tilespmem:s26+$0xAB90]  }
0x4bb: {  	v0 =	vadd.f32 v1, v0  }
0x4bc: {  	v1 =	vld [tilespmem:s26+$0xABD0]  }
0x4bd: {  	v0 =	vadd.f32 v2, v0  }
0x4be: {  	v2 =	vld [tilespmem:s26+$0xAC10]  }
0x4bf: {  	v0 =	vadd.f32 v3, v0  }
0x4c0: {  	v3 =	vld [tilespmem:s26+$0xAC50]  }
0x4c1: {  	v0 =	vadd.f32 v1, v0  }
0x4c2: {  	v1 =	vld [tilespmem:s26+$0xAC90]  }
0x4c3: {  	v0 =	vadd.f32 v2, v0  }
0x4c4: {  	v2 =	vld [tilespmem:s26+$0xACD0]  }
0x4c5: {  	v0 =	vadd.f32 v3, v0  }
0x4c6: {  	v3 =	vld [tilespmem:s26+$0xAD10]  }
0x4c7: {  	v0 =	vadd.f32 v1, v0  }
0x4c8: {  	v1 =	vld [tilespmem:s26+$0xAD50]  }
0x4c9: {  	v0 =	vadd.f32 v2, v0  }
0x4ca: {  	v2 =	vld [tilespmem:s26+$0xAD90]  }
0x4cb: {  	v0 =	vadd.f32 v3, v0  }
0x4cc: {  	v3 =	vld [tilespmem:s26+$0xADD0]  }
0x4cd: {  	v0 =	vadd.f32 v1, v0  }
0x4ce: {  	v1 =	vld [tilespmem:s26+$0xAE10]  }
0x4cf: {  	v0 =	vadd.f32 v2, v0  }
0x4d0: {  	v2 =	vld [tilespmem:s26+$0xAE50]  }
0x4d1: {  	v0 =	vadd.f32 v3, v0  }
0x4d2: {  	v3 =	vld [tilespmem:s26+$0xAE90]  }
0x4d3: {  	v0 =	vadd.f32 v1, v0  }
0x4d4: {  	v1 =	vld [tilespmem:s26+$0xAED0]  }
0x4d5: {  	v0 =	vadd.f32 v2, v0;
	_ =	sdelay $0x1  }
0x4d6: {  	v0 =	vadd.f32 v3, v0;
	_ =	sdelay $0x1  }
0x4d7: {  	v0 =	vadd.f32 v1, v0;
	_ =	sdelay $0x1  }
0x4d8: {  	[tilespmem:s23+$0xFFFFFFE0] =	vst v0  }
0x4d9: {  	v0 =	vld [tilespmem:s26+$0xAA20]  }
0x4da: {  	v1 =	vld [tilespmem:s26+$0xAA60];
	_ =	sdelay $0x1  }
0x4db: {  	v2 =	vld [tilespmem:s26+$0xAAA0];
	_ =	sdelay $0x1  }
0x4dc: {  	v3 =	vld [tilespmem:s26+$0xAAE0]  }
0x4dd: {  	v0 =	vadd.f32 v1, v0  }
0x4de: {  	v1 =	vld [tilespmem:s26+$0xAB20]  }
0x4df: {  	v0 =	vadd.f32 v2, v0  }
0x4e0: {  	v2 =	vld [tilespmem:s26+$0xAB60]  }
0x4e1: {  	v0 =	vadd.f32 v3, v0  }
0x4e2: {  	v3 =	vld [tilespmem:s26+$0xABA0]  }
0x4e3: {  	v0 =	vadd.f32 v1, v0  }
0x4e4: {  	v1 =	vld [tilespmem:s26+$0xABE0]  }
0x4e5: {  	v0 =	vadd.f32 v2, v0  }
0x4e6: {  	v2 =	vld [tilespmem:s26+$0xAC20]  }
0x4e7: {  	v0 =	vadd.f32 v3, v0  }
0x4e8: {  	v3 =	vld [tilespmem:s26+$0xAC60]  }
0x4e9: {  	v0 =	vadd.f32 v1, v0  }
0x4ea: {  	v1 =	vld [tilespmem:s26+$0xACA0]  }
0x4eb: {  	v0 =	vadd.f32 v2, v0  }
0x4ec: {  	v2 =	vld [tilespmem:s26+$0xACE0]  }
0x4ed: {  	v0 =	vadd.f32 v3, v0  }
0x4ee: {  	v3 =	vld [tilespmem:s26+$0xAD20]  }
0x4ef: {  	v0 =	vadd.f32 v1, v0  }
0x4f0: {  	v1 =	vld [tilespmem:s26+$0xAD60]  }
0x4f1: {  	v0 =	vadd.f32 v2, v0  }
0x4f2: {  	v2 =	vld [tilespmem:s26+$0xADA0]  }
0x4f3: {  	v0 =	vadd.f32 v3, v0  }
0x4f4: {  	v3 =	vld [tilespmem:s26+$0xADE0]  }
0x4f5: {  	v0 =	vadd.f32 v1, v0  }
0x4f6: {  	v1 =	vld [tilespmem:s26+$0xAE20]  }
0x4f7: {  	v0 =	vadd.f32 v2, v0  }
0x4f8: {  	v2 =	vld [tilespmem:s26+$0xAE60]  }
0x4f9: {  	v0 =	vadd.f32 v3, v0  }
0x4fa: {  	v3 =	vld [tilespmem:s26+$0xAEA0]  }
0x4fb: {  	v0 =	vadd.f32 v1, v0  }
0x4fc: {  	v1 =	vld [tilespmem:s26+$0xAEE0]  }
0x4fd: {  	v0 =	vadd.f32 v2, v0;
	_ =	sdelay $0x1  }
0x4fe: {  	v0 =	vadd.f32 v3, v0;
	_ =	sdelay $0x1  }
0x4ff: {  	v0 =	vadd.f32 v1, v0;
	_ =	sdelay $0x1  }
0x500: {  	[tilespmem:s23+$0xFFFFFFF0] =	vst v0  }
0x501: {  	v0 =	vld [tilespmem:s26+$0xAA30]  }
0x502: {  	v1 =	vld [tilespmem:s26+$0xAA70]  }
0x503: {  	v2 =	vld [tilespmem:s26+$0xAAB0]  }
0x504: {  	v3 =	vld [tilespmem:s26+$0xAAF0]  }
0x505: {  	v4 =	vld [tilespmem:s26+$0xAB30]  }
0x506: {  	v5 =	vld [tilespmem:s26+$0xAB70]  }
0x507: {  	v0 =	vadd.f32 v1, v0;
	v1 =	vld [tilespmem:s26+$0xABB0]  }
0x508: {  	v6 =	vld [tilespmem:s26+$0xABF0]  }
0x509: {  	v0 =	vadd.f32 v2, v0;
	v2 =	vld [tilespmem:s26+$0xAC30]  }
0x50a: {  	v7 =	vld [tilespmem:s26+$0xAC70]  }
0x50b: {  	v0 =	vadd.f32 v3, v0;
	v3 =	vld [tilespmem:s26+$0xACB0]  }
0x50c: {  	v8 =	vld [tilespmem:s26+$0xACF0]  }
0x50d: {  	v0 =	vadd.f32 v4, v0;
	v4 =	vld [tilespmem:s26+$0xAD30]  }
0x50e: {  	v9 =	vld [tilespmem:s26+$0xAD70]  }
0x50f: {  	v0 =	vadd.f32 v5, v0;
	v5 =	vld [tilespmem:s26+$0xADB0]  }
0x510: {  	v10 =	vld [tilespmem:s26+$0xADF0]  }
0x511: {  	v0 =	vadd.f32 v1, v0;
	v11 =	vld [tilespmem:s26+$0xAE30]  }
0x512: {  	v12 =	vld [tilespmem:s26+$0xAE70]  }
0x513: {  	v6 =	vadd.f32 v6, v0;
	v0 =	vld [tilespmem:s26+$0xAEB0]  }
0x514: {  	v1 =	vld [tilespmem:s26+$0xAEF0]  }
0x515: {  	v2 =	vadd.f32 v2, v6;
	_ =	sdelay $0x1  }
0x516: {  	v2 =	vadd.f32 v7, v2;
	_ =	sdelay $0x1  }
0x517: {  	v2 =	vadd.f32 v3, v2;
	_ =	sdelay $0x1  }
0x518: {  	v2 =	vadd.f32 v8, v2;
	_ =	sdelay $0x1  }
0x519: {  	v2 =	vadd.f32 v4, v2;
	_ =	sdelay $0x1  }
0x51a: {  	v2 =	vadd.f32 v9, v2;
	_ =	sdelay $0x1  }
0x51b: {  	v2 =	vadd.f32 v5, v2;
	_ =	sdelay $0x1  }
.Ltmp3:
0x51c: {  	v2 =	vadd.f32 v10, v2;
	(pc) =	sbr.rel @p0 .LBB2_8-.Ltmp3, $3  }
0x51d: {  	_ = 	snop  }
0x51e: {  	v2 =	vadd.f32 v11, v2;
	_ =	sdelay $0x1  }
0x51f: {  	v2 =	vadd.f32 v12, v2  }
0x520: {  	_ = 	snop  }
0x521: {  	v0 =	vadd.f32 v0, v2;
	_ =	sdelay $0x1  }
0x522: {  	v0 =	vadd.f32 v1, v0;
	_ =	sdelay $0x1  }
0x523: {  	s22 =	sadd.s32 $0x1, s22;
	[tilespmem:s25+$0x0] =	vst v0  }
0x524: {  	[hbm4b:s8+s2] =	stream.linear.scatter [tilespmem:s18], [sflag:$0x4], $0x800, $0x38;
	[tilespmem:$0x15A00] =	vst v63  }
0x525: {  	p0 =	sne.s32 s22, s9;
	_ =	swait.ge [sflag:s20], $0x800  }
.Ltmp4:
0x526: {  	[sflag:s20] =	ssyncset.done $0x0;
	(pc) =	sbr.rel @p0 .LBB2_1-.Ltmp4, $4  }
0x527: {  	[sflag:s20] =	ssyncadd.s32 $0xFFFFF800  }
0x528: {  	_ =	swait.ge [sflag:s21], $0x800  }
0x529: {  	[sflag:s21] =	ssyncset.done $0x0  }
0x52a: {  	[sflag:s21] =	ssyncadd.s32 $0xFFFFF800  }
0x52b: {  	_ =	sfence.sel $0x180000  }
0x52c: {  	[bflag:$0x0] =	sbarrier.arrive $0xFFFF  }
0x52d: {  	p0 =	sne.s32 s1, $0x0;
	_ =	strace $0x90000047  }
0x52e: {  	s0 =	sadd.s32 @!p0 $0x100000, s0;
	[bflag:$0x2] =	sbarrier.arrive $0xFFFF  }
0x52f: {  	[sflag:s0] =	ssyncadd.tile.s32 @!p0 $0x1;
	_ =	shalt  }
.Lfunc_end2:
_tile_overlayer_lowered:
.L_overlay_start_2:
0x530: {  	(tag) =	ssettag $0x2  }
0x531: {  	s0 =	rddreg [dreg:$0x0];
	s2 =	stileid.u32  }
0x532: {  	s1 =	rddreg [dreg:$0x1];
	p0 =	sne.s32 s2, $0x0  }
0x533: {  	s3 =	rddreg [dreg:$0x2];
	[bflag:$0x3] =	sbarrier.arrive $0xFFFF;
	s2 =	simm.s32 @!p0 $0x1C05  }
0x534: {  	[timem:s3], [sflag:s2] =	dma.local @!p0 [hbm:s0], s1  }
0x535: {  	s0 =	simm.s32 @!p0 $0x5  }
0x536: {  	_ =	swait.ge @!p0 [sflag:s0], s1  }
0x537: {  	s1 =	ssub.s32 @!p0 $0x0, s1;
	[sflag:s0] =	ssyncset.done @!p0 $0x0  }
0x538: {  	[sflag:s0] =	ssyncadd.s32 @!p0 s1  }
0x539: {  	[bflag:$0x3] =	sbarrier.arrive $0xFFFF  }
0x53a: {  	_ =	shalt  }

</sc_bundles>
